<compile_context>
chip_gen: v7x
topology: tpu7x:2x2x1
jax: 0.10.2.dev20260603
libtpu: 0.0.44.dev20260713+nightly
codegen_flags: <defaults>
</compile_context>

<pallas_src>
import functools

import jax
import jax.numpy as jnp
from jax import lax
from jax.experimental import pallas as pl
from jax.experimental.pallas import tpu as pltpu
from jax.experimental.pallas import tpu_sc as plsc

N = 10000
DEG = 16
HID = 128
TDIM = 32
EDIM = 16
OUT = 128
T_NORM = (1.0 / (TDIM // 2)) ** 0.5
EPS = 1e-5

NW = 32
N_PAD = 10240
NPW = N_PAD // NW
CN = 8
BN = 256
GRID = N_PAD // BN


def _ln(h, g, b):
    m = jnp.mean(h, axis=-1, keepdims=True)
    v = jnp.mean((h - m) ** 2, axis=-1, keepdims=True)
    return (h - m) * jax.lax.rsqrt(v + EPS) * g + b


def _pre1_body(st_ref, et_ref, x_ref, t_ref, nb_ref, Wp_ref, bp_ref,
               g_ref, b_ref, Wv_ref, idx_ref, xn_ref, v_ref):
    st = st_ref[0, 0]
    et = et_ref[0, 0]
    t = t_ref[...]
    mask = (t >= st) & (t < et)
    h0 = jnp.maximum(
        jnp.dot(x_ref[...], Wp_ref[...], preferred_element_type=jnp.float32)
        + bp_ref[...], 0.0)
    xn = _ln(h0, g_ref[...], b_ref[...])
    xn_ref[...] = xn
    v = jnp.dot(xn, Wv_ref[...], preferred_element_type=jnp.float32)
    row = (pl.program_id(0) * BN
           + lax.broadcasted_iota(jnp.int32, (BN, 1), 0))
    v_ref[...] = jnp.where(row < N, v, 0.0)
    idx_ref[...] = jnp.where(mask, nb_ref[...], N)


def _pre2_body(st_ref, et_ref, t_ref, r_ref, R_ref, wt_ref, bt_ref,
               SWs_ref, SWc_ref, SWe_ref, tbm_ref):
    st = st_ref[0, 0]
    et = et_ref[0, 0]
    t = t_ref[...]
    mask = (t >= st) & (t < et)
    maskf = mask.astype(jnp.float32)
    anymask = jnp.max(maskf, axis=1, keepdims=True)
    tmax = jnp.maximum(st, jnp.max(jnp.where(mask, t, -jnp.inf), axis=1,
                                   keepdims=True))
    Rm = R_ref[...]
    t_rep = jnp.dot(t, Rm, preferred_element_type=jnp.float32)
    m_rep = jnp.dot(maskf, Rm, preferred_element_type=jnp.float32)
    hh = (tmax - t_rep) * wt_ref[...] + bt_ref[...]
    tb = (jnp.dot(m_rep * jnp.sin(hh), SWs_ref[...],
                  preferred_element_type=jnp.float32)
          + jnp.dot(m_rep * jnp.cos(hh), SWc_ref[...],
                    preferred_element_type=jnp.float32)) * T_NORM
    tb = tb + jnp.dot(m_rep * r_ref[...], SWe_ref[...],
                      preferred_element_type=jnp.float32)
    tbm_ref[...] = anymask * tb


def _mlp_lnv_body(xn_ref, agg_ref, tbm_ref, g2_ref, b2_ref, W1a_ref, W1b_ref,
                  bl1_ref, W2_ref, bl2_ref, g1_ref, b1_ref, Wv_ref,
                  xn2_ref, v_ref):
    xn = xn_ref[...]
    h2 = agg_ref[...] + tbm_ref[...] + xn
    hn = _ln(h2, g2_ref[...], b2_ref[...])
    z = jnp.maximum(
        jnp.dot(xn, W1a_ref[...], preferred_element_type=jnp.float32)
        + jnp.dot(hn, W1b_ref[...], preferred_element_type=jnp.float32)
        + bl1_ref[...], 0.0)
    z = jnp.dot(z, W2_ref[...], preferred_element_type=jnp.float32) + bl2_ref[...]
    h = z + h2
    xn2 = _ln(h, g1_ref[...], b1_ref[...])
    xn2_ref[...] = xn2
    v = jnp.dot(xn2, Wv_ref[...], preferred_element_type=jnp.float32)
    row = (pl.program_id(0) * BN
           + lax.broadcasted_iota(jnp.int32, (BN, 1), 0))
    v_ref[...] = jnp.where(row < N, v, 0.0)


NCH = NPW // CN
NBUF = 4


@functools.cache
def _make_gather_sum():
    mesh = plsc.VectorSubcoreMesh(core_axis_name="c", subcore_axis_name="s")

    @functools.partial(
        pl.kernel,
        out_type=jax.ShapeDtypeStruct((N_PAD, HID), jnp.float32),
        mesh=mesh,
        scratch_types=[
            pltpu.VMEM((NCH, CN * DEG), jnp.int32),
            pltpu.VMEM((CN * DEG,), jnp.int32),
            pltpu.VMEM((CN * DEG,), jnp.int32),
            pltpu.VMEM((CN * DEG,), jnp.int32),
            pltpu.VMEM((CN * DEG,), jnp.int32),
            pltpu.VMEM((CN, HID), jnp.float32),
            pltpu.VMEM((NBUF, CN * DEG, HID), jnp.float32),
            pltpu.VMEM_SHARED((16 * NBUF * CN, HID), jnp.float32),
            pltpu.SemaphoreType.DMA,
            pltpu.SemaphoreType.DMA,
            pltpu.SemaphoreType.DMA,
            pltpu.SemaphoreType.DMA,
            pltpu.SemaphoreType.DMA,
            pltpu.SemaphoreType.DMA,
            pltpu.SemaphoreType.DMA,
            pltpu.SemaphoreType.DMA,
        ],
    )
    def _gather_sum(v_hbm, idx_hbm, didx_hbm, out_hbm, idx_s, d0, d1, d2, d3,
                    zero_s, rows_s, acc_sh, g0, g1, g2, g3, o0, o1, o2, o3):
        didx_s = (d0, d1, d2, d3)
        gsem = (g0, g1, g2, g3)
        osem = (o0, o1, o2, o3)
        sid = lax.axis_index("s")
        wid = sid * 2 + lax.axis_index("c")
        base = wid * NPW
        pltpu.sync_copy(idx_hbm.at[pl.ds(wid * NCH, NCH)], idx_s)
        for b in range(NBUF):
            pltpu.sync_copy(
                didx_hbm.at[pl.ds((sid * NBUF + b) * (CN * DEG), CN * DEG)],
                didx_s[b])
        for c in range(CN):
            for j in range(HID // 16):
                zero_s[c, pl.ds(j * 16, 16)] = jnp.zeros((16,), jnp.float32)

        def acc_rows(b):
            return acc_sh.at[pl.ds(sid * (NBUF * CN) + b * CN, CN)]

        def issue_gather(ci, b):
            return pltpu.async_copy(v_hbm.at[idx_s.at[ci]], rows_s.at[b],
                                    gsem[b])

        for b in range(NBUF):
            issue_gather(b, b)

        def group(g, carry):
            for b in range(NBUF):
                ci = g * NBUF + b
                node0 = base + ci * CN
                pltpu.make_async_copy(v_hbm.at[idx_s.at[ci]], rows_s.at[b],
                                      gsem[b]).wait()

                @pl.when(g > 0)
                def _wait_out():
                    pltpu.make_async_copy(
                        acc_rows(b), out_hbm.at[pl.ds(node0, CN)],
                        osem[b]).wait()

                pltpu.sync_copy(zero_s, acc_rows(b))
                pltpu.sync_copy(rows_s.at[b], acc_sh.at[didx_s[b]],
                                add=True)
                nc = ci + NBUF

                @pl.when(nc < NCH)
                def _next():
                    issue_gather(nc, b)

            plsc.subcore_barrier()
            for b in range(NBUF):
                node0 = base + (g * NBUF + b) * CN
                pltpu.async_copy(acc_rows(b), out_hbm.at[pl.ds(node0, CN)],
                                 osem[b])
            return carry

        lax.fori_loop(0, NCH // NBUF, group, 0)
        for b in range(NBUF):
            node0 = base + (NCH - NBUF + b) * CN
            pltpu.make_async_copy(acc_rows(b), out_hbm.at[pl.ds(node0, CN)],
                                  osem[b]).wait()

    return _gather_sum


def _mlp_final_body(xn_ref, agg_ref, tbm_ref, g_ref, b_ref, W1a_ref, W1b_ref,
                    bl1_ref, W2_ref, bl2_ref, Wo_ref, bo_ref, o_ref):
    xn = xn_ref[...]
    h2 = agg_ref[...] + tbm_ref[...] + xn
    hn = _ln(h2, g_ref[...], b_ref[...])
    z = jnp.maximum(
        jnp.dot(xn, W1a_ref[...], preferred_element_type=jnp.float32)
        + jnp.dot(hn, W1b_ref[...], preferred_element_type=jnp.float32)
        + bl1_ref[...], 0.0)
    z = jnp.dot(z, W2_ref[...], preferred_element_type=jnp.float32) + bl2_ref[...]
    hnxt = z + h2
    o_ref[...] = (jnp.dot(hnxt, Wo_ref[...], preferred_element_type=jnp.float32)
                  + bo_ref[...])


def _row_spec():
    return pl.BlockSpec((BN, HID), lambda i: (i, 0))


def _full_spec(shape):
    return pl.BlockSpec(shape, lambda i: tuple(0 for _ in shape))


def kernel(x, neighbors, times, rels, start_t, end_t, Wp, bp, ln1_g, ln1_b,
           Wkqv, Wt, bt, Wtime, Wedge, ln2_g, ln2_b, Wl1, bl1, Wl2, bl2,
           Wout, bout):
    f32 = jnp.float32
    st = jnp.asarray(start_t, f32).reshape(1, 1)
    et = jnp.asarray(end_t, f32).reshape(1, 1)

    pad = N_PAD - N
    t_p = jnp.pad(times[:, :, 0], ((0, pad), (0, 0)), constant_values=-1.0)
    r_p = jnp.pad(rels.reshape(N, DEG * EDIM), ((0, pad), (0, 0)))
    nb_p = jnp.pad(neighbors.astype(jnp.int32), ((0, pad), (0, 0)))
    Wv = Wkqv[:, 2 * HID:]
    Wtv = Wtime[:, 2 * HID:]
    Wts, Wtc = Wtv[0::2], Wtv[1::2]
    We = Wedge[:, 2 * HID:]
    W1a, W1b = Wl1[:HID], Wl1[HID:]
    bp2 = bp.reshape(1, HID)
    LREP = DEG * (TDIM // 2)
    Rm = jnp.repeat(jnp.eye(DEG, dtype=f32), TDIM // 2, axis=1)
    wt_t = jnp.tile(Wt.reshape(1, TDIM // 2), (1, DEG))
    bt_t = jnp.tile(bt.reshape(1, TDIM // 2), (1, DEG))
    SWs = jnp.tile(Wts, (DEG, 1))
    SWc = jnp.tile(Wtc, (DEG, 1))
    SWe = jnp.tile(We, (DEG, 1))
    g1, b1 = ln1_g.reshape(1, HID), ln1_b.reshape(1, HID)
    g2, b2 = ln2_g.reshape(1, HID), ln2_b.reshape(1, HID)
    bl1r, bl2r = bl1.reshape(1, HID), bl2.reshape(1, HID)
    bor = bout.reshape(1, OUT)

    idx2d, xn, v = pl.pallas_call(
        _pre1_body,
        grid=(GRID,),
        in_specs=[
            _full_spec((1, 1)), _full_spec((1, 1)),
            _row_spec(),
            pl.BlockSpec((BN // CN, CN * DEG), lambda i: (i, 0)),
            pl.BlockSpec((BN // CN, CN * DEG), lambda i: (i, 0)),
            _full_spec((HID, HID)), _full_spec((1, HID)),
            _full_spec((1, HID)), _full_spec((1, HID)),
            _full_spec((HID, HID)),
        ],
        out_specs=[pl.BlockSpec((BN // CN, CN * DEG), lambda i: (i, 0)),
                   _row_spec(), _row_spec()],
        out_shape=[
            jax.ShapeDtypeStruct((N_PAD // CN, CN * DEG), jnp.int32),
            jax.ShapeDtypeStruct((N_PAD, HID), f32),
            jax.ShapeDtypeStruct((N_PAD, HID), f32),
        ],
    )(st, et, x, t_p.reshape(N_PAD // CN, CN * DEG),
      nb_p.reshape(N_PAD // CN, CN * DEG), Wp, bp2, g1, b1, Wv)

    tbm = pl.pallas_call(
        _pre2_body,
        grid=(GRID,),
        in_specs=[
            _full_spec((1, 1)), _full_spec((1, 1)),
            pl.BlockSpec((BN, DEG), lambda i: (i, 0)),
            pl.BlockSpec((BN, DEG * EDIM), lambda i: (i, 0)),
            _full_spec((DEG, LREP)),
            _full_spec((1, LREP)), _full_spec((1, LREP)),
            _full_spec((LREP, HID)), _full_spec((LREP, HID)),
            _full_spec((LREP, HID)),
        ],
        out_specs=_row_spec(),
        out_shape=jax.ShapeDtypeStruct((N_PAD, HID), f32),
    )(st, et, t_p, r_p, Rm, wt_t, bt_t, SWs, SWc, SWe)

    didx = (jnp.arange(16, dtype=jnp.int32)[:, None, None] * (NBUF * CN)
            + jnp.arange(NBUF, dtype=jnp.int32)[None, :, None] * CN
            + jnp.repeat(jnp.arange(CN, dtype=jnp.int32), DEG)[None, None, :]
            ).reshape(16 * NBUF * CN * DEG)

    mlp_lnv = pl.pallas_call(
        _mlp_lnv_body,
        grid=(GRID,),
        in_specs=[_row_spec(), _row_spec(), _row_spec(),
                  _full_spec((1, HID)), _full_spec((1, HID)),
                  _full_spec((HID, HID)), _full_spec((HID, HID)),
                  _full_spec((1, HID)), _full_spec((HID, HID)),
                  _full_spec((1, HID)),
                  _full_spec((1, HID)), _full_spec((1, HID)),
                  _full_spec((HID, HID))],
        out_specs=[_row_spec(), _row_spec()],
        out_shape=[jax.ShapeDtypeStruct((N_PAD, HID), f32),
                   jax.ShapeDtypeStruct((N_PAD, HID), f32)],
    )

    mlp_final = pl.pallas_call(
        _mlp_final_body,
        grid=(GRID,),
        in_specs=[_row_spec(), _row_spec(), _row_spec(),
                  _full_spec((1, HID)), _full_spec((1, HID)),
                  _full_spec((HID, HID)), _full_spec((HID, HID)),
                  _full_spec((1, HID)), _full_spec((HID, HID)),
                  _full_spec((1, HID)), _full_spec((HID, OUT)),
                  _full_spec((1, OUT))],
        out_specs=pl.BlockSpec((BN, OUT), lambda i: (i, 0)),
        out_shape=jax.ShapeDtypeStruct((N, OUT), f32),
    )

    agg = _make_gather_sum()(v, idx2d, didx)
    xn, v = mlp_lnv(xn, agg, tbm, g2, b2, W1a, W1b, bl1r, Wl2, bl2r,
                    g1, b1, Wv)
    agg = _make_gather_sum()(v, idx2d, didx)
    return mlp_final(xn, agg, tbm, g2, b2, W1a, W1b, bl1r, Wl2, bl2r, Wout,
                     bor)

# --- scband reference (transcript-rebuilt; emitter-appended) ---
"""Pipeline reference for scband-tgat-89558658056628 (READ-ONLY COPY).

The authoritative reference and input builder live on the scoring server;
editing this copy changes nothing except your own understanding.
"""

import jax, jax.numpy as jnp
import numpy as np

N = 10000
DEG = 16
IN_FEATS = 128
HID = 128
HEADS = 8
HD = HID // HEADS
TDIM = 32
EDIM = 16
OUT = 128
LAYERS = 2
ATTN_NORM = (1.0 / HD) ** 0.5
T_NORM = (1.0 / (TDIM // 2)) ** 0.5


def _ln(x, g, b, eps=1e-5):
    m = jnp.mean(x, axis=-1, keepdims=True)
    v = jnp.mean((x - m) ** 2, axis=-1, keepdims=True)
    return (x - m) / jnp.sqrt(v + eps) * g + b


def setup_inputs(seed: int = 0) -> dict:
    key = jax.random.key(seed)
    ks = jax.random.split(key, 20)
    s = 0.05
    inp = {
        'x': jax.random.normal(ks[0], (N, IN_FEATS), jnp.float32),
        'neighbors': jax.random.randint(ks[1], (N, DEG), 0, N),
        'times': jax.random.uniform(ks[2], (N, DEG, 1), jnp.float32),
        'rels': jax.random.normal(ks[3], (N, DEG, EDIM), jnp.float32),
        'start_t': 0.0,
        'end_t': 1.0,
        'Wp': jax.random.normal(ks[4], (IN_FEATS, HID), jnp.float32) * s,
        'bp': jnp.zeros((HID,), jnp.float32),
        'ln1_g': jnp.ones((HID,), jnp.float32),
        'ln1_b': jnp.zeros((HID,), jnp.float32),
        'Wkqv': jax.random.normal(ks[5], (HID, 3 * HID), jnp.float32) * s,
        'Wt': jax.random.normal(ks[6], (1, TDIM // 2), jnp.float32) * s,
        'bt': jnp.zeros((TDIM // 2,), jnp.float32),
        'Wtime': jax.random.normal(ks[7], (TDIM, 3 * HID), jnp.float32) * s,
        'Wedge': jax.random.normal(ks[8], (EDIM, 3 * HID), jnp.float32) * s,
        'ln2_g': jnp.ones((HID,), jnp.float32),
        'ln2_b': jnp.zeros((HID,), jnp.float32),
        'Wl1': jax.random.normal(ks[9], (2 * HID, HID), jnp.float32) * s,
        'bl1': jnp.zeros((HID,), jnp.float32),
        'Wl2': jax.random.normal(ks[10], (HID, HID), jnp.float32) * s,
        'bl2': jnp.zeros((HID,), jnp.float32),
        'Wout': jax.random.normal(ks[11], (HID, OUT), jnp.float32) * s,
        'bout': jnp.zeros((OUT,), jnp.float32),
    }
    return inp


def reference(x, neighbors, times, rels, start_t, end_t, Wp, bp, ln1_g, ln1_b, Wkqv, Wt, bt, Wtime, Wedge, ln2_g, ln2_b, Wl1, bl1, Wl2, bl2, Wout, bout):
    st = jnp.asarray(start_t, jnp.float32)
    et = jnp.asarray(end_t, jnp.float32)

    def time_kernel(t):
        # TimeKernel.forward minus the (t.max() - t) which is done per-node outside
        h = t @ Wt + bt
        return jnp.stack([jnp.sin(h), jnp.cos(h)], axis=2).reshape(t.shape[0], TDIM) * T_NORM

    def layer(h_in):
        xn = _ln(h_in, ln1_g, ln1_b)
        kqv = xn @ Wkqv
        K = kqv[:, :HID]
        Q = kqv[:, HID:2 * HID]
        V = kqv[:, 2 * HID:]

        def per_node(nid, neigh, t, r):
            mask = (t[:, 0] >= st) & (t[:, 0] < et)
            k = K[neigh]
            v = V[neigh]
            q = Q[nid]
            t_cat = jnp.concatenate([jnp.full((1, 1), st, jnp.float32), t], axis=0)
            tmax = jnp.maximum(st, jnp.max(jnp.where(mask[:, None], t, -jnp.inf)))
            temb = time_kernel(tmax - t_cat)
            tkqv = temb @ Wtime
            tk = tkqv[:, :HID]
            tq = tkqv[:, HID:2 * HID]
            tv = tkqv[:, 2 * HID:]
            rkqv = r @ Wedge
            rk = rkqv[:, :HID]
            rv = rkqv[:, 2 * HID:]
            q2 = q + tq[0]
            k2 = k + tk[1:] + rk
            v2 = v + tv[1:] + rv
            qh = q2.reshape(HEADS, 1, HD)
            kh = jnp.transpose(k2.reshape(DEG, HEADS, HD), (1, 2, 0))
            vh = jnp.transpose(v2.reshape(DEG, HEADS, HD), (1, 0, 2))
            # faithful to torch: softmax over dim=1 (the singleton query dim)
            attn = jax.nn.softmax((qh @ kh) * ATTN_NORM, axis=1)
            attn = attn * mask.astype(jnp.float32)[None, None, :]
            o = (attn @ vh).reshape(HID)
            return jnp.where(jnp.any(mask), o, jnp.zeros_like(o))

        h = jax.vmap(per_node)(jnp.arange(N), neighbors, times, rels)
        h2 = h + xn
        hn = _ln(h2, ln2_g, ln2_b)
        z = jnp.concatenate([xn, hn], axis=1)
        z = jnp.maximum(z @ Wl1 + bl1, 0.0) @ Wl2 + bl2
        return z + h2

    h = jnp.maximum(x @ Wp + bp, 0.0)
    for _ in range(LAYERS):
        h = layer(h)  # layers share weights: nn.ModuleList([layer] * layers)
    return h @ Wout + bout

if __name__ == "__main__":
    import jax
    _d = setup_inputs()
    print(jax.jit(kernel)(*tuple(_d.values())))

</pallas_src>

<mosaic_0001>
#map = affine_map<(d0, d1) -> (0, 0)>
#map1 = affine_map<(d0, d1) -> (0)>
module attributes {stable_mosaic.version = 14 : i64} {
  func.func @_gather_sum(%arg0: i32, %arg1: i32, %arg2: memref<10240x128xf32, #tpu.memory_space<hbm>>, %arg3: memref<1280x128xi32, #tpu.memory_space<hbm>>, %arg4: memref<8192xi32, #tpu.memory_space<hbm>>, %arg5: memref<10240x128xf32, #tpu.memory_space<hbm>>, %arg6: memref<40x128xi32, #tpu.memory_space<vmem>>, %arg7: memref<128xi32, #tpu.memory_space<vmem>>, %arg8: memref<128xi32, #tpu.memory_space<vmem>>, %arg9: memref<128xi32, #tpu.memory_space<vmem>>, %arg10: memref<128xi32, #tpu.memory_space<vmem>>, %arg11: memref<8x128xf32, #tpu.memory_space<vmem>>, %arg12: memref<4x128x128xf32, #tpu.memory_space<vmem>>, %arg13: memref<512x128xf32, #tpu.memory_space<vmem_shared>>, %arg14: memref<!tpu.dma_semaphore, #tpu.memory_space<semaphore_mem>>, %arg15: memref<!tpu.dma_semaphore, #tpu.memory_space<semaphore_mem>>, %arg16: memref<!tpu.dma_semaphore, #tpu.memory_space<semaphore_mem>>, %arg17: memref<!tpu.dma_semaphore, #tpu.memory_space<semaphore_mem>>, %arg18: memref<!tpu.dma_semaphore, #tpu.memory_space<semaphore_mem>>, %arg19: memref<!tpu.dma_semaphore, #tpu.memory_space<semaphore_mem>>, %arg20: memref<!tpu.dma_semaphore, #tpu.memory_space<semaphore_mem>>, %arg21: memref<!tpu.dma_semaphore, #tpu.memory_space<semaphore_mem>>) attributes {dimension_semantics = [#tpu.dimension_semantics<core_parallel>, #tpu.dimension_semantics<subcore_parallel>], iteration_bounds = array<i64: 2, 16>, scalar_prefetch = 0 : i64, scratch_operands = 16 : i64, tpu.core_type = #tpu.core_type<sc_vector_subcore>, window_params = [{transform_indices = #map}, {transform_indices = #map}, {transform_indices = #map1}, {transform_indices = #map}]} {
    %mul3A = arith.constant 2 : i32
    %mul3A_0 = arith.muli %arg1, %mul3A : i32
    %add3A = arith.addi %mul3A_0, %arg0 : i32
    %mul3A_1 = arith.constant 320 : i32
    %mul3A_2 = arith.muli %add3A, %mul3A_1 : i32
    %mul3A_3 = arith.constant 40 : i32
    %mul3A_4 = arith.muli %add3A, %mul3A_3 : i32
    "tpu.region"() ({
      %run_scoped3A = tpu.sem_alloc : memref<!tpu.dma_semaphore, #tpu.memory_space<semaphore_mem>>
      %dma_start3A_630 = arith.constant 0 : i32
      %dma_start3A_631 = tpu.memref_slice %arg3[%mul3A_4, %dma_start3A_630] : memref<1280x128xi32, #tpu.memory_space<hbm>> -> memref<40x128xi32, #tpu.memory_space<hbm>>
      %dma_start3A_632 = arith.constant 0 : i32
      %dma_start3A_633 = tpu.memref_slice %arg3[%mul3A_4, %dma_start3A_632] : memref<1280x128xi32, #tpu.memory_space<hbm>> -> memref<40x128xi32, #tpu.memory_space<hbm>>
      tpu.enqueue_dma source(%dma_start3A_633 : memref<40x128xi32, #tpu.memory_space<hbm>>) target(%arg6 : memref<40x128xi32, #tpu.memory_space<vmem>>) target_semaphore(%run_scoped3A : memref<!tpu.dma_semaphore, #tpu.memory_space<semaphore_mem>>)
      %dma_wait3A_634 = arith.constant 0 : i32
      %dma_wait3A_635 = tpu.memref_slice %arg3[%mul3A_4, %dma_wait3A_634] : memref<1280x128xi32, #tpu.memory_space<hbm>> -> memref<40x128xi32, #tpu.memory_space<hbm>>
      %dma_wait3A_636 = arith.constant 0 : i32
      %dma_wait3A_637 = tpu.memref_slice %arg3[%mul3A_4, %dma_wait3A_636] : memref<1280x128xi32, #tpu.memory_space<hbm>> -> memref<40x128xi32, #tpu.memory_space<hbm>>
      tpu.wait_dma2 semaphore(%run_scoped3A : memref<!tpu.dma_semaphore, #tpu.memory_space<semaphore_mem>>) src(%dma_wait3A_637 : memref<40x128xi32, #tpu.memory_space<hbm>>) dst(%arg6 : memref<40x128xi32, #tpu.memory_space<vmem>>)
      tpu.yield
    }) : () -> ()
    %mul3A_5 = arith.constant 4 : i32
    %mul3A_6 = arith.muli %arg1, %mul3A_5 : i32
    %add3A_7 = arith.constant 0 : i32
    %add3A_8 = arith.addi %mul3A_6, %add3A_7 : i32
    %mul3A_9 = arith.constant 128 : i32
    %mul3A_10 = arith.muli %add3A_8, %mul3A_9 : i32
    "tpu.region"() ({
      %run_scoped3A = tpu.sem_alloc : memref<!tpu.dma_semaphore, #tpu.memory_space<semaphore_mem>>
      %dma_start3A_630 = tpu.memref_slice %arg4[%mul3A_10] : memref<8192xi32, #tpu.memory_space<hbm>> -> memref<128xi32, #tpu.memory_space<hbm>>
      %dma_start3A_631 = tpu.memref_slice %arg4[%mul3A_10] : memref<8192xi32, #tpu.memory_space<hbm>> -> memref<128xi32, #tpu.memory_space<hbm>>
      tpu.enqueue_dma source(%dma_start3A_631 : memref<128xi32, #tpu.memory_space<hbm>>) target(%arg7 : memref<128xi32, #tpu.memory_space<vmem>>) target_semaphore(%run_scoped3A : memref<!tpu.dma_semaphore, #tpu.memory_space<semaphore_mem>>)
      %dma_wait3A_632 = tpu.memref_slice %arg4[%mul3A_10] : memref<8192xi32, #tpu.memory_space<hbm>> -> memref<128xi32, #tpu.memory_space<hbm>>
      %dma_wait3A_633 = tpu.memref_slice %arg4[%mul3A_10] : memref<8192xi32, #tpu.memory_space<hbm>> -> memref<128xi32, #tpu.memory_space<hbm>>
      tpu.wait_dma2 semaphore(%run_scoped3A : memref<!tpu.dma_semaphore, #tpu.memory_space<semaphore_mem>>) src(%dma_wait3A_633 : memref<128xi32, #tpu.memory_space<hbm>>) dst(%arg7 : memref<128xi32, #tpu.memory_space<vmem>>)
      tpu.yield
    }) : () -> ()
    %mul3A_11 = arith.constant 4 : i32
    %mul3A_12 = arith.muli %arg1, %mul3A_11 : i32
    %add3A_13 = arith.constant 1 : i32
    %add3A_14 = arith.addi %mul3A_12, %add3A_13 : i32
    %mul3A_15 = arith.constant 128 : i32
    %mul3A_16 = arith.muli %add3A_14, %mul3A_15 : i32
    "tpu.region"() ({
      %run_scoped3A = tpu.sem_alloc : memref<!tpu.dma_semaphore, #tpu.memory_space<semaphore_mem>>
      %dma_start3A_630 = tpu.memref_slice %arg4[%mul3A_16] : memref<8192xi32, #tpu.memory_space<hbm>> -> memref<128xi32, #tpu.memory_space<hbm>>
      %dma_start3A_631 = tpu.memref_slice %arg4[%mul3A_16] : memref<8192xi32, #tpu.memory_space<hbm>> -> memref<128xi32, #tpu.memory_space<hbm>>
      tpu.enqueue_dma source(%dma_start3A_631 : memref<128xi32, #tpu.memory_space<hbm>>) target(%arg8 : memref<128xi32, #tpu.memory_space<vmem>>) target_semaphore(%run_scoped3A : memref<!tpu.dma_semaphore, #tpu.memory_space<semaphore_mem>>)
      %dma_wait3A_632 = tpu.memref_slice %arg4[%mul3A_16] : memref<8192xi32, #tpu.memory_space<hbm>> -> memref<128xi32, #tpu.memory_space<hbm>>
      %dma_wait3A_633 = tpu.memref_slice %arg4[%mul3A_16] : memref<8192xi32, #tpu.memory_space<hbm>> -> memref<128xi32, #tpu.memory_space<hbm>>
      tpu.wait_dma2 semaphore(%run_scoped3A : memref<!tpu.dma_semaphore, #tpu.memory_space<semaphore_mem>>) src(%dma_wait3A_633 : memref<128xi32, #tpu.memory_space<hbm>>) dst(%arg8 : memref<128xi32, #tpu.memory_space<vmem>>)
      tpu.yield
    }) : () -> ()
    %mul3A_17 = arith.constant 4 : i32
    %mul3A_18 = arith.muli %arg1, %mul3A_17 : i32
    %add3A_19 = arith.constant 2 : i32
    %add3A_20 = arith.addi %mul3A_18, %add3A_19 : i32
    %mul3A_21 = arith.constant 128 : i32
    %mul3A_22 = arith.muli %add3A_20, %mul3A_21 : i32
    "tpu.region"() ({
      %run_scoped3A = tpu.sem_alloc : memref<!tpu.dma_semaphore, #tpu.memory_space<semaphore_mem>>
      %dma_start3A_630 = tpu.memref_slice %arg4[%mul3A_22] : memref<8192xi32, #tpu.memory_space<hbm>> -> memref<128xi32, #tpu.memory_space<hbm>>
      %dma_start3A_631 = tpu.memref_slice %arg4[%mul3A_22] : memref<8192xi32, #tpu.memory_space<hbm>> -> memref<128xi32, #tpu.memory_space<hbm>>
      tpu.enqueue_dma source(%dma_start3A_631 : memref<128xi32, #tpu.memory_space<hbm>>) target(%arg9 : memref<128xi32, #tpu.memory_space<vmem>>) target_semaphore(%run_scoped3A : memref<!tpu.dma_semaphore, #tpu.memory_space<semaphore_mem>>)
      %dma_wait3A_632 = tpu.memref_slice %arg4[%mul3A_22] : memref<8192xi32, #tpu.memory_space<hbm>> -> memref<128xi32, #tpu.memory_space<hbm>>
      %dma_wait3A_633 = tpu.memref_slice %arg4[%mul3A_22] : memref<8192xi32, #tpu.memory_space<hbm>> -> memref<128xi32, #tpu.memory_space<hbm>>
      tpu.wait_dma2 semaphore(%run_scoped3A : memref<!tpu.dma_semaphore, #tpu.memory_space<semaphore_mem>>) src(%dma_wait3A_633 : memref<128xi32, #tpu.memory_space<hbm>>) dst(%arg9 : memref<128xi32, #tpu.memory_space<vmem>>)
      tpu.yield
    }) : () -> ()
    %mul3A_23 = arith.constant 4 : i32
    %mul3A_24 = arith.muli %arg1, %mul3A_23 : i32
    %add3A_25 = arith.constant 3 : i32
    %add3A_26 = arith.addi %mul3A_24, %add3A_25 : i32
    %mul3A_27 = arith.constant 128 : i32
    %mul3A_28 = arith.muli %add3A_26, %mul3A_27 : i32
    "tpu.region"() ({
      %run_scoped3A = tpu.sem_alloc : memref<!tpu.dma_semaphore, #tpu.memory_space<semaphore_mem>>
      %dma_start3A_630 = tpu.memref_slice %arg4[%mul3A_28] : memref<8192xi32, #tpu.memory_space<hbm>> -> memref<128xi32, #tpu.memory_space<hbm>>
      %dma_start3A_631 = tpu.memref_slice %arg4[%mul3A_28] : memref<8192xi32, #tpu.memory_space<hbm>> -> memref<128xi32, #tpu.memory_space<hbm>>
      tpu.enqueue_dma source(%dma_start3A_631 : memref<128xi32, #tpu.memory_space<hbm>>) target(%arg10 : memref<128xi32, #tpu.memory_space<vmem>>) target_semaphore(%run_scoped3A : memref<!tpu.dma_semaphore, #tpu.memory_space<semaphore_mem>>)
      %dma_wait3A_632 = tpu.memref_slice %arg4[%mul3A_28] : memref<8192xi32, #tpu.memory_space<hbm>> -> memref<128xi32, #tpu.memory_space<hbm>>
      %dma_wait3A_633 = tpu.memref_slice %arg4[%mul3A_28] : memref<8192xi32, #tpu.memory_space<hbm>> -> memref<128xi32, #tpu.memory_space<hbm>>
      tpu.wait_dma2 semaphore(%run_scoped3A : memref<!tpu.dma_semaphore, #tpu.memory_space<semaphore_mem>>) src(%dma_wait3A_633 : memref<128xi32, #tpu.memory_space<hbm>>) dst(%arg10 : memref<128xi32, #tpu.memory_space<vmem>>)
      tpu.yield
    }) : () -> ()
    %broadcast_in_dim3A = arith.constant 0.000000e+00 : f32
    %broadcast_in_dim3A_29 = vector.broadcast %broadcast_in_dim3A : f32 to vector<16xf32>
    %swap3A = arith.constant 0 : i32
    %swap3A_30 = arith.index_cast %swap3A : i32 to index
    %swap3A_31 = arith.constant 0 : index
    %swap3A_32 = tpu.vector_load %arg11[%swap3A_30, %swap3A_31] {strides = array<i32>} : memref<8x128xf32, #tpu.memory_space<vmem>>, vector<1x16xf32>,
    %swap3A_33 = vector.shape_cast %swap3A_32 : vector<1x16xf32> to vector<16xf32>
    %swap3A_34 = vector.shape_cast %broadcast_in_dim3A_29 : vector<16xf32> to vector<1x16xf32>
    tpu.vector_store %arg11[%swap3A_30, %swap3A_31], %swap3A_34 {strides = array<i32>} : memref<8x128xf32, #tpu.memory_space<vmem>>, vector<1x16xf32>,
    %broadcast_in_dim3A_35 = arith.constant 0.000000e+00 : f32
    %broadcast_in_dim3A_36 = vector.broadcast %broadcast_in_dim3A_35 : f32 to vector<16xf32>
    %swap3A_37 = arith.constant 0 : i32
    %swap3A_38 = arith.index_cast %swap3A_37 : i32 to index
    %swap3A_39 = arith.constant 16 : index
    %swap3A_40 = tpu.vector_load %arg11[%swap3A_38, %swap3A_39] {strides = array<i32>} : memref<8x128xf32, #tpu.memory_space<vmem>>, vector<1x16xf32>,
    %swap3A_41 = vector.shape_cast %swap3A_40 : vector<1x16xf32> to vector<16xf32>
    %swap3A_42 = vector.shape_cast %broadcast_in_dim3A_36 : vector<16xf32> to vector<1x16xf32>
    tpu.vector_store %arg11[%swap3A_38, %swap3A_39], %swap3A_42 {strides = array<i32>} : memref<8x128xf32, #tpu.memory_space<vmem>>, vector<1x16xf32>,
    %broadcast_in_dim3A_43 = arith.constant 0.000000e+00 : f32
    %broadcast_in_dim3A_44 = vector.broadcast %broadcast_in_dim3A_43 : f32 to vector<16xf32>
    %swap3A_45 = arith.constant 0 : i32
    %swap3A_46 = arith.index_cast %swap3A_45 : i32 to index
    %swap3A_47 = arith.constant 32 : index
    %swap3A_48 = tpu.vector_load %arg11[%swap3A_46, %swap3A_47] {strides = array<i32>} : memref<8x128xf32, #tpu.memory_space<vmem>>, vector<1x16xf32>,
    %swap3A_49 = vector.shape_cast %swap3A_48 : vector<1x16xf32> to vector<16xf32>
    %swap3A_50 = vector.shape_cast %broadcast_in_dim3A_44 : vector<16xf32> to vector<1x16xf32>
    tpu.vector_store %arg11[%swap3A_46, %swap3A_47], %swap3A_50 {strides = array<i32>} : memref<8x128xf32, #tpu.memory_space<vmem>>, vector<1x16xf32>,
    %broadcast_in_dim3A_51 = arith.constant 0.000000e+00 : f32
    %broadcast_in_dim3A_52 = vector.broadcast %broadcast_in_dim3A_51 : f32 to vector<16xf32>
    %swap3A_53 = arith.constant 0 : i32
    %swap3A_54 = arith.index_cast %swap3A_53 : i32 to index
    %swap3A_55 = arith.constant 48 : index
    %swap3A_56 = tpu.vector_load %arg11[%swap3A_54, %swap3A_55] {strides = array<i32>} : memref<8x128xf32, #tpu.memory_space<vmem>>, vector<1x16xf32>,
    %swap3A_57 = vector.shape_cast %swap3A_56 : vector<1x16xf32> to vector<16xf32>
    %swap3A_58 = vector.shape_cast %broadcast_in_dim3A_52 : vector<16xf32> to vector<1x16xf32>
    tpu.vector_store %arg11[%swap3A_54, %swap3A_55], %swap3A_58 {strides = array<i32>} : memref<8x128xf32, #tpu.memory_space<vmem>>, vector<1x16xf32>,
    %broadcast_in_dim3A_59 = arith.constant 0.000000e+00 : f32
    %broadcast_in_dim3A_60 = vector.broadcast %broadcast_in_dim3A_59 : f32 to vector<16xf32>
    %swap3A_61 = arith.constant 0 : i32
    %swap3A_62 = arith.index_cast %swap3A_61 : i32 to index
    %swap3A_63 = arith.constant 64 : index
    %swap3A_64 = tpu.vector_load %arg11[%swap3A_62, %swap3A_63] {strides = array<i32>} : memref<8x128xf32, #tpu.memory_space<vmem>>, vector<1x16xf32>,
    %swap3A_65 = vector.shape_cast %swap3A_64 : vector<1x16xf32> to vector<16xf32>
    %swap3A_66 = vector.shape_cast %broadcast_in_dim3A_60 : vector<16xf32> to vector<1x16xf32>
    tpu.vector_store %arg11[%swap3A_62, %swap3A_63], %swap3A_66 {strides = array<i32>} : memref<8x128xf32, #tpu.memory_space<vmem>>, vector<1x16xf32>,
    %broadcast_in_dim3A_67 = arith.constant 0.000000e+00 : f32
    %broadcast_in_dim3A_68 = vector.broadcast %broadcast_in_dim3A_67 : f32 to vector<16xf32>
    %swap3A_69 = arith.constant 0 : i32
    %swap3A_70 = arith.index_cast %swap3A_69 : i32 to index
    %swap3A_71 = arith.constant 80 : index
    %swap3A_72 = tpu.vector_load %arg11[%swap3A_70, %swap3A_71] {strides = array<i32>} : memref<8x128xf32, #tpu.memory_space<vmem>>, vector<1x16xf32>,
    %swap3A_73 = vector.shape_cast %swap3A_72 : vector<1x16xf32> to vector<16xf32>
    %swap3A_74 = vector.shape_cast %broadcast_in_dim3A_68 : vector<16xf32> to vector<1x16xf32>
    tpu.vector_store %arg11[%swap3A_70, %swap3A_71], %swap3A_74 {strides = array<i32>} : memref<8x128xf32, #tpu.memory_space<vmem>>, vector<1x16xf32>,
    %broadcast_in_dim3A_75 = arith.constant 0.000000e+00 : f32
    %broadcast_in_dim3A_76 = vector.broadcast %broadcast_in_dim3A_75 : f32 to vector<16xf32>
    %swap3A_77 = arith.constant 0 : i32
    %swap3A_78 = arith.index_cast %swap3A_77 : i32 to index
    %swap3A_79 = arith.constant 96 : index
    %swap3A_80 = tpu.vector_load %arg11[%swap3A_78, %swap3A_79] {strides = array<i32>} : memref<8x128xf32, #tpu.memory_space<vmem>>, vector<1x16xf32>,
    %swap3A_81 = vector.shape_cast %swap3A_80 : vector<1x16xf32> to vector<16xf32>
    %swap3A_82 = vector.shape_cast %broadcast_in_dim3A_76 : vector<16xf32> to vector<1x16xf32>
    tpu.vector_store %arg11[%swap3A_78, %swap3A_79], %swap3A_82 {strides = array<i32>} : memref<8x128xf32, #tpu.memory_space<vmem>>, vector<1x16xf32>,
    %broadcast_in_dim3A_83 = arith.constant 0.000000e+00 : f32
    %broadcast_in_dim3A_84 = vector.broadcast %broadcast_in_dim3A_83 : f32 to vector<16xf32>
    %swap3A_85 = arith.constant 0 : i32
    %swap3A_86 = arith.index_cast %swap3A_85 : i32 to index
    %swap3A_87 = arith.constant 112 : index
    %swap3A_88 = tpu.vector_load %arg11[%swap3A_86, %swap3A_87] {strides = array<i32>} : memref<8x128xf32, #tpu.memory_space<vmem>>, vector<1x16xf32>,
    %swap3A_89 = vector.shape_cast %swap3A_88 : vector<1x16xf32> to vector<16xf32>
    %swap3A_90 = vector.shape_cast %broadcast_in_dim3A_84 : vector<16xf32> to vector<1x16xf32>
    tpu.vector_store %arg11[%swap3A_86, %swap3A_87], %swap3A_90 {strides = array<i32>} : memref<8x128xf32, #tpu.memory_space<vmem>>, vector<1x16xf32>,
    %broadcast_in_dim3A_91 = arith.constant 0.000000e+00 : f32
    %broadcast_in_dim3A_92 = vector.broadcast %broadcast_in_dim3A_91 : f32 to vector<16xf32>
    %swap3A_93 = arith.constant 1 : i32
    %swap3A_94 = arith.index_cast %swap3A_93 : i32 to index
    %swap3A_95 = arith.constant 0 : index
    %swap3A_96 = tpu.vector_load %arg11[%swap3A_94, %swap3A_95] {strides = array<i32>} : memref<8x128xf32, #tpu.memory_space<vmem>>, vector<1x16xf32>,
    %swap3A_97 = vector.shape_cast %swap3A_96 : vector<1x16xf32> to vector<16xf32>
    %swap3A_98 = vector.shape_cast %broadcast_in_dim3A_92 : vector<16xf32> to vector<1x16xf32>
    tpu.vector_store %arg11[%swap3A_94, %swap3A_95], %swap3A_98 {strides = array<i32>} : memref<8x128xf32, #tpu.memory_space<vmem>>, vector<1x16xf32>,
    %broadcast_in_dim3A_99 = arith.constant 0.000000e+00 : f32
    %broadcast_in_dim3A_100 = vector.broadcast %broadcast_in_dim3A_99 : f32 to vector<16xf32>
    %swap3A_101 = arith.constant 1 : i32
    %swap3A_102 = arith.index_cast %swap3A_101 : i32 to index
    %swap3A_103 = arith.constant 16 : index
    %swap3A_104 = tpu.vector_load %arg11[%swap3A_102, %swap3A_103] {strides = array<i32>} : memref<8x128xf32, #tpu.memory_space<vmem>>, vector<1x16xf32>,
    %swap3A_105 = vector.shape_cast %swap3A_104 : vector<1x16xf32> to vector<16xf32>
    %swap3A_106 = vector.shape_cast %broadcast_in_dim3A_100 : vector<16xf32> to vector<1x16xf32>
    tpu.vector_store %arg11[%swap3A_102, %swap3A_103], %swap3A_106 {strides = array<i32>} : memref<8x128xf32, #tpu.memory_space<vmem>>, vector<1x16xf32>,
    %broadcast_in_dim3A_107 = arith.constant 0.000000e+00 : f32
    %broadcast_in_dim3A_108 = vector.broadcast %broadcast_in_dim3A_107 : f32 to vector<16xf32>
    %swap3A_109 = arith.constant 1 : i32
    %swap3A_110 = arith.index_cast %swap3A_109 : i32 to index
    %swap3A_111 = arith.constant 32 : index
    %swap3A_112 = tpu.vector_load %arg11[%swap3A_110, %swap3A_111] {strides = array<i32>} : memref<8x128xf32, #tpu.memory_space<vmem>>, vector<1x16xf32>,
    %swap3A_113 = vector.shape_cast %swap3A_112 : vector<1x16xf32> to vector<16xf32>
    %swap3A_114 = vector.shape_cast %broadcast_in_dim3A_108 : vector<16xf32> to vector<1x16xf32>
    tpu.vector_store %arg11[%swap3A_110, %swap3A_111], %swap3A_114 {strides = array<i32>} : memref<8x128xf32, #tpu.memory_space<vmem>>, vector<1x16xf32>,
    %broadcast_in_dim3A_115 = arith.constant 0.000000e+00 : f32
    %broadcast_in_dim3A_116 = vector.broadcast %broadcast_in_dim3A_115 : f32 to vector<16xf32>
    %swap3A_117 = arith.constant 1 : i32
    %swap3A_118 = arith.index_cast %swap3A_117 : i32 to index
    %swap3A_119 = arith.constant 48 : index
    %swap3A_120 = tpu.vector_load %arg11[%swap3A_118, %swap3A_119] {strides = array<i32>} : memref<8x128xf32, #tpu.memory_space<vmem>>, vector<1x16xf32>,
    %swap3A_121 = vector.shape_cast %swap3A_120 : vector<1x16xf32> to vector<16xf32>
    %swap3A_122 = vector.shape_cast %broadcast_in_dim3A_116 : vector<16xf32> to vector<1x16xf32>
    tpu.vector_store %arg11[%swap3A_118, %swap3A_119], %swap3A_122 {strides = array<i32>} : memref<8x128xf32, #tpu.memory_space<vmem>>, vector<1x16xf32>,
    %broadcast_in_dim3A_123 = arith.constant 0.000000e+00 : f32
    %broadcast_in_dim3A_124 = vector.broadcast %broadcast_in_dim3A_123 : f32 to vector<16xf32>
    %swap3A_125 = arith.constant 1 : i32
    %swap3A_126 = arith.index_cast %swap3A_125 : i32 to index
    %swap3A_127 = arith.constant 64 : index
    %swap3A_128 = tpu.vector_load %arg11[%swap3A_126, %swap3A_127] {strides = array<i32>} : memref<8x128xf32, #tpu.memory_space<vmem>>, vector<1x16xf32>,
    %swap3A_129 = vector.shape_cast %swap3A_128 : vector<1x16xf32> to vector<16xf32>
    %swap3A_130 = vector.shape_cast %broadcast_in_dim3A_124 : vector<16xf32> to vector<1x16xf32>
    tpu.vector_store %arg11[%swap3A_126, %swap3A_127], %swap3A_130 {strides = array<i32>} : memref<8x128xf32, #tpu.memory_space<vmem>>, vector<1x16xf32>,
    %broadcast_in_dim3A_131 = arith.constant 0.000000e+00 : f32
    %broadcast_in_dim3A_132 = vector.broadcast %broadcast_in_dim3A_131 : f32 to vector<16xf32>
    %swap3A_133 = arith.constant 1 : i32
    %swap3A_134 = arith.index_cast %swap3A_133 : i32 to index
    %swap3A_135 = arith.constant 80 : index
    %swap3A_136 = tpu.vector_load %arg11[%swap3A_134, %swap3A_135] {strides = array<i32>} : memref<8x128xf32, #tpu.memory_space<vmem>>, vector<1x16xf32>,
    %swap3A_137 = vector.shape_cast %swap3A_136 : vector<1x16xf32> to vector<16xf32>
    %swap3A_138 = vector.shape_cast %broadcast_in_dim3A_132 : vector<16xf32> to vector<1x16xf32>
    tpu.vector_store %arg11[%swap3A_134, %swap3A_135], %swap3A_138 {strides = array<i32>} : memref<8x128xf32, #tpu.memory_space<vmem>>, vector<1x16xf32>,
    %broadcast_in_dim3A_139 = arith.constant 0.000000e+00 : f32
    %broadcast_in_dim3A_140 = vector.broadcast %broadcast_in_dim3A_139 : f32 to vector<16xf32>
    %swap3A_141 = arith.constant 1 : i32
    %swap3A_142 = arith.index_cast %swap3A_141 : i32 to index
    %swap3A_143 = arith.constant 96 : index
    %swap3A_144 = tpu.vector_load %arg11[%swap3A_142, %swap3A_143] {strides = array<i32>} : memref<8x128xf32, #tpu.memory_space<vmem>>, vector<1x16xf32>,
    %swap3A_145 = vector.shape_cast %swap3A_144 : vector<1x16xf32> to vector<16xf32>
    %swap3A_146 = vector.shape_cast %broadcast_in_dim3A_140 : vector<16xf32> to vector<1x16xf32>
    tpu.vector_store %arg11[%swap3A_142, %swap3A_143], %swap3A_146 {strides = array<i32>} : memref<8x128xf32, #tpu.memory_space<vmem>>, vector<1x16xf32>,
    %broadcast_in_dim3A_147 = arith.constant 0.000000e+00 : f32
    %broadcast_in_dim3A_148 = vector.broadcast %broadcast_in_dim3A_147 : f32 to vector<16xf32>
    %swap3A_149 = arith.constant 1 : i32
    %swap3A_150 = arith.index_cast %swap3A_149 : i32 to index
    %swap3A_151 = arith.constant 112 : index
    %swap3A_152 = tpu.vector_load %arg11[%swap3A_150, %swap3A_151] {strides = array<i32>} : memref<8x128xf32, #tpu.memory_space<vmem>>, vector<1x16xf32>,
    %swap3A_153 = vector.shape_cast %swap3A_152 : vector<1x16xf32> to vector<16xf32>
    %swap3A_154 = vector.shape_cast %broadcast_in_dim3A_148 : vector<16xf32> to vector<1x16xf32>
    tpu.vector_store %arg11[%swap3A_150, %swap3A_151], %swap3A_154 {strides = array<i32>} : memref<8x128xf32, #tpu.memory_space<vmem>>, vector<1x16xf32>,
    %broadcast_in_dim3A_155 = arith.constant 0.000000e+00 : f32
    %broadcast_in_dim3A_156 = vector.broadcast %broadcast_in_dim3A_155 : f32 to vector<16xf32>
    %swap3A_157 = arith.constant 2 : i32
    %swap3A_158 = arith.index_cast %swap3A_157 : i32 to index
    %swap3A_159 = arith.constant 0 : index
    %swap3A_160 = tpu.vector_load %arg11[%swap3A_158, %swap3A_159] {strides = array<i32>} : memref<8x128xf32, #tpu.memory_space<vmem>>, vector<1x16xf32>,
    %swap3A_161 = vector.shape_cast %swap3A_160 : vector<1x16xf32> to vector<16xf32>
    %swap3A_162 = vector.shape_cast %broadcast_in_dim3A_156 : vector<16xf32> to vector<1x16xf32>
    tpu.vector_store %arg11[%swap3A_158, %swap3A_159], %swap3A_162 {strides = array<i32>} : memref<8x128xf32, #tpu.memory_space<vmem>>, vector<1x16xf32>,
    %broadcast_in_dim3A_163 = arith.constant 0.000000e+00 : f32
    %broadcast_in_dim3A_164 = vector.broadcast %broadcast_in_dim3A_163 : f32 to vector<16xf32>
    %swap3A_165 = arith.constant 2 : i32
    %swap3A_166 = arith.index_cast %swap3A_165 : i32 to index
    %swap3A_167 = arith.constant 16 : index
    %swap3A_168 = tpu.vector_load %arg11[%swap3A_166, %swap3A_167] {strides = array<i32>} : memref<8x128xf32, #tpu.memory_space<vmem>>, vector<1x16xf32>,
    %swap3A_169 = vector.shape_cast %swap3A_168 : vector<1x16xf32> to vector<16xf32>
    %swap3A_170 = vector.shape_cast %broadcast_in_dim3A_164 : vector<16xf32> to vector<1x16xf32>
    tpu.vector_store %arg11[%swap3A_166, %swap3A_167], %swap3A_170 {strides = array<i32>} : memref<8x128xf32, #tpu.memory_space<vmem>>, vector<1x16xf32>,
    %broadcast_in_dim3A_171 = arith.constant 0.000000e+00 : f32
    %broadcast_in_dim3A_172 = vector.broadcast %broadcast_in_dim3A_171 : f32 to vector<16xf32>
    %swap3A_173 = arith.constant 2 : i32
    %swap3A_174 = arith.index_cast %swap3A_173 : i32 to index
    %swap3A_175 = arith.constant 32 : index
    %swap3A_176 = tpu.vector_load %arg11[%swap3A_174, %swap3A_175] {strides = array<i32>} : memref<8x128xf32, #tpu.memory_space<vmem>>, vector<1x16xf32>,
    %swap3A_177 = vector.shape_cast %swap3A_176 : vector<1x16xf32> to vector<16xf32>
    %swap3A_178 = vector.shape_cast %broadcast_in_dim3A_172 : vector<16xf32> to vector<1x16xf32>
    tpu.vector_store %arg11[%swap3A_174, %swap3A_175], %swap3A_178 {strides = array<i32>} : memref<8x128xf32, #tpu.memory_space<vmem>>, vector<1x16xf32>,
    %broadcast_in_dim3A_179 = arith.constant 0.000000e+00 : f32
    %broadcast_in_dim3A_180 = vector.broadcast %broadcast_in_dim3A_179 : f32 to vector<16xf32>
    %swap3A_181 = arith.constant 2 : i32
    %swap3A_182 = arith.index_cast %swap3A_181 : i32 to index
    %swap3A_183 = arith.constant 48 : index
    %swap3A_184 = tpu.vector_load %arg11[%swap3A_182, %swap3A_183] {strides = array<i32>} : memref<8x128xf32, #tpu.memory_space<vmem>>, vector<1x16xf32>,
    %swap3A_185 = vector.shape_cast %swap3A_184 : vector<1x16xf32> to vector<16xf32>
    %swap3A_186 = vector.shape_cast %broadcast_in_dim3A_180 : vector<16xf32> to vector<1x16xf32>
    tpu.vector_store %arg11[%swap3A_182, %swap3A_183], %swap3A_186 {strides = array<i32>} : memref<8x128xf32, #tpu.memory_space<vmem>>, vector<1x16xf32>,
    %broadcast_in_dim3A_187 = arith.constant 0.000000e+00 : f32
    %broadcast_in_dim3A_188 = vector.broadcast %broadcast_in_dim3A_187 : f32 to vector<16xf32>
    %swap3A_189 = arith.constant 2 : i32
    %swap3A_190 = arith.index_cast %swap3A_189 : i32 to index
    %swap3A_191 = arith.constant 64 : index
    %swap3A_192 = tpu.vector_load %arg11[%swap3A_190, %swap3A_191] {strides = array<i32>} : memref<8x128xf32, #tpu.memory_space<vmem>>, vector<1x16xf32>,
    %swap3A_193 = vector.shape_cast %swap3A_192 : vector<1x16xf32> to vector<16xf32>
    %swap3A_194 = vector.shape_cast %broadcast_in_dim3A_188 : vector<16xf32> to vector<1x16xf32>
    tpu.vector_store %arg11[%swap3A_190, %swap3A_191], %swap3A_194 {strides = array<i32>} : memref<8x128xf32, #tpu.memory_space<vmem>>, vector<1x16xf32>,
    %broadcast_in_dim3A_195 = arith.constant 0.000000e+00 : f32
    %broadcast_in_dim3A_196 = vector.broadcast %broadcast_in_dim3A_195 : f32 to vector<16xf32>
    %swap3A_197 = arith.constant 2 : i32
    %swap3A_198 = arith.index_cast %swap3A_197 : i32 to index
    %swap3A_199 = arith.constant 80 : index
    %swap3A_200 = tpu.vector_load %arg11[%swap3A_198, %swap3A_199] {strides = array<i32>} : memref<8x128xf32, #tpu.memory_space<vmem>>, vector<1x16xf32>,
    %swap3A_201 = vector.shape_cast %swap3A_200 : vector<1x16xf32> to vector<16xf32>
    %swap3A_202 = vector.shape_cast %broadcast_in_dim3A_196 : vector<16xf32> to vector<1x16xf32>
    tpu.vector_store %arg11[%swap3A_198, %swap3A_199], %swap3A_202 {strides = array<i32>} : memref<8x128xf32, #tpu.memory_space<vmem>>, vector<1x16xf32>,
    %broadcast_in_dim3A_203 = arith.constant 0.000000e+00 : f32
    %broadcast_in_dim3A_204 = vector.broadcast %broadcast_in_dim3A_203 : f32 to vector<16xf32>
    %swap3A_205 = arith.constant 2 : i32
    %swap3A_206 = arith.index_cast %swap3A_205 : i32 to index
    %swap3A_207 = arith.constant 96 : index
    %swap3A_208 = tpu.vector_load %arg11[%swap3A_206, %swap3A_207] {strides = array<i32>} : memref<8x128xf32, #tpu.memory_space<vmem>>, vector<1x16xf32>,
    %swap3A_209 = vector.shape_cast %swap3A_208 : vector<1x16xf32> to vector<16xf32>
    %swap3A_210 = vector.shape_cast %broadcast_in_dim3A_204 : vector<16xf32> to vector<1x16xf32>
    tpu.vector_store %arg11[%swap3A_206, %swap3A_207], %swap3A_210 {strides = array<i32>} : memref<8x128xf32, #tpu.memory_space<vmem>>, vector<1x16xf32>,
    %broadcast_in_dim3A_211 = arith.constant 0.000000e+00 : f32
    %broadcast_in_dim3A_212 = vector.broadcast %broadcast_in_dim3A_211 : f32 to vector<16xf32>
    %swap3A_213 = arith.constant 2 : i32
    %swap3A_214 = arith.index_cast %swap3A_213 : i32 to index
    %swap3A_215 = arith.constant 112 : index
    %swap3A_216 = tpu.vector_load %arg11[%swap3A_214, %swap3A_215] {strides = array<i32>} : memref<8x128xf32, #tpu.memory_space<vmem>>, vector<1x16xf32>,
    %swap3A_217 = vector.shape_cast %swap3A_216 : vector<1x16xf32> to vector<16xf32>
    %swap3A_218 = vector.shape_cast %broadcast_in_dim3A_212 : vector<16xf32> to vector<1x16xf32>
    tpu.vector_store %arg11[%swap3A_214, %swap3A_215], %swap3A_218 {strides = array<i32>} : memref<8x128xf32, #tpu.memory_space<vmem>>, vector<1x16xf32>,
    %broadcast_in_dim3A_219 = arith.constant 0.000000e+00 : f32
    %broadcast_in_dim3A_220 = vector.broadcast %broadcast_in_dim3A_219 : f32 to vector<16xf32>
    %swap3A_221 = arith.constant 3 : i32
    %swap3A_222 = arith.index_cast %swap3A_221 : i32 to index
    %swap3A_223 = arith.constant 0 : index
    %swap3A_224 = tpu.vector_load %arg11[%swap3A_222, %swap3A_223] {strides = array<i32>} : memref<8x128xf32, #tpu.memory_space<vmem>>, vector<1x16xf32>,
    %swap3A_225 = vector.shape_cast %swap3A_224 : vector<1x16xf32> to vector<16xf32>
    %swap3A_226 = vector.shape_cast %broadcast_in_dim3A_220 : vector<16xf32> to vector<1x16xf32>
    tpu.vector_store %arg11[%swap3A_222, %swap3A_223], %swap3A_226 {strides = array<i32>} : memref<8x128xf32, #tpu.memory_space<vmem>>, vector<1x16xf32>,
    %broadcast_in_dim3A_227 = arith.constant 0.000000e+00 : f32
    %broadcast_in_dim3A_228 = vector.broadcast %broadcast_in_dim3A_227 : f32 to vector<16xf32>
    %swap3A_229 = arith.constant 3 : i32
    %swap3A_230 = arith.index_cast %swap3A_229 : i32 to index
    %swap3A_231 = arith.constant 16 : index
    %swap3A_232 = tpu.vector_load %arg11[%swap3A_230, %swap3A_231] {strides = array<i32>} : memref<8x128xf32, #tpu.memory_space<vmem>>, vector<1x16xf32>,
    %swap3A_233 = vector.shape_cast %swap3A_232 : vector<1x16xf32> to vector<16xf32>
    %swap3A_234 = vector.shape_cast %broadcast_in_dim3A_228 : vector<16xf32> to vector<1x16xf32>
    tpu.vector_store %arg11[%swap3A_230, %swap3A_231], %swap3A_234 {strides = array<i32>} : memref<8x128xf32, #tpu.memory_space<vmem>>, vector<1x16xf32>,
    %broadcast_in_dim3A_235 = arith.constant 0.000000e+00 : f32
    %broadcast_in_dim3A_236 = vector.broadcast %broadcast_in_dim3A_235 : f32 to vector<16xf32>
    %swap3A_237 = arith.constant 3 : i32
    %swap3A_238 = arith.index_cast %swap3A_237 : i32 to index
    %swap3A_239 = arith.constant 32 : index
    %swap3A_240 = tpu.vector_load %arg11[%swap3A_238, %swap3A_239] {strides = array<i32>} : memref<8x128xf32, #tpu.memory_space<vmem>>, vector<1x16xf32>,
    %swap3A_241 = vector.shape_cast %swap3A_240 : vector<1x16xf32> to vector<16xf32>
    %swap3A_242 = vector.shape_cast %broadcast_in_dim3A_236 : vector<16xf32> to vector<1x16xf32>
    tpu.vector_store %arg11[%swap3A_238, %swap3A_239], %swap3A_242 {strides = array<i32>} : memref<8x128xf32, #tpu.memory_space<vmem>>, vector<1x16xf32>,
    %broadcast_in_dim3A_243 = arith.constant 0.000000e+00 : f32
    %broadcast_in_dim3A_244 = vector.broadcast %broadcast_in_dim3A_243 : f32 to vector<16xf32>
    %swap3A_245 = arith.constant 3 : i32
    %swap3A_246 = arith.index_cast %swap3A_245 : i32 to index
    %swap3A_247 = arith.constant 48 : index
    %swap3A_248 = tpu.vector_load %arg11[%swap3A_246, %swap3A_247] {strides = array<i32>} : memref<8x128xf32, #tpu.memory_space<vmem>>, vector<1x16xf32>,
    %swap3A_249 = vector.shape_cast %swap3A_248 : vector<1x16xf32> to vector<16xf32>
    %swap3A_250 = vector.shape_cast %broadcast_in_dim3A_244 : vector<16xf32> to vector<1x16xf32>
    tpu.vector_store %arg11[%swap3A_246, %swap3A_247], %swap3A_250 {strides = array<i32>} : memref<8x128xf32, #tpu.memory_space<vmem>>, vector<1x16xf32>,
    %broadcast_in_dim3A_251 = arith.constant 0.000000e+00 : f32
    %broadcast_in_dim3A_252 = vector.broadcast %broadcast_in_dim3A_251 : f32 to vector<16xf32>
    %swap3A_253 = arith.constant 3 : i32
    %swap3A_254 = arith.index_cast %swap3A_253 : i32 to index
    %swap3A_255 = arith.constant 64 : index
    %swap3A_256 = tpu.vector_load %arg11[%swap3A_254, %swap3A_255] {strides = array<i32>} : memref<8x128xf32, #tpu.memory_space<vmem>>, vector<1x16xf32>,
    %swap3A_257 = vector.shape_cast %swap3A_256 : vector<1x16xf32> to vector<16xf32>
    %swap3A_258 = vector.shape_cast %broadcast_in_dim3A_252 : vector<16xf32> to vector<1x16xf32>
    tpu.vector_store %arg11[%swap3A_254, %swap3A_255], %swap3A_258 {strides = array<i32>} : memref<8x128xf32, #tpu.memory_space<vmem>>, vector<1x16xf32>,
    %broadcast_in_dim3A_259 = arith.constant 0.000000e+00 : f32
    %broadcast_in_dim3A_260 = vector.broadcast %broadcast_in_dim3A_259 : f32 to vector<16xf32>
    %swap3A_261 = arith.constant 3 : i32
    %swap3A_262 = arith.index_cast %swap3A_261 : i32 to index
    %swap3A_263 = arith.constant 80 : index
    %swap3A_264 = tpu.vector_load %arg11[%swap3A_262, %swap3A_263] {strides = array<i32>} : memref<8x128xf32, #tpu.memory_space<vmem>>, vector<1x16xf32>,
    %swap3A_265 = vector.shape_cast %swap3A_264 : vector<1x16xf32> to vector<16xf32>
    %swap3A_266 = vector.shape_cast %broadcast_in_dim3A_260 : vector<16xf32> to vector<1x16xf32>
    tpu.vector_store %arg11[%swap3A_262, %swap3A_263], %swap3A_266 {strides = array<i32>} : memref<8x128xf32, #tpu.memory_space<vmem>>, vector<1x16xf32>,
    %broadcast_in_dim3A_267 = arith.constant 0.000000e+00 : f32
    %broadcast_in_dim3A_268 = vector.broadcast %broadcast_in_dim3A_267 : f32 to vector<16xf32>
    %swap3A_269 = arith.constant 3 : i32
    %swap3A_270 = arith.index_cast %swap3A_269 : i32 to index
    %swap3A_271 = arith.constant 96 : index
    %swap3A_272 = tpu.vector_load %arg11[%swap3A_270, %swap3A_271] {strides = array<i32>} : memref<8x128xf32, #tpu.memory_space<vmem>>, vector<1x16xf32>,
    %swap3A_273 = vector.shape_cast %swap3A_272 : vector<1x16xf32> to vector<16xf32>
    %swap3A_274 = vector.shape_cast %broadcast_in_dim3A_268 : vector<16xf32> to vector<1x16xf32>
    tpu.vector_store %arg11[%swap3A_270, %swap3A_271], %swap3A_274 {strides = array<i32>} : memref<8x128xf32, #tpu.memory_space<vmem>>, vector<1x16xf32>,
    %broadcast_in_dim3A_275 = arith.constant 0.000000e+00 : f32
    %broadcast_in_dim3A_276 = vector.broadcast %broadcast_in_dim3A_275 : f32 to vector<16xf32>
    %swap3A_277 = arith.constant 3 : i32
    %swap3A_278 = arith.index_cast %swap3A_277 : i32 to index
    %swap3A_279 = arith.constant 112 : index
    %swap3A_280 = tpu.vector_load %arg11[%swap3A_278, %swap3A_279] {strides = array<i32>} : memref<8x128xf32, #tpu.memory_space<vmem>>, vector<1x16xf32>,
    %swap3A_281 = vector.shape_cast %swap3A_280 : vector<1x16xf32> to vector<16xf32>
    %swap3A_282 = vector.shape_cast %broadcast_in_dim3A_276 : vector<16xf32> to vector<1x16xf32>
    tpu.vector_store %arg11[%swap3A_278, %swap3A_279], %swap3A_282 {strides = array<i32>} : memref<8x128xf32, #tpu.memory_space<vmem>>, vector<1x16xf32>,
    %broadcast_in_dim3A_283 = arith.constant 0.000000e+00 : f32
    %broadcast_in_dim3A_284 = vector.broadcast %broadcast_in_dim3A_283 : f32 to vector<16xf32>
    %swap3A_285 = arith.constant 4 : i32
    %swap3A_286 = arith.index_cast %swap3A_285 : i32 to index
    %swap3A_287 = arith.constant 0 : index
    %swap3A_288 = tpu.vector_load %arg11[%swap3A_286, %swap3A_287] {strides = array<i32>} : memref<8x128xf32, #tpu.memory_space<vmem>>, vector<1x16xf32>,
    %swap3A_289 = vector.shape_cast %swap3A_288 : vector<1x16xf32> to vector<16xf32>
    %swap3A_290 = vector.shape_cast %broadcast_in_dim3A_284 : vector<16xf32> to vector<1x16xf32>
    tpu.vector_store %arg11[%swap3A_286, %swap3A_287], %swap3A_290 {strides = array<i32>} : memref<8x128xf32, #tpu.memory_space<vmem>>, vector<1x16xf32>,
    %broadcast_in_dim3A_291 = arith.constant 0.000000e+00 : f32
    %broadcast_in_dim3A_292 = vector.broadcast %broadcast_in_dim3A_291 : f32 to vector<16xf32>
    %swap3A_293 = arith.constant 4 : i32
    %swap3A_294 = arith.index_cast %swap3A_293 : i32 to index
    %swap3A_295 = arith.constant 16 : index
    %swap3A_296 = tpu.vector_load %arg11[%swap3A_294, %swap3A_295] {strides = array<i32>} : memref<8x128xf32, #tpu.memory_space<vmem>>, vector<1x16xf32>,
    %swap3A_297 = vector.shape_cast %swap3A_296 : vector<1x16xf32> to vector<16xf32>
    %swap3A_298 = vector.shape_cast %broadcast_in_dim3A_292 : vector<16xf32> to vector<1x16xf32>
    tpu.vector_store %arg11[%swap3A_294, %swap3A_295], %swap3A_298 {strides = array<i32>} : memref<8x128xf32, #tpu.memory_space<vmem>>, vector<1x16xf32>,
    %broadcast_in_dim3A_299 = arith.constant 0.000000e+00 : f32
    %broadcast_in_dim3A_300 = vector.broadcast %broadcast_in_dim3A_299 : f32 to vector<16xf32>
    %swap3A_301 = arith.constant 4 : i32
    %swap3A_302 = arith.index_cast %swap3A_301 : i32 to index
    %swap3A_303 = arith.constant 32 : index
    %swap3A_304 = tpu.vector_load %arg11[%swap3A_302, %swap3A_303] {strides = array<i32>} : memref<8x128xf32, #tpu.memory_space<vmem>>, vector<1x16xf32>,
    %swap3A_305 = vector.shape_cast %swap3A_304 : vector<1x16xf32> to vector<16xf32>
    %swap3A_306 = vector.shape_cast %broadcast_in_dim3A_300 : vector<16xf32> to vector<1x16xf32>
    tpu.vector_store %arg11[%swap3A_302, %swap3A_303], %swap3A_306 {strides = array<i32>} : memref<8x128xf32, #tpu.memory_space<vmem>>, vector<1x16xf32>,
    %broadcast_in_dim3A_307 = arith.constant 0.000000e+00 : f32
    %broadcast_in_dim3A_308 = vector.broadcast %broadcast_in_dim3A_307 : f32 to vector<16xf32>
    %swap3A_309 = arith.constant 4 : i32
    %swap3A_310 = arith.index_cast %swap3A_309 : i32 to index
    %swap3A_311 = arith.constant 48 : index
    %swap3A_312 = tpu.vector_load %arg11[%swap3A_310, %swap3A_311] {strides = array<i32>} : memref<8x128xf32, #tpu.memory_space<vmem>>, vector<1x16xf32>,
    %swap3A_313 = vector.shape_cast %swap3A_312 : vector<1x16xf32> to vector<16xf32>
    %swap3A_314 = vector.shape_cast %broadcast_in_dim3A_308 : vector<16xf32> to vector<1x16xf32>
    tpu.vector_store %arg11[%swap3A_310, %swap3A_311], %swap3A_314 {strides = array<i32>} : memref<8x128xf32, #tpu.memory_space<vmem>>, vector<1x16xf32>,
    %broadcast_in_dim3A_315 = arith.constant 0.000000e+00 : f32
    %broadcast_in_dim3A_316 = vector.broadcast %broadcast_in_dim3A_315 : f32 to vector<16xf32>
    %swap3A_317 = arith.constant 4 : i32
    %swap3A_318 = arith.index_cast %swap3A_317 : i32 to index
    %swap3A_319 = arith.constant 64 : index
    %swap3A_320 = tpu.vector_load %arg11[%swap3A_318, %swap3A_319] {strides = array<i32>} : memref<8x128xf32, #tpu.memory_space<vmem>>, vector<1x16xf32>,
    %swap3A_321 = vector.shape_cast %swap3A_320 : vector<1x16xf32> to vector<16xf32>
    %swap3A_322 = vector.shape_cast %broadcast_in_dim3A_316 : vector<16xf32> to vector<1x16xf32>
    tpu.vector_store %arg11[%swap3A_318, %swap3A_319], %swap3A_322 {strides = array<i32>} : memref<8x128xf32, #tpu.memory_space<vmem>>, vector<1x16xf32>,
    %broadcast_in_dim3A_323 = arith.constant 0.000000e+00 : f32
    %broadcast_in_dim3A_324 = vector.broadcast %broadcast_in_dim3A_323 : f32 to vector<16xf32>
    %swap3A_325 = arith.constant 4 : i32
    %swap3A_326 = arith.index_cast %swap3A_325 : i32 to index
    %swap3A_327 = arith.constant 80 : index
    %swap3A_328 = tpu.vector_load %arg11[%swap3A_326, %swap3A_327] {strides = array<i32>} : memref<8x128xf32, #tpu.memory_space<vmem>>, vector<1x16xf32>,
    %swap3A_329 = vector.shape_cast %swap3A_328 : vector<1x16xf32> to vector<16xf32>
    %swap3A_330 = vector.shape_cast %broadcast_in_dim3A_324 : vector<16xf32> to vector<1x16xf32>
    tpu.vector_store %arg11[%swap3A_326, %swap3A_327], %swap3A_330 {strides = array<i32>} : memref<8x128xf32, #tpu.memory_space<vmem>>, vector<1x16xf32>,
    %broadcast_in_dim3A_331 = arith.constant 0.000000e+00 : f32
    %broadcast_in_dim3A_332 = vector.broadcast %broadcast_in_dim3A_331 : f32 to vector<16xf32>
    %swap3A_333 = arith.constant 4 : i32
    %swap3A_334 = arith.index_cast %swap3A_333 : i32 to index
    %swap3A_335 = arith.constant 96 : index
    %swap3A_336 = tpu.vector_load %arg11[%swap3A_334, %swap3A_335] {strides = array<i32>} : memref<8x128xf32, #tpu.memory_space<vmem>>, vector<1x16xf32>,
    %swap3A_337 = vector.shape_cast %swap3A_336 : vector<1x16xf32> to vector<16xf32>
    %swap3A_338 = vector.shape_cast %broadcast_in_dim3A_332 : vector<16xf32> to vector<1x16xf32>
    tpu.vector_store %arg11[%swap3A_334, %swap3A_335], %swap3A_338 {strides = array<i32>} : memref<8x128xf32, #tpu.memory_space<vmem>>, vector<1x16xf32>,
    %broadcast_in_dim3A_339 = arith.constant 0.000000e+00 : f32
    %broadcast_in_dim3A_340 = vector.broadcast %broadcast_in_dim3A_339 : f32 to vector<16xf32>
    %swap3A_341 = arith.constant 4 : i32
    %swap3A_342 = arith.index_cast %swap3A_341 : i32 to index
    %swap3A_343 = arith.constant 112 : index
    %swap3A_344 = tpu.vector_load %arg11[%swap3A_342, %swap3A_343] {strides = array<i32>} : memref<8x128xf32, #tpu.memory_space<vmem>>, vector<1x16xf32>,
    %swap3A_345 = vector.shape_cast %swap3A_344 : vector<1x16xf32> to vector<16xf32>
    %swap3A_346 = vector.shape_cast %broadcast_in_dim3A_340 : vector<16xf32> to vector<1x16xf32>
    tpu.vector_store %arg11[%swap3A_342, %swap3A_343], %swap3A_346 {strides = array<i32>} : memref<8x128xf32, #tpu.memory_space<vmem>>, vector<1x16xf32>,
    %broadcast_in_dim3A_347 = arith.constant 0.000000e+00 : f32
    %broadcast_in_dim3A_348 = vector.broadcast %broadcast_in_dim3A_347 : f32 to vector<16xf32>
    %swap3A_349 = arith.constant 5 : i32
    %swap3A_350 = arith.index_cast %swap3A_349 : i32 to index
    %swap3A_351 = arith.constant 0 : index
    %swap3A_352 = tpu.vector_load %arg11[%swap3A_350, %swap3A_351] {strides = array<i32>} : memref<8x128xf32, #tpu.memory_space<vmem>>, vector<1x16xf32>,
    %swap3A_353 = vector.shape_cast %swap3A_352 : vector<1x16xf32> to vector<16xf32>
    %swap3A_354 = vector.shape_cast %broadcast_in_dim3A_348 : vector<16xf32> to vector<1x16xf32>
    tpu.vector_store %arg11[%swap3A_350, %swap3A_351], %swap3A_354 {strides = array<i32>} : memref<8x128xf32, #tpu.memory_space<vmem>>, vector<1x16xf32>,
    %broadcast_in_dim3A_355 = arith.constant 0.000000e+00 : f32
    %broadcast_in_dim3A_356 = vector.broadcast %broadcast_in_dim3A_355 : f32 to vector<16xf32>
    %swap3A_357 = arith.constant 5 : i32
    %swap3A_358 = arith.index_cast %swap3A_357 : i32 to index
    %swap3A_359 = arith.constant 16 : index
    %swap3A_360 = tpu.vector_load %arg11[%swap3A_358, %swap3A_359] {strides = array<i32>} : memref<8x128xf32, #tpu.memory_space<vmem>>, vector<1x16xf32>,
    %swap3A_361 = vector.shape_cast %swap3A_360 : vector<1x16xf32> to vector<16xf32>
    %swap3A_362 = vector.shape_cast %broadcast_in_dim3A_356 : vector<16xf32> to vector<1x16xf32>
    tpu.vector_store %arg11[%swap3A_358, %swap3A_359], %swap3A_362 {strides = array<i32>} : memref<8x128xf32, #tpu.memory_space<vmem>>, vector<1x16xf32>,
    %broadcast_in_dim3A_363 = arith.constant 0.000000e+00 : f32
    %broadcast_in_dim3A_364 = vector.broadcast %broadcast_in_dim3A_363 : f32 to vector<16xf32>
    %swap3A_365 = arith.constant 5 : i32
    %swap3A_366 = arith.index_cast %swap3A_365 : i32 to index
    %swap3A_367 = arith.constant 32 : index
    %swap3A_368 = tpu.vector_load %arg11[%swap3A_366, %swap3A_367] {strides = array<i32>} : memref<8x128xf32, #tpu.memory_space<vmem>>, vector<1x16xf32>,
    %swap3A_369 = vector.shape_cast %swap3A_368 : vector<1x16xf32> to vector<16xf32>
    %swap3A_370 = vector.shape_cast %broadcast_in_dim3A_364 : vector<16xf32> to vector<1x16xf32>
    tpu.vector_store %arg11[%swap3A_366, %swap3A_367], %swap3A_370 {strides = array<i32>} : memref<8x128xf32, #tpu.memory_space<vmem>>, vector<1x16xf32>,
    %broadcast_in_dim3A_371 = arith.constant 0.000000e+00 : f32
    %broadcast_in_dim3A_372 = vector.broadcast %broadcast_in_dim3A_371 : f32 to vector<16xf32>
    %swap3A_373 = arith.constant 5 : i32
    %swap3A_374 = arith.index_cast %swap3A_373 : i32 to index
    %swap3A_375 = arith.constant 48 : index
    %swap3A_376 = tpu.vector_load %arg11[%swap3A_374, %swap3A_375] {strides = array<i32>} : memref<8x128xf32, #tpu.memory_space<vmem>>, vector<1x16xf32>,
    %swap3A_377 = vector.shape_cast %swap3A_376 : vector<1x16xf32> to vector<16xf32>
    %swap3A_378 = vector.shape_cast %broadcast_in_dim3A_372 : vector<16xf32> to vector<1x16xf32>
    tpu.vector_store %arg11[%swap3A_374, %swap3A_375], %swap3A_378 {strides = array<i32>} : memref<8x128xf32, #tpu.memory_space<vmem>>, vector<1x16xf32>,
    %broadcast_in_dim3A_379 = arith.constant 0.000000e+00 : f32
    %broadcast_in_dim3A_380 = vector.broadcast %broadcast_in_dim3A_379 : f32 to vector<16xf32>
    %swap3A_381 = arith.constant 5 : i32
    %swap3A_382 = arith.index_cast %swap3A_381 : i32 to index
    %swap3A_383 = arith.constant 64 : index
    %swap3A_384 = tpu.vector_load %arg11[%swap3A_382, %swap3A_383] {strides = array<i32>} : memref<8x128xf32, #tpu.memory_space<vmem>>, vector<1x16xf32>,
    %swap3A_385 = vector.shape_cast %swap3A_384 : vector<1x16xf32> to vector<16xf32>
    %swap3A_386 = vector.shape_cast %broadcast_in_dim3A_380 : vector<16xf32> to vector<1x16xf32>
    tpu.vector_store %arg11[%swap3A_382, %swap3A_383], %swap3A_386 {strides = array<i32>} : memref<8x128xf32, #tpu.memory_space<vmem>>, vector<1x16xf32>,
    %broadcast_in_dim3A_387 = arith.constant 0.000000e+00 : f32
    %broadcast_in_dim3A_388 = vector.broadcast %broadcast_in_dim3A_387 : f32 to vector<16xf32>
    %swap3A_389 = arith.constant 5 : i32
    %swap3A_390 = arith.index_cast %swap3A_389 : i32 to index
    %swap3A_391 = arith.constant 80 : index
    %swap3A_392 = tpu.vector_load %arg11[%swap3A_390, %swap3A_391] {strides = array<i32>} : memref<8x128xf32, #tpu.memory_space<vmem>>, vector<1x16xf32>,
    %swap3A_393 = vector.shape_cast %swap3A_392 : vector<1x16xf32> to vector<16xf32>
    %swap3A_394 = vector.shape_cast %broadcast_in_dim3A_388 : vector<16xf32> to vector<1x16xf32>
    tpu.vector_store %arg11[%swap3A_390, %swap3A_391], %swap3A_394 {strides = array<i32>} : memref<8x128xf32, #tpu.memory_space<vmem>>, vector<1x16xf32>,
    %broadcast_in_dim3A_395 = arith.constant 0.000000e+00 : f32
    %broadcast_in_dim3A_396 = vector.broadcast %broadcast_in_dim3A_395 : f32 to vector<16xf32>
    %swap3A_397 = arith.constant 5 : i32
    %swap3A_398 = arith.index_cast %swap3A_397 : i32 to index
    %swap3A_399 = arith.constant 96 : index
    %swap3A_400 = tpu.vector_load %arg11[%swap3A_398, %swap3A_399] {strides = array<i32>} : memref<8x128xf32, #tpu.memory_space<vmem>>, vector<1x16xf32>,
    %swap3A_401 = vector.shape_cast %swap3A_400 : vector<1x16xf32> to vector<16xf32>
    %swap3A_402 = vector.shape_cast %broadcast_in_dim3A_396 : vector<16xf32> to vector<1x16xf32>
    tpu.vector_store %arg11[%swap3A_398, %swap3A_399], %swap3A_402 {strides = array<i32>} : memref<8x128xf32, #tpu.memory_space<vmem>>, vector<1x16xf32>,
    %broadcast_in_dim3A_403 = arith.constant 0.000000e+00 : f32
    %broadcast_in_dim3A_404 = vector.broadcast %broadcast_in_dim3A_403 : f32 to vector<16xf32>
    %swap3A_405 = arith.constant 5 : i32
    %swap3A_406 = arith.index_cast %swap3A_405 : i32 to index
    %swap3A_407 = arith.constant 112 : index
    %swap3A_408 = tpu.vector_load %arg11[%swap3A_406, %swap3A_407] {strides = array<i32>} : memref<8x128xf32, #tpu.memory_space<vmem>>, vector<1x16xf32>,
    %swap3A_409 = vector.shape_cast %swap3A_408 : vector<1x16xf32> to vector<16xf32>
    %swap3A_410 = vector.shape_cast %broadcast_in_dim3A_404 : vector<16xf32> to vector<1x16xf32>
    tpu.vector_store %arg11[%swap3A_406, %swap3A_407], %swap3A_410 {strides = array<i32>} : memref<8x128xf32, #tpu.memory_space<vmem>>, vector<1x16xf32>,
    %broadcast_in_dim3A_411 = arith.constant 0.000000e+00 : f32
    %broadcast_in_dim3A_412 = vector.broadcast %broadcast_in_dim3A_411 : f32 to vector<16xf32>
    %swap3A_413 = arith.constant 6 : i32
    %swap3A_414 = arith.index_cast %swap3A_413 : i32 to index
    %swap3A_415 = arith.constant 0 : index
    %swap3A_416 = tpu.vector_load %arg11[%swap3A_414, %swap3A_415] {strides = array<i32>} : memref<8x128xf32, #tpu.memory_space<vmem>>, vector<1x16xf32>,
    %swap3A_417 = vector.shape_cast %swap3A_416 : vector<1x16xf32> to vector<16xf32>
    %swap3A_418 = vector.shape_cast %broadcast_in_dim3A_412 : vector<16xf32> to vector<1x16xf32>
    tpu.vector_store %arg11[%swap3A_414, %swap3A_415], %swap3A_418 {strides = array<i32>} : memref<8x128xf32, #tpu.memory_space<vmem>>, vector<1x16xf32>,
    %broadcast_in_dim3A_419 = arith.constant 0.000000e+00 : f32
    %broadcast_in_dim3A_420 = vector.broadcast %broadcast_in_dim3A_419 : f32 to vector<16xf32>
    %swap3A_421 = arith.constant 6 : i32
    %swap3A_422 = arith.index_cast %swap3A_421 : i32 to index
    %swap3A_423 = arith.constant 16 : index
    %swap3A_424 = tpu.vector_load %arg11[%swap3A_422, %swap3A_423] {strides = array<i32>} : memref<8x128xf32, #tpu.memory_space<vmem>>, vector<1x16xf32>,
    %swap3A_425 = vector.shape_cast %swap3A_424 : vector<1x16xf32> to vector<16xf32>
    %swap3A_426 = vector.shape_cast %broadcast_in_dim3A_420 : vector<16xf32> to vector<1x16xf32>
    tpu.vector_store %arg11[%swap3A_422, %swap3A_423], %swap3A_426 {strides = array<i32>} : memref<8x128xf32, #tpu.memory_space<vmem>>, vector<1x16xf32>,
    %broadcast_in_dim3A_427 = arith.constant 0.000000e+00 : f32
    %broadcast_in_dim3A_428 = vector.broadcast %broadcast_in_dim3A_427 : f32 to vector<16xf32>
    %swap3A_429 = arith.constant 6 : i32
    %swap3A_430 = arith.index_cast %swap3A_429 : i32 to index
    %swap3A_431 = arith.constant 32 : index
    %swap3A_432 = tpu.vector_load %arg11[%swap3A_430, %swap3A_431] {strides = array<i32>} : memref<8x128xf32, #tpu.memory_space<vmem>>, vector<1x16xf32>,
    %swap3A_433 = vector.shape_cast %swap3A_432 : vector<1x16xf32> to vector<16xf32>
    %swap3A_434 = vector.shape_cast %broadcast_in_dim3A_428 : vector<16xf32> to vector<1x16xf32>
    tpu.vector_store %arg11[%swap3A_430, %swap3A_431], %swap3A_434 {strides = array<i32>} : memref<8x128xf32, #tpu.memory_space<vmem>>, vector<1x16xf32>,
    %broadcast_in_dim3A_435 = arith.constant 0.000000e+00 : f32
    %broadcast_in_dim3A_436 = vector.broadcast %broadcast_in_dim3A_435 : f32 to vector<16xf32>
    %swap3A_437 = arith.constant 6 : i32
    %swap3A_438 = arith.index_cast %swap3A_437 : i32 to index
    %swap3A_439 = arith.constant 48 : index
    %swap3A_440 = tpu.vector_load %arg11[%swap3A_438, %swap3A_439] {strides = array<i32>} : memref<8x128xf32, #tpu.memory_space<vmem>>, vector<1x16xf32>,
    %swap3A_441 = vector.shape_cast %swap3A_440 : vector<1x16xf32> to vector<16xf32>
    %swap3A_442 = vector.shape_cast %broadcast_in_dim3A_436 : vector<16xf32> to vector<1x16xf32>
    tpu.vector_store %arg11[%swap3A_438, %swap3A_439], %swap3A_442 {strides = array<i32>} : memref<8x128xf32, #tpu.memory_space<vmem>>, vector<1x16xf32>,
    %broadcast_in_dim3A_443 = arith.constant 0.000000e+00 : f32
    %broadcast_in_dim3A_444 = vector.broadcast %broadcast_in_dim3A_443 : f32 to vector<16xf32>
    %swap3A_445 = arith.constant 6 : i32
    %swap3A_446 = arith.index_cast %swap3A_445 : i32 to index
    %swap3A_447 = arith.constant 64 : index
    %swap3A_448 = tpu.vector_load %arg11[%swap3A_446, %swap3A_447] {strides = array<i32>} : memref<8x128xf32, #tpu.memory_space<vmem>>, vector<1x16xf32>,
    %swap3A_449 = vector.shape_cast %swap3A_448 : vector<1x16xf32> to vector<16xf32>
    %swap3A_450 = vector.shape_cast %broadcast_in_dim3A_444 : vector<16xf32> to vector<1x16xf32>
    tpu.vector_store %arg11[%swap3A_446, %swap3A_447], %swap3A_450 {strides = array<i32>} : memref<8x128xf32, #tpu.memory_space<vmem>>, vector<1x16xf32>,
    %broadcast_in_dim3A_451 = arith.constant 0.000000e+00 : f32
    %broadcast_in_dim3A_452 = vector.broadcast %broadcast_in_dim3A_451 : f32 to vector<16xf32>
    %swap3A_453 = arith.constant 6 : i32
    %swap3A_454 = arith.index_cast %swap3A_453 : i32 to index
    %swap3A_455 = arith.constant 80 : index
    %swap3A_456 = tpu.vector_load %arg11[%swap3A_454, %swap3A_455] {strides = array<i32>} : memref<8x128xf32, #tpu.memory_space<vmem>>, vector<1x16xf32>,
    %swap3A_457 = vector.shape_cast %swap3A_456 : vector<1x16xf32> to vector<16xf32>
    %swap3A_458 = vector.shape_cast %broadcast_in_dim3A_452 : vector<16xf32> to vector<1x16xf32>
    tpu.vector_store %arg11[%swap3A_454, %swap3A_455], %swap3A_458 {strides = array<i32>} : memref<8x128xf32, #tpu.memory_space<vmem>>, vector<1x16xf32>,
    %broadcast_in_dim3A_459 = arith.constant 0.000000e+00 : f32
    %broadcast_in_dim3A_460 = vector.broadcast %broadcast_in_dim3A_459 : f32 to vector<16xf32>
    %swap3A_461 = arith.constant 6 : i32
    %swap3A_462 = arith.index_cast %swap3A_461 : i32 to index
    %swap3A_463 = arith.constant 96 : index
    %swap3A_464 = tpu.vector_load %arg11[%swap3A_462, %swap3A_463] {strides = array<i32>} : memref<8x128xf32, #tpu.memory_space<vmem>>, vector<1x16xf32>,
    %swap3A_465 = vector.shape_cast %swap3A_464 : vector<1x16xf32> to vector<16xf32>
    %swap3A_466 = vector.shape_cast %broadcast_in_dim3A_460 : vector<16xf32> to vector<1x16xf32>
    tpu.vector_store %arg11[%swap3A_462, %swap3A_463], %swap3A_466 {strides = array<i32>} : memref<8x128xf32, #tpu.memory_space<vmem>>, vector<1x16xf32>,
    %broadcast_in_dim3A_467 = arith.constant 0.000000e+00 : f32
    %broadcast_in_dim3A_468 = vector.broadcast %broadcast_in_dim3A_467 : f32 to vector<16xf32>
    %swap3A_469 = arith.constant 6 : i32
    %swap3A_470 = arith.index_cast %swap3A_469 : i32 to index
    %swap3A_471 = arith.constant 112 : index
    %swap3A_472 = tpu.vector_load %arg11[%swap3A_470, %swap3A_471] {strides = array<i32>} : memref<8x128xf32, #tpu.memory_space<vmem>>, vector<1x16xf32>,
    %swap3A_473 = vector.shape_cast %swap3A_472 : vector<1x16xf32> to vector<16xf32>
    %swap3A_474 = vector.shape_cast %broadcast_in_dim3A_468 : vector<16xf32> to vector<1x16xf32>
    tpu.vector_store %arg11[%swap3A_470, %swap3A_471], %swap3A_474 {strides = array<i32>} : memref<8x128xf32, #tpu.memory_space<vmem>>, vector<1x16xf32>,
    %broadcast_in_dim3A_475 = arith.constant 0.000000e+00 : f32
    %broadcast_in_dim3A_476 = vector.broadcast %broadcast_in_dim3A_475 : f32 to vector<16xf32>
    %swap3A_477 = arith.constant 7 : i32
    %swap3A_478 = arith.index_cast %swap3A_477 : i32 to index
    %swap3A_479 = arith.constant 0 : index
    %swap3A_480 = tpu.vector_load %arg11[%swap3A_478, %swap3A_479] {strides = array<i32>} : memref<8x128xf32, #tpu.memory_space<vmem>>, vector<1x16xf32>,
    %swap3A_481 = vector.shape_cast %swap3A_480 : vector<1x16xf32> to vector<16xf32>
    %swap3A_482 = vector.shape_cast %broadcast_in_dim3A_476 : vector<16xf32> to vector<1x16xf32>
    tpu.vector_store %arg11[%swap3A_478, %swap3A_479], %swap3A_482 {strides = array<i32>} : memref<8x128xf32, #tpu.memory_space<vmem>>, vector<1x16xf32>,
    %broadcast_in_dim3A_483 = arith.constant 0.000000e+00 : f32
    %broadcast_in_dim3A_484 = vector.broadcast %broadcast_in_dim3A_483 : f32 to vector<16xf32>
    %swap3A_485 = arith.constant 7 : i32
    %swap3A_486 = arith.index_cast %swap3A_485 : i32 to index
    %swap3A_487 = arith.constant 16 : index
    %swap3A_488 = tpu.vector_load %arg11[%swap3A_486, %swap3A_487] {strides = array<i32>} : memref<8x128xf32, #tpu.memory_space<vmem>>, vector<1x16xf32>,
    %swap3A_489 = vector.shape_cast %swap3A_488 : vector<1x16xf32> to vector<16xf32>
    %swap3A_490 = vector.shape_cast %broadcast_in_dim3A_484 : vector<16xf32> to vector<1x16xf32>
    tpu.vector_store %arg11[%swap3A_486, %swap3A_487], %swap3A_490 {strides = array<i32>} : memref<8x128xf32, #tpu.memory_space<vmem>>, vector<1x16xf32>,
    %broadcast_in_dim3A_491 = arith.constant 0.000000e+00 : f32
    %broadcast_in_dim3A_492 = vector.broadcast %broadcast_in_dim3A_491 : f32 to vector<16xf32>
    %swap3A_493 = arith.constant 7 : i32
    %swap3A_494 = arith.index_cast %swap3A_493 : i32 to index
    %swap3A_495 = arith.constant 32 : index
    %swap3A_496 = tpu.vector_load %arg11[%swap3A_494, %swap3A_495] {strides = array<i32>} : memref<8x128xf32, #tpu.memory_space<vmem>>, vector<1x16xf32>,
    %swap3A_497 = vector.shape_cast %swap3A_496 : vector<1x16xf32> to vector<16xf32>
    %swap3A_498 = vector.shape_cast %broadcast_in_dim3A_492 : vector<16xf32> to vector<1x16xf32>
    tpu.vector_store %arg11[%swap3A_494, %swap3A_495], %swap3A_498 {strides = array<i32>} : memref<8x128xf32, #tpu.memory_space<vmem>>, vector<1x16xf32>,
    %broadcast_in_dim3A_499 = arith.constant 0.000000e+00 : f32
    %broadcast_in_dim3A_500 = vector.broadcast %broadcast_in_dim3A_499 : f32 to vector<16xf32>
    %swap3A_501 = arith.constant 7 : i32
    %swap3A_502 = arith.index_cast %swap3A_501 : i32 to index
    %swap3A_503 = arith.constant 48 : index
    %swap3A_504 = tpu.vector_load %arg11[%swap3A_502, %swap3A_503] {strides = array<i32>} : memref<8x128xf32, #tpu.memory_space<vmem>>, vector<1x16xf32>,
    %swap3A_505 = vector.shape_cast %swap3A_504 : vector<1x16xf32> to vector<16xf32>
    %swap3A_506 = vector.shape_cast %broadcast_in_dim3A_500 : vector<16xf32> to vector<1x16xf32>
    tpu.vector_store %arg11[%swap3A_502, %swap3A_503], %swap3A_506 {strides = array<i32>} : memref<8x128xf32, #tpu.memory_space<vmem>>, vector<1x16xf32>,
    %broadcast_in_dim3A_507 = arith.constant 0.000000e+00 : f32
    %broadcast_in_dim3A_508 = vector.broadcast %broadcast_in_dim3A_507 : f32 to vector<16xf32>
    %swap3A_509 = arith.constant 7 : i32
    %swap3A_510 = arith.index_cast %swap3A_509 : i32 to index
    %swap3A_511 = arith.constant 64 : index
    %swap3A_512 = tpu.vector_load %arg11[%swap3A_510, %swap3A_511] {strides = array<i32>} : memref<8x128xf32, #tpu.memory_space<vmem>>, vector<1x16xf32>,
    %swap3A_513 = vector.shape_cast %swap3A_512 : vector<1x16xf32> to vector<16xf32>
    %swap3A_514 = vector.shape_cast %broadcast_in_dim3A_508 : vector<16xf32> to vector<1x16xf32>
    tpu.vector_store %arg11[%swap3A_510, %swap3A_511], %swap3A_514 {strides = array<i32>} : memref<8x128xf32, #tpu.memory_space<vmem>>, vector<1x16xf32>,
    %broadcast_in_dim3A_515 = arith.constant 0.000000e+00 : f32
    %broadcast_in_dim3A_516 = vector.broadcast %broadcast_in_dim3A_515 : f32 to vector<16xf32>
    %swap3A_517 = arith.constant 7 : i32
    %swap3A_518 = arith.index_cast %swap3A_517 : i32 to index
    %swap3A_519 = arith.constant 80 : index
    %swap3A_520 = tpu.vector_load %arg11[%swap3A_518, %swap3A_519] {strides = array<i32>} : memref<8x128xf32, #tpu.memory_space<vmem>>, vector<1x16xf32>,
    %swap3A_521 = vector.shape_cast %swap3A_520 : vector<1x16xf32> to vector<16xf32>
    %swap3A_522 = vector.shape_cast %broadcast_in_dim3A_516 : vector<16xf32> to vector<1x16xf32>
    tpu.vector_store %arg11[%swap3A_518, %swap3A_519], %swap3A_522 {strides = array<i32>} : memref<8x128xf32, #tpu.memory_space<vmem>>, vector<1x16xf32>,
    %broadcast_in_dim3A_523 = arith.constant 0.000000e+00 : f32
    %broadcast_in_dim3A_524 = vector.broadcast %broadcast_in_dim3A_523 : f32 to vector<16xf32>
    %swap3A_525 = arith.constant 7 : i32
    %swap3A_526 = arith.index_cast %swap3A_525 : i32 to index
    %swap3A_527 = arith.constant 96 : index
    %swap3A_528 = tpu.vector_load %arg11[%swap3A_526, %swap3A_527] {strides = array<i32>} : memref<8x128xf32, #tpu.memory_space<vmem>>, vector<1x16xf32>,
    %swap3A_529 = vector.shape_cast %swap3A_528 : vector<1x16xf32> to vector<16xf32>
    %swap3A_530 = vector.shape_cast %broadcast_in_dim3A_524 : vector<16xf32> to vector<1x16xf32>
    tpu.vector_store %arg11[%swap3A_526, %swap3A_527], %swap3A_530 {strides = array<i32>} : memref<8x128xf32, #tpu.memory_space<vmem>>, vector<1x16xf32>,
    %broadcast_in_dim3A_531 = arith.constant 0.000000e+00 : f32
    %broadcast_in_dim3A_532 = vector.broadcast %broadcast_in_dim3A_531 : f32 to vector<16xf32>
    %swap3A_533 = arith.constant 7 : i32
    %swap3A_534 = arith.index_cast %swap3A_533 : i32 to index
    %swap3A_535 = arith.constant 112 : index
    %swap3A_536 = tpu.vector_load %arg11[%swap3A_534, %swap3A_535] {strides = array<i32>} : memref<8x128xf32, #tpu.memory_space<vmem>>, vector<1x16xf32>,
    %swap3A_537 = vector.shape_cast %swap3A_536 : vector<1x16xf32> to vector<16xf32>
    %swap3A_538 = vector.shape_cast %broadcast_in_dim3A_532 : vector<16xf32> to vector<1x16xf32>
    tpu.vector_store %arg11[%swap3A_534, %swap3A_535], %swap3A_538 {strides = array<i32>} : memref<8x128xf32, #tpu.memory_space<vmem>>, vector<1x16xf32>,
    %dma_start3A = arith.constant 0 : i32
    %dma_start3A_539 = arith.constant 0 : i32
    %dma_start3A_540 = arith.constant 0 : i32
    %dma_start3A_541 = arith.constant 0 : i32
    %dma_start3A_542 = tpu.memref_slice %arg12[%dma_start3A_539, %dma_start3A_540, %dma_start3A_541] : memref<4x128x128xf32, #tpu.memory_space<vmem>> -> memref<1x128x128xf32, #tpu.memory_space<vmem>>
    %dma_start3A_543 = tpu.memref_squeeze %dma_start3A_542 : memref<1x128x128xf32, #tpu.memory_space<vmem>> -> memref<128x128xf32, #tpu.memory_space<vmem>>
    %dma_start3A_544 = arith.constant 0 : i32
    %dma_start3A_545 = tpu.memref_slice %arg6[%dma_start3A, %dma_start3A_544] : memref<40x128xi32, #tpu.memory_space<vmem>> -> memref<1x128xi32, #tpu.memory_space<vmem>>
    %dma_start3A_546 = tpu.memref_squeeze %dma_start3A_545 : memref<1x128xi32, #tpu.memory_space<vmem>> -> memref<128xi32, #tpu.memory_space<vmem>>
    %dma_start3A_547 = arith.constant 0 : i32
    %dma_start3A_548 = arith.constant 0 : i32
    %dma_start3A_549 = tpu.memref_slice %arg2[%dma_start3A_547, %dma_start3A_548] : memref<10240x128xf32, #tpu.memory_space<hbm>> -> memref<10240x128xf32, #tpu.memory_space<hbm>>
    tpu.enqueue_indirect_dma source(%dma_start3A_549 : memref<10240x128xf32, #tpu.memory_space<hbm>>) target(%dma_start3A_543 : memref<128x128xf32, #tpu.memory_space<vmem>>) offsets(%dma_start3A_546 : memref<128xi32, #tpu.memory_space<vmem>>) semaphore(%arg14 : memref<!tpu.dma_semaphore, #tpu.memory_space<semaphore_mem>>)
    %dma_start3A_550 = arith.constant 1 : i32
    %dma_start3A_551 = arith.constant 1 : i32
    %dma_start3A_552 = arith.constant 0 : i32
    %dma_start3A_553 = arith.constant 0 : i32
    %dma_start3A_554 = tpu.memref_slice %arg12[%dma_start3A_551, %dma_start3A_552, %dma_start3A_553] : memref<4x128x128xf32, #tpu.memory_space<vmem>> -> memref<1x128x128xf32, #tpu.memory_space<vmem>>
    %dma_start3A_555 = tpu.memref_squeeze %dma_start3A_554 : memref<1x128x128xf32, #tpu.memory_space<vmem>> -> memref<128x128xf32, #tpu.memory_space<vmem>>
    %dma_start3A_556 = arith.constant 0 : i32
    %dma_start3A_557 = tpu.memref_slice %arg6[%dma_start3A_550, %dma_start3A_556] : memref<40x128xi32, #tpu.memory_space<vmem>> -> memref<1x128xi32, #tpu.memory_space<vmem>>
    %dma_start3A_558 = tpu.memref_squeeze %dma_start3A_557 : memref<1x128xi32, #tpu.memory_space<vmem>> -> memref<128xi32, #tpu.memory_space<vmem>>
    %dma_start3A_559 = arith.constant 0 : i32
    %dma_start3A_560 = arith.constant 0 : i32
    %dma_start3A_561 = tpu.memref_slice %arg2[%dma_start3A_559, %dma_start3A_560] : memref<10240x128xf32, #tpu.memory_space<hbm>> -> memref<10240x128xf32, #tpu.memory_space<hbm>>
    tpu.enqueue_indirect_dma source(%dma_start3A_561 : memref<10240x128xf32, #tpu.memory_space<hbm>>) target(%dma_start3A_555 : memref<128x128xf32, #tpu.memory_space<vmem>>) offsets(%dma_start3A_558 : memref<128xi32, #tpu.memory_space<vmem>>) semaphore(%arg15 : memref<!tpu.dma_semaphore, #tpu.memory_space<semaphore_mem>>)
    %dma_start3A_562 = arith.constant 2 : i32
    %dma_start3A_563 = arith.constant 2 : i32
    %dma_start3A_564 = arith.constant 0 : i32
    %dma_start3A_565 = arith.constant 0 : i32
    %dma_start3A_566 = tpu.memref_slice %arg12[%dma_start3A_563, %dma_start3A_564, %dma_start3A_565] : memref<4x128x128xf32, #tpu.memory_space<vmem>> -> memref<1x128x128xf32, #tpu.memory_space<vmem>>
    %dma_start3A_567 = tpu.memref_squeeze %dma_start3A_566 : memref<1x128x128xf32, #tpu.memory_space<vmem>> -> memref<128x128xf32, #tpu.memory_space<vmem>>
    %dma_start3A_568 = arith.constant 0 : i32
    %dma_start3A_569 = tpu.memref_slice %arg6[%dma_start3A_562, %dma_start3A_568] : memref<40x128xi32, #tpu.memory_space<vmem>> -> memref<1x128xi32, #tpu.memory_space<vmem>>
    %dma_start3A_570 = tpu.memref_squeeze %dma_start3A_569 : memref<1x128xi32, #tpu.memory_space<vmem>> -> memref<128xi32, #tpu.memory_space<vmem>>
    %dma_start3A_571 = arith.constant 0 : i32
    %dma_start3A_572 = arith.constant 0 : i32
    %dma_start3A_573 = tpu.memref_slice %arg2[%dma_start3A_571, %dma_start3A_572] : memref<10240x128xf32, #tpu.memory_space<hbm>> -> memref<10240x128xf32, #tpu.memory_space<hbm>>
    tpu.enqueue_indirect_dma source(%dma_start3A_573 : memref<10240x128xf32, #tpu.memory_space<hbm>>) target(%dma_start3A_567 : memref<128x128xf32, #tpu.memory_space<vmem>>) offsets(%dma_start3A_570 : memref<128xi32, #tpu.memory_space<vmem>>) semaphore(%arg16 : memref<!tpu.dma_semaphore, #tpu.memory_space<semaphore_mem>>)
    %dma_start3A_574 = arith.constant 3 : i32
    %dma_start3A_575 = arith.constant 3 : i32
    %dma_start3A_576 = arith.constant 0 : i32
    %dma_start3A_577 = arith.constant 0 : i32
    %dma_start3A_578 = tpu.memref_slice %arg12[%dma_start3A_575, %dma_start3A_576, %dma_start3A_577] : memref<4x128x128xf32, #tpu.memory_space<vmem>> -> memref<1x128x128xf32, #tpu.memory_space<vmem>>
    %dma_start3A_579 = tpu.memref_squeeze %dma_start3A_578 : memref<1x128x128xf32, #tpu.memory_space<vmem>> -> memref<128x128xf32, #tpu.memory_space<vmem>>
    %dma_start3A_580 = arith.constant 0 : i32
    %dma_start3A_581 = tpu.memref_slice %arg6[%dma_start3A_574, %dma_start3A_580] : memref<40x128xi32, #tpu.memory_space<vmem>> -> memref<1x128xi32, #tpu.memory_space<vmem>>
    %dma_start3A_582 = tpu.memref_squeeze %dma_start3A_581 : memref<1x128xi32, #tpu.memory_space<vmem>> -> memref<128xi32, #tpu.memory_space<vmem>>
    %dma_start3A_583 = arith.constant 0 : i32
    %dma_start3A_584 = arith.constant 0 : i32
    %dma_start3A_585 = tpu.memref_slice %arg2[%dma_start3A_583, %dma_start3A_584] : memref<10240x128xf32, #tpu.memory_space<hbm>> -> memref<10240x128xf32, #tpu.memory_space<hbm>>
    tpu.enqueue_indirect_dma source(%dma_start3A_585 : memref<10240x128xf32, #tpu.memory_space<hbm>>) target(%dma_start3A_579 : memref<128x128xf32, #tpu.memory_space<vmem>>) offsets(%dma_start3A_582 : memref<128xi32, #tpu.memory_space<vmem>>) semaphore(%arg17 : memref<!tpu.dma_semaphore, #tpu.memory_space<semaphore_mem>>)
    %scan3A = arith.constant 0 : i32
    %scan3A_586 = arith.constant 0 : i32
    %scan3A_587 = arith.constant 10 : i32
    %scan3A_588 = arith.addi %scan3A_586, %scan3A_587 : i32
    %scan3A_589 = arith.constant 1 : i32
    scf.for %scan3A_630 = %scan3A_586 to %scan3A_588 step %scan3A_589  : i32 {
      %mul3A_631 = arith.constant 4 : i32
      %mul3A_632 = arith.muli %scan3A_630, %mul3A_631 : i32
      %add3A_633 = arith.constant 0 : i32
      %add3A_634 = arith.addi %mul3A_632, %add3A_633 : i32
      %mul3A_635 = arith.constant 8 : i32
      %mul3A_636 = arith.muli %add3A_634, %mul3A_635 : i32
      %add3A_637 = arith.addi %mul3A_2, %mul3A_636 : i32
      %dma_wait3A_638 = arith.constant 0 : i32
      %dma_wait3A_639 = arith.constant 0 : i32
      %dma_wait3A_640 = arith.constant 0 : i32
      %dma_wait3A_641 = tpu.memref_slice %arg12[%dma_wait3A_638, %dma_wait3A_639, %dma_wait3A_640] : memref<4x128x128xf32, #tpu.memory_space<vmem>> -> memref<1x128x128xf32, #tpu.memory_space<vmem>>
      %dma_wait3A_642 = tpu.memref_squeeze %dma_wait3A_641 : memref<1x128x128xf32, #tpu.memory_space<vmem>> -> memref<128x128xf32, #tpu.memory_space<vmem>>
      %dma_wait3A_643 = arith.constant 0 : i32
      %dma_wait3A_644 = tpu.memref_slice %arg6[%add3A_634, %dma_wait3A_643] : memref<40x128xi32, #tpu.memory_space<vmem>> -> memref<1x128xi32, #tpu.memory_space<vmem>>
      %dma_wait3A_645 = tpu.memref_squeeze %dma_wait3A_644 : memref<1x128xi32, #tpu.memory_space<vmem>> -> memref<128xi32, #tpu.memory_space<vmem>>
      %dma_wait3A_646 = arith.constant 0 : i32
      %dma_wait3A_647 = arith.constant 0 : i32
      %dma_wait3A_648 = tpu.memref_slice %arg2[%dma_wait3A_646, %dma_wait3A_647] : memref<10240x128xf32, #tpu.memory_space<hbm>> -> memref<10240x128xf32, #tpu.memory_space<hbm>>
      tpu.wait_indirect_dma semaphore(%arg14 : memref<!tpu.dma_semaphore, #tpu.memory_space<semaphore_mem>>) src(%dma_wait3A_648 : memref<10240x128xf32, #tpu.memory_space<hbm>>) dst(%dma_wait3A_642 : memref<128x128xf32, #tpu.memory_space<vmem>>)
      %gt3A = arith.constant 0 : i32
      %gt3A_649 = arith.cmpi sgt, %scan3A_630, %gt3A : i32
      %convert_element_type3A = arith.extui %gt3A_649 : i1 to i32
      %cond3A = arith.constant 0 : i32
      %cond3A_650 = arith.cmpi ne, %convert_element_type3A, %cond3A : i32
      scf.if %cond3A_650 {
        %mul3A_826 = arith.constant 32 : i32
        %mul3A_827 = arith.muli %arg1, %mul3A_826 : i32
        %add3A_828 = arith.constant 0 : i32
        %add3A_829 = arith.addi %mul3A_827, %add3A_828 : i32
        %dma_wait3A_830 = arith.constant 0 : i32
        %dma_wait3A_831 = tpu.memref_slice %arg5[%add3A_637, %dma_wait3A_830] : memref<10240x128xf32, #tpu.memory_space<hbm>> -> memref<8x128xf32, #tpu.memory_space<hbm>>
        %dma_wait3A_832 = arith.constant 0 : i32
        %dma_wait3A_833 = tpu.memref_slice %arg13[%add3A_829, %dma_wait3A_832] : memref<512x128xf32, #tpu.memory_space<vmem_shared>> -> memref<8x128xf32, #tpu.memory_space<vmem_shared>>
        tpu.wait_dma2 semaphore(%arg18 : memref<!tpu.dma_semaphore, #tpu.memory_space<semaphore_mem>>) src(%dma_wait3A_833 : memref<8x128xf32, #tpu.memory_space<vmem_shared>>) dst(%dma_wait3A_831 : memref<8x128xf32, #tpu.memory_space<hbm>>)
      } else {
      }
      %mul3A_651 = arith.constant 32 : i32
      %mul3A_652 = arith.muli %arg1, %mul3A_651 : i32
      %add3A_653 = arith.constant 0 : i32
      %add3A_654 = arith.addi %mul3A_652, %add3A_653 : i32
      "tpu.region"() ({
        %run_scoped3A_826 = tpu.sem_alloc : memref<!tpu.dma_semaphore, #tpu.memory_space<semaphore_mem>>
        %dma_start3A_827 = arith.constant 0 : i32
        %dma_start3A_828 = tpu.memref_slice %arg13[%add3A_654, %dma_start3A_827] : memref<512x128xf32, #tpu.memory_space<vmem_shared>> -> memref<8x128xf32, #tpu.memory_space<vmem_shared>>
        %dma_start3A_829 = arith.constant 0 : i32
        %dma_start3A_830 = tpu.memref_slice %arg13[%add3A_654, %dma_start3A_829] : memref<512x128xf32, #tpu.memory_space<vmem_shared>> -> memref<8x128xf32, #tpu.memory_space<vmem_shared>>
        tpu.enqueue_dma source(%arg11 : memref<8x128xf32, #tpu.memory_space<vmem>>) target(%dma_start3A_830 : memref<8x128xf32, #tpu.memory_space<vmem_shared>>) target_semaphore(%run_scoped3A_826 : memref<!tpu.dma_semaphore, #tpu.memory_space<semaphore_mem>>)
        %dma_wait3A_831 = arith.constant 0 : i32
        %dma_wait3A_832 = tpu.memref_slice %arg13[%add3A_654, %dma_wait3A_831] : memref<512x128xf32, #tpu.memory_space<vmem_shared>> -> memref<8x128xf32, #tpu.memory_space<vmem_shared>>
        %dma_wait3A_833 = arith.constant 0 : i32
        %dma_wait3A_834 = tpu.memref_slice %arg13[%add3A_654, %dma_wait3A_833] : memref<512x128xf32, #tpu.memory_space<vmem_shared>> -> memref<8x128xf32, #tpu.memory_space<vmem_shared>>
        tpu.wait_dma2 semaphore(%run_scoped3A_826 : memref<!tpu.dma_semaphore, #tpu.memory_space<semaphore_mem>>) src(%arg11 : memref<8x128xf32, #tpu.memory_space<vmem>>) dst(%dma_wait3A_834 : memref<8x128xf32, #tpu.memory_space<vmem_shared>>)
        tpu.yield
      }) : () -> ()
      %run_scoped3A = arith.constant 0 : i32
      "tpu.region"() ({
        %run_scoped3A_826 = tpu.sem_alloc : memref<!tpu.dma_semaphore, #tpu.memory_space<semaphore_mem>>
        %dma_start3A_827 = arith.constant 0 : i32
        %dma_start3A_828 = arith.constant 0 : i32
        %dma_start3A_829 = tpu.memref_slice %arg12[%run_scoped3A, %dma_start3A_827, %dma_start3A_828] : memref<4x128x128xf32, #tpu.memory_space<vmem>> -> memref<1x128x128xf32, #tpu.memory_space<vmem>>
        %dma_start3A_830 = tpu.memref_squeeze %dma_start3A_829 : memref<1x128x128xf32, #tpu.memory_space<vmem>> -> memref<128x128xf32, #tpu.memory_space<vmem>>
        %dma_start3A_831 = arith.constant 0 : i32
        %dma_start3A_832 = arith.constant 0 : i32
        %dma_start3A_833 = tpu.memref_slice %arg13[%dma_start3A_831, %dma_start3A_832] : memref<512x128xf32, #tpu.memory_space<vmem_shared>> -> memref<512x128xf32, #tpu.memory_space<vmem_shared>>
        tpu.enqueue_indirect_dma source(%dma_start3A_830 : memref<128x128xf32, #tpu.memory_space<vmem>>) target(%dma_start3A_833 : memref<512x128xf32, #tpu.memory_space<vmem_shared>>) offsets(%arg7 : memref<128xi32, #tpu.memory_space<vmem>>) semaphore(%run_scoped3A_826 : memref<!tpu.dma_semaphore, #tpu.memory_space<semaphore_mem>>) {add = true}
        %dma_wait3A_834 = arith.constant 0 : i32
        %dma_wait3A_835 = arith.constant 0 : i32
        %dma_wait3A_836 = tpu.memref_slice %arg12[%run_scoped3A, %dma_wait3A_834, %dma_wait3A_835] : memref<4x128x128xf32, #tpu.memory_space<vmem>> -> memref<1x128x128xf32, #tpu.memory_space<vmem>>
        %dma_wait3A_837 = tpu.memref_squeeze %dma_wait3A_836 : memref<1x128x128xf32, #tpu.memory_space<vmem>> -> memref<128x128xf32, #tpu.memory_space<vmem>>
        %dma_wait3A_838 = arith.constant 0 : i32
        %dma_wait3A_839 = arith.constant 0 : i32
        %dma_wait3A_840 = tpu.memref_slice %arg13[%dma_wait3A_838, %dma_wait3A_839] : memref<512x128xf32, #tpu.memory_space<vmem_shared>> -> memref<512x128xf32, #tpu.memory_space<vmem_shared>>
        tpu.wait_indirect_dma semaphore(%run_scoped3A_826 : memref<!tpu.dma_semaphore, #tpu.memory_space<semaphore_mem>>) src(%dma_wait3A_837 : memref<128x128xf32, #tpu.memory_space<vmem>>) dst(%dma_wait3A_840 : memref<512x128xf32, #tpu.memory_space<vmem_shared>>)
        tpu.yield
      }) : () -> ()
      %add3A_655 = arith.constant 4 : i32
      %add3A_656 = arith.addi %add3A_634, %add3A_655 : i32
      %lt3A = arith.constant 40 : i32
      %lt3A_657 = arith.cmpi slt, %add3A_656, %lt3A : i32
      %convert_element_type3A_658 = arith.extui %lt3A_657 : i1 to i32
      %cond3A_659 = arith.constant 0 : i32
      %cond3A_660 = arith.cmpi ne, %convert_element_type3A_658, %cond3A_659 : i32
      scf.if %cond3A_660 {
        %dma_start3A_826 = arith.constant 0 : i32
        %dma_start3A_827 = arith.constant 0 : i32
        %dma_start3A_828 = arith.constant 0 : i32
        %dma_start3A_829 = tpu.memref_slice %arg12[%dma_start3A_826, %dma_start3A_827, %dma_start3A_828] : memref<4x128x128xf32, #tpu.memory_space<vmem>> -> memref<1x128x128xf32, #tpu.memory_space<vmem>>
        %dma_start3A_830 = tpu.memref_squeeze %dma_start3A_829 : memref<1x128x128xf32, #tpu.memory_space<vmem>> -> memref<128x128xf32, #tpu.memory_space<vmem>>
        %dma_start3A_831 = arith.constant 0 : i32
        %dma_start3A_832 = tpu.memref_slice %arg6[%add3A_656, %dma_start3A_831] : memref<40x128xi32, #tpu.memory_space<vmem>> -> memref<1x128xi32, #tpu.memory_space<vmem>>
        %dma_start3A_833 = tpu.memref_squeeze %dma_start3A_832 : memref<1x128xi32, #tpu.memory_space<vmem>> -> memref<128xi32, #tpu.memory_space<vmem>>
        %dma_start3A_834 = arith.constant 0 : i32
        %dma_start3A_835 = arith.constant 0 : i32
        %dma_start3A_836 = tpu.memref_slice %arg2[%dma_start3A_834, %dma_start3A_835] : memref<10240x128xf32, #tpu.memory_space<hbm>> -> memref<10240x128xf32, #tpu.memory_space<hbm>>
        tpu.enqueue_indirect_dma source(%dma_start3A_836 : memref<10240x128xf32, #tpu.memory_space<hbm>>) target(%dma_start3A_830 : memref<128x128xf32, #tpu.memory_space<vmem>>) offsets(%dma_start3A_833 : memref<128xi32, #tpu.memory_space<vmem>>) semaphore(%arg14 : memref<!tpu.dma_semaphore, #tpu.memory_space<semaphore_mem>>)
      } else {
      }
      %mul3A_661 = arith.constant 4 : i32
      %mul3A_662 = arith.muli %scan3A_630, %mul3A_661 : i32
      %add3A_663 = arith.constant 1 : i32
      %add3A_664 = arith.addi %mul3A_662, %add3A_663 : i32
      %mul3A_665 = arith.constant 8 : i32
      %mul3A_666 = arith.muli %add3A_664, %mul3A_665 : i32
      %add3A_667 = arith.addi %mul3A_2, %mul3A_666 : i32
      %dma_wait3A_668 = arith.constant 1 : i32
      %dma_wait3A_669 = arith.constant 0 : i32
      %dma_wait3A_670 = arith.constant 0 : i32
      %dma_wait3A_671 = tpu.memref_slice %arg12[%dma_wait3A_668, %dma_wait3A_669, %dma_wait3A_670] : memref<4x128x128xf32, #tpu.memory_space<vmem>> -> memref<1x128x128xf32, #tpu.memory_space<vmem>>
      %dma_wait3A_672 = tpu.memref_squeeze %dma_wait3A_671 : memref<1x128x128xf32, #tpu.memory_space<vmem>> -> memref<128x128xf32, #tpu.memory_space<vmem>>
      %dma_wait3A_673 = arith.constant 0 : i32
      %dma_wait3A_674 = tpu.memref_slice %arg6[%add3A_664, %dma_wait3A_673] : memref<40x128xi32, #tpu.memory_space<vmem>> -> memref<1x128xi32, #tpu.memory_space<vmem>>
      %dma_wait3A_675 = tpu.memref_squeeze %dma_wait3A_674 : memref<1x128xi32, #tpu.memory_space<vmem>> -> memref<128xi32, #tpu.memory_space<vmem>>
      %dma_wait3A_676 = arith.constant 0 : i32
      %dma_wait3A_677 = arith.constant 0 : i32
      %dma_wait3A_678 = tpu.memref_slice %arg2[%dma_wait3A_676, %dma_wait3A_677] : memref<10240x128xf32, #tpu.memory_space<hbm>> -> memref<10240x128xf32, #tpu.memory_space<hbm>>
      tpu.wait_indirect_dma semaphore(%arg15 : memref<!tpu.dma_semaphore, #tpu.memory_space<semaphore_mem>>) src(%dma_wait3A_678 : memref<10240x128xf32, #tpu.memory_space<hbm>>) dst(%dma_wait3A_672 : memref<128x128xf32, #tpu.memory_space<vmem>>)
      %gt3A_679 = arith.constant 0 : i32
      %gt3A_680 = arith.cmpi sgt, %scan3A_630, %gt3A_679 : i32
      %convert_element_type3A_681 = arith.extui %gt3A_680 : i1 to i32
      %cond3A_682 = arith.constant 0 : i32
      %cond3A_683 = arith.cmpi ne, %convert_element_type3A_681, %cond3A_682 : i32
      scf.if %cond3A_683 {
        %mul3A_826 = arith.constant 32 : i32
        %mul3A_827 = arith.muli %arg1, %mul3A_826 : i32
        %add3A_828 = arith.constant 8 : i32
        %add3A_829 = arith.addi %mul3A_827, %add3A_828 : i32
        %dma_wait3A_830 = arith.constant 0 : i32
        %dma_wait3A_831 = tpu.memref_slice %arg5[%add3A_667, %dma_wait3A_830] : memref<10240x128xf32, #tpu.memory_space<hbm>> -> memref<8x128xf32, #tpu.memory_space<hbm>>
        %dma_wait3A_832 = arith.constant 0 : i32
        %dma_wait3A_833 = tpu.memref_slice %arg13[%add3A_829, %dma_wait3A_832] : memref<512x128xf32, #tpu.memory_space<vmem_shared>> -> memref<8x128xf32, #tpu.memory_space<vmem_shared>>
        tpu.wait_dma2 semaphore(%arg19 : memref<!tpu.dma_semaphore, #tpu.memory_space<semaphore_mem>>) src(%dma_wait3A_833 : memref<8x128xf32, #tpu.memory_space<vmem_shared>>) dst(%dma_wait3A_831 : memref<8x128xf32, #tpu.memory_space<hbm>>)
      } else {
      }
      %mul3A_684 = arith.constant 32 : i32
      %mul3A_685 = arith.muli %arg1, %mul3A_684 : i32
      %add3A_686 = arith.constant 8 : i32
      %add3A_687 = arith.addi %mul3A_685, %add3A_686 : i32
      "tpu.region"() ({
        %run_scoped3A_826 = tpu.sem_alloc : memref<!tpu.dma_semaphore, #tpu.memory_space<semaphore_mem>>
        %dma_start3A_827 = arith.constant 0 : i32
        %dma_start3A_828 = tpu.memref_slice %arg13[%add3A_687, %dma_start3A_827] : memref<512x128xf32, #tpu.memory_space<vmem_shared>> -> memref<8x128xf32, #tpu.memory_space<vmem_shared>>
        %dma_start3A_829 = arith.constant 0 : i32
        %dma_start3A_830 = tpu.memref_slice %arg13[%add3A_687, %dma_start3A_829] : memref<512x128xf32, #tpu.memory_space<vmem_shared>> -> memref<8x128xf32, #tpu.memory_space<vmem_shared>>
        tpu.enqueue_dma source(%arg11 : memref<8x128xf32, #tpu.memory_space<vmem>>) target(%dma_start3A_830 : memref<8x128xf32, #tpu.memory_space<vmem_shared>>) target_semaphore(%run_scoped3A_826 : memref<!tpu.dma_semaphore, #tpu.memory_space<semaphore_mem>>)
        %dma_wait3A_831 = arith.constant 0 : i32
        %dma_wait3A_832 = tpu.memref_slice %arg13[%add3A_687, %dma_wait3A_831] : memref<512x128xf32, #tpu.memory_space<vmem_shared>> -> memref<8x128xf32, #tpu.memory_space<vmem_shared>>
        %dma_wait3A_833 = arith.constant 0 : i32
        %dma_wait3A_834 = tpu.memref_slice %arg13[%add3A_687, %dma_wait3A_833] : memref<512x128xf32, #tpu.memory_space<vmem_shared>> -> memref<8x128xf32, #tpu.memory_space<vmem_shared>>
        tpu.wait_dma2 semaphore(%run_scoped3A_826 : memref<!tpu.dma_semaphore, #tpu.memory_space<semaphore_mem>>) src(%arg11 : memref<8x128xf32, #tpu.memory_space<vmem>>) dst(%dma_wait3A_834 : memref<8x128xf32, #tpu.memory_space<vmem_shared>>)
        tpu.yield
      }) : () -> ()
      %run_scoped3A_688 = arith.constant 1 : i32
      "tpu.region"() ({
        %run_scoped3A_826 = tpu.sem_alloc : memref<!tpu.dma_semaphore, #tpu.memory_space<semaphore_mem>>
        %dma_start3A_827 = arith.constant 0 : i32
        %dma_start3A_828 = arith.constant 0 : i32
        %dma_start3A_829 = tpu.memref_slice %arg12[%run_scoped3A_688, %dma_start3A_827, %dma_start3A_828] : memref<4x128x128xf32, #tpu.memory_space<vmem>> -> memref<1x128x128xf32, #tpu.memory_space<vmem>>
        %dma_start3A_830 = tpu.memref_squeeze %dma_start3A_829 : memref<1x128x128xf32, #tpu.memory_space<vmem>> -> memref<128x128xf32, #tpu.memory_space<vmem>>
        %dma_start3A_831 = arith.constant 0 : i32
        %dma_start3A_832 = arith.constant 0 : i32
        %dma_start3A_833 = tpu.memref_slice %arg13[%dma_start3A_831, %dma_start3A_832] : memref<512x128xf32, #tpu.memory_space<vmem_shared>> -> memref<512x128xf32, #tpu.memory_space<vmem_shared>>
        tpu.enqueue_indirect_dma source(%dma_start3A_830 : memref<128x128xf32, #tpu.memory_space<vmem>>) target(%dma_start3A_833 : memref<512x128xf32, #tpu.memory_space<vmem_shared>>) offsets(%arg8 : memref<128xi32, #tpu.memory_space<vmem>>) semaphore(%run_scoped3A_826 : memref<!tpu.dma_semaphore, #tpu.memory_space<semaphore_mem>>) {add = true}
        %dma_wait3A_834 = arith.constant 0 : i32
        %dma_wait3A_835 = arith.constant 0 : i32
        %dma_wait3A_836 = tpu.memref_slice %arg12[%run_scoped3A_688, %dma_wait3A_834, %dma_wait3A_835] : memref<4x128x128xf32, #tpu.memory_space<vmem>> -> memref<1x128x128xf32, #tpu.memory_space<vmem>>
        %dma_wait3A_837 = tpu.memref_squeeze %dma_wait3A_836 : memref<1x128x128xf32, #tpu.memory_space<vmem>> -> memref<128x128xf32, #tpu.memory_space<vmem>>
        %dma_wait3A_838 = arith.constant 0 : i32
        %dma_wait3A_839 = arith.constant 0 : i32
        %dma_wait3A_840 = tpu.memref_slice %arg13[%dma_wait3A_838, %dma_wait3A_839] : memref<512x128xf32, #tpu.memory_space<vmem_shared>> -> memref<512x128xf32, #tpu.memory_space<vmem_shared>>
        tpu.wait_indirect_dma semaphore(%run_scoped3A_826 : memref<!tpu.dma_semaphore, #tpu.memory_space<semaphore_mem>>) src(%dma_wait3A_837 : memref<128x128xf32, #tpu.memory_space<vmem>>) dst(%dma_wait3A_840 : memref<512x128xf32, #tpu.memory_space<vmem_shared>>)
        tpu.yield
      }) : () -> ()
      %add3A_689 = arith.constant 4 : i32
      %add3A_690 = arith.addi %add3A_664, %add3A_689 : i32
      %lt3A_691 = arith.constant 40 : i32
      %lt3A_692 = arith.cmpi slt, %add3A_690, %lt3A_691 : i32
      %convert_element_type3A_693 = arith.extui %lt3A_692 : i1 to i32
      %cond3A_694 = arith.constant 0 : i32
      %cond3A_695 = arith.cmpi ne, %convert_element_type3A_693, %cond3A_694 : i32
      scf.if %cond3A_695 {
        %dma_start3A_826 = arith.constant 1 : i32
        %dma_start3A_827 = arith.constant 0 : i32
        %dma_start3A_828 = arith.constant 0 : i32
        %dma_start3A_829 = tpu.memref_slice %arg12[%dma_start3A_826, %dma_start3A_827, %dma_start3A_828] : memref<4x128x128xf32, #tpu.memory_space<vmem>> -> memref<1x128x128xf32, #tpu.memory_space<vmem>>
        %dma_start3A_830 = tpu.memref_squeeze %dma_start3A_829 : memref<1x128x128xf32, #tpu.memory_space<vmem>> -> memref<128x128xf32, #tpu.memory_space<vmem>>
        %dma_start3A_831 = arith.constant 0 : i32
        %dma_start3A_832 = tpu.memref_slice %arg6[%add3A_690, %dma_start3A_831] : memref<40x128xi32, #tpu.memory_space<vmem>> -> memref<1x128xi32, #tpu.memory_space<vmem>>
        %dma_start3A_833 = tpu.memref_squeeze %dma_start3A_832 : memref<1x128xi32, #tpu.memory_space<vmem>> -> memref<128xi32, #tpu.memory_space<vmem>>
        %dma_start3A_834 = arith.constant 0 : i32
        %dma_start3A_835 = arith.constant 0 : i32
        %dma_start3A_836 = tpu.memref_slice %arg2[%dma_start3A_834, %dma_start3A_835] : memref<10240x128xf32, #tpu.memory_space<hbm>> -> memref<10240x128xf32, #tpu.memory_space<hbm>>
        tpu.enqueue_indirect_dma source(%dma_start3A_836 : memref<10240x128xf32, #tpu.memory_space<hbm>>) target(%dma_start3A_830 : memref<128x128xf32, #tpu.memory_space<vmem>>) offsets(%dma_start3A_833 : memref<128xi32, #tpu.memory_space<vmem>>) semaphore(%arg15 : memref<!tpu.dma_semaphore, #tpu.memory_space<semaphore_mem>>)
      } else {
      }
      %mul3A_696 = arith.constant 4 : i32
      %mul3A_697 = arith.muli %scan3A_630, %mul3A_696 : i32
      %add3A_698 = arith.constant 2 : i32
      %add3A_699 = arith.addi %mul3A_697, %add3A_698 : i32
      %mul3A_700 = arith.constant 8 : i32
      %mul3A_701 = arith.muli %add3A_699, %mul3A_700 : i32
      %add3A_702 = arith.addi %mul3A_2, %mul3A_701 : i32
      %dma_wait3A_703 = arith.constant 2 : i32
      %dma_wait3A_704 = arith.constant 0 : i32
      %dma_wait3A_705 = arith.constant 0 : i32
      %dma_wait3A_706 = tpu.memref_slice %arg12[%dma_wait3A_703, %dma_wait3A_704, %dma_wait3A_705] : memref<4x128x128xf32, #tpu.memory_space<vmem>> -> memref<1x128x128xf32, #tpu.memory_space<vmem>>
      %dma_wait3A_707 = tpu.memref_squeeze %dma_wait3A_706 : memref<1x128x128xf32, #tpu.memory_space<vmem>> -> memref<128x128xf32, #tpu.memory_space<vmem>>
      %dma_wait3A_708 = arith.constant 0 : i32
      %dma_wait3A_709 = tpu.memref_slice %arg6[%add3A_699, %dma_wait3A_708] : memref<40x128xi32, #tpu.memory_space<vmem>> -> memref<1x128xi32, #tpu.memory_space<vmem>>
      %dma_wait3A_710 = tpu.memref_squeeze %dma_wait3A_709 : memref<1x128xi32, #tpu.memory_space<vmem>> -> memref<128xi32, #tpu.memory_space<vmem>>
      %dma_wait3A_711 = arith.constant 0 : i32
      %dma_wait3A_712 = arith.constant 0 : i32
      %dma_wait3A_713 = tpu.memref_slice %arg2[%dma_wait3A_711, %dma_wait3A_712] : memref<10240x128xf32, #tpu.memory_space<hbm>> -> memref<10240x128xf32, #tpu.memory_space<hbm>>
      tpu.wait_indirect_dma semaphore(%arg16 : memref<!tpu.dma_semaphore, #tpu.memory_space<semaphore_mem>>) src(%dma_wait3A_713 : memref<10240x128xf32, #tpu.memory_space<hbm>>) dst(%dma_wait3A_707 : memref<128x128xf32, #tpu.memory_space<vmem>>)
      %gt3A_714 = arith.constant 0 : i32
      %gt3A_715 = arith.cmpi sgt, %scan3A_630, %gt3A_714 : i32
      %convert_element_type3A_716 = arith.extui %gt3A_715 : i1 to i32
      %cond3A_717 = arith.constant 0 : i32
      %cond3A_718 = arith.cmpi ne, %convert_element_type3A_716, %cond3A_717 : i32
      scf.if %cond3A_718 {
        %mul3A_826 = arith.constant 32 : i32
        %mul3A_827 = arith.muli %arg1, %mul3A_826 : i32
        %add3A_828 = arith.constant 16 : i32
        %add3A_829 = arith.addi %mul3A_827, %add3A_828 : i32
        %dma_wait3A_830 = arith.constant 0 : i32
        %dma_wait3A_831 = tpu.memref_slice %arg5[%add3A_702, %dma_wait3A_830] : memref<10240x128xf32, #tpu.memory_space<hbm>> -> memref<8x128xf32, #tpu.memory_space<hbm>>
        %dma_wait3A_832 = arith.constant 0 : i32
        %dma_wait3A_833 = tpu.memref_slice %arg13[%add3A_829, %dma_wait3A_832] : memref<512x128xf32, #tpu.memory_space<vmem_shared>> -> memref<8x128xf32, #tpu.memory_space<vmem_shared>>
        tpu.wait_dma2 semaphore(%arg20 : memref<!tpu.dma_semaphore, #tpu.memory_space<semaphore_mem>>) src(%dma_wait3A_833 : memref<8x128xf32, #tpu.memory_space<vmem_shared>>) dst(%dma_wait3A_831 : memref<8x128xf32, #tpu.memory_space<hbm>>)
      } else {
      }
      %mul3A_719 = arith.constant 32 : i32
      %mul3A_720 = arith.muli %arg1, %mul3A_719 : i32
      %add3A_721 = arith.constant 16 : i32
      %add3A_722 = arith.addi %mul3A_720, %add3A_721 : i32
      "tpu.region"() ({
        %run_scoped3A_826 = tpu.sem_alloc : memref<!tpu.dma_semaphore, #tpu.memory_space<semaphore_mem>>
        %dma_start3A_827 = arith.constant 0 : i32
        %dma_start3A_828 = tpu.memref_slice %arg13[%add3A_722, %dma_start3A_827] : memref<512x128xf32, #tpu.memory_space<vmem_shared>> -> memref<8x128xf32, #tpu.memory_space<vmem_shared>>
        %dma_start3A_829 = arith.constant 0 : i32
        %dma_start3A_830 = tpu.memref_slice %arg13[%add3A_722, %dma_start3A_829] : memref<512x128xf32, #tpu.memory_space<vmem_shared>> -> memref<8x128xf32, #tpu.memory_space<vmem_shared>>
        tpu.enqueue_dma source(%arg11 : memref<8x128xf32, #tpu.memory_space<vmem>>) target(%dma_start3A_830 : memref<8x128xf32, #tpu.memory_space<vmem_shared>>) target_semaphore(%run_scoped3A_826 : memref<!tpu.dma_semaphore, #tpu.memory_space<semaphore_mem>>)
        %dma_wait3A_831 = arith.constant 0 : i32
        %dma_wait3A_832 = tpu.memref_slice %arg13[%add3A_722, %dma_wait3A_831] : memref<512x128xf32, #tpu.memory_space<vmem_shared>> -> memref<8x128xf32, #tpu.memory_space<vmem_shared>>
        %dma_wait3A_833 = arith.constant 0 : i32
        %dma_wait3A_834 = tpu.memref_slice %arg13[%add3A_722, %dma_wait3A_833] : memref<512x128xf32, #tpu.memory_space<vmem_shared>> -> memref<8x128xf32, #tpu.memory_space<vmem_shared>>
        tpu.wait_dma2 semaphore(%run_scoped3A_826 : memref<!tpu.dma_semaphore, #tpu.memory_space<semaphore_mem>>) src(%arg11 : memref<8x128xf32, #tpu.memory_space<vmem>>) dst(%dma_wait3A_834 : memref<8x128xf32, #tpu.memory_space<vmem_shared>>)
        tpu.yield
      }) : () -> ()
      %run_scoped3A_723 = arith.constant 2 : i32
      "tpu.region"() ({
        %run_scoped3A_826 = tpu.sem_alloc : memref<!tpu.dma_semaphore, #tpu.memory_space<semaphore_mem>>
        %dma_start3A_827 = arith.constant 0 : i32
        %dma_start3A_828 = arith.constant 0 : i32
        %dma_start3A_829 = tpu.memref_slice %arg12[%run_scoped3A_723, %dma_start3A_827, %dma_start3A_828] : memref<4x128x128xf32, #tpu.memory_space<vmem>> -> memref<1x128x128xf32, #tpu.memory_space<vmem>>
        %dma_start3A_830 = tpu.memref_squeeze %dma_start3A_829 : memref<1x128x128xf32, #tpu.memory_space<vmem>> -> memref<128x128xf32, #tpu.memory_space<vmem>>
        %dma_start3A_831 = arith.constant 0 : i32
        %dma_start3A_832 = arith.constant 0 : i32
        %dma_start3A_833 = tpu.memref_slice %arg13[%dma_start3A_831, %dma_start3A_832] : memref<512x128xf32, #tpu.memory_space<vmem_shared>> -> memref<512x128xf32, #tpu.memory_space<vmem_shared>>
        tpu.enqueue_indirect_dma source(%dma_start3A_830 : memref<128x128xf32, #tpu.memory_space<vmem>>) target(%dma_start3A_833 : memref<512x128xf32, #tpu.memory_space<vmem_shared>>) offsets(%arg9 : memref<128xi32, #tpu.memory_space<vmem>>) semaphore(%run_scoped3A_826 : memref<!tpu.dma_semaphore, #tpu.memory_space<semaphore_mem>>) {add = true}
        %dma_wait3A_834 = arith.constant 0 : i32
        %dma_wait3A_835 = arith.constant 0 : i32
        %dma_wait3A_836 = tpu.memref_slice %arg12[%run_scoped3A_723, %dma_wait3A_834, %dma_wait3A_835] : memref<4x128x128xf32, #tpu.memory_space<vmem>> -> memref<1x128x128xf32, #tpu.memory_space<vmem>>
        %dma_wait3A_837 = tpu.memref_squeeze %dma_wait3A_836 : memref<1x128x128xf32, #tpu.memory_space<vmem>> -> memref<128x128xf32, #tpu.memory_space<vmem>>
        %dma_wait3A_838 = arith.constant 0 : i32
        %dma_wait3A_839 = arith.constant 0 : i32
        %dma_wait3A_840 = tpu.memref_slice %arg13[%dma_wait3A_838, %dma_wait3A_839] : memref<512x128xf32, #tpu.memory_space<vmem_shared>> -> memref<512x128xf32, #tpu.memory_space<vmem_shared>>
        tpu.wait_indirect_dma semaphore(%run_scoped3A_826 : memref<!tpu.dma_semaphore, #tpu.memory_space<semaphore_mem>>) src(%dma_wait3A_837 : memref<128x128xf32, #tpu.memory_space<vmem>>) dst(%dma_wait3A_840 : memref<512x128xf32, #tpu.memory_space<vmem_shared>>)
        tpu.yield
      }) : () -> ()
      %add3A_724 = arith.constant 4 : i32
      %add3A_725 = arith.addi %add3A_699, %add3A_724 : i32
      %lt3A_726 = arith.constant 40 : i32
      %lt3A_727 = arith.cmpi slt, %add3A_725, %lt3A_726 : i32
      %convert_element_type3A_728 = arith.extui %lt3A_727 : i1 to i32
      %cond3A_729 = arith.constant 0 : i32
      %cond3A_730 = arith.cmpi ne, %convert_element_type3A_728, %cond3A_729 : i32
      scf.if %cond3A_730 {
        %dma_start3A_826 = arith.constant 2 : i32
        %dma_start3A_827 = arith.constant 0 : i32
        %dma_start3A_828 = arith.constant 0 : i32
        %dma_start3A_829 = tpu.memref_slice %arg12[%dma_start3A_826, %dma_start3A_827, %dma_start3A_828] : memref<4x128x128xf32, #tpu.memory_space<vmem>> -> memref<1x128x128xf32, #tpu.memory_space<vmem>>
        %dma_start3A_830 = tpu.memref_squeeze %dma_start3A_829 : memref<1x128x128xf32, #tpu.memory_space<vmem>> -> memref<128x128xf32, #tpu.memory_space<vmem>>
        %dma_start3A_831 = arith.constant 0 : i32
        %dma_start3A_832 = tpu.memref_slice %arg6[%add3A_725, %dma_start3A_831] : memref<40x128xi32, #tpu.memory_space<vmem>> -> memref<1x128xi32, #tpu.memory_space<vmem>>
        %dma_start3A_833 = tpu.memref_squeeze %dma_start3A_832 : memref<1x128xi32, #tpu.memory_space<vmem>> -> memref<128xi32, #tpu.memory_space<vmem>>
        %dma_start3A_834 = arith.constant 0 : i32
        %dma_start3A_835 = arith.constant 0 : i32
        %dma_start3A_836 = tpu.memref_slice %arg2[%dma_start3A_834, %dma_start3A_835] : memref<10240x128xf32, #tpu.memory_space<hbm>> -> memref<10240x128xf32, #tpu.memory_space<hbm>>
        tpu.enqueue_indirect_dma source(%dma_start3A_836 : memref<10240x128xf32, #tpu.memory_space<hbm>>) target(%dma_start3A_830 : memref<128x128xf32, #tpu.memory_space<vmem>>) offsets(%dma_start3A_833 : memref<128xi32, #tpu.memory_space<vmem>>) semaphore(%arg16 : memref<!tpu.dma_semaphore, #tpu.memory_space<semaphore_mem>>)
      } else {
      }
      %mul3A_731 = arith.constant 4 : i32
      %mul3A_732 = arith.muli %scan3A_630, %mul3A_731 : i32
      %add3A_733 = arith.constant 3 : i32
      %add3A_734 = arith.addi %mul3A_732, %add3A_733 : i32
      %mul3A_735 = arith.constant 8 : i32
      %mul3A_736 = arith.muli %add3A_734, %mul3A_735 : i32
      %add3A_737 = arith.addi %mul3A_2, %mul3A_736 : i32
      %dma_wait3A_738 = arith.constant 3 : i32
      %dma_wait3A_739 = arith.constant 0 : i32
      %dma_wait3A_740 = arith.constant 0 : i32
      %dma_wait3A_741 = tpu.memref_slice %arg12[%dma_wait3A_738, %dma_wait3A_739, %dma_wait3A_740] : memref<4x128x128xf32, #tpu.memory_space<vmem>> -> memref<1x128x128xf32, #tpu.memory_space<vmem>>
      %dma_wait3A_742 = tpu.memref_squeeze %dma_wait3A_741 : memref<1x128x128xf32, #tpu.memory_space<vmem>> -> memref<128x128xf32, #tpu.memory_space<vmem>>
      %dma_wait3A_743 = arith.constant 0 : i32
      %dma_wait3A_744 = tpu.memref_slice %arg6[%add3A_734, %dma_wait3A_743] : memref<40x128xi32, #tpu.memory_space<vmem>> -> memref<1x128xi32, #tpu.memory_space<vmem>>
      %dma_wait3A_745 = tpu.memref_squeeze %dma_wait3A_744 : memref<1x128xi32, #tpu.memory_space<vmem>> -> memref<128xi32, #tpu.memory_space<vmem>>
      %dma_wait3A_746 = arith.constant 0 : i32
      %dma_wait3A_747 = arith.constant 0 : i32
      %dma_wait3A_748 = tpu.memref_slice %arg2[%dma_wait3A_746, %dma_wait3A_747] : memref<10240x128xf32, #tpu.memory_space<hbm>> -> memref<10240x128xf32, #tpu.memory_space<hbm>>
      tpu.wait_indirect_dma semaphore(%arg17 : memref<!tpu.dma_semaphore, #tpu.memory_space<semaphore_mem>>) src(%dma_wait3A_748 : memref<10240x128xf32, #tpu.memory_space<hbm>>) dst(%dma_wait3A_742 : memref<128x128xf32, #tpu.memory_space<vmem>>)
      %gt3A_749 = arith.constant 0 : i32
      %gt3A_750 = arith.cmpi sgt, %scan3A_630, %gt3A_749 : i32
      %convert_element_type3A_751 = arith.extui %gt3A_750 : i1 to i32
      %cond3A_752 = arith.constant 0 : i32
      %cond3A_753 = arith.cmpi ne, %convert_element_type3A_751, %cond3A_752 : i32
      scf.if %cond3A_753 {
        %mul3A_826 = arith.constant 32 : i32
        %mul3A_827 = arith.muli %arg1, %mul3A_826 : i32
        %add3A_828 = arith.constant 24 : i32
        %add3A_829 = arith.addi %mul3A_827, %add3A_828 : i32
        %dma_wait3A_830 = arith.constant 0 : i32
        %dma_wait3A_831 = tpu.memref_slice %arg5[%add3A_737, %dma_wait3A_830] : memref<10240x128xf32, #tpu.memory_space<hbm>> -> memref<8x128xf32, #tpu.memory_space<hbm>>
        %dma_wait3A_832 = arith.constant 0 : i32
        %dma_wait3A_833 = tpu.memref_slice %arg13[%add3A_829, %dma_wait3A_832] : memref<512x128xf32, #tpu.memory_space<vmem_shared>> -> memref<8x128xf32, #tpu.memory_space<vmem_shared>>
        tpu.wait_dma2 semaphore(%arg21 : memref<!tpu.dma_semaphore, #tpu.memory_space<semaphore_mem>>) src(%dma_wait3A_833 : memref<8x128xf32, #tpu.memory_space<vmem_shared>>) dst(%dma_wait3A_831 : memref<8x128xf32, #tpu.memory_space<hbm>>)
      } else {
      }
      %mul3A_754 = arith.constant 32 : i32
      %mul3A_755 = arith.muli %arg1, %mul3A_754 : i32
      %add3A_756 = arith.constant 24 : i32
      %add3A_757 = arith.addi %mul3A_755, %add3A_756 : i32
      "tpu.region"() ({
        %run_scoped3A_826 = tpu.sem_alloc : memref<!tpu.dma_semaphore, #tpu.memory_space<semaphore_mem>>
        %dma_start3A_827 = arith.constant 0 : i32
        %dma_start3A_828 = tpu.memref_slice %arg13[%add3A_757, %dma_start3A_827] : memref<512x128xf32, #tpu.memory_space<vmem_shared>> -> memref<8x128xf32, #tpu.memory_space<vmem_shared>>
        %dma_start3A_829 = arith.constant 0 : i32
        %dma_start3A_830 = tpu.memref_slice %arg13[%add3A_757, %dma_start3A_829] : memref<512x128xf32, #tpu.memory_space<vmem_shared>> -> memref<8x128xf32, #tpu.memory_space<vmem_shared>>
        tpu.enqueue_dma source(%arg11 : memref<8x128xf32, #tpu.memory_space<vmem>>) target(%dma_start3A_830 : memref<8x128xf32, #tpu.memory_space<vmem_shared>>) target_semaphore(%run_scoped3A_826 : memref<!tpu.dma_semaphore, #tpu.memory_space<semaphore_mem>>)
        %dma_wait3A_831 = arith.constant 0 : i32
        %dma_wait3A_832 = tpu.memref_slice %arg13[%add3A_757, %dma_wait3A_831] : memref<512x128xf32, #tpu.memory_space<vmem_shared>> -> memref<8x128xf32, #tpu.memory_space<vmem_shared>>
        %dma_wait3A_833 = arith.constant 0 : i32
        %dma_wait3A_834 = tpu.memref_slice %arg13[%add3A_757, %dma_wait3A_833] : memref<512x128xf32, #tpu.memory_space<vmem_shared>> -> memref<8x128xf32, #tpu.memory_space<vmem_shared>>
        tpu.wait_dma2 semaphore(%run_scoped3A_826 : memref<!tpu.dma_semaphore, #tpu.memory_space<semaphore_mem>>) src(%arg11 : memref<8x128xf32, #tpu.memory_space<vmem>>) dst(%dma_wait3A_834 : memref<8x128xf32, #tpu.memory_space<vmem_shared>>)
        tpu.yield
      }) : () -> ()
      %run_scoped3A_758 = arith.constant 3 : i32
      "tpu.region"() ({
        %run_scoped3A_826 = tpu.sem_alloc : memref<!tpu.dma_semaphore, #tpu.memory_space<semaphore_mem>>
        %dma_start3A_827 = arith.constant 0 : i32
        %dma_start3A_828 = arith.constant 0 : i32
        %dma_start3A_829 = tpu.memref_slice %arg12[%run_scoped3A_758, %dma_start3A_827, %dma_start3A_828] : memref<4x128x128xf32, #tpu.memory_space<vmem>> -> memref<1x128x128xf32, #tpu.memory_space<vmem>>
        %dma_start3A_830 = tpu.memref_squeeze %dma_start3A_829 : memref<1x128x128xf32, #tpu.memory_space<vmem>> -> memref<128x128xf32, #tpu.memory_space<vmem>>
        %dma_start3A_831 = arith.constant 0 : i32
        %dma_start3A_832 = arith.constant 0 : i32
        %dma_start3A_833 = tpu.memref_slice %arg13[%dma_start3A_831, %dma_start3A_832] : memref<512x128xf32, #tpu.memory_space<vmem_shared>> -> memref<512x128xf32, #tpu.memory_space<vmem_shared>>
        tpu.enqueue_indirect_dma source(%dma_start3A_830 : memref<128x128xf32, #tpu.memory_space<vmem>>) target(%dma_start3A_833 : memref<512x128xf32, #tpu.memory_space<vmem_shared>>) offsets(%arg10 : memref<128xi32, #tpu.memory_space<vmem>>) semaphore(%run_scoped3A_826 : memref<!tpu.dma_semaphore, #tpu.memory_space<semaphore_mem>>) {add = true}
        %dma_wait3A_834 = arith.constant 0 : i32
        %dma_wait3A_835 = arith.constant 0 : i32
        %dma_wait3A_836 = tpu.memref_slice %arg12[%run_scoped3A_758, %dma_wait3A_834, %dma_wait3A_835] : memref<4x128x128xf32, #tpu.memory_space<vmem>> -> memref<1x128x128xf32, #tpu.memory_space<vmem>>
        %dma_wait3A_837 = tpu.memref_squeeze %dma_wait3A_836 : memref<1x128x128xf32, #tpu.memory_space<vmem>> -> memref<128x128xf32, #tpu.memory_space<vmem>>
        %dma_wait3A_838 = arith.constant 0 : i32
        %dma_wait3A_839 = arith.constant 0 : i32
        %dma_wait3A_840 = tpu.memref_slice %arg13[%dma_wait3A_838, %dma_wait3A_839] : memref<512x128xf32, #tpu.memory_space<vmem_shared>> -> memref<512x128xf32, #tpu.memory_space<vmem_shared>>
        tpu.wait_indirect_dma semaphore(%run_scoped3A_826 : memref<!tpu.dma_semaphore, #tpu.memory_space<semaphore_mem>>) src(%dma_wait3A_837 : memref<128x128xf32, #tpu.memory_space<vmem>>) dst(%dma_wait3A_840 : memref<512x128xf32, #tpu.memory_space<vmem_shared>>)
        tpu.yield
      }) : () -> ()
      %add3A_759 = arith.constant 4 : i32
      %add3A_760 = arith.addi %add3A_734, %add3A_759 : i32
      %lt3A_761 = arith.constant 40 : i32
      %lt3A_762 = arith.cmpi slt, %add3A_760, %lt3A_761 : i32
      %convert_element_type3A_763 = arith.extui %lt3A_762 : i1 to i32
      %cond3A_764 = arith.constant 0 : i32
      %cond3A_765 = arith.cmpi ne, %convert_element_type3A_763, %cond3A_764 : i32
      scf.if %cond3A_765 {
        %dma_start3A_826 = arith.constant 3 : i32
        %dma_start3A_827 = arith.constant 0 : i32
        %dma_start3A_828 = arith.constant 0 : i32
        %dma_start3A_829 = tpu.memref_slice %arg12[%dma_start3A_826, %dma_start3A_827, %dma_start3A_828] : memref<4x128x128xf32, #tpu.memory_space<vmem>> -> memref<1x128x128xf32, #tpu.memory_space<vmem>>
        %dma_start3A_830 = tpu.memref_squeeze %dma_start3A_829 : memref<1x128x128xf32, #tpu.memory_space<vmem>> -> memref<128x128xf32, #tpu.memory_space<vmem>>
        %dma_start3A_831 = arith.constant 0 : i32
        %dma_start3A_832 = tpu.memref_slice %arg6[%add3A_760, %dma_start3A_831] : memref<40x128xi32, #tpu.memory_space<vmem>> -> memref<1x128xi32, #tpu.memory_space<vmem>>
        %dma_start3A_833 = tpu.memref_squeeze %dma_start3A_832 : memref<1x128xi32, #tpu.memory_space<vmem>> -> memref<128xi32, #tpu.memory_space<vmem>>
        %dma_start3A_834 = arith.constant 0 : i32
        %dma_start3A_835 = arith.constant 0 : i32
        %dma_start3A_836 = tpu.memref_slice %arg2[%dma_start3A_834, %dma_start3A_835] : memref<10240x128xf32, #tpu.memory_space<hbm>> -> memref<10240x128xf32, #tpu.memory_space<hbm>>
        tpu.enqueue_indirect_dma source(%dma_start3A_836 : memref<10240x128xf32, #tpu.memory_space<hbm>>) target(%dma_start3A_830 : memref<128x128xf32, #tpu.memory_space<vmem>>) offsets(%dma_start3A_833 : memref<128xi32, #tpu.memory_space<vmem>>) semaphore(%arg17 : memref<!tpu.dma_semaphore, #tpu.memory_space<semaphore_mem>>)
      } else {
      }
      %barrier3A = arith.constant 0 : index
      tpu.barrier barrier_id(%barrier3A)
      %mul3A_766 = arith.constant 4 : i32
      %mul3A_767 = arith.muli %scan3A_630, %mul3A_766 : i32
      %add3A_768 = arith.constant 0 : i32
      %add3A_769 = arith.addi %mul3A_767, %add3A_768 : i32
      %mul3A_770 = arith.constant 8 : i32
      %mul3A_771 = arith.muli %add3A_769, %mul3A_770 : i32
      %add3A_772 = arith.addi %mul3A_2, %mul3A_771 : i32
      %mul3A_773 = arith.constant 32 : i32
      %mul3A_774 = arith.muli %arg1, %mul3A_773 : i32
      %add3A_775 = arith.constant 0 : i32
      %add3A_776 = arith.addi %mul3A_774, %add3A_775 : i32
      %dma_start3A_777 = arith.constant 0 : i32
      %dma_start3A_778 = tpu.memref_slice %arg5[%add3A_772, %dma_start3A_777] : memref<10240x128xf32, #tpu.memory_space<hbm>> -> memref<8x128xf32, #tpu.memory_space<hbm>>
      %dma_start3A_779 = arith.constant 0 : i32
      %dma_start3A_780 = tpu.memref_slice %arg13[%add3A_776, %dma_start3A_779] : memref<512x128xf32, #tpu.memory_space<vmem_shared>> -> memref<8x128xf32, #tpu.memory_space<vmem_shared>>
      tpu.enqueue_dma source(%dma_start3A_780 : memref<8x128xf32, #tpu.memory_space<vmem_shared>>) target(%dma_start3A_778 : memref<8x128xf32, #tpu.memory_space<hbm>>) target_semaphore(%arg18 : memref<!tpu.dma_semaphore, #tpu.memory_space<semaphore_mem>>)
      %mul3A_781 = arith.constant 4 : i32
      %mul3A_782 = arith.muli %scan3A_630, %mul3A_781 : i32
      %add3A_783 = arith.constant 1 : i32
      %add3A_784 = arith.addi %mul3A_782, %add3A_783 : i32
      %mul3A_785 = arith.constant 8 : i32
      %mul3A_786 = arith.muli %add3A_784, %mul3A_785 : i32
      %add3A_787 = arith.addi %mul3A_2, %mul3A_786 : i32
      %mul3A_788 = arith.constant 32 : i32
      %mul3A_789 = arith.muli %arg1, %mul3A_788 : i32
      %add3A_790 = arith.constant 8 : i32
      %add3A_791 = arith.addi %mul3A_789, %add3A_790 : i32
      %dma_start3A_792 = arith.constant 0 : i32
      %dma_start3A_793 = tpu.memref_slice %arg5[%add3A_787, %dma_start3A_792] : memref<10240x128xf32, #tpu.memory_space<hbm>> -> memref<8x128xf32, #tpu.memory_space<hbm>>
      %dma_start3A_794 = arith.constant 0 : i32
      %dma_start3A_795 = tpu.memref_slice %arg13[%add3A_791, %dma_start3A_794] : memref<512x128xf32, #tpu.memory_space<vmem_shared>> -> memref<8x128xf32, #tpu.memory_space<vmem_shared>>
      tpu.enqueue_dma source(%dma_start3A_795 : memref<8x128xf32, #tpu.memory_space<vmem_shared>>) target(%dma_start3A_793 : memref<8x128xf32, #tpu.memory_space<hbm>>) target_semaphore(%arg19 : memref<!tpu.dma_semaphore, #tpu.memory_space<semaphore_mem>>)
      %mul3A_796 = arith.constant 4 : i32
      %mul3A_797 = arith.muli %scan3A_630, %mul3A_796 : i32
      %add3A_798 = arith.constant 2 : i32
      %add3A_799 = arith.addi %mul3A_797, %add3A_798 : i32
      %mul3A_800 = arith.constant 8 : i32
      %mul3A_801 = arith.muli %add3A_799, %mul3A_800 : i32
      %add3A_802 = arith.addi %mul3A_2, %mul3A_801 : i32
      %mul3A_803 = arith.constant 32 : i32
      %mul3A_804 = arith.muli %arg1, %mul3A_803 : i32
      %add3A_805 = arith.constant 16 : i32
      %add3A_806 = arith.addi %mul3A_804, %add3A_805 : i32
      %dma_start3A_807 = arith.constant 0 : i32
      %dma_start3A_808 = tpu.memref_slice %arg5[%add3A_802, %dma_start3A_807] : memref<10240x128xf32, #tpu.memory_space<hbm>> -> memref<8x128xf32, #tpu.memory_space<hbm>>
      %dma_start3A_809 = arith.constant 0 : i32
      %dma_start3A_810 = tpu.memref_slice %arg13[%add3A_806, %dma_start3A_809] : memref<512x128xf32, #tpu.memory_space<vmem_shared>> -> memref<8x128xf32, #tpu.memory_space<vmem_shared>>
      tpu.enqueue_dma source(%dma_start3A_810 : memref<8x128xf32, #tpu.memory_space<vmem_shared>>) target(%dma_start3A_808 : memref<8x128xf32, #tpu.memory_space<hbm>>) target_semaphore(%arg20 : memref<!tpu.dma_semaphore, #tpu.memory_space<semaphore_mem>>)
      %mul3A_811 = arith.constant 4 : i32
      %mul3A_812 = arith.muli %scan3A_630, %mul3A_811 : i32
      %add3A_813 = arith.constant 3 : i32
      %add3A_814 = arith.addi %mul3A_812, %add3A_813 : i32
      %mul3A_815 = arith.constant 8 : i32
      %mul3A_816 = arith.muli %add3A_814, %mul3A_815 : i32
      %add3A_817 = arith.addi %mul3A_2, %mul3A_816 : i32
      %mul3A_818 = arith.constant 32 : i32
      %mul3A_819 = arith.muli %arg1, %mul3A_818 : i32
      %add3A_820 = arith.constant 24 : i32
      %add3A_821 = arith.addi %mul3A_819, %add3A_820 : i32
      %dma_start3A_822 = arith.constant 0 : i32
      %dma_start3A_823 = tpu.memref_slice %arg5[%add3A_817, %dma_start3A_822] : memref<10240x128xf32, #tpu.memory_space<hbm>> -> memref<8x128xf32, #tpu.memory_space<hbm>>
      %dma_start3A_824 = arith.constant 0 : i32
      %dma_start3A_825 = tpu.memref_slice %arg13[%add3A_821, %dma_start3A_824] : memref<512x128xf32, #tpu.memory_space<vmem_shared>> -> memref<8x128xf32, #tpu.memory_space<vmem_shared>>
      tpu.enqueue_dma source(%dma_start3A_825 : memref<8x128xf32, #tpu.memory_space<vmem_shared>>) target(%dma_start3A_823 : memref<8x128xf32, #tpu.memory_space<hbm>>) target_semaphore(%arg21 : memref<!tpu.dma_semaphore, #tpu.memory_space<semaphore_mem>>)
    }
    %scan3A_590 = arith.constant 10 : i32
    %add3A_591 = arith.constant 288 : i32
    %add3A_592 = arith.addi %mul3A_2, %add3A_591 : i32
    %mul3A_593 = arith.constant 32 : i32
    %mul3A_594 = arith.muli %arg1, %mul3A_593 : i32
    %add3A_595 = arith.constant 0 : i32
    %add3A_596 = arith.addi %mul3A_594, %add3A_595 : i32
    %dma_wait3A = arith.constant 0 : i32
    %dma_wait3A_597 = tpu.memref_slice %arg5[%add3A_592, %dma_wait3A] : memref<10240x128xf32, #tpu.memory_space<hbm>> -> memref<8x128xf32, #tpu.memory_space<hbm>>
    %dma_wait3A_598 = arith.constant 0 : i32
    %dma_wait3A_599 = tpu.memref_slice %arg13[%add3A_596, %dma_wait3A_598] : memref<512x128xf32, #tpu.memory_space<vmem_shared>> -> memref<8x128xf32, #tpu.memory_space<vmem_shared>>
    tpu.wait_dma2 semaphore(%arg18 : memref<!tpu.dma_semaphore, #tpu.memory_space<semaphore_mem>>) src(%dma_wait3A_599 : memref<8x128xf32, #tpu.memory_space<vmem_shared>>) dst(%dma_wait3A_597 : memref<8x128xf32, #tpu.memory_space<hbm>>)
    %add3A_600 = arith.constant 296 : i32
    %add3A_601 = arith.addi %mul3A_2, %add3A_600 : i32
    %mul3A_602 = arith.constant 32 : i32
    %mul3A_603 = arith.muli %arg1, %mul3A_602 : i32
    %add3A_604 = arith.constant 8 : i32
    %add3A_605 = arith.addi %mul3A_603, %add3A_604 : i32
    %dma_wait3A_606 = arith.constant 0 : i32
    %dma_wait3A_607 = tpu.memref_slice %arg5[%add3A_601, %dma_wait3A_606] : memref<10240x128xf32, #tpu.memory_space<hbm>> -> memref<8x128xf32, #tpu.memory_space<hbm>>
    %dma_wait3A_608 = arith.constant 0 : i32
    %dma_wait3A_609 = tpu.memref_slice %arg13[%add3A_605, %dma_wait3A_608] : memref<512x128xf32, #tpu.memory_space<vmem_shared>> -> memref<8x128xf32, #tpu.memory_space<vmem_shared>>
    tpu.wait_dma2 semaphore(%arg19 : memref<!tpu.dma_semaphore, #tpu.memory_space<semaphore_mem>>) src(%dma_wait3A_609 : memref<8x128xf32, #tpu.memory_space<vmem_shared>>) dst(%dma_wait3A_607 : memref<8x128xf32, #tpu.memory_space<hbm>>)
    %add3A_610 = arith.constant 304 : i32
    %add3A_611 = arith.addi %mul3A_2, %add3A_610 : i32
    %mul3A_612 = arith.constant 32 : i32
    %mul3A_613 = arith.muli %arg1, %mul3A_612 : i32
    %add3A_614 = arith.constant 16 : i32
    %add3A_615 = arith.addi %mul3A_613, %add3A_614 : i32
    %dma_wait3A_616 = arith.constant 0 : i32
    %dma_wait3A_617 = tpu.memref_slice %arg5[%add3A_611, %dma_wait3A_616] : memref<10240x128xf32, #tpu.memory_space<hbm>> -> memref<8x128xf32, #tpu.memory_space<hbm>>
    %dma_wait3A_618 = arith.constant 0 : i32
    %dma_wait3A_619 = tpu.memref_slice %arg13[%add3A_615, %dma_wait3A_618] : memref<512x128xf32, #tpu.memory_space<vmem_shared>> -> memref<8x128xf32, #tpu.memory_space<vmem_shared>>
    tpu.wait_dma2 semaphore(%arg20 : memref<!tpu.dma_semaphore, #tpu.memory_space<semaphore_mem>>) src(%dma_wait3A_619 : memref<8x128xf32, #tpu.memory_space<vmem_shared>>) dst(%dma_wait3A_617 : memref<8x128xf32, #tpu.memory_space<hbm>>)
    %add3A_620 = arith.constant 312 : i32
    %add3A_621 = arith.addi %mul3A_2, %add3A_620 : i32
    %mul3A_622 = arith.constant 32 : i32
    %mul3A_623 = arith.muli %arg1, %mul3A_622 : i32
    %add3A_624 = arith.constant 24 : i32
    %add3A_625 = arith.addi %mul3A_623, %add3A_624 : i32
    %dma_wait3A_626 = arith.constant 0 : i32
    %dma_wait3A_627 = tpu.memref_slice %arg5[%add3A_621, %dma_wait3A_626] : memref<10240x128xf32, #tpu.memory_space<hbm>> -> memref<8x128xf32, #tpu.memory_space<hbm>>
    %dma_wait3A_628 = arith.constant 0 : i32
    %dma_wait3A_629 = tpu.memref_slice %arg13[%add3A_625, %dma_wait3A_628] : memref<512x128xf32, #tpu.memory_space<vmem_shared>> -> memref<8x128xf32, #tpu.memory_space<vmem_shared>>
    tpu.wait_dma2 semaphore(%arg21 : memref<!tpu.dma_semaphore, #tpu.memory_space<semaphore_mem>>) src(%dma_wait3A_629 : memref<8x128xf32, #tpu.memory_space<vmem_shared>>) dst(%dma_wait3A_627 : memref<8x128xf32, #tpu.memory_space<hbm>>)
    return
  }
}

#map = affine_map<(d0, d1) -> (0, 0)>
#map1 = affine_map<(d0, d1) -> (0)>
module attributes {stable_mosaic.version = 14 : i64} {
  func.func @_gather_sum(%arg0: i32, %arg1: i32, %arg2: memref<10240x128xf32, #tpu.memory_space<hbm>>, %arg3: memref<1280x128xi32, #tpu.memory_space<hbm>>, %arg4: memref<8192xi32, #tpu.memory_space<hbm>>, %arg5: memref<10240x128xf32, #tpu.memory_space<hbm>>, %arg6: memref<40x128xi32, #tpu.memory_space<vmem>>, %arg7: memref<128xi32, #tpu.memory_space<vmem>>, %arg8: memref<128xi32, #tpu.memory_space<vmem>>, %arg9: memref<128xi32, #tpu.memory_space<vmem>>, %arg10: memref<128xi32, #tpu.memory_space<vmem>>, %arg11: memref<8x128xf32, #tpu.memory_space<vmem>>, %arg12: memref<4x128x128xf32, #tpu.memory_space<vmem>>, %arg13: memref<512x128xf32, #tpu.memory_space<vmem_shared>>, %arg14: memref<!tpu.dma_semaphore, #tpu.memory_space<semaphore_mem>>, %arg15: memref<!tpu.dma_semaphore, #tpu.memory_space<semaphore_mem>>, %arg16: memref<!tpu.dma_semaphore, #tpu.memory_space<semaphore_mem>>, %arg17: memref<!tpu.dma_semaphore, #tpu.memory_space<semaphore_mem>>, %arg18: memref<!tpu.dma_semaphore, #tpu.memory_space<semaphore_mem>>, %arg19: memref<!tpu.dma_semaphore, #tpu.memory_space<semaphore_mem>>, %arg20: memref<!tpu.dma_semaphore, #tpu.memory_space<semaphore_mem>>, %arg21: memref<!tpu.dma_semaphore, #tpu.memory_space<semaphore_mem>>) attributes {dimension_semantics = [#tpu.dimension_semantics<core_parallel>, #tpu.dimension_semantics<subcore_parallel>], iteration_bounds = array<i64: 2, 16>, scalar_prefetch = 0 : i64, scratch_operands = 16 : i64, tpu.core_type = #tpu.core_type<sc_vector_subcore>, window_params = [{transform_indices = #map}, {transform_indices = #map}, {transform_indices = #map1}, {transform_indices = #map}]} {
    %mul3A = arith.constant 2 : i32
    %mul3A_0 = arith.muli %arg1, %mul3A : i32
    %add3A = arith.addi %mul3A_0, %arg0 : i32
    %mul3A_1 = arith.constant 320 : i32
    %mul3A_2 = arith.muli %add3A, %mul3A_1 : i32
    %mul3A_3 = arith.constant 40 : i32
    %mul3A_4 = arith.muli %add3A, %mul3A_3 : i32
    "tpu.region"() ({
      %run_scoped3A = tpu.sem_alloc : memref<!tpu.dma_semaphore, #tpu.memory_space<semaphore_mem>>
      %dma_start3A_630 = arith.constant 0 : i32
      %dma_start3A_631 = tpu.memref_slice %arg3[%mul3A_4, %dma_start3A_630] : memref<1280x128xi32, #tpu.memory_space<hbm>> -> memref<40x128xi32, #tpu.memory_space<hbm>>
      %dma_start3A_632 = arith.constant 0 : i32
      %dma_start3A_633 = tpu.memref_slice %arg3[%mul3A_4, %dma_start3A_632] : memref<1280x128xi32, #tpu.memory_space<hbm>> -> memref<40x128xi32, #tpu.memory_space<hbm>>
      tpu.enqueue_dma source(%dma_start3A_633 : memref<40x128xi32, #tpu.memory_space<hbm>>) target(%arg6 : memref<40x128xi32, #tpu.memory_space<vmem>>) target_semaphore(%run_scoped3A : memref<!tpu.dma_semaphore, #tpu.memory_space<semaphore_mem>>)
      %dma_wait3A_634 = arith.constant 0 : i32
      %dma_wait3A_635 = tpu.memref_slice %arg3[%mul3A_4, %dma_wait3A_634] : memref<1280x128xi32, #tpu.memory_space<hbm>> -> memref<40x128xi32, #tpu.memory_space<hbm>>
      %dma_wait3A_636 = arith.constant 0 : i32
      %dma_wait3A_637 = tpu.memref_slice %arg3[%mul3A_4, %dma_wait3A_636] : memref<1280x128xi32, #tpu.memory_space<hbm>> -> memref<40x128xi32, #tpu.memory_space<hbm>>
      tpu.wait_dma2 semaphore(%run_scoped3A : memref<!tpu.dma_semaphore, #tpu.memory_space<semaphore_mem>>) src(%dma_wait3A_637 : memref<40x128xi32, #tpu.memory_space<hbm>>) dst(%arg6 : memref<40x128xi32, #tpu.memory_space<vmem>>)
      tpu.yield
    }) : () -> ()
    %mul3A_5 = arith.constant 4 : i32
    %mul3A_6 = arith.muli %arg1, %mul3A_5 : i32
    %add3A_7 = arith.constant 0 : i32
    %add3A_8 = arith.addi %mul3A_6, %add3A_7 : i32
    %mul3A_9 = arith.constant 128 : i32
    %mul3A_10 = arith.muli %add3A_8, %mul3A_9 : i32
    "tpu.region"() ({
      %run_scoped3A = tpu.sem_alloc : memref<!tpu.dma_semaphore, #tpu.memory_space<semaphore_mem>>
      %dma_start3A_630 = tpu.memref_slice %arg4[%mul3A_10] : memref<8192xi32, #tpu.memory_space<hbm>> -> memref<128xi32, #tpu.memory_space<hbm>>
      %dma_start3A_631 = tpu.memref_slice %arg4[%mul3A_10] : memref<8192xi32, #tpu.memory_space<hbm>> -> memref<128xi32, #tpu.memory_space<hbm>>
      tpu.enqueue_dma source(%dma_start3A_631 : memref<128xi32, #tpu.memory_space<hbm>>) target(%arg7 : memref<128xi32, #tpu.memory_space<vmem>>) target_semaphore(%run_scoped3A : memref<!tpu.dma_semaphore, #tpu.memory_space<semaphore_mem>>)
      %dma_wait3A_632 = tpu.memref_slice %arg4[%mul3A_10] : memref<8192xi32, #tpu.memory_space<hbm>> -> memref<128xi32, #tpu.memory_space<hbm>>
      %dma_wait3A_633 = tpu.memref_slice %arg4[%mul3A_10] : memref<8192xi32, #tpu.memory_space<hbm>> -> memref<128xi32, #tpu.memory_space<hbm>>
      tpu.wait_dma2 semaphore(%run_scoped3A : memref<!tpu.dma_semaphore, #tpu.memory_space<semaphore_mem>>) src(%dma_wait3A_633 : memref<128xi32, #tpu.memory_space<hbm>>) dst(%arg7 : memref<128xi32, #tpu.memory_space<vmem>>)
      tpu.yield
    }) : () -> ()
    %mul3A_11 = arith.constant 4 : i32
    %mul3A_12 = arith.muli %arg1, %mul3A_11 : i32
    %add3A_13 = arith.constant 1 : i32
    %add3A_14 = arith.addi %mul3A_12, %add3A_13 : i32
    %mul3A_15 = arith.constant 128 : i32
    %mul3A_16 = arith.muli %add3A_14, %mul3A_15 : i32
    "tpu.region"() ({
      %run_scoped3A = tpu.sem_alloc : memref<!tpu.dma_semaphore, #tpu.memory_space<semaphore_mem>>
      %dma_start3A_630 = tpu.memref_slice %arg4[%mul3A_16] : memref<8192xi32, #tpu.memory_space<hbm>> -> memref<128xi32, #tpu.memory_space<hbm>>
      %dma_start3A_631 = tpu.memref_slice %arg4[%mul3A_16] : memref<8192xi32, #tpu.memory_space<hbm>> -> memref<128xi32, #tpu.memory_space<hbm>>
      tpu.enqueue_dma source(%dma_start3A_631 : memref<128xi32, #tpu.memory_space<hbm>>) target(%arg8 : memref<128xi32, #tpu.memory_space<vmem>>) target_semaphore(%run_scoped3A : memref<!tpu.dma_semaphore, #tpu.memory_space<semaphore_mem>>)
      %dma_wait3A_632 = tpu.memref_slice %arg4[%mul3A_16] : memref<8192xi32, #tpu.memory_space<hbm>> -> memref<128xi32, #tpu.memory_space<hbm>>
      %dma_wait3A_633 = tpu.memref_slice %arg4[%mul3A_16] : memref<8192xi32, #tpu.memory_space<hbm>> -> memref<128xi32, #tpu.memory_space<hbm>>
      tpu.wait_dma2 semaphore(%run_scoped3A : memref<!tpu.dma_semaphore, #tpu.memory_space<semaphore_mem>>) src(%dma_wait3A_633 : memref<128xi32, #tpu.memory_space<hbm>>) dst(%arg8 : memref<128xi32, #tpu.memory_space<vmem>>)
      tpu.yield
    }) : () -> ()
    %mul3A_17 = arith.constant 4 : i32
    %mul3A_18 = arith.muli %arg1, %mul3A_17 : i32
    %add3A_19 = arith.constant 2 : i32
    %add3A_20 = arith.addi %mul3A_18, %add3A_19 : i32
    %mul3A_21 = arith.constant 128 : i32
    %mul3A_22 = arith.muli %add3A_20, %mul3A_21 : i32
    "tpu.region"() ({
      %run_scoped3A = tpu.sem_alloc : memref<!tpu.dma_semaphore, #tpu.memory_space<semaphore_mem>>
      %dma_start3A_630 = tpu.memref_slice %arg4[%mul3A_22] : memref<8192xi32, #tpu.memory_space<hbm>> -> memref<128xi32, #tpu.memory_space<hbm>>
      %dma_start3A_631 = tpu.memref_slice %arg4[%mul3A_22] : memref<8192xi32, #tpu.memory_space<hbm>> -> memref<128xi32, #tpu.memory_space<hbm>>
      tpu.enqueue_dma source(%dma_start3A_631 : memref<128xi32, #tpu.memory_space<hbm>>) target(%arg9 : memref<128xi32, #tpu.memory_space<vmem>>) target_semaphore(%run_scoped3A : memref<!tpu.dma_semaphore, #tpu.memory_space<semaphore_mem>>)
      %dma_wait3A_632 = tpu.memref_slice %arg4[%mul3A_22] : memref<8192xi32, #tpu.memory_space<hbm>> -> memref<128xi32, #tpu.memory_space<hbm>>
      %dma_wait3A_633 = tpu.memref_slice %arg4[%mul3A_22] : memref<8192xi32, #tpu.memory_space<hbm>> -> memref<128xi32, #tpu.memory_space<hbm>>
      tpu.wait_dma2 semaphore(%run_scoped3A : memref<!tpu.dma_semaphore, #tpu.memory_space<semaphore_mem>>) src(%dma_wait3A_633 : memref<128xi32, #tpu.memory_space<hbm>>) dst(%arg9 : memref<128xi32, #tpu.memory_space<vmem>>)
      tpu.yield
    }) : () -> ()
    %mul3A_23 = arith.constant 4 : i32
    %mul3A_24 = arith.muli %arg1, %mul3A_23 : i32
    %add3A_25 = arith.constant 3 : i32
    %add3A_26 = arith.addi %mul3A_24, %add3A_25 : i32
    %mul3A_27 = arith.constant 128 : i32
    %mul3A_28 = arith.muli %add3A_26, %mul3A_27 : i32
    "tpu.region"() ({
      %run_scoped3A = tpu.sem_alloc : memref<!tpu.dma_semaphore, #tpu.memory_space<semaphore_mem>>
      %dma_start3A_630 = tpu.memref_slice %arg4[%mul3A_28] : memref<8192xi32, #tpu.memory_space<hbm>> -> memref<128xi32, #tpu.memory_space<hbm>>
      %dma_start3A_631 = tpu.memref_slice %arg4[%mul3A_28] : memref<8192xi32, #tpu.memory_space<hbm>> -> memref<128xi32, #tpu.memory_space<hbm>>
      tpu.enqueue_dma source(%dma_start3A_631 : memref<128xi32, #tpu.memory_space<hbm>>) target(%arg10 : memref<128xi32, #tpu.memory_space<vmem>>) target_semaphore(%run_scoped3A : memref<!tpu.dma_semaphore, #tpu.memory_space<semaphore_mem>>)
      %dma_wait3A_632 = tpu.memref_slice %arg4[%mul3A_28] : memref<8192xi32, #tpu.memory_space<hbm>> -> memref<128xi32, #tpu.memory_space<hbm>>
      %dma_wait3A_633 = tpu.memref_slice %arg4[%mul3A_28] : memref<8192xi32, #tpu.memory_space<hbm>> -> memref<128xi32, #tpu.memory_space<hbm>>
      tpu.wait_dma2 semaphore(%run_scoped3A : memref<!tpu.dma_semaphore, #tpu.memory_space<semaphore_mem>>) src(%dma_wait3A_633 : memref<128xi32, #tpu.memory_space<hbm>>) dst(%arg10 : memref<128xi32, #tpu.memory_space<vmem>>)
      tpu.yield
    }) : () -> ()
    %broadcast_in_dim3A = arith.constant 0.000000e+00 : f32
    %broadcast_in_dim3A_29 = vector.broadcast %broadcast_in_dim3A : f32 to vector<16xf32>
    %swap3A = arith.constant 0 : i32
    %swap3A_30 = arith.index_cast %swap3A : i32 to index
    %swap3A_31 = arith.constant 0 : index
    %swap3A_32 = tpu.vector_load %arg11[%swap3A_30, %swap3A_31] {strides = array<i32>} : memref<8x128xf32, #tpu.memory_space<vmem>>, vector<1x16xf32>,
    %swap3A_33 = vector.shape_cast %swap3A_32 : vector<1x16xf32> to vector<16xf32>
    %swap3A_34 = vector.shape_cast %broadcast_in_dim3A_29 : vector<16xf32> to vector<1x16xf32>
    tpu.vector_store %arg11[%swap3A_30, %swap3A_31], %swap3A_34 {strides = array<i32>} : memref<8x128xf32, #tpu.memory_space<vmem>>, vector<1x16xf32>,
    %broadcast_in_dim3A_35 = arith.constant 0.000000e+00 : f32
    %broadcast_in_dim3A_36 = vector.broadcast %broadcast_in_dim3A_35 : f32 to vector<16xf32>
    %swap3A_37 = arith.constant 0 : i32
    %swap3A_38 = arith.index_cast %swap3A_37 : i32 to index
    %swap3A_39 = arith.constant 16 : index
    %swap3A_40 = tpu.vector_load %arg11[%swap3A_38, %swap3A_39] {strides = array<i32>} : memref<8x128xf32, #tpu.memory_space<vmem>>, vector<1x16xf32>,
    %swap3A_41 = vector.shape_cast %swap3A_40 : vector<1x16xf32> to vector<16xf32>
    %swap3A_42 = vector.shape_cast %broadcast_in_dim3A_36 : vector<16xf32> to vector<1x16xf32>
    tpu.vector_store %arg11[%swap3A_38, %swap3A_39], %swap3A_42 {strides = array<i32>} : memref<8x128xf32, #tpu.memory_space<vmem>>, vector<1x16xf32>,
    %broadcast_in_dim3A_43 = arith.constant 0.000000e+00 : f32
    %broadcast_in_dim3A_44 = vector.broadcast %broadcast_in_dim3A_43 : f32 to vector<16xf32>
    %swap3A_45 = arith.constant 0 : i32
    %swap3A_46 = arith.index_cast %swap3A_45 : i32 to index
    %swap3A_47 = arith.constant 32 : index
    %swap3A_48 = tpu.vector_load %arg11[%swap3A_46, %swap3A_47] {strides = array<i32>} : memref<8x128xf32, #tpu.memory_space<vmem>>, vector<1x16xf32>,
    %swap3A_49 = vector.shape_cast %swap3A_48 : vector<1x16xf32> to vector<16xf32>
    %swap3A_50 = vector.shape_cast %broadcast_in_dim3A_44 : vector<16xf32> to vector<1x16xf32>
    tpu.vector_store %arg11[%swap3A_46, %swap3A_47], %swap3A_50 {strides = array<i32>} : memref<8x128xf32, #tpu.memory_space<vmem>>, vector<1x16xf32>,
    %broadcast_in_dim3A_51 = arith.constant 0.000000e+00 : f32
    %broadcast_in_dim3A_52 = vector.broadcast %broadcast_in_dim3A_51 : f32 to vector<16xf32>
    %swap3A_53 = arith.constant 0 : i32
    %swap3A_54 = arith.index_cast %swap3A_53 : i32 to index
    %swap3A_55 = arith.constant 48 : index
    %swap3A_56 = tpu.vector_load %arg11[%swap3A_54, %swap3A_55] {strides = array<i32>} : memref<8x128xf32, #tpu.memory_space<vmem>>, vector<1x16xf32>,
    %swap3A_57 = vector.shape_cast %swap3A_56 : vector<1x16xf32> to vector<16xf32>
    %swap3A_58 = vector.shape_cast %broadcast_in_dim3A_52 : vector<16xf32> to vector<1x16xf32>
    tpu.vector_store %arg11[%swap3A_54, %swap3A_55], %swap3A_58 {strides = array<i32>} : memref<8x128xf32, #tpu.memory_space<vmem>>, vector<1x16xf32>,
    %broadcast_in_dim3A_59 = arith.constant 0.000000e+00 : f32
    %broadcast_in_dim3A_60 = vector.broadcast %broadcast_in_dim3A_59 : f32 to vector<16xf32>
    %swap3A_61 = arith.constant 0 : i32
    %swap3A_62 = arith.index_cast %swap3A_61 : i32 to index
    %swap3A_63 = arith.constant 64 : index
    %swap3A_64 = tpu.vector_load %arg11[%swap3A_62, %swap3A_63] {strides = array<i32>} : memref<8x128xf32, #tpu.memory_space<vmem>>, vector<1x16xf32>,
    %swap3A_65 = vector.shape_cast %swap3A_64 : vector<1x16xf32> to vector<16xf32>
    %swap3A_66 = vector.shape_cast %broadcast_in_dim3A_60 : vector<16xf32> to vector<1x16xf32>
    tpu.vector_store %arg11[%swap3A_62, %swap3A_63], %swap3A_66 {strides = array<i32>} : memref<8x128xf32, #tpu.memory_space<vmem>>, vector<1x16xf32>,
    %broadcast_in_dim3A_67 = arith.constant 0.000000e+00 : f32
    %broadcast_in_dim3A_68 = vector.broadcast %broadcast_in_dim3A_67 : f32 to vector<16xf32>
    %swap3A_69 = arith.constant 0 : i32
    %swap3A_70 = arith.index_cast %swap3A_69 : i32 to index
    %swap3A_71 = arith.constant 80 : index
    %swap3A_72 = tpu.vector_load %arg11[%swap3A_70, %swap3A_71] {strides = array<i32>} : memref<8x128xf32, #tpu.memory_space<vmem>>, vector<1x16xf32>,
    %swap3A_73 = vector.shape_cast %swap3A_72 : vector<1x16xf32> to vector<16xf32>
    %swap3A_74 = vector.shape_cast %broadcast_in_dim3A_68 : vector<16xf32> to vector<1x16xf32>
    tpu.vector_store %arg11[%swap3A_70, %swap3A_71], %swap3A_74 {strides = array<i32>} : memref<8x128xf32, #tpu.memory_space<vmem>>, vector<1x16xf32>,
    %broadcast_in_dim3A_75 = arith.constant 0.000000e+00 : f32
    %broadcast_in_dim3A_76 = vector.broadcast %broadcast_in_dim3A_75 : f32 to vector<16xf32>
    %swap3A_77 = arith.constant 0 : i32
    %swap3A_78 = arith.index_cast %swap3A_77 : i32 to index
    %swap3A_79 = arith.constant 96 : index
    %swap3A_80 = tpu.vector_load %arg11[%swap3A_78, %swap3A_79] {strides = array<i32>} : memref<8x128xf32, #tpu.memory_space<vmem>>, vector<1x16xf32>,
    %swap3A_81 = vector.shape_cast %swap3A_80 : vector<1x16xf32> to vector<16xf32>
    %swap3A_82 = vector.shape_cast %broadcast_in_dim3A_76 : vector<16xf32> to vector<1x16xf32>
    tpu.vector_store %arg11[%swap3A_78, %swap3A_79], %swap3A_82 {strides = array<i32>} : memref<8x128xf32, #tpu.memory_space<vmem>>, vector<1x16xf32>,
    %broadcast_in_dim3A_83 = arith.constant 0.000000e+00 : f32
    %broadcast_in_dim3A_84 = vector.broadcast %broadcast_in_dim3A_83 : f32 to vector<16xf32>
    %swap3A_85 = arith.constant 0 : i32
    %swap3A_86 = arith.index_cast %swap3A_85 : i32 to index
    %swap3A_87 = arith.constant 112 : index
    %swap3A_88 = tpu.vector_load %arg11[%swap3A_86, %swap3A_87] {strides = array<i32>} : memref<8x128xf32, #tpu.memory_space<vmem>>, vector<1x16xf32>,
    %swap3A_89 = vector.shape_cast %swap3A_88 : vector<1x16xf32> to vector<16xf32>
    %swap3A_90 = vector.shape_cast %broadcast_in_dim3A_84 : vector<16xf32> to vector<1x16xf32>
    tpu.vector_store %arg11[%swap3A_86, %swap3A_87], %swap3A_90 {strides = array<i32>} : memref<8x128xf32, #tpu.memory_space<vmem>>, vector<1x16xf32>,
    %broadcast_in_dim3A_91 = arith.constant 0.000000e+00 : f32
    %broadcast_in_dim3A_92 = vector.broadcast %broadcast_in_dim3A_91 : f32 to vector<16xf32>
    %swap3A_93 = arith.constant 1 : i32
    %swap3A_94 = arith.index_cast %swap3A_93 : i32 to index
    %swap3A_95 = arith.constant 0 : index
    %swap3A_96 = tpu.vector_load %arg11[%swap3A_94, %swap3A_95] {strides = array<i32>} : memref<8x128xf32, #tpu.memory_space<vmem>>, vector<1x16xf32>,
    %swap3A_97 = vector.shape_cast %swap3A_96 : vector<1x16xf32> to vector<16xf32>
    %swap3A_98 = vector.shape_cast %broadcast_in_dim3A_92 : vector<16xf32> to vector<1x16xf32>
    tpu.vector_store %arg11[%swap3A_94, %swap3A_95], %swap3A_98 {strides = array<i32>} : memref<8x128xf32, #tpu.memory_space<vmem>>, vector<1x16xf32>,
    %broadcast_in_dim3A_99 = arith.constant 0.000000e+00 : f32
    %broadcast_in_dim3A_100 = vector.broadcast %broadcast_in_dim3A_99 : f32 to vector<16xf32>
    %swap3A_101 = arith.constant 1 : i32
    %swap3A_102 = arith.index_cast %swap3A_101 : i32 to index
    %swap3A_103 = arith.constant 16 : index
    %swap3A_104 = tpu.vector_load %arg11[%swap3A_102, %swap3A_103] {strides = array<i32>} : memref<8x128xf32, #tpu.memory_space<vmem>>, vector<1x16xf32>,
    %swap3A_105 = vector.shape_cast %swap3A_104 : vector<1x16xf32> to vector<16xf32>
    %swap3A_106 = vector.shape_cast %broadcast_in_dim3A_100 : vector<16xf32> to vector<1x16xf32>
    tpu.vector_store %arg11[%swap3A_102, %swap3A_103], %swap3A_106 {strides = array<i32>} : memref<8x128xf32, #tpu.memory_space<vmem>>, vector<1x16xf32>,
    %broadcast_in_dim3A_107 = arith.constant 0.000000e+00 : f32
    %broadcast_in_dim3A_108 = vector.broadcast %broadcast_in_dim3A_107 : f32 to vector<16xf32>
    %swap3A_109 = arith.constant 1 : i32
    %swap3A_110 = arith.index_cast %swap3A_109 : i32 to index
    %swap3A_111 = arith.constant 32 : index
    %swap3A_112 = tpu.vector_load %arg11[%swap3A_110, %swap3A_111] {strides = array<i32>} : memref<8x128xf32, #tpu.memory_space<vmem>>, vector<1x16xf32>,
    %swap3A_113 = vector.shape_cast %swap3A_112 : vector<1x16xf32> to vector<16xf32>
    %swap3A_114 = vector.shape_cast %broadcast_in_dim3A_108 : vector<16xf32> to vector<1x16xf32>
    tpu.vector_store %arg11[%swap3A_110, %swap3A_111], %swap3A_114 {strides = array<i32>} : memref<8x128xf32, #tpu.memory_space<vmem>>, vector<1x16xf32>,
    %broadcast_in_dim3A_115 = arith.constant 0.000000e+00 : f32
    %broadcast_in_dim3A_116 = vector.broadcast %broadcast_in_dim3A_115 : f32 to vector<16xf32>
    %swap3A_117 = arith.constant 1 : i32
    %swap3A_118 = arith.index_cast %swap3A_117 : i32 to index
    %swap3A_119 = arith.constant 48 : index
    %swap3A_120 = tpu.vector_load %arg11[%swap3A_118, %swap3A_119] {strides = array<i32>} : memref<8x128xf32, #tpu.memory_space<vmem>>, vector<1x16xf32>,
    %swap3A_121 = vector.shape_cast %swap3A_120 : vector<1x16xf32> to vector<16xf32>
    %swap3A_122 = vector.shape_cast %broadcast_in_dim3A_116 : vector<16xf32> to vector<1x16xf32>
    tpu.vector_store %arg11[%swap3A_118, %swap3A_119], %swap3A_122 {strides = array<i32>} : memref<8x128xf32, #tpu.memory_space<vmem>>, vector<1x16xf32>,
    %broadcast_in_dim3A_123 = arith.constant 0.000000e+00 : f32
    %broadcast_in_dim3A_124 = vector.broadcast %broadcast_in_dim3A_123 : f32 to vector<16xf32>
    %swap3A_125 = arith.constant 1 : i32
    %swap3A_126 = arith.index_cast %swap3A_125 : i32 to index
    %swap3A_127 = arith.constant 64 : index
    %swap3A_128 = tpu.vector_load %arg11[%swap3A_126, %swap3A_127] {strides = array<i32>} : memref<8x128xf32, #tpu.memory_space<vmem>>, vector<1x16xf32>,
    %swap3A_129 = vector.shape_cast %swap3A_128 : vector<1x16xf32> to vector<16xf32>
    %swap3A_130 = vector.shape_cast %broadcast_in_dim3A_124 : vector<16xf32> to vector<1x16xf32>
    tpu.vector_store %arg11[%swap3A_126, %swap3A_127], %swap3A_130 {strides = array<i32>} : memref<8x128xf32, #tpu.memory_space<vmem>>, vector<1x16xf32>,
    %broadcast_in_dim3A_131 = arith.constant 0.000000e+00 : f32
    %broadcast_in_dim3A_132 = vector.broadcast %broadcast_in_dim3A_131 : f32 to vector<16xf32>
    %swap3A_133 = arith.constant 1 : i32
    %swap3A_134 = arith.index_cast %swap3A_133 : i32 to index
    %swap3A_135 = arith.constant 80 : index
    %swap3A_136 = tpu.vector_load %arg11[%swap3A_134, %swap3A_135] {strides = array<i32>} : memref<8x128xf32, #tpu.memory_space<vmem>>, vector<1x16xf32>,
    %swap3A_137 = vector.shape_cast %swap3A_136 : vector<1x16xf32> to vector<16xf32>
    %swap3A_138 = vector.shape_cast %broadcast_in_dim3A_132 : vector<16xf32> to vector<1x16xf32>
    tpu.vector_store %arg11[%swap3A_134, %swap3A_135], %swap3A_138 {strides = array<i32>} : memref<8x128xf32, #tpu.memory_space<vmem>>, vector<1x16xf32>,
    %broadcast_in_dim3A_139 = arith.constant 0.000000e+00 : f32
    %broadcast_in_dim3A_140 = vector.broadcast %broadcast_in_dim3A_139 : f32 to vector<16xf32>
    %swap3A_141 = arith.constant 1 : i32
    %swap3A_142 = arith.index_cast %swap3A_141 : i32 to index
    %swap3A_143 = arith.constant 96 : index
    %swap3A_144 = tpu.vector_load %arg11[%swap3A_142, %swap3A_143] {strides = array<i32>} : memref<8x128xf32, #tpu.memory_space<vmem>>, vector<1x16xf32>,
    %swap3A_145 = vector.shape_cast %swap3A_144 : vector<1x16xf32> to vector<16xf32>
    %swap3A_146 = vector.shape_cast %broadcast_in_dim3A_140 : vector<16xf32> to vector<1x16xf32>
    tpu.vector_store %arg11[%swap3A_142, %swap3A_143], %swap3A_146 {strides = array<i32>} : memref<8x128xf32, #tpu.memory_space<vmem>>, vector<1x16xf32>,
    %broadcast_in_dim3A_147 = arith.constant 0.000000e+00 : f32
    %broadcast_in_dim3A_148 = vector.broadcast %broadcast_in_dim3A_147 : f32 to vector<16xf32>
    %swap3A_149 = arith.constant 1 : i32
    %swap3A_150 = arith.index_cast %swap3A_149 : i32 to index
    %swap3A_151 = arith.constant 112 : index
    %swap3A_152 = tpu.vector_load %arg11[%swap3A_150, %swap3A_151] {strides = array<i32>} : memref<8x128xf32, #tpu.memory_space<vmem>>, vector<1x16xf32>,
    %swap3A_153 = vector.shape_cast %swap3A_152 : vector<1x16xf32> to vector<16xf32>
    %swap3A_154 = vector.shape_cast %broadcast_in_dim3A_148 : vector<16xf32> to vector<1x16xf32>
    tpu.vector_store %arg11[%swap3A_150, %swap3A_151], %swap3A_154 {strides = array<i32>} : memref<8x128xf32, #tpu.memory_space<vmem>>, vector<1x16xf32>,
    %broadcast_in_dim3A_155 = arith.constant 0.000000e+00 : f32
    %broadcast_in_dim3A_156 = vector.broadcast %broadcast_in_dim3A_155 : f32 to vector<16xf32>
    %swap3A_157 = arith.constant 2 : i32
    %swap3A_158 = arith.index_cast %swap3A_157 : i32 to index
    %swap3A_159 = arith.constant 0 : index
    %swap3A_160 = tpu.vector_load %arg11[%swap3A_158, %swap3A_159] {strides = array<i32>} : memref<8x128xf32, #tpu.memory_space<vmem>>, vector<1x16xf32>,
    %swap3A_161 = vector.shape_cast %swap3A_160 : vector<1x16xf32> to vector<16xf32>
    %swap3A_162 = vector.shape_cast %broadcast_in_dim3A_156 : vector<16xf32> to vector<1x16xf32>
    tpu.vector_store %arg11[%swap3A_158, %swap3A_159], %swap3A_162 {strides = array<i32>} : memref<8x128xf32, #tpu.memory_space<vmem>>, vector<1x16xf32>,
    %broadcast_in_dim3A_163 = arith.constant 0.000000e+00 : f32
    %broadcast_in_dim3A_164 = vector.broadcast %broadcast_in_dim3A_163 : f32 to vector<16xf32>
    %swap3A_165 = arith.constant 2 : i32
    %swap3A_166 = arith.index_cast %swap3A_165 : i32 to index
    %swap3A_167 = arith.constant 16 : index
    %swap3A_168 = tpu.vector_load %arg11[%swap3A_166, %swap3A_167] {strides = array<i32>} : memref<8x128xf32, #tpu.memory_space<vmem>>, vector<1x16xf32>,
    %swap3A_169 = vector.shape_cast %swap3A_168 : vector<1x16xf32> to vector<16xf32>
    %swap3A_170 = vector.shape_cast %broadcast_in_dim3A_164 : vector<16xf32> to vector<1x16xf32>
    tpu.vector_store %arg11[%swap3A_166, %swap3A_167], %swap3A_170 {strides = array<i32>} : memref<8x128xf32, #tpu.memory_space<vmem>>, vector<1x16xf32>,
    %broadcast_in_dim3A_171 = arith.constant 0.000000e+00 : f32
    %broadcast_in_dim3A_172 = vector.broadcast %broadcast_in_dim3A_171 : f32 to vector<16xf32>
    %swap3A_173 = arith.constant 2 : i32
    %swap3A_174 = arith.index_cast %swap3A_173 : i32 to index
    %swap3A_175 = arith.constant 32 : index
    %swap3A_176 = tpu.vector_load %arg11[%swap3A_174, %swap3A_175] {strides = array<i32>} : memref<8x128xf32, #tpu.memory_space<vmem>>, vector<1x16xf32>,
    %swap3A_177 = vector.shape_cast %swap3A_176 : vector<1x16xf32> to vector<16xf32>
    %swap3A_178 = vector.shape_cast %broadcast_in_dim3A_172 : vector<16xf32> to vector<1x16xf32>
    tpu.vector_store %arg11[%swap3A_174, %swap3A_175], %swap3A_178 {strides = array<i32>} : memref<8x128xf32, #tpu.memory_space<vmem>>, vector<1x16xf32>,
    %broadcast_in_dim3A_179 = arith.constant 0.000000e+00 : f32
    %broadcast_in_dim3A_180 = vector.broadcast %broadcast_in_dim3A_179 : f32 to vector<16xf32>
    %swap3A_181 = arith.constant 2 : i32
    %swap3A_182 = arith.index_cast %swap3A_181 : i32 to index
    %swap3A_183 = arith.constant 48 : index
    %swap3A_184 = tpu.vector_load %arg11[%swap3A_182, %swap3A_183] {strides = array<i32>} : memref<8x128xf32, #tpu.memory_space<vmem>>, vector<1x16xf32>,
    %swap3A_185 = vector.shape_cast %swap3A_184 : vector<1x16xf32> to vector<16xf32>
    %swap3A_186 = vector.shape_cast %broadcast_in_dim3A_180 : vector<16xf32> to vector<1x16xf32>
    tpu.vector_store %arg11[%swap3A_182, %swap3A_183], %swap3A_186 {strides = array<i32>} : memref<8x128xf32, #tpu.memory_space<vmem>>, vector<1x16xf32>,
    %broadcast_in_dim3A_187 = arith.constant 0.000000e+00 : f32
    %broadcast_in_dim3A_188 = vector.broadcast %broadcast_in_dim3A_187 : f32 to vector<16xf32>
    %swap3A_189 = arith.constant 2 : i32
    %swap3A_190 = arith.index_cast %swap3A_189 : i32 to index
    %swap3A_191 = arith.constant 64 : index
    %swap3A_192 = tpu.vector_load %arg11[%swap3A_190, %swap3A_191] {strides = array<i32>} : memref<8x128xf32, #tpu.memory_space<vmem>>, vector<1x16xf32>,
    %swap3A_193 = vector.shape_cast %swap3A_192 : vector<1x16xf32> to vector<16xf32>
    %swap3A_194 = vector.shape_cast %broadcast_in_dim3A_188 : vector<16xf32> to vector<1x16xf32>
    tpu.vector_store %arg11[%swap3A_190, %swap3A_191], %swap3A_194 {strides = array<i32>} : memref<8x128xf32, #tpu.memory_space<vmem>>, vector<1x16xf32>,
    %broadcast_in_dim3A_195 = arith.constant 0.000000e+00 : f32
    %broadcast_in_dim3A_196 = vector.broadcast %broadcast_in_dim3A_195 : f32 to vector<16xf32>
    %swap3A_197 = arith.constant 2 : i32
    %swap3A_198 = arith.index_cast %swap3A_197 : i32 to index
    %swap3A_199 = arith.constant 80 : index
    %swap3A_200 = tpu.vector_load %arg11[%swap3A_198, %swap3A_199] {strides = array<i32>} : memref<8x128xf32, #tpu.memory_space<vmem>>, vector<1x16xf32>,
    %swap3A_201 = vector.shape_cast %swap3A_200 : vector<1x16xf32> to vector<16xf32>
    %swap3A_202 = vector.shape_cast %broadcast_in_dim3A_196 : vector<16xf32> to vector<1x16xf32>
    tpu.vector_store %arg11[%swap3A_198, %swap3A_199], %swap3A_202 {strides = array<i32>} : memref<8x128xf32, #tpu.memory_space<vmem>>, vector<1x16xf32>,
    %broadcast_in_dim3A_203 = arith.constant 0.000000e+00 : f32
    %broadcast_in_dim3A_204 = vector.broadcast %broadcast_in_dim3A_203 : f32 to vector<16xf32>
    %swap3A_205 = arith.constant 2 : i32
    %swap3A_206 = arith.index_cast %swap3A_205 : i32 to index
    %swap3A_207 = arith.constant 96 : index
    %swap3A_208 = tpu.vector_load %arg11[%swap3A_206, %swap3A_207] {strides = array<i32>} : memref<8x128xf32, #tpu.memory_space<vmem>>, vector<1x16xf32>,
    %swap3A_209 = vector.shape_cast %swap3A_208 : vector<1x16xf32> to vector<16xf32>
    %swap3A_210 = vector.shape_cast %broadcast_in_dim3A_204 : vector<16xf32> to vector<1x16xf32>
    tpu.vector_store %arg11[%swap3A_206, %swap3A_207], %swap3A_210 {strides = array<i32>} : memref<8x128xf32, #tpu.memory_space<vmem>>, vector<1x16xf32>,
    %broadcast_in_dim3A_211 = arith.constant 0.000000e+00 : f32
    %broadcast_in_dim3A_212 = vector.broadcast %broadcast_in_dim3A_211 : f32 to vector<16xf32>
    %swap3A_213 = arith.constant 2 : i32
    %swap3A_214 = arith.index_cast %swap3A_213 : i32 to index
    %swap3A_215 = arith.constant 112 : index
    %swap3A_216 = tpu.vector_load %arg11[%swap3A_214, %swap3A_215] {strides = array<i32>} : memref<8x128xf32, #tpu.memory_space<vmem>>, vector<1x16xf32>,
    %swap3A_217 = vector.shape_cast %swap3A_216 : vector<1x16xf32> to vector<16xf32>
    %swap3A_218 = vector.shape_cast %broadcast_in_dim3A_212 : vector<16xf32> to vector<1x16xf32>
    tpu.vector_store %arg11[%swap3A_214, %swap3A_215], %swap3A_218 {strides = array<i32>} : memref<8x128xf32, #tpu.memory_space<vmem>>, vector<1x16xf32>,
    %broadcast_in_dim3A_219 = arith.constant 0.000000e+00 : f32
    %broadcast_in_dim3A_220 = vector.broadcast %broadcast_in_dim3A_219 : f32 to vector<16xf32>
    %swap3A_221 = arith.constant 3 : i32
    %swap3A_222 = arith.index_cast %swap3A_221 : i32 to index
    %swap3A_223 = arith.constant 0 : index
    %swap3A_224 = tpu.vector_load %arg11[%swap3A_222, %swap3A_223] {strides = array<i32>} : memref<8x128xf32, #tpu.memory_space<vmem>>, vector<1x16xf32>,
    %swap3A_225 = vector.shape_cast %swap3A_224 : vector<1x16xf32> to vector<16xf32>
    %swap3A_226 = vector.shape_cast %broadcast_in_dim3A_220 : vector<16xf32> to vector<1x16xf32>
    tpu.vector_store %arg11[%swap3A_222, %swap3A_223], %swap3A_226 {strides = array<i32>} : memref<8x128xf32, #tpu.memory_space<vmem>>, vector<1x16xf32>,
    %broadcast_in_dim3A_227 = arith.constant 0.000000e+00 : f32
    %broadcast_in_dim3A_228 = vector.broadcast %broadcast_in_dim3A_227 : f32 to vector<16xf32>
    %swap3A_229 = arith.constant 3 : i32
    %swap3A_230 = arith.index_cast %swap3A_229 : i32 to index
    %swap3A_231 = arith.constant 16 : index
    %swap3A_232 = tpu.vector_load %arg11[%swap3A_230, %swap3A_231] {strides = array<i32>} : memref<8x128xf32, #tpu.memory_space<vmem>>, vector<1x16xf32>,
    %swap3A_233 = vector.shape_cast %swap3A_232 : vector<1x16xf32> to vector<16xf32>
    %swap3A_234 = vector.shape_cast %broadcast_in_dim3A_228 : vector<16xf32> to vector<1x16xf32>
    tpu.vector_store %arg11[%swap3A_230, %swap3A_231], %swap3A_234 {strides = array<i32>} : memref<8x128xf32, #tpu.memory_space<vmem>>, vector<1x16xf32>,
    %broadcast_in_dim3A_235 = arith.constant 0.000000e+00 : f32
    %broadcast_in_dim3A_236 = vector.broadcast %broadcast_in_dim3A_235 : f32 to vector<16xf32>
    %swap3A_237 = arith.constant 3 : i32
    %swap3A_238 = arith.index_cast %swap3A_237 : i32 to index
    %swap3A_239 = arith.constant 32 : index
    %swap3A_240 = tpu.vector_load %arg11[%swap3A_238, %swap3A_239] {strides = array<i32>} : memref<8x128xf32, #tpu.memory_space<vmem>>, vector<1x16xf32>,
    %swap3A_241 = vector.shape_cast %swap3A_240 : vector<1x16xf32> to vector<16xf32>
    %swap3A_242 = vector.shape_cast %broadcast_in_dim3A_236 : vector<16xf32> to vector<1x16xf32>
    tpu.vector_store %arg11[%swap3A_238, %swap3A_239], %swap3A_242 {strides = array<i32>} : memref<8x128xf32, #tpu.memory_space<vmem>>, vector<1x16xf32>,
    %broadcast_in_dim3A_243 = arith.constant 0.000000e+00 : f32
    %broadcast_in_dim3A_244 = vector.broadcast %broadcast_in_dim3A_243 : f32 to vector<16xf32>
    %swap3A_245 = arith.constant 3 : i32
    %swap3A_246 = arith.index_cast %swap3A_245 : i32 to index
    %swap3A_247 = arith.constant 48 : index
    %swap3A_248 = tpu.vector_load %arg11[%swap3A_246, %swap3A_247] {strides = array<i32>} : memref<8x128xf32, #tpu.memory_space<vmem>>, vector<1x16xf32>,
    %swap3A_249 = vector.shape_cast %swap3A_248 : vector<1x16xf32> to vector<16xf32>
    %swap3A_250 = vector.shape_cast %broadcast_in_dim3A_244 : vector<16xf32> to vector<1x16xf32>
    tpu.vector_store %arg11[%swap3A_246, %swap3A_247], %swap3A_250 {strides = array<i32>} : memref<8x128xf32, #tpu.memory_space<vmem>>, vector<1x16xf32>,
    %broadcast_in_dim3A_251 = arith.constant 0.000000e+00 : f32
    %broadcast_in_dim3A_252 = vector.broadcast %broadcast_in_dim3A_251 : f32 to vector<16xf32>
    %swap3A_253 = arith.constant 3 : i32
    %swap3A_254 = arith.index_cast %swap3A_253 : i32 to index
    %swap3A_255 = arith.constant 64 : index
    %swap3A_256 = tpu.vector_load %arg11[%swap3A_254, %swap3A_255] {strides = array<i32>} : memref<8x128xf32, #tpu.memory_space<vmem>>, vector<1x16xf32>,
    %swap3A_257 = vector.shape_cast %swap3A_256 : vector<1x16xf32> to vector<16xf32>
    %swap3A_258 = vector.shape_cast %broadcast_in_dim3A_252 : vector<16xf32> to vector<1x16xf32>
    tpu.vector_store %arg11[%swap3A_254, %swap3A_255], %swap3A_258 {strides = array<i32>} : memref<8x128xf32, #tpu.memory_space<vmem>>, vector<1x16xf32>,
    %broadcast_in_dim3A_259 = arith.constant 0.000000e+00 : f32
    %broadcast_in_dim3A_260 = vector.broadcast %broadcast_in_dim3A_259 : f32 to vector<16xf32>
    %swap3A_261 = arith.constant 3 : i32
    %swap3A_262 = arith.index_cast %swap3A_261 : i32 to index
    %swap3A_263 = arith.constant 80 : index
    %swap3A_264 = tpu.vector_load %arg11[%swap3A_262, %swap3A_263] {strides = array<i32>} : memref<8x128xf32, #tpu.memory_space<vmem>>, vector<1x16xf32>,
    %swap3A_265 = vector.shape_cast %swap3A_264 : vector<1x16xf32> to vector<16xf32>
    %swap3A_266 = vector.shape_cast %broadcast_in_dim3A_260 : vector<16xf32> to vector<1x16xf32>
    tpu.vector_store %arg11[%swap3A_262, %swap3A_263], %swap3A_266 {strides = array<i32>} : memref<8x128xf32, #tpu.memory_space<vmem>>, vector<1x16xf32>,
    %broadcast_in_dim3A_267 = arith.constant 0.000000e+00 : f32
    %broadcast_in_dim3A_268 = vector.broadcast %broadcast_in_dim3A_267 : f32 to vector<16xf32>
    %swap3A_269 = arith.constant 3 : i32
    %swap3A_270 = arith.index_cast %swap3A_269 : i32 to index
    %swap3A_271 = arith.constant 96 : index
    %swap3A_272 = tpu.vector_load %arg11[%swap3A_270, %swap3A_271] {strides = array<i32>} : memref<8x128xf32, #tpu.memory_space<vmem>>, vector<1x16xf32>,
    %swap3A_273 = vector.shape_cast %swap3A_272 : vector<1x16xf32> to vector<16xf32>
    %swap3A_274 = vector.shape_cast %broadcast_in_dim3A_268 : vector<16xf32> to vector<1x16xf32>
    tpu.vector_store %arg11[%swap3A_270, %swap3A_271], %swap3A_274 {strides = array<i32>} : memref<8x128xf32, #tpu.memory_space<vmem>>, vector<1x16xf32>,
    %broadcast_in_dim3A_275 = arith.constant 0.000000e+00 : f32
    %broadcast_in_dim3A_276 = vector.broadcast %broadcast_in_dim3A_275 : f32 to vector<16xf32>
    %swap3A_277 = arith.constant 3 : i32
    %swap3A_278 = arith.index_cast %swap3A_277 : i32 to index
    %swap3A_279 = arith.constant 112 : index
    %swap3A_280 = tpu.vector_load %arg11[%swap3A_278, %swap3A_279] {strides = array<i32>} : memref<8x128xf32, #tpu.memory_space<vmem>>, vector<1x16xf32>,
    %swap3A_281 = vector.shape_cast %swap3A_280 : vector<1x16xf32> to vector<16xf32>
    %swap3A_282 = vector.shape_cast %broadcast_in_dim3A_276 : vector<16xf32> to vector<1x16xf32>
    tpu.vector_store %arg11[%swap3A_278, %swap3A_279], %swap3A_282 {strides = array<i32>} : memref<8x128xf32, #tpu.memory_space<vmem>>, vector<1x16xf32>,
    %broadcast_in_dim3A_283 = arith.constant 0.000000e+00 : f32
    %broadcast_in_dim3A_284 = vector.broadcast %broadcast_in_dim3A_283 : f32 to vector<16xf32>
    %swap3A_285 = arith.constant 4 : i32
    %swap3A_286 = arith.index_cast %swap3A_285 : i32 to index
    %swap3A_287 = arith.constant 0 : index
    %swap3A_288 = tpu.vector_load %arg11[%swap3A_286, %swap3A_287] {strides = array<i32>} : memref<8x128xf32, #tpu.memory_space<vmem>>, vector<1x16xf32>,
    %swap3A_289 = vector.shape_cast %swap3A_288 : vector<1x16xf32> to vector<16xf32>
    %swap3A_290 = vector.shape_cast %broadcast_in_dim3A_284 : vector<16xf32> to vector<1x16xf32>
    tpu.vector_store %arg11[%swap3A_286, %swap3A_287], %swap3A_290 {strides = array<i32>} : memref<8x128xf32, #tpu.memory_space<vmem>>, vector<1x16xf32>,
    %broadcast_in_dim3A_291 = arith.constant 0.000000e+00 : f32
    %broadcast_in_dim3A_292 = vector.broadcast %broadcast_in_dim3A_291 : f32 to vector<16xf32>
    %swap3A_293 = arith.constant 4 : i32
    %swap3A_294 = arith.index_cast %swap3A_293 : i32 to index
    %swap3A_295 = arith.constant 16 : index
    %swap3A_296 = tpu.vector_load %arg11[%swap3A_294, %swap3A_295] {strides = array<i32>} : memref<8x128xf32, #tpu.memory_space<vmem>>, vector<1x16xf32>,
    %swap3A_297 = vector.shape_cast %swap3A_296 : vector<1x16xf32> to vector<16xf32>
    %swap3A_298 = vector.shape_cast %broadcast_in_dim3A_292 : vector<16xf32> to vector<1x16xf32>
    tpu.vector_store %arg11[%swap3A_294, %swap3A_295], %swap3A_298 {strides = array<i32>} : memref<8x128xf32, #tpu.memory_space<vmem>>, vector<1x16xf32>,
    %broadcast_in_dim3A_299 = arith.constant 0.000000e+00 : f32
    %broadcast_in_dim3A_300 = vector.broadcast %broadcast_in_dim3A_299 : f32 to vector<16xf32>
    %swap3A_301 = arith.constant 4 : i32
    %swap3A_302 = arith.index_cast %swap3A_301 : i32 to index
    %swap3A_303 = arith.constant 32 : index
    %swap3A_304 = tpu.vector_load %arg11[%swap3A_302, %swap3A_303] {strides = array<i32>} : memref<8x128xf32, #tpu.memory_space<vmem>>, vector<1x16xf32>,
    %swap3A_305 = vector.shape_cast %swap3A_304 : vector<1x16xf32> to vector<16xf32>
    %swap3A_306 = vector.shape_cast %broadcast_in_dim3A_300 : vector<16xf32> to vector<1x16xf32>
    tpu.vector_store %arg11[%swap3A_302, %swap3A_303], %swap3A_306 {strides = array<i32>} : memref<8x128xf32, #tpu.memory_space<vmem>>, vector<1x16xf32>,
    %broadcast_in_dim3A_307 = arith.constant 0.000000e+00 : f32
    %broadcast_in_dim3A_308 = vector.broadcast %broadcast_in_dim3A_307 : f32 to vector<16xf32>
    %swap3A_309 = arith.constant 4 : i32
    %swap3A_310 = arith.index_cast %swap3A_309 : i32 to index
    %swap3A_311 = arith.constant 48 : index
    %swap3A_312 = tpu.vector_load %arg11[%swap3A_310, %swap3A_311] {strides = array<i32>} : memref<8x128xf32, #tpu.memory_space<vmem>>, vector<1x16xf32>,
    %swap3A_313 = vector.shape_cast %swap3A_312 : vector<1x16xf32> to vector<16xf32>
    %swap3A_314 = vector.shape_cast %broadcast_in_dim3A_308 : vector<16xf32> to vector<1x16xf32>
    tpu.vector_store %arg11[%swap3A_310, %swap3A_311], %swap3A_314 {strides = array<i32>} : memref<8x128xf32, #tpu.memory_space<vmem>>, vector<1x16xf32>,
    %broadcast_in_dim3A_315 = arith.constant 0.000000e+00 : f32
    %broadcast_in_dim3A_316 = vector.broadcast %broadcast_in_dim3A_315 : f32 to vector<16xf32>
    %swap3A_317 = arith.constant 4 : i32
    %swap3A_318 = arith.index_cast %swap3A_317 : i32 to index
    %swap3A_319 = arith.constant 64 : index
    %swap3A_320 = tpu.vector_load %arg11[%swap3A_318, %swap3A_319] {strides = array<i32>} : memref<8x128xf32, #tpu.memory_space<vmem>>, vector<1x16xf32>,
    %swap3A_321 = vector.shape_cast %swap3A_320 : vector<1x16xf32> to vector<16xf32>
    %swap3A_322 = vector.shape_cast %broadcast_in_dim3A_316 : vector<16xf32> to vector<1x16xf32>
    tpu.vector_store %arg11[%swap3A_318, %swap3A_319], %swap3A_322 {strides = array<i32>} : memref<8x128xf32, #tpu.memory_space<vmem>>, vector<1x16xf32>,
    %broadcast_in_dim3A_323 = arith.constant 0.000000e+00 : f32
    %broadcast_in_dim3A_324 = vector.broadcast %broadcast_in_dim3A_323 : f32 to vector<16xf32>
    %swap3A_325 = arith.constant 4 : i32
    %swap3A_326 = arith.index_cast %swap3A_325 : i32 to index
    %swap3A_327 = arith.constant 80 : index
    %swap3A_328 = tpu.vector_load %arg11[%swap3A_326, %swap3A_327] {strides = array<i32>} : memref<8x128xf32, #tpu.memory_space<vmem>>, vector<1x16xf32>,
    %swap3A_329 = vector.shape_cast %swap3A_328 : vector<1x16xf32> to vector<16xf32>
    %swap3A_330 = vector.shape_cast %broadcast_in_dim3A_324 : vector<16xf32> to vector<1x16xf32>
    tpu.vector_store %arg11[%swap3A_326, %swap3A_327], %swap3A_330 {strides = array<i32>} : memref<8x128xf32, #tpu.memory_space<vmem>>, vector<1x16xf32>,
    %broadcast_in_dim3A_331 = arith.constant 0.000000e+00 : f32
    %broadcast_in_dim3A_332 = vector.broadcast %broadcast_in_dim3A_331 : f32 to vector<16xf32>
    %swap3A_333 = arith.constant 4 : i32
    %swap3A_334 = arith.index_cast %swap3A_333 : i32 to index
    %swap3A_335 = arith.constant 96 : index
    %swap3A_336 = tpu.vector_load %arg11[%swap3A_334, %swap3A_335] {strides = array<i32>} : memref<8x128xf32, #tpu.memory_space<vmem>>, vector<1x16xf32>,
    %swap3A_337 = vector.shape_cast %swap3A_336 : vector<1x16xf32> to vector<16xf32>
    %swap3A_338 = vector.shape_cast %broadcast_in_dim3A_332 : vector<16xf32> to vector<1x16xf32>
    tpu.vector_store %arg11[%swap3A_334, %swap3A_335], %swap3A_338 {strides = array<i32>} : memref<8x128xf32, #tpu.memory_space<vmem>>, vector<1x16xf32>,
    %broadcast_in_dim3A_339 = arith.constant 0.000000e+00 : f32
    %broadcast_in_dim3A_340 = vector.broadcast %broadcast_in_dim3A_339 : f32 to vector<16xf32>
    %swap3A_341 = arith.constant 4 : i32
    %swap3A_342 = arith.index_cast %swap3A_341 : i32 to index
    %swap3A_343 = arith.constant 112 : index
    %swap3A_344 = tpu.vector_load %arg11[%swap3A_342, %swap3A_343] {strides = array<i32>} : memref<8x128xf32, #tpu.memory_space<vmem>>, vector<1x16xf32>,
    %swap3A_345 = vector.shape_cast %swap3A_344 : vector<1x16xf32> to vector<16xf32>
    %swap3A_346 = vector.shape_cast %broadcast_in_dim3A_340 : vector<16xf32> to vector<1x16xf32>
    tpu.vector_store %arg11[%swap3A_342, %swap3A_343], %swap3A_346 {strides = array<i32>} : memref<8x128xf32, #tpu.memory_space<vmem>>, vector<1x16xf32>,
    %broadcast_in_dim3A_347 = arith.constant 0.000000e+00 : f32
    %broadcast_in_dim3A_348 = vector.broadcast %broadcast_in_dim3A_347 : f32 to vector<16xf32>
    %swap3A_349 = arith.constant 5 : i32
    %swap3A_350 = arith.index_cast %swap3A_349 : i32 to index
    %swap3A_351 = arith.constant 0 : index
    %swap3A_352 = tpu.vector_load %arg11[%swap3A_350, %swap3A_351] {strides = array<i32>} : memref<8x128xf32, #tpu.memory_space<vmem>>, vector<1x16xf32>,
    %swap3A_353 = vector.shape_cast %swap3A_352 : vector<1x16xf32> to vector<16xf32>
    %swap3A_354 = vector.shape_cast %broadcast_in_dim3A_348 : vector<16xf32> to vector<1x16xf32>
    tpu.vector_store %arg11[%swap3A_350, %swap3A_351], %swap3A_354 {strides = array<i32>} : memref<8x128xf32, #tpu.memory_space<vmem>>, vector<1x16xf32>,
    %broadcast_in_dim3A_355 = arith.constant 0.000000e+00 : f32
    %broadcast_in_dim3A_356 = vector.broadcast %broadcast_in_dim3A_355 : f32 to vector<16xf32>
    %swap3A_357 = arith.constant 5 : i32
    %swap3A_358 = arith.index_cast %swap3A_357 : i32 to index
    %swap3A_359 = arith.constant 16 : index
    %swap3A_360 = tpu.vector_load %arg11[%swap3A_358, %swap3A_359] {strides = array<i32>} : memref<8x128xf32, #tpu.memory_space<vmem>>, vector<1x16xf32>,
    %swap3A_361 = vector.shape_cast %swap3A_360 : vector<1x16xf32> to vector<16xf32>
    %swap3A_362 = vector.shape_cast %broadcast_in_dim3A_356 : vector<16xf32> to vector<1x16xf32>
    tpu.vector_store %arg11[%swap3A_358, %swap3A_359], %swap3A_362 {strides = array<i32>} : memref<8x128xf32, #tpu.memory_space<vmem>>, vector<1x16xf32>,
    %broadcast_in_dim3A_363 = arith.constant 0.000000e+00 : f32
    %broadcast_in_dim3A_364 = vector.broadcast %broadcast_in_dim3A_363 : f32 to vector<16xf32>
    %swap3A_365 = arith.constant 5 : i32
    %swap3A_366 = arith.index_cast %swap3A_365 : i32 to index
    %swap3A_367 = arith.constant 32 : index
    %swap3A_368 = tpu.vector_load %arg11[%swap3A_366, %swap3A_367] {strides = array<i32>} : memref<8x128xf32, #tpu.memory_space<vmem>>, vector<1x16xf32>,
    %swap3A_369 = vector.shape_cast %swap3A_368 : vector<1x16xf32> to vector<16xf32>
    %swap3A_370 = vector.shape_cast %broadcast_in_dim3A_364 : vector<16xf32> to vector<1x16xf32>
    tpu.vector_store %arg11[%swap3A_366, %swap3A_367], %swap3A_370 {strides = array<i32>} : memref<8x128xf32, #tpu.memory_space<vmem>>, vector<1x16xf32>,
    %broadcast_in_dim3A_371 = arith.constant 0.000000e+00 : f32
    %broadcast_in_dim3A_372 = vector.broadcast %broadcast_in_dim3A_371 : f32 to vector<16xf32>
    %swap3A_373 = arith.constant 5 : i32
    %swap3A_374 = arith.index_cast %swap3A_373 : i32 to index
    %swap3A_375 = arith.constant 48 : index
    %swap3A_376 = tpu.vector_load %arg11[%swap3A_374, %swap3A_375] {strides = array<i32>} : memref<8x128xf32, #tpu.memory_space<vmem>>, vector<1x16xf32>,
    %swap3A_377 = vector.shape_cast %swap3A_376 : vector<1x16xf32> to vector<16xf32>
    %swap3A_378 = vector.shape_cast %broadcast_in_dim3A_372 : vector<16xf32> to vector<1x16xf32>
    tpu.vector_store %arg11[%swap3A_374, %swap3A_375], %swap3A_378 {strides = array<i32>} : memref<8x128xf32, #tpu.memory_space<vmem>>, vector<1x16xf32>,
    %broadcast_in_dim3A_379 = arith.constant 0.000000e+00 : f32
    %broadcast_in_dim3A_380 = vector.broadcast %broadcast_in_dim3A_379 : f32 to vector<16xf32>
    %swap3A_381 = arith.constant 5 : i32
    %swap3A_382 = arith.index_cast %swap3A_381 : i32 to index
    %swap3A_383 = arith.constant 64 : index
    %swap3A_384 = tpu.vector_load %arg11[%swap3A_382, %swap3A_383] {strides = array<i32>} : memref<8x128xf32, #tpu.memory_space<vmem>>, vector<1x16xf32>,
    %swap3A_385 = vector.shape_cast %swap3A_384 : vector<1x16xf32> to vector<16xf32>
    %swap3A_386 = vector.shape_cast %broadcast_in_dim3A_380 : vector<16xf32> to vector<1x16xf32>
    tpu.vector_store %arg11[%swap3A_382, %swap3A_383], %swap3A_386 {strides = array<i32>} : memref<8x128xf32, #tpu.memory_space<vmem>>, vector<1x16xf32>,
    %broadcast_in_dim3A_387 = arith.constant 0.000000e+00 : f32
    %broadcast_in_dim3A_388 = vector.broadcast %broadcast_in_dim3A_387 : f32 to vector<16xf32>
    %swap3A_389 = arith.constant 5 : i32
    %swap3A_390 = arith.index_cast %swap3A_389 : i32 to index
    %swap3A_391 = arith.constant 80 : index
    %swap3A_392 = tpu.vector_load %arg11[%swap3A_390, %swap3A_391] {strides = array<i32>} : memref<8x128xf32, #tpu.memory_space<vmem>>, vector<1x16xf32>,
    %swap3A_393 = vector.shape_cast %swap3A_392 : vector<1x16xf32> to vector<16xf32>
    %swap3A_394 = vector.shape_cast %broadcast_in_dim3A_388 : vector<16xf32> to vector<1x16xf32>
    tpu.vector_store %arg11[%swap3A_390, %swap3A_391], %swap3A_394 {strides = array<i32>} : memref<8x128xf32, #tpu.memory_space<vmem>>, vector<1x16xf32>,
    %broadcast_in_dim3A_395 = arith.constant 0.000000e+00 : f32
    %broadcast_in_dim3A_396 = vector.broadcast %broadcast_in_dim3A_395 : f32 to vector<16xf32>
    %swap3A_397 = arith.constant 5 : i32
    %swap3A_398 = arith.index_cast %swap3A_397 : i32 to index
    %swap3A_399 = arith.constant 96 : index
    %swap3A_400 = tpu.vector_load %arg11[%swap3A_398, %swap3A_399] {strides = array<i32>} : memref<8x128xf32, #tpu.memory_space<vmem>>, vector<1x16xf32>,
    %swap3A_401 = vector.shape_cast %swap3A_400 : vector<1x16xf32> to vector<16xf32>
    %swap3A_402 = vector.shape_cast %broadcast_in_dim3A_396 : vector<16xf32> to vector<1x16xf32>
    tpu.vector_store %arg11[%swap3A_398, %swap3A_399], %swap3A_402 {strides = array<i32>} : memref<8x128xf32, #tpu.memory_space<vmem>>, vector<1x16xf32>,
    %broadcast_in_dim3A_403 = arith.constant 0.000000e+00 : f32
    %broadcast_in_dim3A_404 = vector.broadcast %broadcast_in_dim3A_403 : f32 to vector<16xf32>
    %swap3A_405 = arith.constant 5 : i32
    %swap3A_406 = arith.index_cast %swap3A_405 : i32 to index
    %swap3A_407 = arith.constant 112 : index
    %swap3A_408 = tpu.vector_load %arg11[%swap3A_406, %swap3A_407] {strides = array<i32>} : memref<8x128xf32, #tpu.memory_space<vmem>>, vector<1x16xf32>,
    %swap3A_409 = vector.shape_cast %swap3A_408 : vector<1x16xf32> to vector<16xf32>
    %swap3A_410 = vector.shape_cast %broadcast_in_dim3A_404 : vector<16xf32> to vector<1x16xf32>
    tpu.vector_store %arg11[%swap3A_406, %swap3A_407], %swap3A_410 {strides = array<i32>} : memref<8x128xf32, #tpu.memory_space<vmem>>, vector<1x16xf32>,
    %broadcast_in_dim3A_411 = arith.constant 0.000000e+00 : f32
    %broadcast_in_dim3A_412 = vector.broadcast %broadcast_in_dim3A_411 : f32 to vector<16xf32>
    %swap3A_413 = arith.constant 6 : i32
    %swap3A_414 = arith.index_cast %swap3A_413 : i32 to index
    %swap3A_415 = arith.constant 0 : index
    %swap3A_416 = tpu.vector_load %arg11[%swap3A_414, %swap3A_415] {strides = array<i32>} : memref<8x128xf32, #tpu.memory_space<vmem>>, vector<1x16xf32>,
    %swap3A_417 = vector.shape_cast %swap3A_416 : vector<1x16xf32> to vector<16xf32>
    %swap3A_418 = vector.shape_cast %broadcast_in_dim3A_412 : vector<16xf32> to vector<1x16xf32>
    tpu.vector_store %arg11[%swap3A_414, %swap3A_415], %swap3A_418 {strides = array<i32>} : memref<8x128xf32, #tpu.memory_space<vmem>>, vector<1x16xf32>,
    %broadcast_in_dim3A_419 = arith.constant 0.000000e+00 : f32
    %broadcast_in_dim3A_420 = vector.broadcast %broadcast_in_dim3A_419 : f32 to vector<16xf32>
    %swap3A_421 = arith.constant 6 : i32
    %swap3A_422 = arith.index_cast %swap3A_421 : i32 to index
    %swap3A_423 = arith.constant 16 : index
    %swap3A_424 = tpu.vector_load %arg11[%swap3A_422, %swap3A_423] {strides = array<i32>} : memref<8x128xf32, #tpu.memory_space<vmem>>, vector<1x16xf32>,
    %swap3A_425 = vector.shape_cast %swap3A_424 : vector<1x16xf32> to vector<16xf32>
    %swap3A_426 = vector.shape_cast %broadcast_in_dim3A_420 : vector<16xf32> to vector<1x16xf32>
    tpu.vector_store %arg11[%swap3A_422, %swap3A_423], %swap3A_426 {strides = array<i32>} : memref<8x128xf32, #tpu.memory_space<vmem>>, vector<1x16xf32>,
    %broadcast_in_dim3A_427 = arith.constant 0.000000e+00 : f32
    %broadcast_in_dim3A_428 = vector.broadcast %broadcast_in_dim3A_427 : f32 to vector<16xf32>
    %swap3A_429 = arith.constant 6 : i32
    %swap3A_430 = arith.index_cast %swap3A_429 : i32 to index
    %swap3A_431 = arith.constant 32 : index
    %swap3A_432 = tpu.vector_load %arg11[%swap3A_430, %swap3A_431] {strides = array<i32>} : memref<8x128xf32, #tpu.memory_space<vmem>>, vector<1x16xf32>,
    %swap3A_433 = vector.shape_cast %swap3A_432 : vector<1x16xf32> to vector<16xf32>
    %swap3A_434 = vector.shape_cast %broadcast_in_dim3A_428 : vector<16xf32> to vector<1x16xf32>
    tpu.vector_store %arg11[%swap3A_430, %swap3A_431], %swap3A_434 {strides = array<i32>} : memref<8x128xf32, #tpu.memory_space<vmem>>, vector<1x16xf32>,
    %broadcast_in_dim3A_435 = arith.constant 0.000000e+00 : f32
    %broadcast_in_dim3A_436 = vector.broadcast %broadcast_in_dim3A_435 : f32 to vector<16xf32>
    %swap3A_437 = arith.constant 6 : i32
    %swap3A_438 = arith.index_cast %swap3A_437 : i32 to index
    %swap3A_439 = arith.constant 48 : index
    %swap3A_440 = tpu.vector_load %arg11[%swap3A_438, %swap3A_439] {strides = array<i32>} : memref<8x128xf32, #tpu.memory_space<vmem>>, vector<1x16xf32>,
    %swap3A_441 = vector.shape_cast %swap3A_440 : vector<1x16xf32> to vector<16xf32>
    %swap3A_442 = vector.shape_cast %broadcast_in_dim3A_436 : vector<16xf32> to vector<1x16xf32>
    tpu.vector_store %arg11[%swap3A_438, %swap3A_439], %swap3A_442 {strides = array<i32>} : memref<8x128xf32, #tpu.memory_space<vmem>>, vector<1x16xf32>,
    %broadcast_in_dim3A_443 = arith.constant 0.000000e+00 : f32
    %broadcast_in_dim3A_444 = vector.broadcast %broadcast_in_dim3A_443 : f32 to vector<16xf32>
    %swap3A_445 = arith.constant 6 : i32
    %swap3A_446 = arith.index_cast %swap3A_445 : i32 to index
    %swap3A_447 = arith.constant 64 : index
    %swap3A_448 = tpu.vector_load %arg11[%swap3A_446, %swap3A_447] {strides = array<i32>} : memref<8x128xf32, #tpu.memory_space<vmem>>, vector<1x16xf32>,
    %swap3A_449 = vector.shape_cast %swap3A_448 : vector<1x16xf32> to vector<16xf32>
    %swap3A_450 = vector.shape_cast %broadcast_in_dim3A_444 : vector<16xf32> to vector<1x16xf32>
    tpu.vector_store %arg11[%swap3A_446, %swap3A_447], %swap3A_450 {strides = array<i32>} : memref<8x128xf32, #tpu.memory_space<vmem>>, vector<1x16xf32>,
    %broadcast_in_dim3A_451 = arith.constant 0.000000e+00 : f32
    %broadcast_in_dim3A_452 = vector.broadcast %broadcast_in_dim3A_451 : f32 to vector<16xf32>
    %swap3A_453 = arith.constant 6 : i32
    %swap3A_454 = arith.index_cast %swap3A_453 : i32 to index
    %swap3A_455 = arith.constant 80 : index
    %swap3A_456 = tpu.vector_load %arg11[%swap3A_454, %swap3A_455] {strides = array<i32>} : memref<8x128xf32, #tpu.memory_space<vmem>>, vector<1x16xf32>,
    %swap3A_457 = vector.shape_cast %swap3A_456 : vector<1x16xf32> to vector<16xf32>
    %swap3A_458 = vector.shape_cast %broadcast_in_dim3A_452 : vector<16xf32> to vector<1x16xf32>
    tpu.vector_store %arg11[%swap3A_454, %swap3A_455], %swap3A_458 {strides = array<i32>} : memref<8x128xf32, #tpu.memory_space<vmem>>, vector<1x16xf32>,
    %broadcast_in_dim3A_459 = arith.constant 0.000000e+00 : f32
    %broadcast_in_dim3A_460 = vector.broadcast %broadcast_in_dim3A_459 : f32 to vector<16xf32>
    %swap3A_461 = arith.constant 6 : i32
    %swap3A_462 = arith.index_cast %swap3A_461 : i32 to index
    %swap3A_463 = arith.constant 96 : index
    %swap3A_464 = tpu.vector_load %arg11[%swap3A_462, %swap3A_463] {strides = array<i32>} : memref<8x128xf32, #tpu.memory_space<vmem>>, vector<1x16xf32>,
    %swap3A_465 = vector.shape_cast %swap3A_464 : vector<1x16xf32> to vector<16xf32>
    %swap3A_466 = vector.shape_cast %broadcast_in_dim3A_460 : vector<16xf32> to vector<1x16xf32>
    tpu.vector_store %arg11[%swap3A_462, %swap3A_463], %swap3A_466 {strides = array<i32>} : memref<8x128xf32, #tpu.memory_space<vmem>>, vector<1x16xf32>,
    %broadcast_in_dim3A_467 = arith.constant 0.000000e+00 : f32
    %broadcast_in_dim3A_468 = vector.broadcast %broadcast_in_dim3A_467 : f32 to vector<16xf32>
    %swap3A_469 = arith.constant 6 : i32
    %swap3A_470 = arith.index_cast %swap3A_469 : i32 to index
    %swap3A_471 = arith.constant 112 : index
    %swap3A_472 = tpu.vector_load %arg11[%swap3A_470, %swap3A_471] {strides = array<i32>} : memref<8x128xf32, #tpu.memory_space<vmem>>, vector<1x16xf32>,
    %swap3A_473 = vector.shape_cast %swap3A_472 : vector<1x16xf32> to vector<16xf32>
    %swap3A_474 = vector.shape_cast %broadcast_in_dim3A_468 : vector<16xf32> to vector<1x16xf32>
    tpu.vector_store %arg11[%swap3A_470, %swap3A_471], %swap3A_474 {strides = array<i32>} : memref<8x128xf32, #tpu.memory_space<vmem>>, vector<1x16xf32>,
    %broadcast_in_dim3A_475 = arith.constant 0.000000e+00 : f32
    %broadcast_in_dim3A_476 = vector.broadcast %broadcast_in_dim3A_475 : f32 to vector<16xf32>
    %swap3A_477 = arith.constant 7 : i32
    %swap3A_478 = arith.index_cast %swap3A_477 : i32 to index
    %swap3A_479 = arith.constant 0 : index
    %swap3A_480 = tpu.vector_load %arg11[%swap3A_478, %swap3A_479] {strides = array<i32>} : memref<8x128xf32, #tpu.memory_space<vmem>>, vector<1x16xf32>,
    %swap3A_481 = vector.shape_cast %swap3A_480 : vector<1x16xf32> to vector<16xf32>
    %swap3A_482 = vector.shape_cast %broadcast_in_dim3A_476 : vector<16xf32> to vector<1x16xf32>
    tpu.vector_store %arg11[%swap3A_478, %swap3A_479], %swap3A_482 {strides = array<i32>} : memref<8x128xf32, #tpu.memory_space<vmem>>, vector<1x16xf32>,
    %broadcast_in_dim3A_483 = arith.constant 0.000000e+00 : f32
    %broadcast_in_dim3A_484 = vector.broadcast %broadcast_in_dim3A_483 : f32 to vector<16xf32>
    %swap3A_485 = arith.constant 7 : i32
    %swap3A_486 = arith.index_cast %swap3A_485 : i32 to index
    %swap3A_487 = arith.constant 16 : index
    %swap3A_488 = tpu.vector_load %arg11[%swap3A_486, %swap3A_487] {strides = array<i32>} : memref<8x128xf32, #tpu.memory_space<vmem>>, vector<1x16xf32>,
    %swap3A_489 = vector.shape_cast %swap3A_488 : vector<1x16xf32> to vector<16xf32>
    %swap3A_490 = vector.shape_cast %broadcast_in_dim3A_484 : vector<16xf32> to vector<1x16xf32>
    tpu.vector_store %arg11[%swap3A_486, %swap3A_487], %swap3A_490 {strides = array<i32>} : memref<8x128xf32, #tpu.memory_space<vmem>>, vector<1x16xf32>,
    %broadcast_in_dim3A_491 = arith.constant 0.000000e+00 : f32
    %broadcast_in_dim3A_492 = vector.broadcast %broadcast_in_dim3A_491 : f32 to vector<16xf32>
    %swap3A_493 = arith.constant 7 : i32
    %swap3A_494 = arith.index_cast %swap3A_493 : i32 to index
    %swap3A_495 = arith.constant 32 : index
    %swap3A_496 = tpu.vector_load %arg11[%swap3A_494, %swap3A_495] {strides = array<i32>} : memref<8x128xf32, #tpu.memory_space<vmem>>, vector<1x16xf32>,
    %swap3A_497 = vector.shape_cast %swap3A_496 : vector<1x16xf32> to vector<16xf32>
    %swap3A_498 = vector.shape_cast %broadcast_in_dim3A_492 : vector<16xf32> to vector<1x16xf32>
    tpu.vector_store %arg11[%swap3A_494, %swap3A_495], %swap3A_498 {strides = array<i32>} : memref<8x128xf32, #tpu.memory_space<vmem>>, vector<1x16xf32>,
    %broadcast_in_dim3A_499 = arith.constant 0.000000e+00 : f32
    %broadcast_in_dim3A_500 = vector.broadcast %broadcast_in_dim3A_499 : f32 to vector<16xf32>
    %swap3A_501 = arith.constant 7 : i32
    %swap3A_502 = arith.index_cast %swap3A_501 : i32 to index
    %swap3A_503 = arith.constant 48 : index
    %swap3A_504 = tpu.vector_load %arg11[%swap3A_502, %swap3A_503] {strides = array<i32>} : memref<8x128xf32, #tpu.memory_space<vmem>>, vector<1x16xf32>,
    %swap3A_505 = vector.shape_cast %swap3A_504 : vector<1x16xf32> to vector<16xf32>
    %swap3A_506 = vector.shape_cast %broadcast_in_dim3A_500 : vector<16xf32> to vector<1x16xf32>
    tpu.vector_store %arg11[%swap3A_502, %swap3A_503], %swap3A_506 {strides = array<i32>} : memref<8x128xf32, #tpu.memory_space<vmem>>, vector<1x16xf32>,
    %broadcast_in_dim3A_507 = arith.constant 0.000000e+00 : f32
    %broadcast_in_dim3A_508 = vector.broadcast %broadcast_in_dim3A_507 : f32 to vector<16xf32>
    %swap3A_509 = arith.constant 7 : i32
    %swap3A_510 = arith.index_cast %swap3A_509 : i32 to index
    %swap3A_511 = arith.constant 64 : index
    %swap3A_512 = tpu.vector_load %arg11[%swap3A_510, %swap3A_511] {strides = array<i32>} : memref<8x128xf32, #tpu.memory_space<vmem>>, vector<1x16xf32>,
    %swap3A_513 = vector.shape_cast %swap3A_512 : vector<1x16xf32> to vector<16xf32>
    %swap3A_514 = vector.shape_cast %broadcast_in_dim3A_508 : vector<16xf32> to vector<1x16xf32>
    tpu.vector_store %arg11[%swap3A_510, %swap3A_511], %swap3A_514 {strides = array<i32>} : memref<8x128xf32, #tpu.memory_space<vmem>>, vector<1x16xf32>,
    %broadcast_in_dim3A_515 = arith.constant 0.000000e+00 : f32
    %broadcast_in_dim3A_516 = vector.broadcast %broadcast_in_dim3A_515 : f32 to vector<16xf32>
    %swap3A_517 = arith.constant 7 : i32
    %swap3A_518 = arith.index_cast %swap3A_517 : i32 to index
    %swap3A_519 = arith.constant 80 : index
    %swap3A_520 = tpu.vector_load %arg11[%swap3A_518, %swap3A_519] {strides = array<i32>} : memref<8x128xf32, #tpu.memory_space<vmem>>, vector<1x16xf32>,
    %swap3A_521 = vector.shape_cast %swap3A_520 : vector<1x16xf32> to vector<16xf32>
    %swap3A_522 = vector.shape_cast %broadcast_in_dim3A_516 : vector<16xf32> to vector<1x16xf32>
    tpu.vector_store %arg11[%swap3A_518, %swap3A_519], %swap3A_522 {strides = array<i32>} : memref<8x128xf32, #tpu.memory_space<vmem>>, vector<1x16xf32>,
    %broadcast_in_dim3A_523 = arith.constant 0.000000e+00 : f32
    %broadcast_in_dim3A_524 = vector.broadcast %broadcast_in_dim3A_523 : f32 to vector<16xf32>
    %swap3A_525 = arith.constant 7 : i32
    %swap3A_526 = arith.index_cast %swap3A_525 : i32 to index
    %swap3A_527 = arith.constant 96 : index
    %swap3A_528 = tpu.vector_load %arg11[%swap3A_526, %swap3A_527] {strides = array<i32>} : memref<8x128xf32, #tpu.memory_space<vmem>>, vector<1x16xf32>,
    %swap3A_529 = vector.shape_cast %swap3A_528 : vector<1x16xf32> to vector<16xf32>
    %swap3A_530 = vector.shape_cast %broadcast_in_dim3A_524 : vector<16xf32> to vector<1x16xf32>
    tpu.vector_store %arg11[%swap3A_526, %swap3A_527], %swap3A_530 {strides = array<i32>} : memref<8x128xf32, #tpu.memory_space<vmem>>, vector<1x16xf32>,
    %broadcast_in_dim3A_531 = arith.constant 0.000000e+00 : f32
    %broadcast_in_dim3A_532 = vector.broadcast %broadcast_in_dim3A_531 : f32 to vector<16xf32>
    %swap3A_533 = arith.constant 7 : i32
    %swap3A_534 = arith.index_cast %swap3A_533 : i32 to index
    %swap3A_535 = arith.constant 112 : index
    %swap3A_536 = tpu.vector_load %arg11[%swap3A_534, %swap3A_535] {strides = array<i32>} : memref<8x128xf32, #tpu.memory_space<vmem>>, vector<1x16xf32>,
    %swap3A_537 = vector.shape_cast %swap3A_536 : vector<1x16xf32> to vector<16xf32>
    %swap3A_538 = vector.shape_cast %broadcast_in_dim3A_532 : vector<16xf32> to vector<1x16xf32>
    tpu.vector_store %arg11[%swap3A_534, %swap3A_535], %swap3A_538 {strides = array<i32>} : memref<8x128xf32, #tpu.memory_space<vmem>>, vector<1x16xf32>,
    %dma_start3A = arith.constant 0 : i32
    %dma_start3A_539 = arith.constant 0 : i32
    %dma_start3A_540 = arith.constant 0 : i32
    %dma_start3A_541 = arith.constant 0 : i32
    %dma_start3A_542 = tpu.memref_slice %arg12[%dma_start3A_539, %dma_start3A_540, %dma_start3A_541] : memref<4x128x128xf32, #tpu.memory_space<vmem>> -> memref<1x128x128xf32, #tpu.memory_space<vmem>>
    %dma_start3A_543 = tpu.memref_squeeze %dma_start3A_542 : memref<1x128x128xf32, #tpu.memory_space<vmem>> -> memref<128x128xf32, #tpu.memory_space<vmem>>
    %dma_start3A_544 = arith.constant 0 : i32
    %dma_start3A_545 = tpu.memref_slice %arg6[%dma_start3A, %dma_start3A_544] : memref<40x128xi32, #tpu.memory_space<vmem>> -> memref<1x128xi32, #tpu.memory_space<vmem>>
    %dma_start3A_546 = tpu.memref_squeeze %dma_start3A_545 : memref<1x128xi32, #tpu.memory_space<vmem>> -> memref<128xi32, #tpu.memory_space<vmem>>
    %dma_start3A_547 = arith.constant 0 : i32
    %dma_start3A_548 = arith.constant 0 : i32
    %dma_start3A_549 = tpu.memref_slice %arg2[%dma_start3A_547, %dma_start3A_548] : memref<10240x128xf32, #tpu.memory_space<hbm>> -> memref<10240x128xf32, #tpu.memory_space<hbm>>
    tpu.enqueue_indirect_dma source(%dma_start3A_549 : memref<10240x128xf32, #tpu.memory_space<hbm>>) target(%dma_start3A_543 : memref<128x128xf32, #tpu.memory_space<vmem>>) offsets(%dma_start3A_546 : memref<128xi32, #tpu.memory_space<vmem>>) semaphore(%arg14 : memref<!tpu.dma_semaphore, #tpu.memory_space<semaphore_mem>>)
    %dma_start3A_550 = arith.constant 1 : i32
    %dma_start3A_551 = arith.constant 1 : i32
    %dma_start3A_552 = arith.constant 0 : i32
    %dma_start3A_553 = arith.constant 0 : i32
    %dma_start3A_554 = tpu.memref_slice %arg12[%dma_start3A_551, %dma_start3A_552, %dma_start3A_553] : memref<4x128x128xf32, #tpu.memory_space<vmem>> -> memref<1x128x128xf32, #tpu.memory_space<vmem>>
    %dma_start3A_555 = tpu.memref_squeeze %dma_start3A_554 : memref<1x128x128xf32, #tpu.memory_space<vmem>> -> memref<128x128xf32, #tpu.memory_space<vmem>>
    %dma_start3A_556 = arith.constant 0 : i32
    %dma_start3A_557 = tpu.memref_slice %arg6[%dma_start3A_550, %dma_start3A_556] : memref<40x128xi32, #tpu.memory_space<vmem>> -> memref<1x128xi32, #tpu.memory_space<vmem>>
    %dma_start3A_558 = tpu.memref_squeeze %dma_start3A_557 : memref<1x128xi32, #tpu.memory_space<vmem>> -> memref<128xi32, #tpu.memory_space<vmem>>
    %dma_start3A_559 = arith.constant 0 : i32
    %dma_start3A_560 = arith.constant 0 : i32
    %dma_start3A_561 = tpu.memref_slice %arg2[%dma_start3A_559, %dma_start3A_560] : memref<10240x128xf32, #tpu.memory_space<hbm>> -> memref<10240x128xf32, #tpu.memory_space<hbm>>
    tpu.enqueue_indirect_dma source(%dma_start3A_561 : memref<10240x128xf32, #tpu.memory_space<hbm>>) target(%dma_start3A_555 : memref<128x128xf32, #tpu.memory_space<vmem>>) offsets(%dma_start3A_558 : memref<128xi32, #tpu.memory_space<vmem>>) semaphore(%arg15 : memref<!tpu.dma_semaphore, #tpu.memory_space<semaphore_mem>>)
    %dma_start3A_562 = arith.constant 2 : i32
    %dma_start3A_563 = arith.constant 2 : i32
    %dma_start3A_564 = arith.constant 0 : i32
    %dma_start3A_565 = arith.constant 0 : i32
    %dma_start3A_566 = tpu.memref_slice %arg12[%dma_start3A_563, %dma_start3A_564, %dma_start3A_565] : memref<4x128x128xf32, #tpu.memory_space<vmem>> -> memref<1x128x128xf32, #tpu.memory_space<vmem>>
    %dma_start3A_567 = tpu.memref_squeeze %dma_start3A_566 : memref<1x128x128xf32, #tpu.memory_space<vmem>> -> memref<128x128xf32, #tpu.memory_space<vmem>>
    %dma_start3A_568 = arith.constant 0 : i32
    %dma_start3A_569 = tpu.memref_slice %arg6[%dma_start3A_562, %dma_start3A_568] : memref<40x128xi32, #tpu.memory_space<vmem>> -> memref<1x128xi32, #tpu.memory_space<vmem>>
    %dma_start3A_570 = tpu.memref_squeeze %dma_start3A_569 : memref<1x128xi32, #tpu.memory_space<vmem>> -> memref<128xi32, #tpu.memory_space<vmem>>
    %dma_start3A_571 = arith.constant 0 : i32
    %dma_start3A_572 = arith.constant 0 : i32
    %dma_start3A_573 = tpu.memref_slice %arg2[%dma_start3A_571, %dma_start3A_572] : memref<10240x128xf32, #tpu.memory_space<hbm>> -> memref<10240x128xf32, #tpu.memory_space<hbm>>
    tpu.enqueue_indirect_dma source(%dma_start3A_573 : memref<10240x128xf32, #tpu.memory_space<hbm>>) target(%dma_start3A_567 : memref<128x128xf32, #tpu.memory_space<vmem>>) offsets(%dma_start3A_570 : memref<128xi32, #tpu.memory_space<vmem>>) semaphore(%arg16 : memref<!tpu.dma_semaphore, #tpu.memory_space<semaphore_mem>>)
    %dma_start3A_574 = arith.constant 3 : i32
    %dma_start3A_575 = arith.constant 3 : i32
    %dma_start3A_576 = arith.constant 0 : i32
    %dma_start3A_577 = arith.constant 0 : i32
    %dma_start3A_578 = tpu.memref_slice %arg12[%dma_start3A_575, %dma_start3A_576, %dma_start3A_577] : memref<4x128x128xf32, #tpu.memory_space<vmem>> -> memref<1x128x128xf32, #tpu.memory_space<vmem>>
    %dma_start3A_579 = tpu.memref_squeeze %dma_start3A_578 : memref<1x128x128xf32, #tpu.memory_space<vmem>> -> memref<128x128xf32, #tpu.memory_space<vmem>>
    %dma_start3A_580 = arith.constant 0 : i32
    %dma_start3A_581 = tpu.memref_slice %arg6[%dma_start3A_574, %dma_start3A_580] : memref<40x128xi32, #tpu.memory_space<vmem>> -> memref<1x128xi32, #tpu.memory_space<vmem>>
    %dma_start3A_582 = tpu.memref_squeeze %dma_start3A_581 : memref<1x128xi32, #tpu.memory_space<vmem>> -> memref<128xi32, #tpu.memory_space<vmem>>
    %dma_start3A_583 = arith.constant 0 : i32
    %dma_start3A_584 = arith.constant 0 : i32
    %dma_start3A_585 = tpu.memref_slice %arg2[%dma_start3A_583, %dma_start3A_584] : memref<10240x128xf32, #tpu.memory_space<hbm>> -> memref<10240x128xf32, #tpu.memory_space<hbm>>
    tpu.enqueue_indirect_dma source(%dma_start3A_585 : memref<10240x128xf32, #tpu.memory_space<hbm>>) target(%dma_start3A_579 : memref<128x128xf32, #tpu.memory_space<vmem>>) offsets(%dma_start3A_582 : memref<128xi32, #tpu.memory_space<vmem>>) semaphore(%arg17 : memref<!tpu.dma_semaphore, #tpu.memory_space<semaphore_mem>>)
    %scan3A = arith.constant 0 : i32
    %scan3A_586 = arith.constant 0 : i32
    %scan3A_587 = arith.constant 10 : i32
    %scan3A_588 = arith.addi %scan3A_586, %scan3A_587 : i32
    %scan3A_589 = arith.constant 1 : i32
    scf.for %scan3A_630 = %scan3A_586 to %scan3A_588 step %scan3A_589  : i32 {
      %mul3A_631 = arith.constant 4 : i32
      %mul3A_632 = arith.muli %scan3A_630, %mul3A_631 : i32
      %add3A_633 = arith.constant 0 : i32
      %add3A_634 = arith.addi %mul3A_632, %add3A_633 : i32
      %mul3A_635 = arith.constant 8 : i32
      %mul3A_636 = arith.muli %add3A_634, %mul3A_635 : i32
      %add3A_637 = arith.addi %mul3A_2, %mul3A_636 : i32
      %dma_wait3A_638 = arith.constant 0 : i32
      %dma_wait3A_639 = arith.constant 0 : i32
      %dma_wait3A_640 = arith.constant 0 : i32
      %dma_wait3A_641 = tpu.memref_slice %arg12[%dma_wait3A_638, %dma_wait3A_639, %dma_wait3A_640] : memref<4x128x128xf32, #tpu.memory_space<vmem>> -> memref<1x128x128xf32, #tpu.memory_space<vmem>>
      %dma_wait3A_642 = tpu.memref_squeeze %dma_wait3A_641 : memref<1x128x128xf32, #tpu.memory_space<vmem>> -> memref<128x128xf32, #tpu.memory_space<vmem>>
      %dma_wait3A_643 = arith.constant 0 : i32
      %dma_wait3A_644 = tpu.memref_slice %arg6[%add3A_634, %dma_wait3A_643] : memref<40x128xi32, #tpu.memory_space<vmem>> -> memref<1x128xi32, #tpu.memory_space<vmem>>
      %dma_wait3A_645 = tpu.memref_squeeze %dma_wait3A_644 : memref<1x128xi32, #tpu.memory_space<vmem>> -> memref<128xi32, #tpu.memory_space<vmem>>
      %dma_wait3A_646 = arith.constant 0 : i32
      %dma_wait3A_647 = arith.constant 0 : i32
      %dma_wait3A_648 = tpu.memref_slice %arg2[%dma_wait3A_646, %dma_wait3A_647] : memref<10240x128xf32, #tpu.memory_space<hbm>> -> memref<10240x128xf32, #tpu.memory_space<hbm>>
      tpu.wait_indirect_dma semaphore(%arg14 : memref<!tpu.dma_semaphore, #tpu.memory_space<semaphore_mem>>) src(%dma_wait3A_648 : memref<10240x128xf32, #tpu.memory_space<hbm>>) dst(%dma_wait3A_642 : memref<128x128xf32, #tpu.memory_space<vmem>>)
      %gt3A = arith.constant 0 : i32
      %gt3A_649 = arith.cmpi sgt, %scan3A_630, %gt3A : i32
      %convert_element_type3A = arith.extui %gt3A_649 : i1 to i32
      %cond3A = arith.constant 0 : i32
      %cond3A_650 = arith.cmpi ne, %convert_element_type3A, %cond3A : i32
      scf.if %cond3A_650 {
        %mul3A_826 = arith.constant 32 : i32
        %mul3A_827 = arith.muli %arg1, %mul3A_826 : i32
        %add3A_828 = arith.constant 0 : i32
        %add3A_829 = arith.addi %mul3A_827, %add3A_828 : i32
        %dma_wait3A_830 = arith.constant 0 : i32
        %dma_wait3A_831 = tpu.memref_slice %arg5[%add3A_637, %dma_wait3A_830] : memref<10240x128xf32, #tpu.memory_space<hbm>> -> memref<8x128xf32, #tpu.memory_space<hbm>>
        %dma_wait3A_832 = arith.constant 0 : i32
        %dma_wait3A_833 = tpu.memref_slice %arg13[%add3A_829, %dma_wait3A_832] : memref<512x128xf32, #tpu.memory_space<vmem_shared>> -> memref<8x128xf32, #tpu.memory_space<vmem_shared>>
        tpu.wait_dma2 semaphore(%arg18 : memref<!tpu.dma_semaphore, #tpu.memory_space<semaphore_mem>>) src(%dma_wait3A_833 : memref<8x128xf32, #tpu.memory_space<vmem_shared>>) dst(%dma_wait3A_831 : memref<8x128xf32, #tpu.memory_space<hbm>>)
      } else {
      }
      %mul3A_651 = arith.constant 32 : i32
      %mul3A_652 = arith.muli %arg1, %mul3A_651 : i32
      %add3A_653 = arith.constant 0 : i32
      %add3A_654 = arith.addi %mul3A_652, %add3A_653 : i32
      "tpu.region"() ({
        %run_scoped3A_826 = tpu.sem_alloc : memref<!tpu.dma_semaphore, #tpu.memory_space<semaphore_mem>>
        %dma_start3A_827 = arith.constant 0 : i32
        %dma_start3A_828 = tpu.memref_slice %arg13[%add3A_654, %dma_start3A_827] : memref<512x128xf32, #tpu.memory_space<vmem_shared>> -> memref<8x128xf32, #tpu.memory_space<vmem_shared>>
        %dma_start3A_829 = arith.constant 0 : i32
        %dma_start3A_830 = tpu.memref_slice %arg13[%add3A_654, %dma_start3A_829] : memref<512x128xf32, #tpu.memory_space<vmem_shared>> -> memref<8x128xf32, #tpu.memory_space<vmem_shared>>
        tpu.enqueue_dma source(%arg11 : memref<8x128xf32, #tpu.memory_space<vmem>>) target(%dma_start3A_830 : memref<8x128xf32, #tpu.memory_space<vmem_shared>>) target_semaphore(%run_scoped3A_826 : memref<!tpu.dma_semaphore, #tpu.memory_space<semaphore_mem>>)
        %dma_wait3A_831 = arith.constant 0 : i32
        %dma_wait3A_832 = tpu.memref_slice %arg13[%add3A_654, %dma_wait3A_831] : memref<512x128xf32, #tpu.memory_space<vmem_shared>> -> memref<8x128xf32, #tpu.memory_space<vmem_shared>>
        %dma_wait3A_833 = arith.constant 0 : i32
        %dma_wait3A_834 = tpu.memref_slice %arg13[%add3A_654, %dma_wait3A_833] : memref<512x128xf32, #tpu.memory_space<vmem_shared>> -> memref<8x128xf32, #tpu.memory_space<vmem_shared>>
        tpu.wait_dma2 semaphore(%run_scoped3A_826 : memref<!tpu.dma_semaphore, #tpu.memory_space<semaphore_mem>>) src(%arg11 : memref<8x128xf32, #tpu.memory_space<vmem>>) dst(%dma_wait3A_834 : memref<8x128xf32, #tpu.memory_space<vmem_shared>>)
        tpu.yield
      }) : () -> ()
      %run_scoped3A = arith.constant 0 : i32
      "tpu.region"() ({
        %run_scoped3A_826 = tpu.sem_alloc : memref<!tpu.dma_semaphore, #tpu.memory_space<semaphore_mem>>
        %dma_start3A_827 = arith.constant 0 : i32
        %dma_start3A_828 = arith.constant 0 : i32
        %dma_start3A_829 = tpu.memref_slice %arg12[%run_scoped3A, %dma_start3A_827, %dma_start3A_828] : memref<4x128x128xf32, #tpu.memory_space<vmem>> -> memref<1x128x128xf32, #tpu.memory_space<vmem>>
        %dma_start3A_830 = tpu.memref_squeeze %dma_start3A_829 : memref<1x128x128xf32, #tpu.memory_space<vmem>> -> memref<128x128xf32, #tpu.memory_space<vmem>>
        %dma_start3A_831 = arith.constant 0 : i32
        %dma_start3A_832 = arith.constant 0 : i32
        %dma_start3A_833 = tpu.memref_slice %arg13[%dma_start3A_831, %dma_start3A_832] : memref<512x128xf32, #tpu.memory_space<vmem_shared>> -> memref<512x128xf32, #tpu.memory_space<vmem_shared>>
        tpu.enqueue_indirect_dma source(%dma_start3A_830 : memref<128x128xf32, #tpu.memory_space<vmem>>) target(%dma_start3A_833 : memref<512x128xf32, #tpu.memory_space<vmem_shared>>) offsets(%arg7 : memref<128xi32, #tpu.memory_space<vmem>>) semaphore(%run_scoped3A_826 : memref<!tpu.dma_semaphore, #tpu.memory_space<semaphore_mem>>) {add = true}
        %dma_wait3A_834 = arith.constant 0 : i32
        %dma_wait3A_835 = arith.constant 0 : i32
        %dma_wait3A_836 = tpu.memref_slice %arg12[%run_scoped3A, %dma_wait3A_834, %dma_wait3A_835] : memref<4x128x128xf32, #tpu.memory_space<vmem>> -> memref<1x128x128xf32, #tpu.memory_space<vmem>>
        %dma_wait3A_837 = tpu.memref_squeeze %dma_wait3A_836 : memref<1x128x128xf32, #tpu.memory_space<vmem>> -> memref<128x128xf32, #tpu.memory_space<vmem>>
        %dma_wait3A_838 = arith.constant 0 : i32
        %dma_wait3A_839 = arith.constant 0 : i32
        %dma_wait3A_840 = tpu.memref_slice %arg13[%dma_wait3A_838, %dma_wait3A_839] : memref<512x128xf32, #tpu.memory_space<vmem_shared>> -> memref<512x128xf32, #tpu.memory_space<vmem_shared>>
        tpu.wait_indirect_dma semaphore(%run_scoped3A_826 : memref<!tpu.dma_semaphore, #tpu.memory_space<semaphore_mem>>) src(%dma_wait3A_837 : memref<128x128xf32, #tpu.memory_space<vmem>>) dst(%dma_wait3A_840 : memref<512x128xf32, #tpu.memory_space<vmem_shared>>)
        tpu.yield
      }) : () -> ()
      %add3A_655 = arith.constant 4 : i32
      %add3A_656 = arith.addi %add3A_634, %add3A_655 : i32
      %lt3A = arith.constant 40 : i32
      %lt3A_657 = arith.cmpi slt, %add3A_656, %lt3A : i32
      %convert_element_type3A_658 = arith.extui %lt3A_657 : i1 to i32
      %cond3A_659 = arith.constant 0 : i32
      %cond3A_660 = arith.cmpi ne, %convert_element_type3A_658, %cond3A_659 : i32
      scf.if %cond3A_660 {
        %dma_start3A_826 = arith.constant 0 : i32
        %dma_start3A_827 = arith.constant 0 : i32
        %dma_start3A_828 = arith.constant 0 : i32
        %dma_start3A_829 = tpu.memref_slice %arg12[%dma_start3A_826, %dma_start3A_827, %dma_start3A_828] : memref<4x128x128xf32, #tpu.memory_space<vmem>> -> memref<1x128x128xf32, #tpu.memory_space<vmem>>
        %dma_start3A_830 = tpu.memref_squeeze %dma_start3A_829 : memref<1x128x128xf32, #tpu.memory_space<vmem>> -> memref<128x128xf32, #tpu.memory_space<vmem>>
        %dma_start3A_831 = arith.constant 0 : i32
        %dma_start3A_832 = tpu.memref_slice %arg6[%add3A_656, %dma_start3A_831] : memref<40x128xi32, #tpu.memory_space<vmem>> -> memref<1x128xi32, #tpu.memory_space<vmem>>
        %dma_start3A_833 = tpu.memref_squeeze %dma_start3A_832 : memref<1x128xi32, #tpu.memory_space<vmem>> -> memref<128xi32, #tpu.memory_space<vmem>>
        %dma_start3A_834 = arith.constant 0 : i32
        %dma_start3A_835 = arith.constant 0 : i32
        %dma_start3A_836 = tpu.memref_slice %arg2[%dma_start3A_834, %dma_start3A_835] : memref<10240x128xf32, #tpu.memory_space<hbm>> -> memref<10240x128xf32, #tpu.memory_space<hbm>>
        tpu.enqueue_indirect_dma source(%dma_start3A_836 : memref<10240x128xf32, #tpu.memory_space<hbm>>) target(%dma_start3A_830 : memref<128x128xf32, #tpu.memory_space<vmem>>) offsets(%dma_start3A_833 : memref<128xi32, #tpu.memory_space<vmem>>) semaphore(%arg14 : memref<!tpu.dma_semaphore, #tpu.memory_space<semaphore_mem>>)
      } else {
      }
      %mul3A_661 = arith.constant 4 : i32
      %mul3A_662 = arith.muli %scan3A_630, %mul3A_661 : i32
      %add3A_663 = arith.constant 1 : i32
      %add3A_664 = arith.addi %mul3A_662, %add3A_663 : i32
      %mul3A_665 = arith.constant 8 : i32
      %mul3A_666 = arith.muli %add3A_664, %mul3A_665 : i32
      %add3A_667 = arith.addi %mul3A_2, %mul3A_666 : i32
      %dma_wait3A_668 = arith.constant 1 : i32
      %dma_wait3A_669 = arith.constant 0 : i32
      %dma_wait3A_670 = arith.constant 0 : i32
      %dma_wait3A_671 = tpu.memref_slice %arg12[%dma_wait3A_668, %dma_wait3A_669, %dma_wait3A_670] : memref<4x128x128xf32, #tpu.memory_space<vmem>> -> memref<1x128x128xf32, #tpu.memory_space<vmem>>
      %dma_wait3A_672 = tpu.memref_squeeze %dma_wait3A_671 : memref<1x128x128xf32, #tpu.memory_space<vmem>> -> memref<128x128xf32, #tpu.memory_space<vmem>>
      %dma_wait3A_673 = arith.constant 0 : i32
      %dma_wait3A_674 = tpu.memref_slice %arg6[%add3A_664, %dma_wait3A_673] : memref<40x128xi32, #tpu.memory_space<vmem>> -> memref<1x128xi32, #tpu.memory_space<vmem>>
      %dma_wait3A_675 = tpu.memref_squeeze %dma_wait3A_674 : memref<1x128xi32, #tpu.memory_space<vmem>> -> memref<128xi32, #tpu.memory_space<vmem>>
      %dma_wait3A_676 = arith.constant 0 : i32
      %dma_wait3A_677 = arith.constant 0 : i32
      %dma_wait3A_678 = tpu.memref_slice %arg2[%dma_wait3A_676, %dma_wait3A_677] : memref<10240x128xf32, #tpu.memory_space<hbm>> -> memref<10240x128xf32, #tpu.memory_space<hbm>>
      tpu.wait_indirect_dma semaphore(%arg15 : memref<!tpu.dma_semaphore, #tpu.memory_space<semaphore_mem>>) src(%dma_wait3A_678 : memref<10240x128xf32, #tpu.memory_space<hbm>>) dst(%dma_wait3A_672 : memref<128x128xf32, #tpu.memory_space<vmem>>)
      %gt3A_679 = arith.constant 0 : i32
      %gt3A_680 = arith.cmpi sgt, %scan3A_630, %gt3A_679 : i32
      %convert_element_type3A_681 = arith.extui %gt3A_680 : i1 to i32
      %cond3A_682 = arith.constant 0 : i32
      %cond3A_683 = arith.cmpi ne, %convert_element_type3A_681, %cond3A_682 : i32
      scf.if %cond3A_683 {
        %mul3A_826 = arith.constant 32 : i32
        %mul3A_827 = arith.muli %arg1, %mul3A_826 : i32
        %add3A_828 = arith.constant 8 : i32
        %add3A_829 = arith.addi %mul3A_827, %add3A_828 : i32
        %dma_wait3A_830 = arith.constant 0 : i32
        %dma_wait3A_831 = tpu.memref_slice %arg5[%add3A_667, %dma_wait3A_830] : memref<10240x128xf32, #tpu.memory_space<hbm>> -> memref<8x128xf32, #tpu.memory_space<hbm>>
        %dma_wait3A_832 = arith.constant 0 : i32
        %dma_wait3A_833 = tpu.memref_slice %arg13[%add3A_829, %dma_wait3A_832] : memref<512x128xf32, #tpu.memory_space<vmem_shared>> -> memref<8x128xf32, #tpu.memory_space<vmem_shared>>
        tpu.wait_dma2 semaphore(%arg19 : memref<!tpu.dma_semaphore, #tpu.memory_space<semaphore_mem>>) src(%dma_wait3A_833 : memref<8x128xf32, #tpu.memory_space<vmem_shared>>) dst(%dma_wait3A_831 : memref<8x128xf32, #tpu.memory_space<hbm>>)
      } else {
      }
      %mul3A_684 = arith.constant 32 : i32
      %mul3A_685 = arith.muli %arg1, %mul3A_684 : i32
      %add3A_686 = arith.constant 8 : i32
      %add3A_687 = arith.addi %mul3A_685, %add3A_686 : i32
      "tpu.region"() ({
        %run_scoped3A_826 = tpu.sem_alloc : memref<!tpu.dma_semaphore, #tpu.memory_space<semaphore_mem>>
        %dma_start3A_827 = arith.constant 0 : i32
        %dma_start3A_828 = tpu.memref_slice %arg13[%add3A_687, %dma_start3A_827] : memref<512x128xf32, #tpu.memory_space<vmem_shared>> -> memref<8x128xf32, #tpu.memory_space<vmem_shared>>
        %dma_start3A_829 = arith.constant 0 : i32
        %dma_start3A_830 = tpu.memref_slice %arg13[%add3A_687, %dma_start3A_829] : memref<512x128xf32, #tpu.memory_space<vmem_shared>> -> memref<8x128xf32, #tpu.memory_space<vmem_shared>>
        tpu.enqueue_dma source(%arg11 : memref<8x128xf32, #tpu.memory_space<vmem>>) target(%dma_start3A_830 : memref<8x128xf32, #tpu.memory_space<vmem_shared>>) target_semaphore(%run_scoped3A_826 : memref<!tpu.dma_semaphore, #tpu.memory_space<semaphore_mem>>)
        %dma_wait3A_831 = arith.constant 0 : i32
        %dma_wait3A_832 = tpu.memref_slice %arg13[%add3A_687, %dma_wait3A_831] : memref<512x128xf32, #tpu.memory_space<vmem_shared>> -> memref<8x128xf32, #tpu.memory_space<vmem_shared>>
        %dma_wait3A_833 = arith.constant 0 : i32
        %dma_wait3A_834 = tpu.memref_slice %arg13[%add3A_687, %dma_wait3A_833] : memref<512x128xf32, #tpu.memory_space<vmem_shared>> -> memref<8x128xf32, #tpu.memory_space<vmem_shared>>
        tpu.wait_dma2 semaphore(%run_scoped3A_826 : memref<!tpu.dma_semaphore, #tpu.memory_space<semaphore_mem>>) src(%arg11 : memref<8x128xf32, #tpu.memory_space<vmem>>) dst(%dma_wait3A_834 : memref<8x128xf32, #tpu.memory_space<vmem_shared>>)
        tpu.yield
      }) : () -> ()
      %run_scoped3A_688 = arith.constant 1 : i32
      "tpu.region"() ({
        %run_scoped3A_826 = tpu.sem_alloc : memref<!tpu.dma_semaphore, #tpu.memory_space<semaphore_mem>>
        %dma_start3A_827 = arith.constant 0 : i32
        %dma_start3A_828 = arith.constant 0 : i32
        %dma_start3A_829 = tpu.memref_slice %arg12[%run_scoped3A_688, %dma_start3A_827, %dma_start3A_828] : memref<4x128x128xf32, #tpu.memory_space<vmem>> -> memref<1x128x128xf32, #tpu.memory_space<vmem>>
        %dma_start3A_830 = tpu.memref_squeeze %dma_start3A_829 : memref<1x128x128xf32, #tpu.memory_space<vmem>> -> memref<128x128xf32, #tpu.memory_space<vmem>>
        %dma_start3A_831 = arith.constant 0 : i32
        %dma_start3A_832 = arith.constant 0 : i32
        %dma_start3A_833 = tpu.memref_slice %arg13[%dma_start3A_831, %dma_start3A_832] : memref<512x128xf32, #tpu.memory_space<vmem_shared>> -> memref<512x128xf32, #tpu.memory_space<vmem_shared>>
        tpu.enqueue_indirect_dma source(%dma_start3A_830 : memref<128x128xf32, #tpu.memory_space<vmem>>) target(%dma_start3A_833 : memref<512x128xf32, #tpu.memory_space<vmem_shared>>) offsets(%arg8 : memref<128xi32, #tpu.memory_space<vmem>>) semaphore(%run_scoped3A_826 : memref<!tpu.dma_semaphore, #tpu.memory_space<semaphore_mem>>) {add = true}
        %dma_wait3A_834 = arith.constant 0 : i32
        %dma_wait3A_835 = arith.constant 0 : i32
        %dma_wait3A_836 = tpu.memref_slice %arg12[%run_scoped3A_688, %dma_wait3A_834, %dma_wait3A_835] : memref<4x128x128xf32, #tpu.memory_space<vmem>> -> memref<1x128x128xf32, #tpu.memory_space<vmem>>
        %dma_wait3A_837 = tpu.memref_squeeze %dma_wait3A_836 : memref<1x128x128xf32, #tpu.memory_space<vmem>> -> memref<128x128xf32, #tpu.memory_space<vmem>>
        %dma_wait3A_838 = arith.constant 0 : i32
        %dma_wait3A_839 = arith.constant 0 : i32
        %dma_wait3A_840 = tpu.memref_slice %arg13[%dma_wait3A_838, %dma_wait3A_839] : memref<512x128xf32, #tpu.memory_space<vmem_shared>> -> memref<512x128xf32, #tpu.memory_space<vmem_shared>>
        tpu.wait_indirect_dma semaphore(%run_scoped3A_826 : memref<!tpu.dma_semaphore, #tpu.memory_space<semaphore_mem>>) src(%dma_wait3A_837 : memref<128x128xf32, #tpu.memory_space<vmem>>) dst(%dma_wait3A_840 : memref<512x128xf32, #tpu.memory_space<vmem_shared>>)
        tpu.yield
      }) : () -> ()
      %add3A_689 = arith.constant 4 : i32
      %add3A_690 = arith.addi %add3A_664, %add3A_689 : i32
      %lt3A_691 = arith.constant 40 : i32
      %lt3A_692 = arith.cmpi slt, %add3A_690, %lt3A_691 : i32
      %convert_element_type3A_693 = arith.extui %lt3A_692 : i1 to i32
      %cond3A_694 = arith.constant 0 : i32
      %cond3A_695 = arith.cmpi ne, %convert_element_type3A_693, %cond3A_694 : i32
      scf.if %cond3A_695 {
        %dma_start3A_826 = arith.constant 1 : i32
        %dma_start3A_827 = arith.constant 0 : i32
        %dma_start3A_828 = arith.constant 0 : i32
        %dma_start3A_829 = tpu.memref_slice %arg12[%dma_start3A_826, %dma_start3A_827, %dma_start3A_828] : memref<4x128x128xf32, #tpu.memory_space<vmem>> -> memref<1x128x128xf32, #tpu.memory_space<vmem>>
        %dma_start3A_830 = tpu.memref_squeeze %dma_start3A_829 : memref<1x128x128xf32, #tpu.memory_space<vmem>> -> memref<128x128xf32, #tpu.memory_space<vmem>>
        %dma_start3A_831 = arith.constant 0 : i32
        %dma_start3A_832 = tpu.memref_slice %arg6[%add3A_690, %dma_start3A_831] : memref<40x128xi32, #tpu.memory_space<vmem>> -> memref<1x128xi32, #tpu.memory_space<vmem>>
        %dma_start3A_833 = tpu.memref_squeeze %dma_start3A_832 : memref<1x128xi32, #tpu.memory_space<vmem>> -> memref<128xi32, #tpu.memory_space<vmem>>
        %dma_start3A_834 = arith.constant 0 : i32
        %dma_start3A_835 = arith.constant 0 : i32
        %dma_start3A_836 = tpu.memref_slice %arg2[%dma_start3A_834, %dma_start3A_835] : memref<10240x128xf32, #tpu.memory_space<hbm>> -> memref<10240x128xf32, #tpu.memory_space<hbm>>
        tpu.enqueue_indirect_dma source(%dma_start3A_836 : memref<10240x128xf32, #tpu.memory_space<hbm>>) target(%dma_start3A_830 : memref<128x128xf32, #tpu.memory_space<vmem>>) offsets(%dma_start3A_833 : memref<128xi32, #tpu.memory_space<vmem>>) semaphore(%arg15 : memref<!tpu.dma_semaphore, #tpu.memory_space<semaphore_mem>>)
      } else {
      }
      %mul3A_696 = arith.constant 4 : i32
      %mul3A_697 = arith.muli %scan3A_630, %mul3A_696 : i32
      %add3A_698 = arith.constant 2 : i32
      %add3A_699 = arith.addi %mul3A_697, %add3A_698 : i32
      %mul3A_700 = arith.constant 8 : i32
      %mul3A_701 = arith.muli %add3A_699, %mul3A_700 : i32
      %add3A_702 = arith.addi %mul3A_2, %mul3A_701 : i32
      %dma_wait3A_703 = arith.constant 2 : i32
      %dma_wait3A_704 = arith.constant 0 : i32
      %dma_wait3A_705 = arith.constant 0 : i32
      %dma_wait3A_706 = tpu.memref_slice %arg12[%dma_wait3A_703, %dma_wait3A_704, %dma_wait3A_705] : memref<4x128x128xf32, #tpu.memory_space<vmem>> -> memref<1x128x128xf32, #tpu.memory_space<vmem>>
      %dma_wait3A_707 = tpu.memref_squeeze %dma_wait3A_706 : memref<1x128x128xf32, #tpu.memory_space<vmem>> -> memref<128x128xf32, #tpu.memory_space<vmem>>
      %dma_wait3A_708 = arith.constant 0 : i32
      %dma_wait3A_709 = tpu.memref_slice %arg6[%add3A_699, %dma_wait3A_708] : memref<40x128xi32, #tpu.memory_space<vmem>> -> memref<1x128xi32, #tpu.memory_space<vmem>>
      %dma_wait3A_710 = tpu.memref_squeeze %dma_wait3A_709 : memref<1x128xi32, #tpu.memory_space<vmem>> -> memref<128xi32, #tpu.memory_space<vmem>>
      %dma_wait3A_711 = arith.constant 0 : i32
      %dma_wait3A_712 = arith.constant 0 : i32
      %dma_wait3A_713 = tpu.memref_slice %arg2[%dma_wait3A_711, %dma_wait3A_712] : memref<10240x128xf32, #tpu.memory_space<hbm>> -> memref<10240x128xf32, #tpu.memory_space<hbm>>
      tpu.wait_indirect_dma semaphore(%arg16 : memref<!tpu.dma_semaphore, #tpu.memory_space<semaphore_mem>>) src(%dma_wait3A_713 : memref<10240x128xf32, #tpu.memory_space<hbm>>) dst(%dma_wait3A_707 : memref<128x128xf32, #tpu.memory_space<vmem>>)
      %gt3A_714 = arith.constant 0 : i32
      %gt3A_715 = arith.cmpi sgt, %scan3A_630, %gt3A_714 : i32
      %convert_element_type3A_716 = arith.extui %gt3A_715 : i1 to i32
      %cond3A_717 = arith.constant 0 : i32
      %cond3A_718 = arith.cmpi ne, %convert_element_type3A_716, %cond3A_717 : i32
      scf.if %cond3A_718 {
        %mul3A_826 = arith.constant 32 : i32
        %mul3A_827 = arith.muli %arg1, %mul3A_826 : i32
        %add3A_828 = arith.constant 16 : i32
        %add3A_829 = arith.addi %mul3A_827, %add3A_828 : i32
        %dma_wait3A_830 = arith.constant 0 : i32
        %dma_wait3A_831 = tpu.memref_slice %arg5[%add3A_702, %dma_wait3A_830] : memref<10240x128xf32, #tpu.memory_space<hbm>> -> memref<8x128xf32, #tpu.memory_space<hbm>>
        %dma_wait3A_832 = arith.constant 0 : i32
        %dma_wait3A_833 = tpu.memref_slice %arg13[%add3A_829, %dma_wait3A_832] : memref<512x128xf32, #tpu.memory_space<vmem_shared>> -> memref<8x128xf32, #tpu.memory_space<vmem_shared>>
        tpu.wait_dma2 semaphore(%arg20 : memref<!tpu.dma_semaphore, #tpu.memory_space<semaphore_mem>>) src(%dma_wait3A_833 : memref<8x128xf32, #tpu.memory_space<vmem_shared>>) dst(%dma_wait3A_831 : memref<8x128xf32, #tpu.memory_space<hbm>>)
      } else {
      }
      %mul3A_719 = arith.constant 32 : i32
      %mul3A_720 = arith.muli %arg1, %mul3A_719 : i32
      %add3A_721 = arith.constant 16 : i32
      %add3A_722 = arith.addi %mul3A_720, %add3A_721 : i32
      "tpu.region"() ({
        %run_scoped3A_826 = tpu.sem_alloc : memref<!tpu.dma_semaphore, #tpu.memory_space<semaphore_mem>>
        %dma_start3A_827 = arith.constant 0 : i32
        %dma_start3A_828 = tpu.memref_slice %arg13[%add3A_722, %dma_start3A_827] : memref<512x128xf32, #tpu.memory_space<vmem_shared>> -> memref<8x128xf32, #tpu.memory_space<vmem_shared>>
        %dma_start3A_829 = arith.constant 0 : i32
        %dma_start3A_830 = tpu.memref_slice %arg13[%add3A_722, %dma_start3A_829] : memref<512x128xf32, #tpu.memory_space<vmem_shared>> -> memref<8x128xf32, #tpu.memory_space<vmem_shared>>
        tpu.enqueue_dma source(%arg11 : memref<8x128xf32, #tpu.memory_space<vmem>>) target(%dma_start3A_830 : memref<8x128xf32, #tpu.memory_space<vmem_shared>>) target_semaphore(%run_scoped3A_826 : memref<!tpu.dma_semaphore, #tpu.memory_space<semaphore_mem>>)
        %dma_wait3A_831 = arith.constant 0 : i32
        %dma_wait3A_832 = tpu.memref_slice %arg13[%add3A_722, %dma_wait3A_831] : memref<512x128xf32, #tpu.memory_space<vmem_shared>> -> memref<8x128xf32, #tpu.memory_space<vmem_shared>>
        %dma_wait3A_833 = arith.constant 0 : i32
        %dma_wait3A_834 = tpu.memref_slice %arg13[%add3A_722, %dma_wait3A_833] : memref<512x128xf32, #tpu.memory_space<vmem_shared>> -> memref<8x128xf32, #tpu.memory_space<vmem_shared>>
        tpu.wait_dma2 semaphore(%run_scoped3A_826 : memref<!tpu.dma_semaphore, #tpu.memory_space<semaphore_mem>>) src(%arg11 : memref<8x128xf32, #tpu.memory_space<vmem>>) dst(%dma_wait3A_834 : memref<8x128xf32, #tpu.memory_space<vmem_shared>>)
        tpu.yield
      }) : () -> ()
      %run_scoped3A_723 = arith.constant 2 : i32
      "tpu.region"() ({
        %run_scoped3A_826 = tpu.sem_alloc : memref<!tpu.dma_semaphore, #tpu.memory_space<semaphore_mem>>
        %dma_start3A_827 = arith.constant 0 : i32
        %dma_start3A_828 = arith.constant 0 : i32
        %dma_start3A_829 = tpu.memref_slice %arg12[%run_scoped3A_723, %dma_start3A_827, %dma_start3A_828] : memref<4x128x128xf32, #tpu.memory_space<vmem>> -> memref<1x128x128xf32, #tpu.memory_space<vmem>>
        %dma_start3A_830 = tpu.memref_squeeze %dma_start3A_829 : memref<1x128x128xf32, #tpu.memory_space<vmem>> -> memref<128x128xf32, #tpu.memory_space<vmem>>
        %dma_start3A_831 = arith.constant 0 : i32
        %dma_start3A_832 = arith.constant 0 : i32
        %dma_start3A_833 = tpu.memref_slice %arg13[%dma_start3A_831, %dma_start3A_832] : memref<512x128xf32, #tpu.memory_space<vmem_shared>> -> memref<512x128xf32, #tpu.memory_space<vmem_shared>>
        tpu.enqueue_indirect_dma source(%dma_start3A_830 : memref<128x128xf32, #tpu.memory_space<vmem>>) target(%dma_start3A_833 : memref<512x128xf32, #tpu.memory_space<vmem_shared>>) offsets(%arg9 : memref<128xi32, #tpu.memory_space<vmem>>) semaphore(%run_scoped3A_826 : memref<!tpu.dma_semaphore, #tpu.memory_space<semaphore_mem>>) {add = true}
        %dma_wait3A_834 = arith.constant 0 : i32
        %dma_wait3A_835 = arith.constant 0 : i32
        %dma_wait3A_836 = tpu.memref_slice %arg12[%run_scoped3A_723, %dma_wait3A_834, %dma_wait3A_835] : memref<4x128x128xf32, #tpu.memory_space<vmem>> -> memref<1x128x128xf32, #tpu.memory_space<vmem>>
        %dma_wait3A_837 = tpu.memref_squeeze %dma_wait3A_836 : memref<1x128x128xf32, #tpu.memory_space<vmem>> -> memref<128x128xf32, #tpu.memory_space<vmem>>
        %dma_wait3A_838 = arith.constant 0 : i32
        %dma_wait3A_839 = arith.constant 0 : i32
        %dma_wait3A_840 = tpu.memref_slice %arg13[%dma_wait3A_838, %dma_wait3A_839] : memref<512x128xf32, #tpu.memory_space<vmem_shared>> -> memref<512x128xf32, #tpu.memory_space<vmem_shared>>
        tpu.wait_indirect_dma semaphore(%run_scoped3A_826 : memref<!tpu.dma_semaphore, #tpu.memory_space<semaphore_mem>>) src(%dma_wait3A_837 : memref<128x128xf32, #tpu.memory_space<vmem>>) dst(%dma_wait3A_840 : memref<512x128xf32, #tpu.memory_space<vmem_shared>>)
        tpu.yield
      }) : () -> ()
      %add3A_724 = arith.constant 4 : i32
      %add3A_725 = arith.addi %add3A_699, %add3A_724 : i32
      %lt3A_726 = arith.constant 40 : i32
      %lt3A_727 = arith.cmpi slt, %add3A_725, %lt3A_726 : i32
      %convert_element_type3A_728 = arith.extui %lt3A_727 : i1 to i32
      %cond3A_729 = arith.constant 0 : i32
      %cond3A_730 = arith.cmpi ne, %convert_element_type3A_728, %cond3A_729 : i32
      scf.if %cond3A_730 {
        %dma_start3A_826 = arith.constant 2 : i32
        %dma_start3A_827 = arith.constant 0 : i32
        %dma_start3A_828 = arith.constant 0 : i32
        %dma_start3A_829 = tpu.memref_slice %arg12[%dma_start3A_826, %dma_start3A_827, %dma_start3A_828] : memref<4x128x128xf32, #tpu.memory_space<vmem>> -> memref<1x128x128xf32, #tpu.memory_space<vmem>>
        %dma_start3A_830 = tpu.memref_squeeze %dma_start3A_829 : memref<1x128x128xf32, #tpu.memory_space<vmem>> -> memref<128x128xf32, #tpu.memory_space<vmem>>
        %dma_start3A_831 = arith.constant 0 : i32
        %dma_start3A_832 = tpu.memref_slice %arg6[%add3A_725, %dma_start3A_831] : memref<40x128xi32, #tpu.memory_space<vmem>> -> memref<1x128xi32, #tpu.memory_space<vmem>>
        %dma_start3A_833 = tpu.memref_squeeze %dma_start3A_832 : memref<1x128xi32, #tpu.memory_space<vmem>> -> memref<128xi32, #tpu.memory_space<vmem>>
        %dma_start3A_834 = arith.constant 0 : i32
        %dma_start3A_835 = arith.constant 0 : i32
        %dma_start3A_836 = tpu.memref_slice %arg2[%dma_start3A_834, %dma_start3A_835] : memref<10240x128xf32, #tpu.memory_space<hbm>> -> memref<10240x128xf32, #tpu.memory_space<hbm>>
        tpu.enqueue_indirect_dma source(%dma_start3A_836 : memref<10240x128xf32, #tpu.memory_space<hbm>>) target(%dma_start3A_830 : memref<128x128xf32, #tpu.memory_space<vmem>>) offsets(%dma_start3A_833 : memref<128xi32, #tpu.memory_space<vmem>>) semaphore(%arg16 : memref<!tpu.dma_semaphore, #tpu.memory_space<semaphore_mem>>)
      } else {
      }
      %mul3A_731 = arith.constant 4 : i32
      %mul3A_732 = arith.muli %scan3A_630, %mul3A_731 : i32
      %add3A_733 = arith.constant 3 : i32
      %add3A_734 = arith.addi %mul3A_732, %add3A_733 : i32
      %mul3A_735 = arith.constant 8 : i32
      %mul3A_736 = arith.muli %add3A_734, %mul3A_735 : i32
      %add3A_737 = arith.addi %mul3A_2, %mul3A_736 : i32
      %dma_wait3A_738 = arith.constant 3 : i32
      %dma_wait3A_739 = arith.constant 0 : i32
      %dma_wait3A_740 = arith.constant 0 : i32
      %dma_wait3A_741 = tpu.memref_slice %arg12[%dma_wait3A_738, %dma_wait3A_739, %dma_wait3A_740] : memref<4x128x128xf32, #tpu.memory_space<vmem>> -> memref<1x128x128xf32, #tpu.memory_space<vmem>>
      %dma_wait3A_742 = tpu.memref_squeeze %dma_wait3A_741 : memref<1x128x128xf32, #tpu.memory_space<vmem>> -> memref<128x128xf32, #tpu.memory_space<vmem>>
      %dma_wait3A_743 = arith.constant 0 : i32
      %dma_wait3A_744 = tpu.memref_slice %arg6[%add3A_734, %dma_wait3A_743] : memref<40x128xi32, #tpu.memory_space<vmem>> -> memref<1x128xi32, #tpu.memory_space<vmem>>
      %dma_wait3A_745 = tpu.memref_squeeze %dma_wait3A_744 : memref<1x128xi32, #tpu.memory_space<vmem>> -> memref<128xi32, #tpu.memory_space<vmem>>
      %dma_wait3A_746 = arith.constant 0 : i32
      %dma_wait3A_747 = arith.constant 0 : i32
      %dma_wait3A_748 = tpu.memref_slice %arg2[%dma_wait3A_746, %dma_wait3A_747] : memref<10240x128xf32, #tpu.memory_space<hbm>> -> memref<10240x128xf32, #tpu.memory_space<hbm>>
      tpu.wait_indirect_dma semaphore(%arg17 : memref<!tpu.dma_semaphore, #tpu.memory_space<semaphore_mem>>) src(%dma_wait3A_748 : memref<10240x128xf32, #tpu.memory_space<hbm>>) dst(%dma_wait3A_742 : memref<128x128xf32, #tpu.memory_space<vmem>>)
      %gt3A_749 = arith.constant 0 : i32
      %gt3A_750 = arith.cmpi sgt, %scan3A_630, %gt3A_749 : i32
      %convert_element_type3A_751 = arith.extui %gt3A_750 : i1 to i32
      %cond3A_752 = arith.constant 0 : i32
      %cond3A_753 = arith.cmpi ne, %convert_element_type3A_751, %cond3A_752 : i32
      scf.if %cond3A_753 {
        %mul3A_826 = arith.constant 32 : i32
        %mul3A_827 = arith.muli %arg1, %mul3A_826 : i32
        %add3A_828 = arith.constant 24 : i32
        %add3A_829 = arith.addi %mul3A_827, %add3A_828 : i32
        %dma_wait3A_830 = arith.constant 0 : i32
        %dma_wait3A_831 = tpu.memref_slice %arg5[%add3A_737, %dma_wait3A_830] : memref<10240x128xf32, #tpu.memory_space<hbm>> -> memref<8x128xf32, #tpu.memory_space<hbm>>
        %dma_wait3A_832 = arith.constant 0 : i32
        %dma_wait3A_833 = tpu.memref_slice %arg13[%add3A_829, %dma_wait3A_832] : memref<512x128xf32, #tpu.memory_space<vmem_shared>> -> memref<8x128xf32, #tpu.memory_space<vmem_shared>>
        tpu.wait_dma2 semaphore(%arg21 : memref<!tpu.dma_semaphore, #tpu.memory_space<semaphore_mem>>) src(%dma_wait3A_833 : memref<8x128xf32, #tpu.memory_space<vmem_shared>>) dst(%dma_wait3A_831 : memref<8x128xf32, #tpu.memory_space<hbm>>)
      } else {
      }
      %mul3A_754 = arith.constant 32 : i32
      %mul3A_755 = arith.muli %arg1, %mul3A_754 : i32
      %add3A_756 = arith.constant 24 : i32
      %add3A_757 = arith.addi %mul3A_755, %add3A_756 : i32
      "tpu.region"() ({
        %run_scoped3A_826 = tpu.sem_alloc : memref<!tpu.dma_semaphore, #tpu.memory_space<semaphore_mem>>
        %dma_start3A_827 = arith.constant 0 : i32
        %dma_start3A_828 = tpu.memref_slice %arg13[%add3A_757, %dma_start3A_827] : memref<512x128xf32, #tpu.memory_space<vmem_shared>> -> memref<8x128xf32, #tpu.memory_space<vmem_shared>>
        %dma_start3A_829 = arith.constant 0 : i32
        %dma_start3A_830 = tpu.memref_slice %arg13[%add3A_757, %dma_start3A_829] : memref<512x128xf32, #tpu.memory_space<vmem_shared>> -> memref<8x128xf32, #tpu.memory_space<vmem_shared>>
        tpu.enqueue_dma source(%arg11 : memref<8x128xf32, #tpu.memory_space<vmem>>) target(%dma_start3A_830 : memref<8x128xf32, #tpu.memory_space<vmem_shared>>) target_semaphore(%run_scoped3A_826 : memref<!tpu.dma_semaphore, #tpu.memory_space<semaphore_mem>>)
        %dma_wait3A_831 = arith.constant 0 : i32
        %dma_wait3A_832 = tpu.memref_slice %arg13[%add3A_757, %dma_wait3A_831] : memref<512x128xf32, #tpu.memory_space<vmem_shared>> -> memref<8x128xf32, #tpu.memory_space<vmem_shared>>
        %dma_wait3A_833 = arith.constant 0 : i32
        %dma_wait3A_834 = tpu.memref_slice %arg13[%add3A_757, %dma_wait3A_833] : memref<512x128xf32, #tpu.memory_space<vmem_shared>> -> memref<8x128xf32, #tpu.memory_space<vmem_shared>>
        tpu.wait_dma2 semaphore(%run_scoped3A_826 : memref<!tpu.dma_semaphore, #tpu.memory_space<semaphore_mem>>) src(%arg11 : memref<8x128xf32, #tpu.memory_space<vmem>>) dst(%dma_wait3A_834 : memref<8x128xf32, #tpu.memory_space<vmem_shared>>)
        tpu.yield
      }) : () -> ()
      %run_scoped3A_758 = arith.constant 3 : i32
      "tpu.region"() ({
        %run_scoped3A_826 = tpu.sem_alloc : memref<!tpu.dma_semaphore, #tpu.memory_space<semaphore_mem>>
        %dma_start3A_827 = arith.constant 0 : i32
        %dma_start3A_828 = arith.constant 0 : i32
        %dma_start3A_829 = tpu.memref_slice %arg12[%run_scoped3A_758, %dma_start3A_827, %dma_start3A_828] : memref<4x128x128xf32, #tpu.memory_space<vmem>> -> memref<1x128x128xf32, #tpu.memory_space<vmem>>
        %dma_start3A_830 = tpu.memref_squeeze %dma_start3A_829 : memref<1x128x128xf32, #tpu.memory_space<vmem>> -> memref<128x128xf32, #tpu.memory_space<vmem>>
        %dma_start3A_831 = arith.constant 0 : i32
        %dma_start3A_832 = arith.constant 0 : i32
        %dma_start3A_833 = tpu.memref_slice %arg13[%dma_start3A_831, %dma_start3A_832] : memref<512x128xf32, #tpu.memory_space<vmem_shared>> -> memref<512x128xf32, #tpu.memory_space<vmem_shared>>
        tpu.enqueue_indirect_dma source(%dma_start3A_830 : memref<128x128xf32, #tpu.memory_space<vmem>>) target(%dma_start3A_833 : memref<512x128xf32, #tpu.memory_space<vmem_shared>>) offsets(%arg10 : memref<128xi32, #tpu.memory_space<vmem>>) semaphore(%run_scoped3A_826 : memref<!tpu.dma_semaphore, #tpu.memory_space<semaphore_mem>>) {add = true}
        %dma_wait3A_834 = arith.constant 0 : i32
        %dma_wait3A_835 = arith.constant 0 : i32
        %dma_wait3A_836 = tpu.memref_slice %arg12[%run_scoped3A_758, %dma_wait3A_834, %dma_wait3A_835] : memref<4x128x128xf32, #tpu.memory_space<vmem>> -> memref<1x128x128xf32, #tpu.memory_space<vmem>>
        %dma_wait3A_837 = tpu.memref_squeeze %dma_wait3A_836 : memref<1x128x128xf32, #tpu.memory_space<vmem>> -> memref<128x128xf32, #tpu.memory_space<vmem>>
        %dma_wait3A_838 = arith.constant 0 : i32
        %dma_wait3A_839 = arith.constant 0 : i32
        %dma_wait3A_840 = tpu.memref_slice %arg13[%dma_wait3A_838, %dma_wait3A_839] : memref<512x128xf32, #tpu.memory_space<vmem_shared>> -> memref<512x128xf32, #tpu.memory_space<vmem_shared>>
        tpu.wait_indirect_dma semaphore(%run_scoped3A_826 : memref<!tpu.dma_semaphore, #tpu.memory_space<semaphore_mem>>) src(%dma_wait3A_837 : memref<128x128xf32, #tpu.memory_space<vmem>>) dst(%dma_wait3A_840 : memref<512x128xf32, #tpu.memory_space<vmem_shared>>)
        tpu.yield
      }) : () -> ()
      %add3A_759 = arith.constant 4 : i32
      %add3A_760 = arith.addi %add3A_734, %add3A_759 : i32
      %lt3A_761 = arith.constant 40 : i32
      %lt3A_762 = arith.cmpi slt, %add3A_760, %lt3A_761 : i32
      %convert_element_type3A_763 = arith.extui %lt3A_762 : i1 to i32
      %cond3A_764 = arith.constant 0 : i32
      %cond3A_765 = arith.cmpi ne, %convert_element_type3A_763, %cond3A_764 : i32
      scf.if %cond3A_765 {
        %dma_start3A_826 = arith.constant 3 : i32
        %dma_start3A_827 = arith.constant 0 : i32
        %dma_start3A_828 = arith.constant 0 : i32
        %dma_start3A_829 = tpu.memref_slice %arg12[%dma_start3A_826, %dma_start3A_827, %dma_start3A_828] : memref<4x128x128xf32, #tpu.memory_space<vmem>> -> memref<1x128x128xf32, #tpu.memory_space<vmem>>
        %dma_start3A_830 = tpu.memref_squeeze %dma_start3A_829 : memref<1x128x128xf32, #tpu.memory_space<vmem>> -> memref<128x128xf32, #tpu.memory_space<vmem>>
        %dma_start3A_831 = arith.constant 0 : i32
        %dma_start3A_832 = tpu.memref_slice %arg6[%add3A_760, %dma_start3A_831] : memref<40x128xi32, #tpu.memory_space<vmem>> -> memref<1x128xi32, #tpu.memory_space<vmem>>
        %dma_start3A_833 = tpu.memref_squeeze %dma_start3A_832 : memref<1x128xi32, #tpu.memory_space<vmem>> -> memref<128xi32, #tpu.memory_space<vmem>>
        %dma_start3A_834 = arith.constant 0 : i32
        %dma_start3A_835 = arith.constant 0 : i32
        %dma_start3A_836 = tpu.memref_slice %arg2[%dma_start3A_834, %dma_start3A_835] : memref<10240x128xf32, #tpu.memory_space<hbm>> -> memref<10240x128xf32, #tpu.memory_space<hbm>>
        tpu.enqueue_indirect_dma source(%dma_start3A_836 : memref<10240x128xf32, #tpu.memory_space<hbm>>) target(%dma_start3A_830 : memref<128x128xf32, #tpu.memory_space<vmem>>) offsets(%dma_start3A_833 : memref<128xi32, #tpu.memory_space<vmem>>) semaphore(%arg17 : memref<!tpu.dma_semaphore, #tpu.memory_space<semaphore_mem>>)
      } else {
      }
      %barrier3A = arith.constant 0 : index
      tpu.barrier barrier_id(%barrier3A)
      %mul3A_766 = arith.constant 4 : i32
      %mul3A_767 = arith.muli %scan3A_630, %mul3A_766 : i32
      %add3A_768 = arith.constant 0 : i32
      %add3A_769 = arith.addi %mul3A_767, %add3A_768 : i32
      %mul3A_770 = arith.constant 8 : i32
      %mul3A_771 = arith.muli %add3A_769, %mul3A_770 : i32
      %add3A_772 = arith.addi %mul3A_2, %mul3A_771 : i32
      %mul3A_773 = arith.constant 32 : i32
      %mul3A_774 = arith.muli %arg1, %mul3A_773 : i32
      %add3A_775 = arith.constant 0 : i32
      %add3A_776 = arith.addi %mul3A_774, %add3A_775 : i32
      %dma_start3A_777 = arith.constant 0 : i32
      %dma_start3A_778 = tpu.memref_slice %arg5[%add3A_772, %dma_start3A_777] : memref<10240x128xf32, #tpu.memory_space<hbm>> -> memref<8x128xf32, #tpu.memory_space<hbm>>
      %dma_start3A_779 = arith.constant 0 : i32
      %dma_start3A_780 = tpu.memref_slice %arg13[%add3A_776, %dma_start3A_779] : memref<512x128xf32, #tpu.memory_space<vmem_shared>> -> memref<8x128xf32, #tpu.memory_space<vmem_shared>>
      tpu.enqueue_dma source(%dma_start3A_780 : memref<8x128xf32, #tpu.memory_space<vmem_shared>>) target(%dma_start3A_778 : memref<8x128xf32, #tpu.memory_space<hbm>>) target_semaphore(%arg18 : memref<!tpu.dma_semaphore, #tpu.memory_space<semaphore_mem>>)
      %mul3A_781 = arith.constant 4 : i32
      %mul3A_782 = arith.muli %scan3A_630, %mul3A_781 : i32
      %add3A_783 = arith.constant 1 : i32
      %add3A_784 = arith.addi %mul3A_782, %add3A_783 : i32
      %mul3A_785 = arith.constant 8 : i32
      %mul3A_786 = arith.muli %add3A_784, %mul3A_785 : i32
      %add3A_787 = arith.addi %mul3A_2, %mul3A_786 : i32
      %mul3A_788 = arith.constant 32 : i32
      %mul3A_789 = arith.muli %arg1, %mul3A_788 : i32
      %add3A_790 = arith.constant 8 : i32
      %add3A_791 = arith.addi %mul3A_789, %add3A_790 : i32
      %dma_start3A_792 = arith.constant 0 : i32
      %dma_start3A_793 = tpu.memref_slice %arg5[%add3A_787, %dma_start3A_792] : memref<10240x128xf32, #tpu.memory_space<hbm>> -> memref<8x128xf32, #tpu.memory_space<hbm>>
      %dma_start3A_794 = arith.constant 0 : i32
      %dma_start3A_795 = tpu.memref_slice %arg13[%add3A_791, %dma_start3A_794] : memref<512x128xf32, #tpu.memory_space<vmem_shared>> -> memref<8x128xf32, #tpu.memory_space<vmem_shared>>
      tpu.enqueue_dma source(%dma_start3A_795 : memref<8x128xf32, #tpu.memory_space<vmem_shared>>) target(%dma_start3A_793 : memref<8x128xf32, #tpu.memory_space<hbm>>) target_semaphore(%arg19 : memref<!tpu.dma_semaphore, #tpu.memory_space<semaphore_mem>>)
      %mul3A_796 = arith.constant 4 : i32
      %mul3A_797 = arith.muli %scan3A_630, %mul3A_796 : i32
      %add3A_798 = arith.constant 2 : i32
      %add3A_799 = arith.addi %mul3A_797, %add3A_798 : i32
      %mul3A_800 = arith.constant 8 : i32
      %mul3A_801 = arith.muli %add3A_799, %mul3A_800 : i32
      %add3A_802 = arith.addi %mul3A_2, %mul3A_801 : i32
      %mul3A_803 = arith.constant 32 : i32
      %mul3A_804 = arith.muli %arg1, %mul3A_803 : i32
      %add3A_805 = arith.constant 16 : i32
      %add3A_806 = arith.addi %mul3A_804, %add3A_805 : i32
      %dma_start3A_807 = arith.constant 0 : i32
      %dma_start3A_808 = tpu.memref_slice %arg5[%add3A_802, %dma_start3A_807] : memref<10240x128xf32, #tpu.memory_space<hbm>> -> memref<8x128xf32, #tpu.memory_space<hbm>>
      %dma_start3A_809 = arith.constant 0 : i32
      %dma_start3A_810 = tpu.memref_slice %arg13[%add3A_806, %dma_start3A_809] : memref<512x128xf32, #tpu.memory_space<vmem_shared>> -> memref<8x128xf32, #tpu.memory_space<vmem_shared>>
      tpu.enqueue_dma source(%dma_start3A_810 : memref<8x128xf32, #tpu.memory_space<vmem_shared>>) target(%dma_start3A_808 : memref<8x128xf32, #tpu.memory_space<hbm>>) target_semaphore(%arg20 : memref<!tpu.dma_semaphore, #tpu.memory_space<semaphore_mem>>)
      %mul3A_811 = arith.constant 4 : i32
      %mul3A_812 = arith.muli %scan3A_630, %mul3A_811 : i32
      %add3A_813 = arith.constant 3 : i32
      %add3A_814 = arith.addi %mul3A_812, %add3A_813 : i32
      %mul3A_815 = arith.constant 8 : i32
      %mul3A_816 = arith.muli %add3A_814, %mul3A_815 : i32
      %add3A_817 = arith.addi %mul3A_2, %mul3A_816 : i32
      %mul3A_818 = arith.constant 32 : i32
      %mul3A_819 = arith.muli %arg1, %mul3A_818 : i32
      %add3A_820 = arith.constant 24 : i32
      %add3A_821 = arith.addi %mul3A_819, %add3A_820 : i32
      %dma_start3A_822 = arith.constant 0 : i32
      %dma_start3A_823 = tpu.memref_slice %arg5[%add3A_817, %dma_start3A_822] : memref<10240x128xf32, #tpu.memory_space<hbm>> -> memref<8x128xf32, #tpu.memory_space<hbm>>
      %dma_start3A_824 = arith.constant 0 : i32
      %dma_start3A_825 = tpu.memref_slice %arg13[%add3A_821, %dma_start3A_824] : memref<512x128xf32, #tpu.memory_space<vmem_shared>> -> memref<8x128xf32, #tpu.memory_space<vmem_shared>>
      tpu.enqueue_dma source(%dma_start3A_825 : memref<8x128xf32, #tpu.memory_space<vmem_shared>>) target(%dma_start3A_823 : memref<8x128xf32, #tpu.memory_space<hbm>>) target_semaphore(%arg21 : memref<!tpu.dma_semaphore, #tpu.memory_space<semaphore_mem>>)
    }
    %scan3A_590 = arith.constant 10 : i32
    %add3A_591 = arith.constant 288 : i32
    %add3A_592 = arith.addi %mul3A_2, %add3A_591 : i32
    %mul3A_593 = arith.constant 32 : i32
    %mul3A_594 = arith.muli %arg1, %mul3A_593 : i32
    %add3A_595 = arith.constant 0 : i32
    %add3A_596 = arith.addi %mul3A_594, %add3A_595 : i32
    %dma_wait3A = arith.constant 0 : i32
    %dma_wait3A_597 = tpu.memref_slice %arg5[%add3A_592, %dma_wait3A] : memref<10240x128xf32, #tpu.memory_space<hbm>> -> memref<8x128xf32, #tpu.memory_space<hbm>>
    %dma_wait3A_598 = arith.constant 0 : i32
    %dma_wait3A_599 = tpu.memref_slice %arg13[%add3A_596, %dma_wait3A_598] : memref<512x128xf32, #tpu.memory_space<vmem_shared>> -> memref<8x128xf32, #tpu.memory_space<vmem_shared>>
    tpu.wait_dma2 semaphore(%arg18 : memref<!tpu.dma_semaphore, #tpu.memory_space<semaphore_mem>>) src(%dma_wait3A_599 : memref<8x128xf32, #tpu.memory_space<vmem_shared>>) dst(%dma_wait3A_597 : memref<8x128xf32, #tpu.memory_space<hbm>>)
    %add3A_600 = arith.constant 296 : i32
    %add3A_601 = arith.addi %mul3A_2, %add3A_600 : i32
    %mul3A_602 = arith.constant 32 : i32
    %mul3A_603 = arith.muli %arg1, %mul3A_602 : i32
    %add3A_604 = arith.constant 8 : i32
    %add3A_605 = arith.addi %mul3A_603, %add3A_604 : i32
    %dma_wait3A_606 = arith.constant 0 : i32
    %dma_wait3A_607 = tpu.memref_slice %arg5[%add3A_601, %dma_wait3A_606] : memref<10240x128xf32, #tpu.memory_space<hbm>> -> memref<8x128xf32, #tpu.memory_space<hbm>>
    %dma_wait3A_608 = arith.constant 0 : i32
    %dma_wait3A_609 = tpu.memref_slice %arg13[%add3A_605, %dma_wait3A_608] : memref<512x128xf32, #tpu.memory_space<vmem_shared>> -> memref<8x128xf32, #tpu.memory_space<vmem_shared>>
    tpu.wait_dma2 semaphore(%arg19 : memref<!tpu.dma_semaphore, #tpu.memory_space<semaphore_mem>>) src(%dma_wait3A_609 : memref<8x128xf32, #tpu.memory_space<vmem_shared>>) dst(%dma_wait3A_607 : memref<8x128xf32, #tpu.memory_space<hbm>>)
    %add3A_610 = arith.constant 304 : i32
    %add3A_611 = arith.addi %mul3A_2, %add3A_610 : i32
    %mul3A_612 = arith.constant 32 : i32
    %mul3A_613 = arith.muli %arg1, %mul3A_612 : i32
    %add3A_614 = arith.constant 16 : i32
    %add3A_615 = arith.addi %mul3A_613, %add3A_614 : i32
    %dma_wait3A_616 = arith.constant 0 : i32
    %dma_wait3A_617 = tpu.memref_slice %arg5[%add3A_611, %dma_wait3A_616] : memref<10240x128xf32, #tpu.memory_space<hbm>> -> memref<8x128xf32, #tpu.memory_space<hbm>>
    %dma_wait3A_618 = arith.constant 0 : i32
    %dma_wait3A_619 = tpu.memref_slice %arg13[%add3A_615, %dma_wait3A_618] : memref<512x128xf32, #tpu.memory_space<vmem_shared>> -> memref<8x128xf32, #tpu.memory_space<vmem_shared>>
    tpu.wait_dma2 semaphore(%arg20 : memref<!tpu.dma_semaphore, #tpu.memory_space<semaphore_mem>>) src(%dma_wait3A_619 : memref<8x128xf32, #tpu.memory_space<vmem_shared>>) dst(%dma_wait3A_617 : memref<8x128xf32, #tpu.memory_space<hbm>>)
    %add3A_620 = arith.constant 312 : i32
    %add3A_621 = arith.addi %mul3A_2, %add3A_620 : i32
    %mul3A_622 = arith.constant 32 : i32
    %mul3A_623 = arith.muli %arg1, %mul3A_622 : i32
    %add3A_624 = arith.constant 24 : i32
    %add3A_625 = arith.addi %mul3A_623, %add3A_624 : i32
    %dma_wait3A_626 = arith.constant 0 : i32
    %dma_wait3A_627 = tpu.memref_slice %arg5[%add3A_621, %dma_wait3A_626] : memref<10240x128xf32, #tpu.memory_space<hbm>> -> memref<8x128xf32, #tpu.memory_space<hbm>>
    %dma_wait3A_628 = arith.constant 0 : i32
    %dma_wait3A_629 = tpu.memref_slice %arg13[%add3A_625, %dma_wait3A_628] : memref<512x128xf32, #tpu.memory_space<vmem_shared>> -> memref<8x128xf32, #tpu.memory_space<vmem_shared>>
    tpu.wait_dma2 semaphore(%arg21 : memref<!tpu.dma_semaphore, #tpu.memory_space<semaphore_mem>>) src(%dma_wait3A_629 : memref<8x128xf32, #tpu.memory_space<vmem_shared>>) dst(%dma_wait3A_627 : memref<8x128xf32, #tpu.memory_space<hbm>>)
    return
  }
}

module attributes {stable_mosaic.version = 14 : i64} {
  func.func @_pre1_body(%arg0: i32, %arg1: memref<1x1xf32, #tpu.memory_space<vmem>>, %arg2: memref<1x1xf32, #tpu.memory_space<vmem>>, %arg3: memref<256x128xf32, #tpu.memory_space<vmem>>, %arg4: memref<32x128xf32, #tpu.memory_space<vmem>>, %arg5: memref<32x128xi32, #tpu.memory_space<vmem>>, %arg6: memref<128x128xf32, #tpu.memory_space<vmem>>, %arg7: memref<1x128xf32, #tpu.memory_space<vmem>>, %arg8: memref<1x128xf32, #tpu.memory_space<vmem>>, %arg9: memref<1x128xf32, #tpu.memory_space<vmem>>, %arg10: memref<128x128xf32, #tpu.memory_space<vmem>>, %arg11: memref<32x128xi32, #tpu.memory_space<vmem>>, %arg12: memref<256x128xf32, #tpu.memory_space<vmem>>, %arg13: memref<256x128xf32, #tpu.memory_space<vmem>>) attributes {dimension_semantics = [#tpu.dimension_semantics<arbitrary>], iteration_bounds = array<i64: 40>, scalar_prefetch = 0 : i64, scratch_operands = 0 : i64, tpu.core_type = #tpu.core_type<tc>, window_params = [{pipeline_mode = #tpu.pipeline_mode<synchronous>, transform_indices = @transform_0, window_bounds = array<i64: 1, 1>}, {pipeline_mode = #tpu.pipeline_mode<synchronous>, transform_indices = @transform_1, window_bounds = array<i64: 1, 1>}, {transform_indices = @transform_2, window_bounds = array<i64: 256, 128>}, {transform_indices = @transform_3, window_bounds = array<i64: 32, 128>}, {transform_indices = @transform_4, window_bounds = array<i64: 32, 128>}, {pipeline_mode = #tpu.pipeline_mode<synchronous>, transform_indices = @transform_5, window_bounds = array<i64: 128, 128>}, {pipeline_mode = #tpu.pipeline_mode<synchronous>, transform_indices = @transform_6, window_bounds = array<i64: 1, 128>}, {pipeline_mode = #tpu.pipeline_mode<synchronous>, transform_indices = @transform_7, window_bounds = array<i64: 1, 128>}, {pipeline_mode = #tpu.pipeline_mode<synchronous>, transform_indices = @transform_8, window_bounds = array<i64: 1, 128>}, {pipeline_mode = #tpu.pipeline_mode<synchronous>, transform_indices = @transform_9, window_bounds = array<i64: 128, 128>}, {transform_indices = @transform_10, window_bounds = array<i64: 32, 128>}, {transform_indices = @transform_11, window_bounds = array<i64: 256, 128>}, {transform_indices = @transform_12, window_bounds = array<i64: 256, 128>}]} {
    %get3A = arith.constant 0 : index
    %get3A_0 = arith.constant 0 : index
    %get3A_1 = vector.load %arg1[%get3A, %get3A_0] : memref<1x1xf32, #tpu.memory_space<vmem>>, vector<1x1xf32>
    %get3A_2 = vector.extract %get3A_1[0, 0] : f32 from vector<1x1xf32>
    %get3A_3 = arith.constant 0 : index
    %get3A_4 = arith.constant 0 : index
    %get3A_5 = vector.load %arg2[%get3A_3, %get3A_4] : memref<1x1xf32, #tpu.memory_space<vmem>>, vector<1x1xf32>
    %get3A_6 = vector.extract %get3A_5[0, 0] : f32 from vector<1x1xf32>
    %get3A_7 = arith.constant 0 : index
    %get3A_8 = arith.constant 0 : index
    %get3A_9 = vector.load %arg4[%get3A_7, %get3A_8] : memref<32x128xf32, #tpu.memory_space<vmem>>, vector<32x128xf32>
    %ge3A = vector.broadcast %get3A_2 : f32 to vector<32x128xf32>
    %ge3A_10 = arith.cmpf oge, %get3A_9, %ge3A : vector<32x128xf32>
    %lt3A = vector.broadcast %get3A_6 : f32 to vector<32x128xf32>
    %lt3A_11 = arith.cmpf olt, %get3A_9, %lt3A : vector<32x128xf32>
    %and3A = arith.andi %ge3A_10, %lt3A_11 : vector<32x128xi1>
    %get3A_12 = arith.constant 0 : index
    %get3A_13 = arith.constant 0 : index
    %get3A_14 = vector.load %arg3[%get3A_12, %get3A_13] : memref<256x128xf32, #tpu.memory_space<vmem>>, vector<256x128xf32>
    %get3A_15 = arith.constant 0 : index
    %get3A_16 = arith.constant 0 : index
    %get3A_17 = vector.load %arg6[%get3A_15, %get3A_16] : memref<128x128xf32, #tpu.memory_space<vmem>>, vector<128x128xf32>
    %dot_general3A = arith.constant dense<0.000000e+00> : vector<256x128xf32>
    %dot_general3A_18 = tpu.matmul %get3A_14, %get3A_17, %dot_general3A {dimension_numbers = #tpu.dot_dimension_numbers<[1], [0], [0], [1], [0, 0, 1, 1], [], []>, transpose_lhs_hint = false} : vector<256x128xf32>, vector<128x128xf32>, vector<256x128xf32> -> vector<256x128xf32>
    %get3A_19 = arith.constant 0 : index
    %get3A_20 = arith.constant 0 : index
    %get3A_21 = vector.load %arg7[%get3A_19, %get3A_20] : memref<1x128xf32, #tpu.memory_space<vmem>>, vector<1x128xf32>
    %add3A = vector.broadcast %get3A_21 : vector<1x128xf32> to vector<256x128xf32>
    %add3A_22 = arith.addf %dot_general3A_18, %add3A : vector<256x128xf32>
    %max3A = arith.constant 0.000000e+00 : f32
    %max3A_23 = vector.broadcast %max3A : f32 to vector<256x128xf32>
    %max3A_24 = arith.maximumf %add3A_22, %max3A_23 : vector<256x128xf32>
    %get3A_25 = arith.constant 0 : index
    %get3A_26 = arith.constant 0 : index
    %get3A_27 = vector.load %arg8[%get3A_25, %get3A_26] : memref<1x128xf32, #tpu.memory_space<vmem>>, vector<1x128xf32>
    %get3A_28 = arith.constant 0 : index
    %get3A_29 = arith.constant 0 : index
    %get3A_30 = vector.load %arg9[%get3A_28, %get3A_29] : memref<1x128xf32, #tpu.memory_space<vmem>>, vector<1x128xf32>
    %reduce_sum3A = arith.constant dense<0.000000e+00> : vector<256xf32>
    %reduce_sum3A_31 = vector.multi_reduction <add>, %max3A_24, %reduce_sum3A [1] : vector<256x128xf32> to vector<256xf32>
    %broadcast_in_dim3A = vector.shape_cast %reduce_sum3A_31 : vector<256xf32> to vector<256x1xf32>
    %div3A = arith.constant 1.280000e+02 : f32
    %div3A_32 = vector.broadcast %div3A : f32 to vector<256x1xf32>
    %div3A_33 = arith.divf %broadcast_in_dim3A, %div3A_32 : vector<256x1xf32>
    %sub3A = vector.broadcast %div3A_33 : vector<256x1xf32> to vector<256x128xf32>
    %sub3A_34 = arith.subf %max3A_24, %sub3A : vector<256x128xf32>
    %integer_pow3A = arith.mulf %sub3A_34, %sub3A_34 : vector<256x128xf32>
    %reduce_sum3A_35 = arith.constant dense<0.000000e+00> : vector<256xf32>
    %reduce_sum3A_36 = vector.multi_reduction <add>, %integer_pow3A, %reduce_sum3A_35 [1] : vector<256x128xf32> to vector<256xf32>
    %broadcast_in_dim3A_37 = vector.shape_cast %reduce_sum3A_36 : vector<256xf32> to vector<256x1xf32>
    %div3A_38 = arith.constant 1.280000e+02 : f32
    %div3A_39 = vector.broadcast %div3A_38 : f32 to vector<256x1xf32>
    %div3A_40 = arith.divf %broadcast_in_dim3A_37, %div3A_39 : vector<256x1xf32>
    %sub3A_41 = vector.broadcast %div3A_33 : vector<256x1xf32> to vector<256x128xf32>
    %sub3A_42 = arith.subf %max3A_24, %sub3A_41 : vector<256x128xf32>
    %add3A_43 = arith.constant 9.99999974E-6 : f32
    %add3A_44 = vector.broadcast %add3A_43 : f32 to vector<256x1xf32>
    %add3A_45 = arith.addf %div3A_40, %add3A_44 : vector<256x1xf32>
    %sqrt3A = math.sqrt %add3A_45 : vector<256x1xf32>
    %div3A_46 = vector.broadcast %sqrt3A : vector<256x1xf32> to vector<256x128xf32>
    %div3A_47 = arith.divf %sub3A_42, %div3A_46 : vector<256x128xf32>
    %mul3A = vector.broadcast %get3A_27 : vector<1x128xf32> to vector<256x128xf32>
    %mul3A_48 = arith.mulf %div3A_47, %mul3A : vector<256x128xf32>
    %add3A_49 = vector.broadcast %get3A_30 : vector<1x128xf32> to vector<256x128xf32>
    %add3A_50 = arith.addf %mul3A_48, %add3A_49 : vector<256x128xf32>
    %swap3A = arith.constant 0 : index
    %swap3A_51 = arith.constant 0 : index
    %swap3A_52 = vector.load %arg12[%swap3A, %swap3A_51] : memref<256x128xf32, #tpu.memory_space<vmem>>, vector<256x128xf32>
    tpu.vector_store %arg12[%swap3A, %swap3A_51], %add3A_50 {strides = array<i32>} : memref<256x128xf32, #tpu.memory_space<vmem>>, vector<256x128xf32>,
    %get3A_53 = arith.constant 0 : index
    %get3A_54 = arith.constant 0 : index
    %get3A_55 = vector.load %arg10[%get3A_53, %get3A_54] : memref<128x128xf32, #tpu.memory_space<vmem>>, vector<128x128xf32>
    %dot_general3A_56 = arith.constant dense<0.000000e+00> : vector<256x128xf32>
    %dot_general3A_57 = tpu.matmul %add3A_50, %get3A_55, %dot_general3A_56 {dimension_numbers = #tpu.dot_dimension_numbers<[1], [0], [0], [1], [0, 0, 1, 1], [], []>, transpose_lhs_hint = false} : vector<256x128xf32>, vector<128x128xf32>, vector<256x128xf32> -> vector<256x128xf32>
    %mul3A_58 = arith.constant 256 : i32
    %mul3A_59 = arith.muli %arg0, %mul3A_58 : i32
    %iota3A = tpu.iota {dimensions = array<i32: 0>} : vector<256x1xi32>
    %add3A_60 = vector.broadcast %mul3A_59 : i32 to vector<256x1xi32>
    %add3A_61 = arith.addi %add3A_60, %iota3A : vector<256x1xi32>
    %lt3A_62 = arith.constant 10000 : i32
    %lt3A_63 = vector.broadcast %lt3A_62 : i32 to vector<256x1xi32>
    %lt3A_64 = arith.cmpi slt, %add3A_61, %lt3A_63 : vector<256x1xi32>
    %jit3A = arith.constant 0.000000e+00 : f32
    %broadcast_in_dim3A_65 = vector.shape_cast %lt3A_64 : vector<256x1xi1> to vector<256x1xi1>
    %broadcast_in_dim3A_66 = vector.broadcast %broadcast_in_dim3A_65 : vector<256x1xi1> to vector<256x128xi1>
    %broadcast_in_dim3A_67 = vector.broadcast %jit3A : f32 to vector<256x128xf32>
    %select_n3A = arith.select %broadcast_in_dim3A_66, %dot_general3A_57, %broadcast_in_dim3A_67 : vector<256x128xi1>, vector<256x128xf32>
    %swap3A_68 = arith.constant 0 : index
    %swap3A_69 = arith.constant 0 : index
    %swap3A_70 = vector.load %arg13[%swap3A_68, %swap3A_69] : memref<256x128xf32, #tpu.memory_space<vmem>>, vector<256x128xf32>
    tpu.vector_store %arg13[%swap3A_68, %swap3A_69], %select_n3A {strides = array<i32>} : memref<256x128xf32, #tpu.memory_space<vmem>>, vector<256x128xf32>,
    %get3A_71 = arith.constant 0 : index
    %get3A_72 = arith.constant 0 : index
    %get3A_73 = vector.load %arg5[%get3A_71, %get3A_72] : memref<32x128xi32, #tpu.memory_space<vmem>>, vector<32x128xi32>
    %jit3A_74 = arith.constant 10000 : i32
    %broadcast_in_dim3A_75 = vector.broadcast %jit3A_74 : i32 to vector<32x128xi32>
    %select_n3A_76 = arith.select %and3A, %get3A_73, %broadcast_in_dim3A_75 : vector<32x128xi1>, vector<32x128xi32>
    %swap3A_77 = arith.constant 0 : index
    %swap3A_78 = arith.constant 0 : index
    %swap3A_79 = vector.load %arg11[%swap3A_77, %swap3A_78] : memref<32x128xi32, #tpu.memory_space<vmem>>, vector<32x128xi32>
    tpu.vector_store %arg11[%swap3A_77, %swap3A_78], %select_n3A_76 {strides = array<i32>} : memref<32x128xi32, #tpu.memory_space<vmem>>, vector<32x128xi32>,
    return
  }
  func.func @transform_0(%arg0: i32) -> (i32, i32) {
    %c0_i32 = arith.constant 0 : i32
    %c0_i32_0 = arith.constant 0 : i32
    %c0_i32_1 = arith.constant 0 : i32
    return %c0_i32, %c0_i32_0 : i32, i32
  }
  func.func @transform_1(%arg0: i32) -> (i32, i32) {
    %c0_i32 = arith.constant 0 : i32
    %c0_i32_0 = arith.constant 0 : i32
    %c0_i32_1 = arith.constant 0 : i32
    return %c0_i32, %c0_i32_0 : i32, i32
  }
  func.func @transform_2(%arg0: i32) -> (i32, i32) {
    %c0_i32 = arith.constant 0 : i32
    %c0_i32_0 = arith.constant 0 : i32
    return %arg0, %c0_i32 : i32, i32
  }
  func.func @transform_3(%arg0: i32) -> (i32, i32) {
    %c0_i32 = arith.constant 0 : i32
    %c0_i32_0 = arith.constant 0 : i32
    return %arg0, %c0_i32 : i32, i32
  }
  func.func @transform_4(%arg0: i32) -> (i32, i32) {
    %c0_i32 = arith.constant 0 : i32
    %c0_i32_0 = arith.constant 0 : i32
    return %arg0, %c0_i32 : i32, i32
  }
  func.func @transform_5(%arg0: i32) -> (i32, i32) {
    %c0_i32 = arith.constant 0 : i32
    %c0_i32_0 = arith.constant 0 : i32
    %c0_i32_1 = arith.constant 0 : i32
    return %c0_i32, %c0_i32_0 : i32, i32
  }
  func.func @transform_6(%arg0: i32) -> (i32, i32) {
    %c0_i32 = arith.constant 0 : i32
    %c0_i32_0 = arith.constant 0 : i32
    %c0_i32_1 = arith.constant 0 : i32
    return %c0_i32, %c0_i32_0 : i32, i32
  }
  func.func @transform_7(%arg0: i32) -> (i32, i32) {
    %c0_i32 = arith.constant 0 : i32
    %c0_i32_0 = arith.constant 0 : i32
    %c0_i32_1 = arith.constant 0 : i32
    return %c0_i32, %c0_i32_0 : i32, i32
  }
  func.func @transform_8(%arg0: i32) -> (i32, i32) {
    %c0_i32 = arith.constant 0 : i32
    %c0_i32_0 = arith.constant 0 : i32
    %c0_i32_1 = arith.constant 0 : i32
    return %c0_i32, %c0_i32_0 : i32, i32
  }
  func.func @transform_9(%arg0: i32) -> (i32, i32) {
    %c0_i32 = arith.constant 0 : i32
    %c0_i32_0 = arith.constant 0 : i32
    %c0_i32_1 = arith.constant 0 : i32
    return %c0_i32, %c0_i32_0 : i32, i32
  }
  func.func @transform_10(%arg0: i32) -> (i32, i32) {
    %c0_i32 = arith.constant 0 : i32
    %c0_i32_0 = arith.constant 0 : i32
    return %arg0, %c0_i32 : i32, i32
  }
  func.func @transform_11(%arg0: i32) -> (i32, i32) {
    %c0_i32 = arith.constant 0 : i32
    %c0_i32_0 = arith.constant 0 : i32
    return %arg0, %c0_i32 : i32, i32
  }
  func.func @transform_12(%arg0: i32) -> (i32, i32) {
    %c0_i32 = arith.constant 0 : i32
    %c0_i32_0 = arith.constant 0 : i32
    return %arg0, %c0_i32 : i32, i32
  }
}

module attributes {stable_mosaic.version = 14 : i64} {
  func.func @_pre2_body(%arg0: i32, %arg1: memref<1x1xf32, #tpu.memory_space<vmem>>, %arg2: memref<1x1xf32, #tpu.memory_space<vmem>>, %arg3: memref<256x16xf32, #tpu.memory_space<vmem>>, %arg4: memref<256x256xf32, #tpu.memory_space<vmem>>, %arg5: memref<16x256xf32, #tpu.memory_space<vmem>>, %arg6: memref<1x256xf32, #tpu.memory_space<vmem>>, %arg7: memref<1x256xf32, #tpu.memory_space<vmem>>, %arg8: memref<256x128xf32, #tpu.memory_space<vmem>>, %arg9: memref<256x128xf32, #tpu.memory_space<vmem>>, %arg10: memref<256x128xf32, #tpu.memory_space<vmem>>, %arg11: memref<256x128xf32, #tpu.memory_space<vmem>>) attributes {dimension_semantics = [#tpu.dimension_semantics<arbitrary>], iteration_bounds = array<i64: 40>, scalar_prefetch = 0 : i64, scratch_operands = 0 : i64, tpu.core_type = #tpu.core_type<tc>, window_params = [{pipeline_mode = #tpu.pipeline_mode<synchronous>, transform_indices = @transform_0, window_bounds = array<i64: 1, 1>}, {pipeline_mode = #tpu.pipeline_mode<synchronous>, transform_indices = @transform_1, window_bounds = array<i64: 1, 1>}, {transform_indices = @transform_2, window_bounds = array<i64: 256, 16>}, {transform_indices = @transform_3, window_bounds = array<i64: 256, 256>}, {pipeline_mode = #tpu.pipeline_mode<synchronous>, transform_indices = @transform_4, window_bounds = array<i64: 16, 256>}, {pipeline_mode = #tpu.pipeline_mode<synchronous>, transform_indices = @transform_5, window_bounds = array<i64: 1, 256>}, {pipeline_mode = #tpu.pipeline_mode<synchronous>, transform_indices = @transform_6, window_bounds = array<i64: 1, 256>}, {pipeline_mode = #tpu.pipeline_mode<synchronous>, transform_indices = @transform_7, window_bounds = array<i64: 256, 128>}, {pipeline_mode = #tpu.pipeline_mode<synchronous>, transform_indices = @transform_8, window_bounds = array<i64: 256, 128>}, {pipeline_mode = #tpu.pipeline_mode<synchronous>, transform_indices = @transform_9, window_bounds = array<i64: 256, 128>}, {transform_indices = @transform_10, window_bounds = array<i64: 256, 128>}]} {
    %get3A = arith.constant 0 : index
    %get3A_0 = arith.constant 0 : index
    %get3A_1 = vector.load %arg1[%get3A, %get3A_0] : memref<1x1xf32, #tpu.memory_space<vmem>>, vector<1x1xf32>
    %get3A_2 = vector.extract %get3A_1[0, 0] : f32 from vector<1x1xf32>
    %get3A_3 = arith.constant 0 : index
    %get3A_4 = arith.constant 0 : index
    %get3A_5 = vector.load %arg2[%get3A_3, %get3A_4] : memref<1x1xf32, #tpu.memory_space<vmem>>, vector<1x1xf32>
    %get3A_6 = vector.extract %get3A_5[0, 0] : f32 from vector<1x1xf32>
    %get3A_7 = arith.constant 0 : index
    %get3A_8 = arith.constant 0 : index
    %get3A_9 = vector.load %arg3[%get3A_7, %get3A_8] : memref<256x16xf32, #tpu.memory_space<vmem>>, vector<256x16xf32>
    %ge3A = vector.broadcast %get3A_2 : f32 to vector<256x16xf32>
    %ge3A_10 = arith.cmpf oge, %get3A_9, %ge3A : vector<256x16xf32>
    %lt3A = vector.broadcast %get3A_6 : f32 to vector<256x16xf32>
    %lt3A_11 = arith.cmpf olt, %get3A_9, %lt3A : vector<256x16xf32>
    %and3A = arith.andi %ge3A_10, %lt3A_11 : vector<256x16xi1>
    %convert_element_type3A = arith.extui %and3A : vector<256x16xi1> to vector<256x16xi32>
    %convert_element_type3A_12 = arith.sitofp %convert_element_type3A : vector<256x16xi32> to vector<256x16xf32>
    %reduce_max3A = arith.constant dense<0xFF800000> : vector<256xf32>
    %reduce_max3A_13 = vector.multi_reduction <maximumf>, %convert_element_type3A_12, %reduce_max3A [1] : vector<256x16xf32> to vector<256xf32>
    %broadcast_in_dim3A = vector.shape_cast %reduce_max3A_13 : vector<256xf32> to vector<256x1xf32>
    %jit3A = arith.constant 0xFF800000 : f32
    %broadcast_in_dim3A_14 = vector.broadcast %jit3A : f32 to vector<256x16xf32>
    %select_n3A = arith.select %and3A, %get3A_9, %broadcast_in_dim3A_14 : vector<256x16xi1>, vector<256x16xf32>
    %reduce_max3A_15 = arith.constant dense<0xFF800000> : vector<256xf32>
    %reduce_max3A_16 = vector.multi_reduction <maximumf>, %select_n3A, %reduce_max3A_15 [1] : vector<256x16xf32> to vector<256xf32>
    %broadcast_in_dim3A_17 = vector.shape_cast %reduce_max3A_16 : vector<256xf32> to vector<256x1xf32>
    %max3A = vector.broadcast %get3A_2 : f32 to vector<256x1xf32>
    %max3A_18 = arith.maximumf %max3A, %broadcast_in_dim3A_17 : vector<256x1xf32>
    %get3A_19 = arith.constant 0 : index
    %get3A_20 = arith.constant 0 : index
    %get3A_21 = vector.load %arg5[%get3A_19, %get3A_20] : memref<16x256xf32, #tpu.memory_space<vmem>>, vector<16x256xf32>
    %dot_general3A = arith.constant dense<0.000000e+00> : vector<256x256xf32>
    %dot_general3A_22 = tpu.matmul %get3A_9, %get3A_21, %dot_general3A {dimension_numbers = #tpu.dot_dimension_numbers<[1], [0], [0], [1], [0, 0, 1, 1], [], []>, transpose_lhs_hint = false} : vector<256x16xf32>, vector<16x256xf32>, vector<256x256xf32> -> vector<256x256xf32>
    %dot_general3A_23 = arith.constant dense<0.000000e+00> : vector<256x256xf32>
    %dot_general3A_24 = tpu.matmul %convert_element_type3A_12, %get3A_21, %dot_general3A_23 {dimension_numbers = #tpu.dot_dimension_numbers<[1], [0], [0], [1], [0, 0, 1, 1], [], []>, transpose_lhs_hint = false} : vector<256x16xf32>, vector<16x256xf32>, vector<256x256xf32> -> vector<256x256xf32>
    %sub3A = vector.broadcast %max3A_18 : vector<256x1xf32> to vector<256x256xf32>
    %sub3A_25 = arith.subf %sub3A, %dot_general3A_22 : vector<256x256xf32>
    %get3A_26 = arith.constant 0 : index
    %get3A_27 = arith.constant 0 : index
    %get3A_28 = vector.load %arg6[%get3A_26, %get3A_27] : memref<1x256xf32, #tpu.memory_space<vmem>>, vector<1x256xf32>
    %mul3A = vector.broadcast %get3A_28 : vector<1x256xf32> to vector<256x256xf32>
    %mul3A_29 = arith.mulf %sub3A_25, %mul3A : vector<256x256xf32>
    %get3A_30 = arith.constant 0 : index
    %get3A_31 = arith.constant 0 : index
    %get3A_32 = vector.load %arg7[%get3A_30, %get3A_31] : memref<1x256xf32, #tpu.memory_space<vmem>>, vector<1x256xf32>
    %add3A = vector.broadcast %get3A_32 : vector<1x256xf32> to vector<256x256xf32>
    %add3A_33 = arith.addf %mul3A_29, %add3A : vector<256x256xf32>
    %sin3A = math.sin %add3A_33 : vector<256x256xf32>
    %mul3A_34 = arith.mulf %dot_general3A_24, %sin3A : vector<256x256xf32>
    %get3A_35 = arith.constant 0 : index
    %get3A_36 = arith.constant 0 : index
    %get3A_37 = vector.load %arg8[%get3A_35, %get3A_36] : memref<256x128xf32, #tpu.memory_space<vmem>>, vector<256x128xf32>
    %dot_general3A_38 = arith.constant dense<0.000000e+00> : vector<256x128xf32>
    %dot_general3A_39 = tpu.matmul %mul3A_34, %get3A_37, %dot_general3A_38 {dimension_numbers = #tpu.dot_dimension_numbers<[1], [0], [0], [1], [0, 0, 1, 1], [], []>, transpose_lhs_hint = false} : vector<256x256xf32>, vector<256x128xf32>, vector<256x128xf32> -> vector<256x128xf32>
    %cos3A = math.cos %add3A_33 : vector<256x256xf32>
    %mul3A_40 = arith.mulf %dot_general3A_24, %cos3A : vector<256x256xf32>
    %get3A_41 = arith.constant 0 : index
    %get3A_42 = arith.constant 0 : index
    %get3A_43 = vector.load %arg9[%get3A_41, %get3A_42] : memref<256x128xf32, #tpu.memory_space<vmem>>, vector<256x128xf32>
    %dot_general3A_44 = arith.constant dense<0.000000e+00> : vector<256x128xf32>
    %dot_general3A_45 = tpu.matmul %mul3A_40, %get3A_43, %dot_general3A_44 {dimension_numbers = #tpu.dot_dimension_numbers<[1], [0], [0], [1], [0, 0, 1, 1], [], []>, transpose_lhs_hint = false} : vector<256x256xf32>, vector<256x128xf32>, vector<256x128xf32> -> vector<256x128xf32>
    %add3A_46 = arith.addf %dot_general3A_39, %dot_general3A_45 : vector<256x128xf32>
    %mul3A_47 = arith.constant 2.500000e-01 : f32
    %mul3A_48 = vector.broadcast %mul3A_47 : f32 to vector<256x128xf32>
    %mul3A_49 = arith.mulf %add3A_46, %mul3A_48 : vector<256x128xf32>
    %get3A_50 = arith.constant 0 : index
    %get3A_51 = arith.constant 0 : index
    %get3A_52 = vector.load %arg4[%get3A_50, %get3A_51] : memref<256x256xf32, #tpu.memory_space<vmem>>, vector<256x256xf32>
    %mul3A_53 = arith.mulf %dot_general3A_24, %get3A_52 : vector<256x256xf32>
    %get3A_54 = arith.constant 0 : index
    %get3A_55 = arith.constant 0 : index
    %get3A_56 = vector.load %arg10[%get3A_54, %get3A_55] : memref<256x128xf32, #tpu.memory_space<vmem>>, vector<256x128xf32>
    %dot_general3A_57 = arith.constant dense<0.000000e+00> : vector<256x128xf32>
    %dot_general3A_58 = tpu.matmul %mul3A_53, %get3A_56, %dot_general3A_57 {dimension_numbers = #tpu.dot_dimension_numbers<[1], [0], [0], [1], [0, 0, 1, 1], [], []>, transpose_lhs_hint = false} : vector<256x256xf32>, vector<256x128xf32>, vector<256x128xf32> -> vector<256x128xf32>
    %add3A_59 = arith.addf %mul3A_49, %dot_general3A_58 : vector<256x128xf32>
    %mul3A_60 = vector.broadcast %broadcast_in_dim3A : vector<256x1xf32> to vector<256x128xf32>
    %mul3A_61 = arith.mulf %mul3A_60, %add3A_59 : vector<256x128xf32>
    %swap3A = arith.constant 0 : index
    %swap3A_62 = arith.constant 0 : index
    %swap3A_63 = vector.load %arg11[%swap3A, %swap3A_62] : memref<256x128xf32, #tpu.memory_space<vmem>>, vector<256x128xf32>
    tpu.vector_store %arg11[%swap3A, %swap3A_62], %mul3A_61 {strides = array<i32>} : memref<256x128xf32, #tpu.memory_space<vmem>>, vector<256x128xf32>,
    return
  }
  func.func @transform_0(%arg0: i32) -> (i32, i32) {
    %c0_i32 = arith.constant 0 : i32
    %c0_i32_0 = arith.constant 0 : i32
    %c0_i32_1 = arith.constant 0 : i32
    return %c0_i32, %c0_i32_0 : i32, i32
  }
  func.func @transform_1(%arg0: i32) -> (i32, i32) {
    %c0_i32 = arith.constant 0 : i32
    %c0_i32_0 = arith.constant 0 : i32
    %c0_i32_1 = arith.constant 0 : i32
    return %c0_i32, %c0_i32_0 : i32, i32
  }
  func.func @transform_2(%arg0: i32) -> (i32, i32) {
    %c0_i32 = arith.constant 0 : i32
    %c0_i32_0 = arith.constant 0 : i32
    return %arg0, %c0_i32 : i32, i32
  }
  func.func @transform_3(%arg0: i32) -> (i32, i32) {
    %c0_i32 = arith.constant 0 : i32
    %c0_i32_0 = arith.constant 0 : i32
    return %arg0, %c0_i32 : i32, i32
  }
  func.func @transform_4(%arg0: i32) -> (i32, i32) {
    %c0_i32 = arith.constant 0 : i32
    %c0_i32_0 = arith.constant 0 : i32
    %c0_i32_1 = arith.constant 0 : i32
    return %c0_i32, %c0_i32_0 : i32, i32
  }
  func.func @transform_5(%arg0: i32) -> (i32, i32) {
    %c0_i32 = arith.constant 0 : i32
    %c0_i32_0 = arith.constant 0 : i32
    %c0_i32_1 = arith.constant 0 : i32
    return %c0_i32, %c0_i32_0 : i32, i32
  }
  func.func @transform_6(%arg0: i32) -> (i32, i32) {
    %c0_i32 = arith.constant 0 : i32
    %c0_i32_0 = arith.constant 0 : i32
    %c0_i32_1 = arith.constant 0 : i32
    return %c0_i32, %c0_i32_0 : i32, i32
  }
  func.func @transform_7(%arg0: i32) -> (i32, i32) {
    %c0_i32 = arith.constant 0 : i32
    %c0_i32_0 = arith.constant 0 : i32
    %c0_i32_1 = arith.constant 0 : i32
    return %c0_i32, %c0_i32_0 : i32, i32
  }
  func.func @transform_8(%arg0: i32) -> (i32, i32) {
    %c0_i32 = arith.constant 0 : i32
    %c0_i32_0 = arith.constant 0 : i32
    %c0_i32_1 = arith.constant 0 : i32
    return %c0_i32, %c0_i32_0 : i32, i32
  }
  func.func @transform_9(%arg0: i32) -> (i32, i32) {
    %c0_i32 = arith.constant 0 : i32
    %c0_i32_0 = arith.constant 0 : i32
    %c0_i32_1 = arith.constant 0 : i32
    return %c0_i32, %c0_i32_0 : i32, i32
  }
  func.func @transform_10(%arg0: i32) -> (i32, i32) {
    %c0_i32 = arith.constant 0 : i32
    %c0_i32_0 = arith.constant 0 : i32
    return %arg0, %c0_i32 : i32, i32
  }
}

module attributes {stable_mosaic.version = 14 : i64} {
  func.func @_mlp_lnv_body(%arg0: i32, %arg1: memref<256x128xf32, #tpu.memory_space<vmem>>, %arg2: memref<256x128xf32, #tpu.memory_space<vmem>>, %arg3: memref<256x128xf32, #tpu.memory_space<vmem>>, %arg4: memref<1x128xf32, #tpu.memory_space<vmem>>, %arg5: memref<1x128xf32, #tpu.memory_space<vmem>>, %arg6: memref<128x128xf32, #tpu.memory_space<vmem>>, %arg7: memref<128x128xf32, #tpu.memory_space<vmem>>, %arg8: memref<1x128xf32, #tpu.memory_space<vmem>>, %arg9: memref<128x128xf32, #tpu.memory_space<vmem>>, %arg10: memref<1x128xf32, #tpu.memory_space<vmem>>, %arg11: memref<1x128xf32, #tpu.memory_space<vmem>>, %arg12: memref<1x128xf32, #tpu.memory_space<vmem>>, %arg13: memref<128x128xf32, #tpu.memory_space<vmem>>, %arg14: memref<256x128xf32, #tpu.memory_space<vmem>>, %arg15: memref<256x128xf32, #tpu.memory_space<vmem>>) attributes {dimension_semantics = [#tpu.dimension_semantics<arbitrary>], iteration_bounds = array<i64: 40>, scalar_prefetch = 0 : i64, scratch_operands = 0 : i64, tpu.core_type = #tpu.core_type<tc>, window_params = [{transform_indices = @transform_0, window_bounds = array<i64: 256, 128>}, {transform_indices = @transform_1, window_bounds = array<i64: 256, 128>}, {transform_indices = @transform_2, window_bounds = array<i64: 256, 128>}, {pipeline_mode = #tpu.pipeline_mode<synchronous>, transform_indices = @transform_3, window_bounds = array<i64: 1, 128>}, {pipeline_mode = #tpu.pipeline_mode<synchronous>, transform_indices = @transform_4, window_bounds = array<i64: 1, 128>}, {pipeline_mode = #tpu.pipeline_mode<synchronous>, transform_indices = @transform_5, window_bounds = array<i64: 128, 128>}, {pipeline_mode = #tpu.pipeline_mode<synchronous>, transform_indices = @transform_6, window_bounds = array<i64: 128, 128>}, {pipeline_mode = #tpu.pipeline_mode<synchronous>, transform_indices = @transform_7, window_bounds = array<i64: 1, 128>}, {pipeline_mode = #tpu.pipeline_mode<synchronous>, transform_indices = @transform_8, window_bounds = array<i64: 128, 128>}, {pipeline_mode = #tpu.pipeline_mode<synchronous>, transform_indices = @transform_9, window_bounds = array<i64: 1, 128>}, {pipeline_mode = #tpu.pipeline_mode<synchronous>, transform_indices = @transform_10, window_bounds = array<i64: 1, 128>}, {pipeline_mode = #tpu.pipeline_mode<synchronous>, transform_indices = @transform_11, window_bounds = array<i64: 1, 128>}, {pipeline_mode = #tpu.pipeline_mode<synchronous>, transform_indices = @transform_12, window_bounds = array<i64: 128, 128>}, {transform_indices = @transform_13, window_bounds = array<i64: 256, 128>}, {transform_indices = @transform_14, window_bounds = array<i64: 256, 128>}]} {
    %get3A = arith.constant 0 : index
    %get3A_0 = arith.constant 0 : index
    %get3A_1 = vector.load %arg1[%get3A, %get3A_0] : memref<256x128xf32, #tpu.memory_space<vmem>>, vector<256x128xf32>
    %get3A_2 = arith.constant 0 : index
    %get3A_3 = arith.constant 0 : index
    %get3A_4 = vector.load %arg2[%get3A_2, %get3A_3] : memref<256x128xf32, #tpu.memory_space<vmem>>, vector<256x128xf32>
    %get3A_5 = arith.constant 0 : index
    %get3A_6 = arith.constant 0 : index
    %get3A_7 = vector.load %arg3[%get3A_5, %get3A_6] : memref<256x128xf32, #tpu.memory_space<vmem>>, vector<256x128xf32>
    %add3A = arith.addf %get3A_4, %get3A_7 : vector<256x128xf32>
    %add3A_8 = arith.addf %add3A, %get3A_1 : vector<256x128xf32>
    %get3A_9 = arith.constant 0 : index
    %get3A_10 = arith.constant 0 : index
    %get3A_11 = vector.load %arg4[%get3A_9, %get3A_10] : memref<1x128xf32, #tpu.memory_space<vmem>>, vector<1x128xf32>
    %get3A_12 = arith.constant 0 : index
    %get3A_13 = arith.constant 0 : index
    %get3A_14 = vector.load %arg5[%get3A_12, %get3A_13] : memref<1x128xf32, #tpu.memory_space<vmem>>, vector<1x128xf32>
    %reduce_sum3A = arith.constant dense<0.000000e+00> : vector<256xf32>
    %reduce_sum3A_15 = vector.multi_reduction <add>, %add3A_8, %reduce_sum3A [1] : vector<256x128xf32> to vector<256xf32>
    %broadcast_in_dim3A = vector.shape_cast %reduce_sum3A_15 : vector<256xf32> to vector<256x1xf32>
    %div3A = arith.constant 1.280000e+02 : f32
    %div3A_16 = vector.broadcast %div3A : f32 to vector<256x1xf32>
    %div3A_17 = arith.divf %broadcast_in_dim3A, %div3A_16 : vector<256x1xf32>
    %sub3A = vector.broadcast %div3A_17 : vector<256x1xf32> to vector<256x128xf32>
    %sub3A_18 = arith.subf %add3A_8, %sub3A : vector<256x128xf32>
    %integer_pow3A = arith.mulf %sub3A_18, %sub3A_18 : vector<256x128xf32>
    %reduce_sum3A_19 = arith.constant dense<0.000000e+00> : vector<256xf32>
    %reduce_sum3A_20 = vector.multi_reduction <add>, %integer_pow3A, %reduce_sum3A_19 [1] : vector<256x128xf32> to vector<256xf32>
    %broadcast_in_dim3A_21 = vector.shape_cast %reduce_sum3A_20 : vector<256xf32> to vector<256x1xf32>
    %div3A_22 = arith.constant 1.280000e+02 : f32
    %div3A_23 = vector.broadcast %div3A_22 : f32 to vector<256x1xf32>
    %div3A_24 = arith.divf %broadcast_in_dim3A_21, %div3A_23 : vector<256x1xf32>
    %sub3A_25 = vector.broadcast %div3A_17 : vector<256x1xf32> to vector<256x128xf32>
    %sub3A_26 = arith.subf %add3A_8, %sub3A_25 : vector<256x128xf32>
    %add3A_27 = arith.constant 9.99999974E-6 : f32
    %add3A_28 = vector.broadcast %add3A_27 : f32 to vector<256x1xf32>
    %add3A_29 = arith.addf %div3A_24, %add3A_28 : vector<256x1xf32>
    %sqrt3A = math.sqrt %add3A_29 : vector<256x1xf32>
    %div3A_30 = vector.broadcast %sqrt3A : vector<256x1xf32> to vector<256x128xf32>
    %div3A_31 = arith.divf %sub3A_26, %div3A_30 : vector<256x128xf32>
    %mul3A = vector.broadcast %get3A_11 : vector<1x128xf32> to vector<256x128xf32>
    %mul3A_32 = arith.mulf %div3A_31, %mul3A : vector<256x128xf32>
    %add3A_33 = vector.broadcast %get3A_14 : vector<1x128xf32> to vector<256x128xf32>
    %add3A_34 = arith.addf %mul3A_32, %add3A_33 : vector<256x128xf32>
    %get3A_35 = arith.constant 0 : index
    %get3A_36 = arith.constant 0 : index
    %get3A_37 = vector.load %arg6[%get3A_35, %get3A_36] : memref<128x128xf32, #tpu.memory_space<vmem>>, vector<128x128xf32>
    %dot_general3A = arith.constant dense<0.000000e+00> : vector<256x128xf32>
    %dot_general3A_38 = tpu.matmul %get3A_1, %get3A_37, %dot_general3A {dimension_numbers = #tpu.dot_dimension_numbers<[1], [0], [0], [1], [0, 0, 1, 1], [], []>, transpose_lhs_hint = false} : vector<256x128xf32>, vector<128x128xf32>, vector<256x128xf32> -> vector<256x128xf32>
    %get3A_39 = arith.constant 0 : index
    %get3A_40 = arith.constant 0 : index
    %get3A_41 = vector.load %arg7[%get3A_39, %get3A_40] : memref<128x128xf32, #tpu.memory_space<vmem>>, vector<128x128xf32>
    %dot_general3A_42 = arith.constant dense<0.000000e+00> : vector<256x128xf32>
    %dot_general3A_43 = tpu.matmul %add3A_34, %get3A_41, %dot_general3A_42 {dimension_numbers = #tpu.dot_dimension_numbers<[1], [0], [0], [1], [0, 0, 1, 1], [], []>, transpose_lhs_hint = false} : vector<256x128xf32>, vector<128x128xf32>, vector<256x128xf32> -> vector<256x128xf32>
    %add3A_44 = arith.addf %dot_general3A_38, %dot_general3A_43 : vector<256x128xf32>
    %get3A_45 = arith.constant 0 : index
    %get3A_46 = arith.constant 0 : index
    %get3A_47 = vector.load %arg8[%get3A_45, %get3A_46] : memref<1x128xf32, #tpu.memory_space<vmem>>, vector<1x128xf32>
    %add3A_48 = vector.broadcast %get3A_47 : vector<1x128xf32> to vector<256x128xf32>
    %add3A_49 = arith.addf %add3A_44, %add3A_48 : vector<256x128xf32>
    %max3A = arith.constant 0.000000e+00 : f32
    %max3A_50 = vector.broadcast %max3A : f32 to vector<256x128xf32>
    %max3A_51 = arith.maximumf %add3A_49, %max3A_50 : vector<256x128xf32>
    %get3A_52 = arith.constant 0 : index
    %get3A_53 = arith.constant 0 : index
    %get3A_54 = vector.load %arg9[%get3A_52, %get3A_53] : memref<128x128xf32, #tpu.memory_space<vmem>>, vector<128x128xf32>
    %dot_general3A_55 = arith.constant dense<0.000000e+00> : vector<256x128xf32>
    %dot_general3A_56 = tpu.matmul %max3A_51, %get3A_54, %dot_general3A_55 {dimension_numbers = #tpu.dot_dimension_numbers<[1], [0], [0], [1], [0, 0, 1, 1], [], []>, transpose_lhs_hint = false} : vector<256x128xf32>, vector<128x128xf32>, vector<256x128xf32> -> vector<256x128xf32>
    %get3A_57 = arith.constant 0 : index
    %get3A_58 = arith.constant 0 : index
    %get3A_59 = vector.load %arg10[%get3A_57, %get3A_58] : memref<1x128xf32, #tpu.memory_space<vmem>>, vector<1x128xf32>
    %add3A_60 = vector.broadcast %get3A_59 : vector<1x128xf32> to vector<256x128xf32>
    %add3A_61 = arith.addf %dot_general3A_56, %add3A_60 : vector<256x128xf32>
    %add3A_62 = arith.addf %add3A_61, %add3A_8 : vector<256x128xf32>
    %get3A_63 = arith.constant 0 : index
    %get3A_64 = arith.constant 0 : index
    %get3A_65 = vector.load %arg11[%get3A_63, %get3A_64] : memref<1x128xf32, #tpu.memory_space<vmem>>, vector<1x128xf32>
    %get3A_66 = arith.constant 0 : index
    %get3A_67 = arith.constant 0 : index
    %get3A_68 = vector.load %arg12[%get3A_66, %get3A_67] : memref<1x128xf32, #tpu.memory_space<vmem>>, vector<1x128xf32>
    %reduce_sum3A_69 = arith.constant dense<0.000000e+00> : vector<256xf32>
    %reduce_sum3A_70 = vector.multi_reduction <add>, %add3A_62, %reduce_sum3A_69 [1] : vector<256x128xf32> to vector<256xf32>
    %broadcast_in_dim3A_71 = vector.shape_cast %reduce_sum3A_70 : vector<256xf32> to vector<256x1xf32>
    %div3A_72 = arith.constant 1.280000e+02 : f32
    %div3A_73 = vector.broadcast %div3A_72 : f32 to vector<256x1xf32>
    %div3A_74 = arith.divf %broadcast_in_dim3A_71, %div3A_73 : vector<256x1xf32>
    %sub3A_75 = vector.broadcast %div3A_74 : vector<256x1xf32> to vector<256x128xf32>
    %sub3A_76 = arith.subf %add3A_62, %sub3A_75 : vector<256x128xf32>
    %integer_pow3A_77 = arith.mulf %sub3A_76, %sub3A_76 : vector<256x128xf32>
    %reduce_sum3A_78 = arith.constant dense<0.000000e+00> : vector<256xf32>
    %reduce_sum3A_79 = vector.multi_reduction <add>, %integer_pow3A_77, %reduce_sum3A_78 [1] : vector<256x128xf32> to vector<256xf32>
    %broadcast_in_dim3A_80 = vector.shape_cast %reduce_sum3A_79 : vector<256xf32> to vector<256x1xf32>
    %div3A_81 = arith.constant 1.280000e+02 : f32
    %div3A_82 = vector.broadcast %div3A_81 : f32 to vector<256x1xf32>
    %div3A_83 = arith.divf %broadcast_in_dim3A_80, %div3A_82 : vector<256x1xf32>
    %sub3A_84 = vector.broadcast %div3A_74 : vector<256x1xf32> to vector<256x128xf32>
    %sub3A_85 = arith.subf %add3A_62, %sub3A_84 : vector<256x128xf32>
    %add3A_86 = arith.constant 9.99999974E-6 : f32
    %add3A_87 = vector.broadcast %add3A_86 : f32 to vector<256x1xf32>
    %add3A_88 = arith.addf %div3A_83, %add3A_87 : vector<256x1xf32>
    %sqrt3A_89 = math.sqrt %add3A_88 : vector<256x1xf32>
    %div3A_90 = vector.broadcast %sqrt3A_89 : vector<256x1xf32> to vector<256x128xf32>
    %div3A_91 = arith.divf %sub3A_85, %div3A_90 : vector<256x128xf32>
    %mul3A_92 = vector.broadcast %get3A_65 : vector<1x128xf32> to vector<256x128xf32>
    %mul3A_93 = arith.mulf %div3A_91, %mul3A_92 : vector<256x128xf32>
    %add3A_94 = vector.broadcast %get3A_68 : vector<1x128xf32> to vector<256x128xf32>
    %add3A_95 = arith.addf %mul3A_93, %add3A_94 : vector<256x128xf32>
    %swap3A = arith.constant 0 : index
    %swap3A_96 = arith.constant 0 : index
    %swap3A_97 = vector.load %arg14[%swap3A, %swap3A_96] : memref<256x128xf32, #tpu.memory_space<vmem>>, vector<256x128xf32>
    tpu.vector_store %arg14[%swap3A, %swap3A_96], %add3A_95 {strides = array<i32>} : memref<256x128xf32, #tpu.memory_space<vmem>>, vector<256x128xf32>,
    %get3A_98 = arith.constant 0 : index
    %get3A_99 = arith.constant 0 : index
    %get3A_100 = vector.load %arg13[%get3A_98, %get3A_99] : memref<128x128xf32, #tpu.memory_space<vmem>>, vector<128x128xf32>
    %dot_general3A_101 = arith.constant dense<0.000000e+00> : vector<256x128xf32>
    %dot_general3A_102 = tpu.matmul %add3A_95, %get3A_100, %dot_general3A_101 {dimension_numbers = #tpu.dot_dimension_numbers<[1], [0], [0], [1], [0, 0, 1, 1], [], []>, transpose_lhs_hint = false} : vector<256x128xf32>, vector<128x128xf32>, vector<256x128xf32> -> vector<256x128xf32>
    %mul3A_103 = arith.constant 256 : i32
    %mul3A_104 = arith.muli %arg0, %mul3A_103 : i32
    %iota3A = tpu.iota {dimensions = array<i32: 0>} : vector<256x1xi32>
    %add3A_105 = vector.broadcast %mul3A_104 : i32 to vector<256x1xi32>
    %add3A_106 = arith.addi %add3A_105, %iota3A : vector<256x1xi32>
    %lt3A = arith.constant 10000 : i32
    %lt3A_107 = vector.broadcast %lt3A : i32 to vector<256x1xi32>
    %lt3A_108 = arith.cmpi slt, %add3A_106, %lt3A_107 : vector<256x1xi32>
    %jit3A = arith.constant 0.000000e+00 : f32
    %broadcast_in_dim3A_109 = vector.shape_cast %lt3A_108 : vector<256x1xi1> to vector<256x1xi1>
    %broadcast_in_dim3A_110 = vector.broadcast %broadcast_in_dim3A_109 : vector<256x1xi1> to vector<256x128xi1>
    %broadcast_in_dim3A_111 = vector.broadcast %jit3A : f32 to vector<256x128xf32>
    %select_n3A = arith.select %broadcast_in_dim3A_110, %dot_general3A_102, %broadcast_in_dim3A_111 : vector<256x128xi1>, vector<256x128xf32>
    %swap3A_112 = arith.constant 0 : index
    %swap3A_113 = arith.constant 0 : index
    %swap3A_114 = vector.load %arg15[%swap3A_112, %swap3A_113] : memref<256x128xf32, #tpu.memory_space<vmem>>, vector<256x128xf32>
    tpu.vector_store %arg15[%swap3A_112, %swap3A_113], %select_n3A {strides = array<i32>} : memref<256x128xf32, #tpu.memory_space<vmem>>, vector<256x128xf32>,
    return
  }
  func.func @transform_0(%arg0: i32) -> (i32, i32) {
    %c0_i32 = arith.constant 0 : i32
    %c0_i32_0 = arith.constant 0 : i32
    return %arg0, %c0_i32 : i32, i32
  }
  func.func @transform_1(%arg0: i32) -> (i32, i32) {
    %c0_i32 = arith.constant 0 : i32
    %c0_i32_0 = arith.constant 0 : i32
    return %arg0, %c0_i32 : i32, i32
  }
  func.func @transform_2(%arg0: i32) -> (i32, i32) {
    %c0_i32 = arith.constant 0 : i32
    %c0_i32_0 = arith.constant 0 : i32
    return %arg0, %c0_i32 : i32, i32
  }
  func.func @transform_3(%arg0: i32) -> (i32, i32) {
    %c0_i32 = arith.constant 0 : i32
    %c0_i32_0 = arith.constant 0 : i32
    %c0_i32_1 = arith.constant 0 : i32
    return %c0_i32, %c0_i32_0 : i32, i32
  }
  func.func @transform_4(%arg0: i32) -> (i32, i32) {
    %c0_i32 = arith.constant 0 : i32
    %c0_i32_0 = arith.constant 0 : i32
    %c0_i32_1 = arith.constant 0 : i32
    return %c0_i32, %c0_i32_0 : i32, i32
  }
  func.func @transform_5(%arg0: i32) -> (i32, i32) {
    %c0_i32 = arith.constant 0 : i32
    %c0_i32_0 = arith.constant 0 : i32
    %c0_i32_1 = arith.constant 0 : i32
    return %c0_i32, %c0_i32_0 : i32, i32
  }
  func.func @transform_6(%arg0: i32) -> (i32, i32) {
    %c0_i32 = arith.constant 0 : i32
    %c0_i32_0 = arith.constant 0 : i32
    %c0_i32_1 = arith.constant 0 : i32
    return %c0_i32, %c0_i32_0 : i32, i32
  }
  func.func @transform_7(%arg0: i32) -> (i32, i32) {
    %c0_i32 = arith.constant 0 : i32
    %c0_i32_0 = arith.constant 0 : i32
    %c0_i32_1 = arith.constant 0 : i32
    return %c0_i32, %c0_i32_0 : i32, i32
  }
  func.func @transform_8(%arg0: i32) -> (i32, i32) {
    %c0_i32 = arith.constant 0 : i32
    %c0_i32_0 = arith.constant 0 : i32
    %c0_i32_1 = arith.constant 0 : i32
    return %c0_i32, %c0_i32_0 : i32, i32
  }
  func.func @transform_9(%arg0: i32) -> (i32, i32) {
    %c0_i32 = arith.constant 0 : i32
    %c0_i32_0 = arith.constant 0 : i32
    %c0_i32_1 = arith.constant 0 : i32
    return %c0_i32, %c0_i32_0 : i32, i32
  }
  func.func @transform_10(%arg0: i32) -> (i32, i32) {
    %c0_i32 = arith.constant 0 : i32
    %c0_i32_0 = arith.constant 0 : i32
    %c0_i32_1 = arith.constant 0 : i32
    return %c0_i32, %c0_i32_0 : i32, i32
  }
  func.func @transform_11(%arg0: i32) -> (i32, i32) {
    %c0_i32 = arith.constant 0 : i32
    %c0_i32_0 = arith.constant 0 : i32
    %c0_i32_1 = arith.constant 0 : i32
    return %c0_i32, %c0_i32_0 : i32, i32
  }
  func.func @transform_12(%arg0: i32) -> (i32, i32) {
    %c0_i32 = arith.constant 0 : i32
    %c0_i32_0 = arith.constant 0 : i32
    %c0_i32_1 = arith.constant 0 : i32
    return %c0_i32, %c0_i32_0 : i32, i32
  }
  func.func @transform_13(%arg0: i32) -> (i32, i32) {
    %c0_i32 = arith.constant 0 : i32
    %c0_i32_0 = arith.constant 0 : i32
    return %arg0, %c0_i32 : i32, i32
  }
  func.func @transform_14(%arg0: i32) -> (i32, i32) {
    %c0_i32 = arith.constant 0 : i32
    %c0_i32_0 = arith.constant 0 : i32
    return %arg0, %c0_i32 : i32, i32
  }
}

module attributes {stable_mosaic.version = 14 : i64} {
  func.func @_mlp_final_body(%arg0: i32, %arg1: memref<256x128xf32, #tpu.memory_space<vmem>>, %arg2: memref<256x128xf32, #tpu.memory_space<vmem>>, %arg3: memref<256x128xf32, #tpu.memory_space<vmem>>, %arg4: memref<1x128xf32, #tpu.memory_space<vmem>>, %arg5: memref<1x128xf32, #tpu.memory_space<vmem>>, %arg6: memref<128x128xf32, #tpu.memory_space<vmem>>, %arg7: memref<128x128xf32, #tpu.memory_space<vmem>>, %arg8: memref<1x128xf32, #tpu.memory_space<vmem>>, %arg9: memref<128x128xf32, #tpu.memory_space<vmem>>, %arg10: memref<1x128xf32, #tpu.memory_space<vmem>>, %arg11: memref<128x128xf32, #tpu.memory_space<vmem>>, %arg12: memref<1x128xf32, #tpu.memory_space<vmem>>, %arg13: memref<256x128xf32, #tpu.memory_space<vmem>>) attributes {dimension_semantics = [#tpu.dimension_semantics<arbitrary>], iteration_bounds = array<i64: 40>, scalar_prefetch = 0 : i64, scratch_operands = 0 : i64, tpu.core_type = #tpu.core_type<tc>, window_params = [{transform_indices = @transform_0, window_bounds = array<i64: 256, 128>}, {transform_indices = @transform_1, window_bounds = array<i64: 256, 128>}, {transform_indices = @transform_2, window_bounds = array<i64: 256, 128>}, {pipeline_mode = #tpu.pipeline_mode<synchronous>, transform_indices = @transform_3, window_bounds = array<i64: 1, 128>}, {pipeline_mode = #tpu.pipeline_mode<synchronous>, transform_indices = @transform_4, window_bounds = array<i64: 1, 128>}, {pipeline_mode = #tpu.pipeline_mode<synchronous>, transform_indices = @transform_5, window_bounds = array<i64: 128, 128>}, {pipeline_mode = #tpu.pipeline_mode<synchronous>, transform_indices = @transform_6, window_bounds = array<i64: 128, 128>}, {pipeline_mode = #tpu.pipeline_mode<synchronous>, transform_indices = @transform_7, window_bounds = array<i64: 1, 128>}, {pipeline_mode = #tpu.pipeline_mode<synchronous>, transform_indices = @transform_8, window_bounds = array<i64: 128, 128>}, {pipeline_mode = #tpu.pipeline_mode<synchronous>, transform_indices = @transform_9, window_bounds = array<i64: 1, 128>}, {pipeline_mode = #tpu.pipeline_mode<synchronous>, transform_indices = @transform_10, window_bounds = array<i64: 128, 128>}, {pipeline_mode = #tpu.pipeline_mode<synchronous>, transform_indices = @transform_11, window_bounds = array<i64: 1, 128>}, {transform_indices = @transform_12, window_bounds = array<i64: 256, 128>}]} {
    %get3A = arith.constant 0 : index
    %get3A_0 = arith.constant 0 : index
    %get3A_1 = vector.load %arg1[%get3A, %get3A_0] : memref<256x128xf32, #tpu.memory_space<vmem>>, vector<256x128xf32>
    %get3A_2 = arith.constant 0 : index
    %get3A_3 = arith.constant 0 : index
    %get3A_4 = vector.load %arg2[%get3A_2, %get3A_3] : memref<256x128xf32, #tpu.memory_space<vmem>>, vector<256x128xf32>
    %get3A_5 = arith.constant 0 : index
    %get3A_6 = arith.constant 0 : index
    %get3A_7 = vector.load %arg3[%get3A_5, %get3A_6] : memref<256x128xf32, #tpu.memory_space<vmem>>, vector<256x128xf32>
    %add3A = arith.addf %get3A_4, %get3A_7 : vector<256x128xf32>
    %add3A_8 = arith.addf %add3A, %get3A_1 : vector<256x128xf32>
    %get3A_9 = arith.constant 0 : index
    %get3A_10 = arith.constant 0 : index
    %get3A_11 = vector.load %arg4[%get3A_9, %get3A_10] : memref<1x128xf32, #tpu.memory_space<vmem>>, vector<1x128xf32>
    %get3A_12 = arith.constant 0 : index
    %get3A_13 = arith.constant 0 : index
    %get3A_14 = vector.load %arg5[%get3A_12, %get3A_13] : memref<1x128xf32, #tpu.memory_space<vmem>>, vector<1x128xf32>
    %reduce_sum3A = arith.constant dense<0.000000e+00> : vector<256xf32>
    %reduce_sum3A_15 = vector.multi_reduction <add>, %add3A_8, %reduce_sum3A [1] : vector<256x128xf32> to vector<256xf32>
    %broadcast_in_dim3A = vector.shape_cast %reduce_sum3A_15 : vector<256xf32> to vector<256x1xf32>
    %div3A = arith.constant 1.280000e+02 : f32
    %div3A_16 = vector.broadcast %div3A : f32 to vector<256x1xf32>
    %div3A_17 = arith.divf %broadcast_in_dim3A, %div3A_16 : vector<256x1xf32>
    %sub3A = vector.broadcast %div3A_17 : vector<256x1xf32> to vector<256x128xf32>
    %sub3A_18 = arith.subf %add3A_8, %sub3A : vector<256x128xf32>
    %integer_pow3A = arith.mulf %sub3A_18, %sub3A_18 : vector<256x128xf32>
    %reduce_sum3A_19 = arith.constant dense<0.000000e+00> : vector<256xf32>
    %reduce_sum3A_20 = vector.multi_reduction <add>, %integer_pow3A, %reduce_sum3A_19 [1] : vector<256x128xf32> to vector<256xf32>
    %broadcast_in_dim3A_21 = vector.shape_cast %reduce_sum3A_20 : vector<256xf32> to vector<256x1xf32>
    %div3A_22 = arith.constant 1.280000e+02 : f32
    %div3A_23 = vector.broadcast %div3A_22 : f32 to vector<256x1xf32>
    %div3A_24 = arith.divf %broadcast_in_dim3A_21, %div3A_23 : vector<256x1xf32>
    %sub3A_25 = vector.broadcast %div3A_17 : vector<256x1xf32> to vector<256x128xf32>
    %sub3A_26 = arith.subf %add3A_8, %sub3A_25 : vector<256x128xf32>
    %add3A_27 = arith.constant 9.99999974E-6 : f32
    %add3A_28 = vector.broadcast %add3A_27 : f32 to vector<256x1xf32>
    %add3A_29 = arith.addf %div3A_24, %add3A_28 : vector<256x1xf32>
    %sqrt3A = math.sqrt %add3A_29 : vector<256x1xf32>
    %div3A_30 = vector.broadcast %sqrt3A : vector<256x1xf32> to vector<256x128xf32>
    %div3A_31 = arith.divf %sub3A_26, %div3A_30 : vector<256x128xf32>
    %mul3A = vector.broadcast %get3A_11 : vector<1x128xf32> to vector<256x128xf32>
    %mul3A_32 = arith.mulf %div3A_31, %mul3A : vector<256x128xf32>
    %add3A_33 = vector.broadcast %get3A_14 : vector<1x128xf32> to vector<256x128xf32>
    %add3A_34 = arith.addf %mul3A_32, %add3A_33 : vector<256x128xf32>
    %get3A_35 = arith.constant 0 : index
    %get3A_36 = arith.constant 0 : index
    %get3A_37 = vector.load %arg6[%get3A_35, %get3A_36] : memref<128x128xf32, #tpu.memory_space<vmem>>, vector<128x128xf32>
    %dot_general3A = arith.constant dense<0.000000e+00> : vector<256x128xf32>
    %dot_general3A_38 = tpu.matmul %get3A_1, %get3A_37, %dot_general3A {dimension_numbers = #tpu.dot_dimension_numbers<[1], [0], [0], [1], [0, 0, 1, 1], [], []>, transpose_lhs_hint = false} : vector<256x128xf32>, vector<128x128xf32>, vector<256x128xf32> -> vector<256x128xf32>
    %get3A_39 = arith.constant 0 : index
    %get3A_40 = arith.constant 0 : index
    %get3A_41 = vector.load %arg7[%get3A_39, %get3A_40] : memref<128x128xf32, #tpu.memory_space<vmem>>, vector<128x128xf32>
    %dot_general3A_42 = arith.constant dense<0.000000e+00> : vector<256x128xf32>
    %dot_general3A_43 = tpu.matmul %add3A_34, %get3A_41, %dot_general3A_42 {dimension_numbers = #tpu.dot_dimension_numbers<[1], [0], [0], [1], [0, 0, 1, 1], [], []>, transpose_lhs_hint = false} : vector<256x128xf32>, vector<128x128xf32>, vector<256x128xf32> -> vector<256x128xf32>
    %add3A_44 = arith.addf %dot_general3A_38, %dot_general3A_43 : vector<256x128xf32>
    %get3A_45 = arith.constant 0 : index
    %get3A_46 = arith.constant 0 : index
    %get3A_47 = vector.load %arg8[%get3A_45, %get3A_46] : memref<1x128xf32, #tpu.memory_space<vmem>>, vector<1x128xf32>
    %add3A_48 = vector.broadcast %get3A_47 : vector<1x128xf32> to vector<256x128xf32>
    %add3A_49 = arith.addf %add3A_44, %add3A_48 : vector<256x128xf32>
    %max3A = arith.constant 0.000000e+00 : f32
    %max3A_50 = vector.broadcast %max3A : f32 to vector<256x128xf32>
    %max3A_51 = arith.maximumf %add3A_49, %max3A_50 : vector<256x128xf32>
    %get3A_52 = arith.constant 0 : index
    %get3A_53 = arith.constant 0 : index
    %get3A_54 = vector.load %arg9[%get3A_52, %get3A_53] : memref<128x128xf32, #tpu.memory_space<vmem>>, vector<128x128xf32>
    %dot_general3A_55 = arith.constant dense<0.000000e+00> : vector<256x128xf32>
    %dot_general3A_56 = tpu.matmul %max3A_51, %get3A_54, %dot_general3A_55 {dimension_numbers = #tpu.dot_dimension_numbers<[1], [0], [0], [1], [0, 0, 1, 1], [], []>, transpose_lhs_hint = false} : vector<256x128xf32>, vector<128x128xf32>, vector<256x128xf32> -> vector<256x128xf32>
    %get3A_57 = arith.constant 0 : index
    %get3A_58 = arith.constant 0 : index
    %get3A_59 = vector.load %arg10[%get3A_57, %get3A_58] : memref<1x128xf32, #tpu.memory_space<vmem>>, vector<1x128xf32>
    %add3A_60 = vector.broadcast %get3A_59 : vector<1x128xf32> to vector<256x128xf32>
    %add3A_61 = arith.addf %dot_general3A_56, %add3A_60 : vector<256x128xf32>
    %add3A_62 = arith.addf %add3A_61, %add3A_8 : vector<256x128xf32>
    %get3A_63 = arith.constant 0 : index
    %get3A_64 = arith.constant 0 : index
    %get3A_65 = vector.load %arg11[%get3A_63, %get3A_64] : memref<128x128xf32, #tpu.memory_space<vmem>>, vector<128x128xf32>
    %dot_general3A_66 = arith.constant dense<0.000000e+00> : vector<256x128xf32>
    %dot_general3A_67 = tpu.matmul %add3A_62, %get3A_65, %dot_general3A_66 {dimension_numbers = #tpu.dot_dimension_numbers<[1], [0], [0], [1], [0, 0, 1, 1], [], []>, transpose_lhs_hint = false} : vector<256x128xf32>, vector<128x128xf32>, vector<256x128xf32> -> vector<256x128xf32>
    %get3A_68 = arith.constant 0 : index
    %get3A_69 = arith.constant 0 : index
    %get3A_70 = vector.load %arg12[%get3A_68, %get3A_69] : memref<1x128xf32, #tpu.memory_space<vmem>>, vector<1x128xf32>
    %add3A_71 = vector.broadcast %get3A_70 : vector<1x128xf32> to vector<256x128xf32>
    %add3A_72 = arith.addf %dot_general3A_67, %add3A_71 : vector<256x128xf32>
    %swap3A = arith.constant 0 : index
    %swap3A_73 = arith.constant 0 : index
    %swap3A_74 = vector.load %arg13[%swap3A, %swap3A_73] : memref<256x128xf32, #tpu.memory_space<vmem>>, vector<256x128xf32>
    tpu.vector_store %arg13[%swap3A, %swap3A_73], %add3A_72 {strides = array<i32>} : memref<256x128xf32, #tpu.memory_space<vmem>>, vector<256x128xf32>,
    return
  }
  func.func @transform_0(%arg0: i32) -> (i32, i32) {
    %c0_i32 = arith.constant 0 : i32
    %c0_i32_0 = arith.constant 0 : i32
    return %arg0, %c0_i32 : i32, i32
  }
  func.func @transform_1(%arg0: i32) -> (i32, i32) {
    %c0_i32 = arith.constant 0 : i32
    %c0_i32_0 = arith.constant 0 : i32
    return %arg0, %c0_i32 : i32, i32
  }
  func.func @transform_2(%arg0: i32) -> (i32, i32) {
    %c0_i32 = arith.constant 0 : i32
    %c0_i32_0 = arith.constant 0 : i32
    return %arg0, %c0_i32 : i32, i32
  }
  func.func @transform_3(%arg0: i32) -> (i32, i32) {
    %c0_i32 = arith.constant 0 : i32
    %c0_i32_0 = arith.constant 0 : i32
    %c0_i32_1 = arith.constant 0 : i32
    return %c0_i32, %c0_i32_0 : i32, i32
  }
  func.func @transform_4(%arg0: i32) -> (i32, i32) {
    %c0_i32 = arith.constant 0 : i32
    %c0_i32_0 = arith.constant 0 : i32
    %c0_i32_1 = arith.constant 0 : i32
    return %c0_i32, %c0_i32_0 : i32, i32
  }
  func.func @transform_5(%arg0: i32) -> (i32, i32) {
    %c0_i32 = arith.constant 0 : i32
    %c0_i32_0 = arith.constant 0 : i32
    %c0_i32_1 = arith.constant 0 : i32
    return %c0_i32, %c0_i32_0 : i32, i32
  }
  func.func @transform_6(%arg0: i32) -> (i32, i32) {
    %c0_i32 = arith.constant 0 : i32
    %c0_i32_0 = arith.constant 0 : i32
    %c0_i32_1 = arith.constant 0 : i32
    return %c0_i32, %c0_i32_0 : i32, i32
  }
  func.func @transform_7(%arg0: i32) -> (i32, i32) {
    %c0_i32 = arith.constant 0 : i32
    %c0_i32_0 = arith.constant 0 : i32
    %c0_i32_1 = arith.constant 0 : i32
    return %c0_i32, %c0_i32_0 : i32, i32
  }
  func.func @transform_8(%arg0: i32) -> (i32, i32) {
    %c0_i32 = arith.constant 0 : i32
    %c0_i32_0 = arith.constant 0 : i32
    %c0_i32_1 = arith.constant 0 : i32
    return %c0_i32, %c0_i32_0 : i32, i32
  }
  func.func @transform_9(%arg0: i32) -> (i32, i32) {
    %c0_i32 = arith.constant 0 : i32
    %c0_i32_0 = arith.constant 0 : i32
    %c0_i32_1 = arith.constant 0 : i32
    return %c0_i32, %c0_i32_0 : i32, i32
  }
  func.func @transform_10(%arg0: i32) -> (i32, i32) {
    %c0_i32 = arith.constant 0 : i32
    %c0_i32_0 = arith.constant 0 : i32
    %c0_i32_1 = arith.constant 0 : i32
    return %c0_i32, %c0_i32_0 : i32, i32
  }
  func.func @transform_11(%arg0: i32) -> (i32, i32) {
    %c0_i32 = arith.constant 0 : i32
    %c0_i32_0 = arith.constant 0 : i32
    %c0_i32_1 = arith.constant 0 : i32
    return %c0_i32, %c0_i32_0 : i32, i32
  }
  func.func @transform_12(%arg0: i32) -> (i32, i32) {
    %c0_i32 = arith.constant 0 : i32
    %c0_i32_0 = arith.constant 0 : i32
    return %arg0, %c0_i32 : i32, i32
  }
}

</mosaic_0001>

<sc_bundles>
// kernel: kernel.11.cloned.1.call-start
scs
__scs_entry_jumppad:
0x0: {  	(pc) =	sbr.rel $0x88, $3  }
0x1: {  	(tag) =	ssettag $0x0;
	lr =	simm.s32 $0x1  }
0x2: {  	[smem:$0x3F8A] =	sst lr;
	_ =	strace $0xD0000000  }
0x3: {  	_ = 	snop  }
0x4: {  	_ = 	snop  }
0x5: {  	_ = 	snop  }
0x6: {  	_ = 	snop  }
0x7: {  	_ = 	snop  }
__scs_overlays_trampoline_lowered:
0x8: {  	[smem:$0x3F99] =	sst s0  }
0x9: {  	[smem:$0x3F9A] =	sst s1  }
0xa: {  	[smem:$0x3F9B] =	sst s2  }
0xb: {  	[smem:$0x3F9C] =	sst s3  }
0xc: {  	[smem:$0x3F9D] =	sst s4  }
0xd: {  	[smem:$0x3F9E] =	sst s5  }
0xe: {  	[smem:$0x3F9F] =	sst s6  }
0xf: {  	[smem:$0x3FA0] =	sst s7  }
0x10: {  	[smem:$0x3FA1] =	sst s8  }
0x11: {  	[smem:$0x3FA2] =	sst s9;
	s0 =	simm.s32 @!p0 $0x0  }
0x12: {  	s1 =	sld [smem:$0x3F88];
	s0 =	simm.s32 @p0 $0x1  }
0x13: {  	[smem:$0x3FA3] =	sst s0;
	s0 =	simm.s32 @!p1 $0x0  }
0x14: {  	s2 =	sld [smem:$0x3F87];
	s0 =	simm.s32 @p1 $0x1  }
0x15: {  	[smem:$0x3FA4] =	sst s0;
	s0 =	simm.s32 @!p2 $0x0  }
0x16: {  	s3 =	sld [smem:$0x3FDB];
	s0 =	simm.s32 @p2 $0x1  }
0x17: {  	s4 =	simm.s32 $0x1BF5;
	[smem:$0x3FA6] =	sst s0  }
0x18: {  	s0 =	sld [smem:$0x3F89];
	_ =	swait.ge [sflag:s4], $0x0  }
0x19: {  	s7 =	sld [smem:$0x3F8A]  }
0x1a: {  	s8 =	sadd.s32 $0xFFFFE003, lr  }
0x1b: {  	s9 =	sadd.s32 $0xFFFFFEF7, lr;
	s5 =	simm.s32 $0xFFFFFFFF;
	p2 =	slt.u32 s8, $0xFFFFF086  }
0x1c: {  	p1 =	slt.u32 s9, $0xF7A;
	s5 =	simm.s32 @!p2 $0x0  }
0x1d: {  	s5 =	simm.s32 @p1 $0x1;
	p0 =	seq.s32 s7, s2  }
0x1e: {  	s7 =	smul.u32 @!p0 $0xF7A, s2;
	p2 =	seq.s32 @!p0 s5, $0x0  }
0x1f: {  	s9 =	smul.u32 $0xF7A, s1;
	s8 =	simm.s32 @!p0 $0x1BF5;
	p2 =	por !p2, p0  }
0x20: {  	[sflag:s8] =	ssyncset.s32 @!p0 $0xFFFFF086;
	s6 =	sadd.s32 @!p0 s3, s7;
	s7 =	simm.s32 @!p0 $0x108  }
0x21: {  	s3 =	sadd.s32 s3, s9;
	s6 =	sadd.s32 @!p0 $0x88, s6;
	s7 =	simm.s32 @p2 $0x1082  }
0x22: {  	[simem:s7], [sflag:s8] =	dma.local @!p0 [hbm:s6], $0xF7A  }
0x23: {  	s9 =	sor.u32 $0xD0000000, s2;
	s6 =	simm.s32 $0x108;
	_ =	swait.ge @!p0 [sflag:s8], $0x0  }
0x24: {  	s3 =	sadd.s32 $0x88, s3;
	s6 =	simm.s32 @!p1 $0x1082;
	[sflag:s4] =	ssyncset.s32 $0xFFFFF086  }
0x25: {  	[simem:s6], [sflag:s4] =	dma.local [hbm:s3], $0xF7A  }
0x26: {  	[smem:$0x3F8A] =	sst s1;
	(tag) =	ssettag s2;
	_ =	strace s9  }
0x27: {  	s1 =	sld [smem:$0x3F9A]  }
0x28: {  	s2 =	sld [smem:$0x3F9B]  }
0x29: {  	s4 =	sld [smem:$0x3F9D]  }
0x2a: {  	p0 =	seq.s32 s5, $0x0;
	s5 =	sld [smem:$0x3F9E]  }
0x2b: {  	s6 =	sld [smem:$0x3F9F]  }
0x2c: {  	s7 =	sld [smem:$0x3FA0]  }
0x2d: {  	s3 =	simm.s32 $0x108;
	s8 =	sld [smem:$0x3FA1]  }
0x2e: {  	s3 =	simm.s32 @!p0 $0x1082;
	s9 =	sld [smem:$0x3FA2]  }
0x2f: {  	lr =	sadd.s32 s0, s3;
	s0 =	sld [smem:$0x3F99]  }
0x30: {  	s3 =	sld [smem:$0x3F9C]  }
0x31: {  	[smem:$0x3FA5] =	sst s10  }
0x32: {  	s10 =	sld [smem:$0x3FA3];
	_ =	sdelay $0x3  }
0x33: {  	p0 =	seq.s32 s10, $0x1;
	s10 =	sld [smem:$0x3FA5];
	_ =	sdelay $0x3  }
0x34: {  	[smem:$0x3FA5] =	sst s10  }
0x35: {  	s10 =	sld [smem:$0x3FA4];
	_ =	sdelay $0x3  }
0x36: {  	p1 =	seq.s32 s10, $0x1;
	s10 =	sld [smem:$0x3FA5];
	_ =	sdelay $0x3  }
0x37: {  	[smem:$0x3FA5] =	sst s10  }
0x38: {  	s10 =	sld [smem:$0x3FA6]  }
0x39: {  	_ = 	snop;
	(pc) =	sbr.ind lr, $3  }
0x3a: {  	_ = 	snop  }
0x3b: {  	_ = 	snop  }
0x3c: {  	p2 =	seq.s32 s10, $0x1;
	s10 =	sld [smem:$0x3FA5]  }
0x3d: {  	_ =	shalt  }
0x3e: {  	_ =	shalt  }
0x3f: {  	_ =	shalt  }
0x40: {  	_ =	shalt  }
0x41: {  	_ =	shalt  }
0x42: {  	_ =	shalt  }
0x43: {  	_ =	shalt  }
0x44: {  	_ =	shalt  }
0x45: {  	_ =	shalt  }
0x46: {  	_ =	shalt  }
0x47: {  	_ =	shalt  }
0x48: {  	_ =	shalt  }
0x49: {  	_ =	shalt  }
0x4a: {  	_ =	shalt  }
0x4b: {  	_ =	shalt  }
0x4c: {  	_ =	shalt  }
0x4d: {  	_ =	shalt  }
0x4e: {  	_ =	shalt  }
0x4f: {  	_ =	shalt  }
0x50: {  	_ =	shalt  }
0x51: {  	_ =	shalt  }
0x52: {  	_ =	shalt  }
0x53: {  	_ =	shalt  }
0x54: {  	_ =	shalt  }
0x55: {  	_ =	shalt  }
0x56: {  	_ =	shalt  }
0x57: {  	_ =	shalt  }
0x58: {  	_ =	shalt  }
0x59: {  	_ =	shalt  }
0x5a: {  	_ =	shalt  }
0x5b: {  	_ =	shalt  }
0x5c: {  	_ =	shalt  }
0x5d: {  	_ =	shalt  }
0x5e: {  	_ =	shalt  }
0x5f: {  	_ =	shalt  }
0x60: {  	_ =	shalt  }
0x61: {  	_ =	shalt  }
0x62: {  	_ =	shalt  }
0x63: {  	_ =	shalt  }
0x64: {  	_ =	shalt  }
0x65: {  	_ =	shalt  }
0x66: {  	_ =	shalt  }
0x67: {  	_ =	shalt  }
0x68: {  	_ =	shalt  }
0x69: {  	_ =	shalt  }
0x6a: {  	_ =	shalt  }
0x6b: {  	_ =	shalt  }
0x6c: {  	_ =	shalt  }
0x6d: {  	_ =	shalt  }
0x6e: {  	_ =	shalt  }
0x6f: {  	_ =	shalt  }
0x70: {  	_ =	shalt  }
0x71: {  	_ =	shalt  }
0x72: {  	_ =	shalt  }
0x73: {  	_ =	shalt  }
0x74: {  	_ =	shalt  }
0x75: {  	_ =	shalt  }
0x76: {  	_ =	shalt  }
0x77: {  	_ =	shalt  }
0x78: {  	_ =	shalt  }
0x79: {  	_ =	shalt  }
0x7a: {  	_ =	shalt  }
0x7b: {  	_ =	shalt  }
0x7c: {  	_ =	shalt  }
0x7d: {  	_ =	shalt  }
0x7e: {  	_ =	shalt  }
0x7f: {  	_ =	shalt  }
0x80: {  	_ =	shalt  }
0x81: {  	_ =	shalt  }
0x82: {  	_ =	shalt  }
0x83: {  	_ =	shalt  }
0x84: {  	_ =	shalt  }
0x85: {  	_ =	shalt  }
0x86: {  	_ =	shalt  }
0x87: {  	_ =	shalt  }
.Lfunc_end0:
.L_simem_size_0:
called_computation.1_lowered:
.L_overlay_start_0:
0x88: {  	s2 =	sld [smem:$0x3FD9]  }
0x89: {  	s3 =	sld [smem:$0x3FFE];
	_ =	sdelay $0x1  }
0x8a: {  	s1 =	srdreg.scid  }
0x8b: {  	s0 =	sand.u32 $0x1, s1  }
0x8c: {  	s17 =	sshll.u32 s0, $0xA;
	s2 =	sadd.s32 s3, s2  }
0x8d: {  	s2 =	sadd.s32 s2, s17  }
0x8e: {  	[smem:$0x3FB1] =	sst s2  }
0x8f: {  	_ = 	snop  }
0x90: {  	s2 =	sld [smem:$0x3FD0];
	(tm) =	ssettm $0x1  }
0x91: {  	s18 =	sld [smem:$0x3FFB];
	_ =	sdelay $0x3  }
0x92: {  	_ =	strace s18  }
0x93: {  	s3 =	sld [smem:$0x3FFC];
	_ =	sdelay $0x3  }
0x94: {  	_ =	strace s3  }
0x95: {  	s3 =	sld [smem:$0x3FFD];
	_ =	sdelay $0x3  }
0x96: {  	_ =	strace s3  }
0x97: {  	_ =	strace $0x8FFFFFFF  }
0x98: {  	s19 =	sld [smem:$0x3FDB];
	_ =	sdelay $0x1  }
0x99: {  	s4 =	simm.s32 $_scs_section_size  }
0x9a: {  	s5 =	simm.s32 $_size__tile_overlayer_lowered;
	s6 =	simm.s32 $_tile_overlayer_lowered  }
0x9b: {  	s22 =	simm.s32 $0x1BFF;
	s21 =	sshll.u32 s6, $0x1;
	s3 =	sadd.s32 s4, s19  }
0x9c: {  	s7 =	simm.s32 $0x0;
	s20 =	sshll.u32 s5, $0x1;
	s5 =	sadd.s32 s21, s3  }
0x9d: {  	[timem:s7], [sflag:s22] =	dma.local [hbm:s5], s20  }
0x9e: {  	_ =	swait.ge [sflag:s22], s20  }
0x9f: {  	s4 =	ssub.s32 $0x0, s20;
	[sflag:s22] =	ssyncset.done $0x0  }
0xa0: {  	[sflag:s22] =	ssyncadd.s32 s4;
	_ =	sdelay $0x1  }
0xa1: {  	s23 =	simm.s32 $0x1B8B  }
0xa2: {  	_ =	swait.ge [sflag:s23], $0x1  }
0xa3: {  	[sflag:s23] =	ssyncset.done $0x0  }
0xa4: {  	s25 =	simm.s32 $0x1B8E;
	s24 =	sld [smem:$0x3FFE];
	[sflag:s23] =	ssyncadd.s32 $0xFFFFFFFF  }
0xa5: {  	s26 =	simm.s32 $execute0_lowered;
	[smem:$0x3FD2] =	sst s25  }
0xa6: {  	s5 =	sshll.u32 s26, $0x1;
	_ =	strace $0x80000049;
	[dreg:$0x1] =	wrdreg $0xFFFFFFFF  }
0xa7: {  	s28 =	simm.s32 $_size_execute0_lowered;
	s3 =	sadd.s32 s3, s5;
	[dreg:$0x0] =	wrdreg $0x0  }
0xa8: {  	s5 =	sshll.u32 s28, $0x1;
	[dreg:$0x2] =	wrdreg s3  }
0xa9: {  	[dreg:$0x3] =	wrdreg s5  }
0xaa: {  	[dreg:$0x4] =	wrdreg $0xC0  }
0xab: {  	_ =	task [dreg:s7], $0x5FFFF  }
0xac: {  	[dreg:$0x1] =	wrdreg $0xFFFFFFFF  }
0xad: {  	[dreg:$0x0] =	wrdreg $0x60  }
0xae: {  	[dreg:$0x2] =	wrdreg s24  }
0xaf: {  	[dreg:$0x3] =	wrdreg s2  }
0xb0: {  	[dreg:$0x4] =	wrdreg $0x11A000  }
0xb1: {  	[dreg:$0x5] =	wrdreg $0x9  }
0xb2: {  	_ =	task.clear_ibuf [dreg:s7], $0x6FFFF;
	_ =	strace $0x90000049  }
0xb3: {  	s29 =	simm.s32 $0x9;
	_ =	strace $0x8000004B  }
0xb4: {  	_ =	swait.ge [sflag:s29], $0x1  }
0xb5: {  	[sflag:s29] =	ssyncadd.s32 $0xFFFFFFFF  }
0xb6: {  	_ =	strace $0x9000004B  }
0xb7: {  	_ =	sfence  }
0xb8: {  	s30 =	sld [smem:$0x0];
	_ =	sdelay $0x2  }
0xb9: {  	s31 =	sshll.u32 s1, $0xD;
	s1 =	sshrl.u32 s1, $0x2  }
0xba: {  	s3 =	sand.u32 $0x4000, s31;
	s1 =	sadd.s32 s1, s30  }
0xbb: {  	s0 =	sor.u32 s3, s0;
	s1 =	sshll.u32 s1, $0x11  }
0xbc: {  	s0 =	sor.u32 s1, s0  }
0xbd: {  	s0 =	sadd.s32 $0x8F2B, s0  }
0xbe: {  	[sflag:s0] =	ssyncadd.remote.s32 $0x1  }
0xbf: {  	_ =	sfence.sel $0xFFFF  }
0xc0: {  	[dreg:$0x0] =	wrdreg $0xFFFFFFFF;
	(pc) =	sbr.abs _section_cstart, $3  }
0xc1: {  	[dreg:$0x1] =	wrdreg $0xFFFFFFFF  }
0xc2: {  	_ =	task.clear_ibuf [dreg:s7], $0x2FFFF;
	_ =	strace $0x9FFFFFFF  }
0xc3: {  	(tm) =	ssettm $0x7FFFFFFF  }
tec
execute0_lowered:
.L_overlay_start_1:
0x0: {  	(tag) =	ssettag $0x1  }
0x1: {  	s0 =	rddreg [dreg:$0x0]  }
0x2: {  	s1 =	rddreg [dreg:$0x1]  }
0x3: {  	s2 =	rddreg [dreg:$0x2];
	s4 =	simm.s32 $0x0  }
0x4: {  	s9 =	stileid.u32;
	s3 =	srdreg.scid;
	s16 =	simm.s32 $0x9  }
0x5: {  	s10 =	simm.s32 $0x9A00;
	s11 =	simm.s32 $0xDA00;
	s29 =	simm.s32 $0x1  }
0x6: {  	s30 =	simm.s32 $0x1600;
	s31 =	simm.s32 $0x2;
	s17 =	simm.s32 $0x0  }
0x7: {  	s28 =	simm.s32 $0x5A00;
	[smem:$0x7FF] =	sst s4;
	s3 =	sand.u32 $0x1, s3  }
0x8: {  	s5 =	sshll.u32 s9, $0x1;
	s4 =	sadd.s32 $0x6400, s0;
	s19 =	smul.u32 $0x14000, s9  }
0x9: {  	s7 =	sshll.u32 s9, $0x6;
	s24 =	sshll.u32 s9, $0xC;
	s25 =	smul.u32 $0x2800, s9  }
0xa: {  	s9 =	simm.s32 $0x5A00;
	_ =	strace $0x8000004A;
	s5 =	sor.u32 s3, s5  }
0xb: {  	s6 =	ssub.s32 $0x2, s3;
	[dreg:$0x6] =	wrdreg s7;
	s22 =	smul.u32 $0xA000, s3  }
0xc: {  	s7 =	sadd.s32 s7, s0;
	s0 =	sadd.s32 $0x7E400, s0;
	s3 =	smul.u32 $0x1400, s3  }
0xd: {  	s12 =	sadd.s32 s24, s2;
	s5 =	smul.u32 $0x280, s5;
	s20 =	sadd.s32 $0x6000, s7  }
0xe: {  	s8 =	sshrl.u32 s6, $0x1;
	s21 =	sadd.s32 $0x6010, s7;
	[dreg:$0x8] =	wrdreg s20  }
0xf: {  	s23 =	sadd.s32 $0x6020, s7;
	s7 =	sadd.s32 $0x6030, s7;
	[dreg:$0x9] =	wrdreg s21  }
0x10: {  	s18 =	sadd.s32 $0x400, s12;
	s13 =	sadd.s32 $0x800, s12;
	[dreg:$0xa] =	wrdreg s23  }
0x11: {  	s6 =	ssub.s32 s6, s8;
	[dreg:$0xb] =	wrdreg s7;
	s20 =	simm.s32 $0x1480  }
0x12: {  	s7 =	simm.s32 $0x1500;
	s8 =	simm.s32 $0x1580;
	s21 =	simm.s32 $0x80  }
0x13: {  	s23 =	simm.s32 $0x1580;
	s1 =	sadd.s32 s1, s5;
	s26 =	smax.u32 s6, $0x1  }
0x14: {  	s6 =	simm.s32 $0x1A00;
	[dreg:$0x7] =	wrdreg s1;
	s1 =	sadd.s32 s22, s19  }
0x15: {  	s22 =	sadd.s32 $0xC00, s12;
	[dreg:$0xc] =	wrdreg s26;
	s1 =	sshrl.u32 s1, $0x3  }
0x16: {  	s19 =	simm.s32 $0x1400;
	s1 =	sadd.s32 s1, s0;
	s0 =	sadd.s32 s25, s0  }
0x17: {  	s25 =	simm.s32 $0x9A00;
	[dreg:$0x4] =	wrdreg s1;
	s0 =	sadd.s32 s3, s0  }
0x18: {  	v0 =	vimm.f32 $0.0e+00;
	s1 =	simm.s32 $0x4;
	[dreg:$0x5] =	wrdreg s0;
	s0 =	simm.s32 $0x3  }
.LBB2_1:
0x19: {  	[dreg:$0xd] =	wrdreg s17  }
0x1a: {  	s3 =	simm.s32 $0x0;
	s5 =	rddreg [dreg:$0x7]  }
0x1b: {  	[tilespmem:s3], [sflag:$0x9] =	stream.linear.gather [hbm4b:s5+s3], $0x1400, $0x38;
	[tilespmem:$0x12A00] =	vst v63  }
0x1c: {  	_ =	swait.ge [sflag:s16], $0x1400  }
0x1d: {  	[sflag:s16] =	ssyncset.done $0x0  }
0x1e: {  	s14 =	rddreg [dreg:$0x8];
	[sflag:s16] =	ssyncadd.s32 $0xFFFFEC00  }
0x1f: {  	[tilespmem:s19], [sflag:$0x9] =	stream.linear.gather [hbm4b:s14+s3], $0x80, $0x38;
	[tilespmem:$0x12A00] =	vst v63  }
0x20: {  	_ =	swait.ge [sflag:s16], $0x80  }
0x21: {  	[sflag:s16] =	ssyncset.done $0x0  }
0x22: {  	s15 =	rddreg [dreg:$0x9];
	[sflag:s16] =	ssyncadd.s32 $0xFFFFFF80  }
0x23: {  	[tilespmem:s20], [sflag:$0x9] =	stream.linear.gather [hbm4b:s15+s3], $0x80, $0x38;
	[tilespmem:$0x12A00] =	vst v63  }
0x24: {  	_ =	swait.ge [sflag:s16], $0x80  }
0x25: {  	[sflag:s16] =	ssyncset.done $0x0  }
0x26: {  	s17 =	rddreg [dreg:$0xa];
	[sflag:s16] =	ssyncadd.s32 $0xFFFFFF80  }
0x27: {  	[tilespmem:s7], [sflag:$0x9] =	stream.linear.gather [hbm4b:s17+s3], $0x80, $0x38;
	[tilespmem:$0x12A00] =	vst v63  }
0x28: {  	_ =	swait.ge [sflag:s16], $0x80  }
0x29: {  	[sflag:s16] =	ssyncset.done $0x0  }
0x2a: {  	s24 =	rddreg [dreg:$0xb];
	[sflag:s16] =	ssyncadd.s32 $0xFFFFFF80  }
0x2b: {  	[tilespmem:s8], [sflag:$0x9] =	stream.linear.gather [hbm4b:s24+s3], $0x80, $0x38;
	[tilespmem:$0x12A00] =	vst v63  }
0x2c: {  	_ =	swait.ge [sflag:s16], $0x80  }
0x2d: {  	[sflag:s16] =	ssyncset.done $0x0  }
0x2e: {  	[sflag:s16] =	ssyncadd.s32 $0xFFFFFF80  }
0x2f: {  	[tilespmem:$0x1600] =	vst v0  }
0x30: {  	[tilespmem:$0x1610] =	vst v0  }
0x31: {  	[tilespmem:$0x1620] =	vst v0  }
0x32: {  	[tilespmem:$0x1630] =	vst v0  }
0x33: {  	[tilespmem:$0x1640] =	vst v0  }
0x34: {  	[tilespmem:$0x1650] =	vst v0  }
0x35: {  	[tilespmem:$0x1660] =	vst v0  }
0x36: {  	[tilespmem:$0x1670] =	vst v0  }
0x37: {  	[tilespmem:$0x1680] =	vst v0  }
0x38: {  	[tilespmem:$0x1690] =	vst v0  }
0x39: {  	[tilespmem:$0x16A0] =	vst v0  }
0x3a: {  	[tilespmem:$0x16B0] =	vst v0  }
0x3b: {  	[tilespmem:$0x16C0] =	vst v0  }
0x3c: {  	[tilespmem:$0x16D0] =	vst v0  }
0x3d: {  	[tilespmem:$0x16E0] =	vst v0  }
0x3e: {  	[tilespmem:$0x16F0] =	vst v0  }
0x3f: {  	[tilespmem:$0x1700] =	vst v0  }
0x40: {  	[tilespmem:$0x1710] =	vst v0  }
0x41: {  	[tilespmem:$0x1720] =	vst v0  }
0x42: {  	[tilespmem:$0x1730] =	vst v0  }
0x43: {  	[tilespmem:$0x1740] =	vst v0  }
0x44: {  	[tilespmem:$0x1750] =	vst v0  }
0x45: {  	[tilespmem:$0x1760] =	vst v0  }
0x46: {  	[tilespmem:$0x1770] =	vst v0  }
0x47: {  	[tilespmem:$0x1780] =	vst v0  }
0x48: {  	[tilespmem:$0x1790] =	vst v0  }
0x49: {  	[tilespmem:$0x17A0] =	vst v0  }
0x4a: {  	[tilespmem:$0x17B0] =	vst v0  }
0x4b: {  	[tilespmem:$0x17C0] =	vst v0  }
0x4c: {  	[tilespmem:$0x17D0] =	vst v0  }
0x4d: {  	[tilespmem:$0x17E0] =	vst v0  }
0x4e: {  	[tilespmem:$0x17F0] =	vst v0  }
0x4f: {  	[tilespmem:$0x1800] =	vst v0  }
0x50: {  	[tilespmem:$0x1810] =	vst v0  }
0x51: {  	[tilespmem:$0x1820] =	vst v0  }
0x52: {  	[tilespmem:$0x1830] =	vst v0  }
0x53: {  	[tilespmem:$0x1840] =	vst v0  }
0x54: {  	[tilespmem:$0x1850] =	vst v0  }
0x55: {  	[tilespmem:$0x1860] =	vst v0  }
0x56: {  	[tilespmem:$0x1870] =	vst v0  }
0x57: {  	[tilespmem:$0x1880] =	vst v0  }
0x58: {  	[tilespmem:$0x1890] =	vst v0  }
0x59: {  	[tilespmem:$0x18A0] =	vst v0  }
0x5a: {  	[tilespmem:$0x18B0] =	vst v0  }
0x5b: {  	[tilespmem:$0x18C0] =	vst v0  }
0x5c: {  	[tilespmem:$0x18D0] =	vst v0  }
0x5d: {  	[tilespmem:$0x18E0] =	vst v0  }
0x5e: {  	[tilespmem:$0x18F0] =	vst v0  }
0x5f: {  	[tilespmem:$0x1900] =	vst v0  }
0x60: {  	[tilespmem:$0x1910] =	vst v0  }
0x61: {  	[tilespmem:$0x1920] =	vst v0  }
0x62: {  	[tilespmem:$0x1930] =	vst v0  }
0x63: {  	[tilespmem:$0x1940] =	vst v0  }
0x64: {  	[tilespmem:$0x1950] =	vst v0  }
0x65: {  	[tilespmem:$0x1960] =	vst v0  }
0x66: {  	[tilespmem:$0x1970] =	vst v0  }
0x67: {  	[tilespmem:$0x1980] =	vst v0  }
0x68: {  	[tilespmem:$0x1990] =	vst v0  }
0x69: {  	[tilespmem:$0x19A0] =	vst v0  }
0x6a: {  	[tilespmem:$0x19B0] =	vst v0  }
0x6b: {  	[tilespmem:$0x19C0] =	vst v0  }
0x6c: {  	[tilespmem:$0x19D0] =	vst v0  }
0x6d: {  	[tilespmem:$0x19E0] =	vst v0  }
0x6e: {  	[tilespmem:$0x19F0] =	vst v0  }
0x6f: {  	[tilespmem:s6], [sflag:$0x1] =	stream.indirect.gather [hbm4b:s4+s21], $0x80, s3, s21, $0xb8;
	[tilespmem:$0x12A00] =	vst v63  }
0x70: {  	_ = 	snop  }
0x71: {  	[tilespmem:s9], [sflag:$0x2] =	stream.indirect.gather [hbm4b:s4+s21], $0x80, s21, s21, $0xb8;
	[tilespmem:$0x12A00] =	vst v63  }
0x72: {  	s26 =	simm.s32 $0x100  }
0x73: {  	[tilespmem:s10], [sflag:$0x3] =	stream.indirect.gather [hbm4b:s4+s21], $0x80, s26, s21, $0xb8;
	[tilespmem:$0x12A00] =	vst v63  }
0x74: {  	s5 =	simm.s32 $0x180  }
0x75: {  	[tilespmem:s11], [sflag:$0x4] =	stream.indirect.gather [hbm4b:s4+s21], $0x80, s5, s21, $0xb8;
	[tilespmem:$0x12A00] =	vst v63  }
0x76: {  	_ =	swait.ge [sflag:s29], $0x4000  }
0x77: {  	p0 =	por $0x1, $0x1;
	[sflag:s29] =	ssyncset.done $0x0  }
0x78: {  	s3 =	simm.s32 @!p0 $0x5;
	[sflag:s29] =	ssyncadd.s32 $0xFFFFC000  }
0x79: {  	_ =	swait.ge @!p0 [sflag:s3], $0x80  }
0x7a: {  	[sflag:s3] =	ssyncset.done @!p0 $0x0  }
0x7b: {  	[sflag:s3] =	ssyncadd.s32 @!p0 $0xFFFFFF80  }
0x7c: {  	[spmem:s12] =	stream.linear.scatter [tilespmem:s30], [sflag:$0x9], $0x400, $0x38;
	[tilespmem:$0x12A00] =	vst v63  }
0x7d: {  	_ =	swait.ge [sflag:s16], $0x400  }
0x7e: {  	[sflag:s16] =	ssyncset.done $0x0  }
0x7f: {  	[sflag:s16] =	ssyncadd.s32 $0xFFFFFC00  }
0x80: {  	[spmem:s2] =	stream.indirect.scatter.add.f32 [tilespmem:s6], [sflag:$0x9], $0x80, s19, s21, $0xb8;
	[tilespmem:$0x12A00] =	vst v63  }
0x81: {  	p1 =	por $0x0, $0x0;
	_ =	swait.ge [sflag:s16], $0x4000  }
0x82: {  	s5 =	simm.s32 @!p1 $0x80;
	[sflag:s16] =	ssyncset.done $0x0  }
0x83: {  	s3 =	simm.s32 $0x200;
	s6 =	simm.s32 @!p1 $0x1A00;
	[sflag:s16] =	ssyncadd.s32 $0xFFFFC000  }
0x84: {  	[tilespmem:s6], [sflag:$0x1] =	stream.indirect.gather @!p1 [hbm4b:s4+s5], $0x80, s3, s5, $0xb8;
	[tilespmem:$0x12A00] =	vst v63  }
0x85: {  	_ =	swait.ge [sflag:s31], $0x4000  }
0x86: {  	[sflag:s31] =	ssyncset.done $0x0  }
0x87: {  	s3 =	simm.s32 @!p0 $0x6;
	[sflag:s31] =	ssyncadd.s32 $0xFFFFC000  }
0x88: {  	_ =	swait.ge @!p0 [sflag:s3], $0x80  }
0x89: {  	[sflag:s3] =	ssyncset.done @!p0 $0x0  }
0x8a: {  	[sflag:s3] =	ssyncadd.s32 @!p0 $0xFFFFFF80  }
0x8b: {  	[spmem:s18] =	stream.linear.scatter [tilespmem:s30], [sflag:$0x9], $0x400, $0x38;
	[tilespmem:$0x12A00] =	vst v63  }
0x8c: {  	_ =	swait.ge [sflag:s16], $0x400  }
0x8d: {  	[sflag:s16] =	ssyncset.done $0x0  }
0x8e: {  	[sflag:s16] =	ssyncadd.s32 $0xFFFFFC00  }
0x8f: {  	[spmem:s2] =	stream.indirect.scatter.add.f32 [tilespmem:s9], [sflag:$0x9], $0x80, s20, s21, $0xb8;
	[tilespmem:$0x12A00] =	vst v63  }
0x90: {  	_ =	swait.ge [sflag:s16], $0x4000  }
0x91: {  	[sflag:s16] =	ssyncset.done $0x0  }
0x92: {  	s6 =	simm.s32 @!p1 $0x5A00;
	s3 =	simm.s32 @!p1 $0x280;
	[sflag:s16] =	ssyncadd.s32 $0xFFFFC000  }
0x93: {  	[tilespmem:s6], [sflag:$0x2] =	stream.indirect.gather @!p1 [hbm4b:s4+s5], $0x80, s3, s5, $0xb8;
	[tilespmem:$0x12A00] =	vst v63  }
0x94: {  	_ =	swait.ge [sflag:s0], $0x4000  }
0x95: {  	[sflag:s0] =	ssyncset.done $0x0  }
0x96: {  	s3 =	simm.s32 @!p0 $0x7;
	[sflag:s0] =	ssyncadd.s32 $0xFFFFC000  }
0x97: {  	_ =	swait.ge @!p0 [sflag:s3], $0x80  }
0x98: {  	[sflag:s3] =	ssyncset.done @!p0 $0x0  }
0x99: {  	[sflag:s3] =	ssyncadd.s32 @!p0 $0xFFFFFF80  }
0x9a: {  	[spmem:s13] =	stream.linear.scatter [tilespmem:s30], [sflag:$0x9], $0x400, $0x38;
	[tilespmem:$0x12A00] =	vst v63  }
0x9b: {  	_ =	swait.ge [sflag:s16], $0x400  }
0x9c: {  	[sflag:s16] =	ssyncset.done $0x0  }
0x9d: {  	[sflag:s16] =	ssyncadd.s32 $0xFFFFFC00  }
0x9e: {  	[spmem:s2] =	stream.indirect.scatter.add.f32 [tilespmem:s10], [sflag:$0x9], $0x80, s7, s21, $0xb8;
	[tilespmem:$0x12A00] =	vst v63  }
0x9f: {  	_ =	swait.ge [sflag:s16], $0x4000  }
0xa0: {  	[sflag:s16] =	ssyncset.done $0x0  }
0xa1: {  	s6 =	simm.s32 @!p1 $0x9A00;
	s3 =	simm.s32 @!p1 $0x300;
	[sflag:s16] =	ssyncadd.s32 $0xFFFFC000  }
0xa2: {  	[tilespmem:s6], [sflag:$0x3] =	stream.indirect.gather @!p1 [hbm4b:s4+s5], $0x80, s3, s5, $0xb8;
	[tilespmem:$0x12A00] =	vst v63  }
0xa3: {  	_ =	swait.ge [sflag:s1], $0x4000  }
0xa4: {  	[sflag:s1] =	ssyncset.done $0x0  }
0xa5: {  	s3 =	simm.s32 @!p0 $0x8;
	[sflag:s1] =	ssyncadd.s32 $0xFFFFC000  }
0xa6: {  	_ =	swait.ge @!p0 [sflag:s3], $0x80  }
0xa7: {  	[sflag:s3] =	ssyncset.done @!p0 $0x0  }
0xa8: {  	[sflag:s3] =	ssyncadd.s32 @!p0 $0xFFFFFF80  }
0xa9: {  	[spmem:s22] =	stream.linear.scatter [tilespmem:s30], [sflag:$0x9], $0x400, $0x38;
	[tilespmem:$0x12A00] =	vst v63  }
0xaa: {  	_ =	swait.ge [sflag:s16], $0x400  }
0xab: {  	[sflag:s16] =	ssyncset.done $0x0  }
0xac: {  	[sflag:s16] =	ssyncadd.s32 $0xFFFFFC00  }
0xad: {  	[spmem:s2] =	stream.indirect.scatter.add.f32 [tilespmem:s11], [sflag:$0x9], $0x80, s8, s21, $0xb8;
	[tilespmem:$0x12A00] =	vst v63  }
0xae: {  	_ =	swait.ge [sflag:s16], $0x4000  }
0xaf: {  	[sflag:s16] =	ssyncset.done $0x0  }
0xb0: {  	s6 =	simm.s32 @!p1 $0xDA00;
	s3 =	simm.s32 @!p1 $0x380;
	[sflag:s16] =	ssyncadd.s32 $0xFFFFC000  }
0xb1: {  	[tilespmem:s6], [sflag:$0x4] =	stream.indirect.gather @!p1 [hbm4b:s4+s5], $0x80, s3, s5, $0xb8;
	[tilespmem:$0x12A00] =	vst v63  }
0xb2: {  	[bflag:$0x0] =	sbarrier.arrive $0xFFFF  }
0xb3: {  	s24 =	sshrl.u32 s13, $0x3;
	s10 =	sshrl.u32 s12, $0x3;
	s7 =	rddreg [dreg:$0x4]  }
0xb4: {  	s11 =	simm.s32 $0xDA00;
	s6 =	sshrl.u32 s18, $0x3;
	s8 =	rddreg [dreg:$0x6]  }
0xb5: {  	s5 =	sshrl.u32 s22, $0x3;
	s3 =	sadd.s32 $0x0, s7;
	s9 =	sor.u32 $0x1C05, s8  }
0xb6: {  	[hbm:s3], [sflag:s9] =	dma.local [spmem:s10], $0x80  }
0xb7: {  	s15 =	sor.u32 $0x1C07, s8;
	s26 =	sor.u32 $0x1C06, s8;
	s3 =	rddreg [dreg:$0x5]  }
0xb8: {  	s7 =	sor.u32 $0x1C08, s8;
	s8 =	simm.s32 $0x400;
	s17 =	sadd.s32 $0x0, s3  }
0xb9: {  	s3 =	sadd.s32 $0x80, s17;
	s14 =	sadd.s32 $0x100, s17;
	s17 =	sadd.s32 $0x180, s17  }
0xba: {  	[hbm:s3], [sflag:s26] =	dma.local [spmem:s6], $0x80  }
0xbb: {  	[hbm:s14], [sflag:s15] =	dma.local [spmem:s24], $0x80  }
0xbc: {  	s3 =	simm.s32 $0x200;
	s14 =	smov.u32 s13;
	s13 =	smov.u32 s18  }
.LBB2_2:
0xbd: {  	[hbm:s17], [sflag:s7] =	dma.local [spmem:s5], $0x80  }
0xbe: {  	s17 =	smov.u32 s3;
	_ =	swait.ge [sflag:s29], $0x4000  }
0xbf: {  	p1 =	seq.s32 s17, $0x0;
	[sflag:s29] =	ssyncset.done $0x0  }
0xc0: {  	s18 =	simm.s32 @!p1 $0x5;
	[sflag:s29] =	ssyncadd.s32 $0xFFFFC000  }
0xc1: {  	_ =	swait.ge @!p1 [sflag:s18], $0x80  }
0xc2: {  	[sflag:s18] =	ssyncset.done @!p1 $0x0  }
0xc3: {  	[sflag:s18] =	ssyncadd.s32 @!p1 $0xFFFFFF80  }
0xc4: {  	[spmem:s12] =	stream.linear.scatter [tilespmem:s30], [sflag:$0x9], $0x400, $0x38;
	[tilespmem:$0x12A00] =	vst v63  }
0xc5: {  	_ =	swait.ge [sflag:s16], $0x400  }
0xc6: {  	[sflag:s16] =	ssyncset.done $0x0  }
0xc7: {  	s18 =	simm.s32 $0x1A00;
	[sflag:s16] =	ssyncadd.s32 $0xFFFFFC00  }
0xc8: {  	[spmem:s2] =	stream.indirect.scatter.add.f32 [tilespmem:s18], [sflag:$0x9], $0x80, s19, s21, $0xb8;
	[tilespmem:$0x12A00] =	vst v63  }
0xc9: {  	_ =	swait.ge [sflag:s16], $0x4000  }
0xca: {  	p2 =	seq.s32 s17, $0x1200;
	[sflag:s16] =	ssyncset.done $0x0  }
0xcb: {  	s18 =	simm.s32 @!p2 $0x80;
	s19 =	simm.s32 @!p2 $0x1A00;
	[sflag:s16] =	ssyncadd.s32 $0xFFFFC000  }
0xcc: {  	[tilespmem:s19], [sflag:$0x1] =	stream.indirect.gather @!p2 [hbm4b:s4+s18], $0x80, s8, s18, $0xb8;
	[tilespmem:$0x12A00] =	vst v63  }
0xcd: {  	_ =	swait.ge [sflag:s31], $0x4000  }
0xce: {  	[sflag:s31] =	ssyncset.done $0x0  }
0xcf: {  	s19 =	simm.s32 @!p1 $0x6;
	[sflag:s31] =	ssyncadd.s32 $0xFFFFC000  }
0xd0: {  	_ =	swait.ge @!p1 [sflag:s19], $0x80  }
0xd1: {  	[sflag:s19] =	ssyncset.done @!p1 $0x0  }
0xd2: {  	[sflag:s19] =	ssyncadd.s32 @!p1 $0xFFFFFF80  }
0xd3: {  	[spmem:s13] =	stream.linear.scatter [tilespmem:s30], [sflag:$0x9], $0x400, $0x38;
	[tilespmem:$0x12A00] =	vst v63  }
0xd4: {  	_ =	swait.ge [sflag:s16], $0x400  }
0xd5: {  	[sflag:s16] =	ssyncset.done $0x0  }
0xd6: {  	[sflag:s16] =	ssyncadd.s32 $0xFFFFFC00  }
0xd7: {  	[spmem:s2] =	stream.indirect.scatter.add.f32 [tilespmem:s28], [sflag:$0x9], $0x80, s20, s21, $0xb8;
	[tilespmem:$0x12A00] =	vst v63  }
0xd8: {  	_ =	swait.ge [sflag:s16], $0x4000  }
0xd9: {  	[sflag:s16] =	ssyncset.done $0x0  }
0xda: {  	s19 =	sadd.s32 @!p2 $0x80, s8;
	s20 =	simm.s32 @!p2 $0x5A00;
	[sflag:s16] =	ssyncadd.s32 $0xFFFFC000  }
0xdb: {  	[tilespmem:s20], [sflag:$0x2] =	stream.indirect.gather @!p2 [hbm4b:s4+s18], $0x80, s19, s18, $0xb8;
	[tilespmem:$0x12A00] =	vst v63  }
0xdc: {  	_ =	swait.ge [sflag:s0], $0x4000  }
0xdd: {  	[sflag:s0] =	ssyncset.done $0x0  }
0xde: {  	s19 =	simm.s32 @!p1 $0x7;
	[sflag:s0] =	ssyncadd.s32 $0xFFFFC000  }
0xdf: {  	_ =	swait.ge @!p1 [sflag:s19], $0x80  }
0xe0: {  	[sflag:s19] =	ssyncset.done @!p1 $0x0  }
0xe1: {  	[sflag:s19] =	ssyncadd.s32 @!p1 $0xFFFFFF80  }
0xe2: {  	[spmem:s14] =	stream.linear.scatter [tilespmem:s30], [sflag:$0x9], $0x400, $0x38;
	[tilespmem:$0x12A00] =	vst v63  }
0xe3: {  	_ =	swait.ge [sflag:s16], $0x400  }
0xe4: {  	[sflag:s16] =	ssyncset.done $0x0  }
0xe5: {  	s20 =	simm.s32 $0x1500;
	[sflag:s16] =	ssyncadd.s32 $0xFFFFFC00  }
0xe6: {  	[spmem:s2] =	stream.indirect.scatter.add.f32 [tilespmem:s25], [sflag:$0x9], $0x80, s20, s21, $0xb8;
	[tilespmem:$0x12A00] =	vst v63  }
0xe7: {  	_ =	swait.ge [sflag:s16], $0x4000  }
0xe8: {  	[sflag:s16] =	ssyncset.done $0x0  }
0xe9: {  	s19 =	sadd.s32 @!p2 $0x100, s8;
	s20 =	simm.s32 @!p2 $0x9A00;
	[sflag:s16] =	ssyncadd.s32 $0xFFFFC000  }
0xea: {  	[tilespmem:s20], [sflag:$0x3] =	stream.indirect.gather @!p2 [hbm4b:s4+s18], $0x80, s19, s18, $0xb8;
	[tilespmem:$0x12A00] =	vst v63  }
0xeb: {  	_ =	swait.ge [sflag:s1], $0x4000  }
0xec: {  	[sflag:s1] =	ssyncset.done $0x0  }
0xed: {  	s19 =	simm.s32 @!p1 $0x8;
	[sflag:s1] =	ssyncadd.s32 $0xFFFFC000  }
0xee: {  	_ =	swait.ge @!p1 [sflag:s19], $0x80  }
0xef: {  	[sflag:s19] =	ssyncset.done @!p1 $0x0  }
0xf0: {  	[sflag:s19] =	ssyncadd.s32 @!p1 $0xFFFFFF80  }
0xf1: {  	[spmem:s22] =	stream.linear.scatter [tilespmem:s30], [sflag:$0x9], $0x400, $0x38;
	[tilespmem:$0x12A00] =	vst v63  }
0xf2: {  	_ =	swait.ge [sflag:s16], $0x400  }
0xf3: {  	[sflag:s16] =	ssyncset.done $0x0  }
0xf4: {  	[sflag:s16] =	ssyncadd.s32 $0xFFFFFC00  }
0xf5: {  	[spmem:s2] =	stream.indirect.scatter.add.f32 [tilespmem:s11], [sflag:$0x9], $0x80, s23, s21, $0xb8;
	[tilespmem:$0x12A00] =	vst v63  }
0xf6: {  	_ =	swait.ge [sflag:s16], $0x4000  }
0xf7: {  	[sflag:s16] =	ssyncset.done $0x0  }
0xf8: {  	s20 =	simm.s32 @!p2 $0xDA00;
	s19 =	sadd.s32 @!p2 $0x180, s8;
	[sflag:s16] =	ssyncadd.s32 $0xFFFFC000  }
0xf9: {  	[tilespmem:s20], [sflag:$0x4] =	stream.indirect.gather @!p2 [hbm4b:s4+s18], $0x80, s19, s18, $0xb8;
	[tilespmem:$0x12A00] =	vst v63  }
0xfa: {  	[bflag:$0x0] =	sbarrier.arrive $0xFFFF  }
0xfb: {  	s19 =	rddreg [dreg:$0x4]  }
0xfc: {  	s3 =	sadd.s32 $0x200, s3;
	s18 =	sadd.s32 s17, s19  }
0xfd: {  	[hbm:s18], [sflag:s9] =	dma.local [spmem:s10], $0x80  }
0xfe: {  	p0 =	sne.s32 s3, $0x1400;
	s18 =	rddreg [dreg:$0x5]  }
.Ltmp0:
0xff: {  	s17 =	sadd.s32 s17, s18;
	(pc) =	sbr.rel @p0 .LBB2_2-.Ltmp0, $4  }
0x100: {  	s8 =	sadd.s32 $0x200, s8;
	s18 =	sadd.s32 $0x80, s17;
	s19 =	sadd.s32 $0x100, s17  }
0x101: {  	[hbm:s18], [sflag:s26] =	dma.local [spmem:s6], $0x80  }
0x102: {  	[hbm:s19], [sflag:s15] =	dma.local [spmem:s24], $0x80  }
0x103: {  	s20 =	simm.s32 $0x1480;
	s17 =	sadd.s32 $0x180, s17;
	s19 =	simm.s32 $0x1400  }
0x104: {  	[hbm:s17], [sflag:s7] =	dma.local [spmem:s5], $0x80  }
0x105: {  	s3 =	simm.s32 $0x5  }
0x106: {  	_ =	swait.ge [sflag:s3], $0x80  }
0x107: {  	[sflag:s3] =	ssyncset.done $0x0  }
0x108: {  	s15 =	simm.s32 $0x6;
	[sflag:s3] =	ssyncadd.s32 $0xFFFFFF80  }
0x109: {  	_ =	swait.ge [sflag:s15], $0x80  }
0x10a: {  	[sflag:s15] =	ssyncset.done $0x0  }
0x10b: {  	s17 =	simm.s32 $0x7;
	[sflag:s15] =	ssyncadd.s32 $0xFFFFFF80  }
0x10c: {  	_ =	swait.ge [sflag:s17], $0x80  }
0x10d: {  	[sflag:s17] =	ssyncset.done $0x0  }
0x10e: {  	s18 =	simm.s32 $0x8;
	[sflag:s17] =	ssyncadd.s32 $0xFFFFFF80  }
0x10f: {  	_ =	swait.ge [sflag:s18], $0x80  }
0x110: {  	s24 =	rddreg [dreg:$0xd]  }
0x111: {  	s26 =	rddreg [dreg:$0xc];
	s17 =	sadd.s32 $0x1, s24  }
0x112: {  	p0 =	sne.s32 s17, s26  }
.Ltmp1:
0x113: {  	_ = 	snop;
	(pc) =	sbr.rel @p0 .LBB2_1-.Ltmp1, $4  }
0x114: {  	s7 =	simm.s32 $0x1500  }
0x115: {  	s8 =	simm.s32 $0x1580;
	s6 =	simm.s32 $0x1A00;
	s9 =	simm.s32 $0x5A00  }
0x116: {  	s10 =	simm.s32 $0x9A00;
	s11 =	simm.s32 $0xDA00;
	[sflag:s18] =	ssyncset.done $0x0  }
0x117: {  	[sflag:s18] =	ssyncadd.s32 $0xFFFFFF80;
	s18 =	smov.u32 s13;
	s13 =	smov.u32 s14  }
0x118: {  	_ =	sfence.sel $0x180000  }
0x119: {  	[bflag:$0x0] =	sbarrier.arrive $0xFFFF  }
0x11a: {  	_ =	strace $0x9000004A  }
0x11b: {  	s0 =	stileid.u32;
	[bflag:$0x2] =	sbarrier.arrive $0xFFFF  }
0x11c: {  	p0 =	sne.s32 s0, $0x0;
	s0 =	rddreg [dreg:$0x3]  }
0x11d: {  	s0 =	sadd.s32 @!p0 $0x100000, s0  }
0x11e: {  	[sflag:s0] =	ssyncadd.tile.s32 @!p0 $0x1;
	_ =	shalt  }
.Lfunc_end2:
_tile_overlayer_lowered:
.L_overlay_start_2:
0x11f: {  	(tag) =	ssettag $0x2  }
0x120: {  	s0 =	rddreg [dreg:$0x0];
	s2 =	stileid.u32  }
0x121: {  	s1 =	rddreg [dreg:$0x1];
	p0 =	sne.s32 s2, $0x0  }
0x122: {  	s3 =	rddreg [dreg:$0x2];
	[bflag:$0x3] =	sbarrier.arrive $0xFFFF;
	s2 =	simm.s32 @!p0 $0x1C09  }
0x123: {  	[timem:s3], [sflag:s2] =	dma.local @!p0 [hbm:s0], s1  }
0x124: {  	s0 =	simm.s32 @!p0 $0x9  }
0x125: {  	_ =	swait.ge @!p0 [sflag:s0], s1  }
0x126: {  	s1 =	ssub.s32 @!p0 $0x0, s1;
	[sflag:s0] =	ssyncset.done @!p0 $0x0  }
0x127: {  	[sflag:s0] =	ssyncadd.s32 @!p0 s1  }
0x128: {  	[bflag:$0x3] =	sbarrier.arrive $0xFFFF  }
0x129: {  	_ =	shalt  }

// kernel: kernel.8.cloned.1.call-start
scs
__scs_entry_jumppad:
0x0: {  	(pc) =	sbr.rel $0x88, $3  }
0x1: {  	(tag) =	ssettag $0x0;
	lr =	simm.s32 $0x1  }
0x2: {  	[smem:$0x3F8A] =	sst lr;
	_ =	strace $0xD0000000  }
0x3: {  	_ = 	snop  }
0x4: {  	_ = 	snop  }
0x5: {  	_ = 	snop  }
0x6: {  	_ = 	snop  }
0x7: {  	_ = 	snop  }
__scs_overlays_trampoline_lowered:
0x8: {  	[smem:$0x3F99] =	sst s0  }
0x9: {  	[smem:$0x3F9A] =	sst s1  }
0xa: {  	[smem:$0x3F9B] =	sst s2  }
0xb: {  	[smem:$0x3F9C] =	sst s3  }
0xc: {  	[smem:$0x3F9D] =	sst s4  }
0xd: {  	[smem:$0x3F9E] =	sst s5  }
0xe: {  	[smem:$0x3F9F] =	sst s6  }
0xf: {  	[smem:$0x3FA0] =	sst s7  }
0x10: {  	[smem:$0x3FA1] =	sst s8  }
0x11: {  	[smem:$0x3FA2] =	sst s9;
	s0 =	simm.s32 @!p0 $0x0  }
0x12: {  	s1 =	sld [smem:$0x3F88];
	s0 =	simm.s32 @p0 $0x1  }
0x13: {  	[smem:$0x3FA3] =	sst s0;
	s0 =	simm.s32 @!p1 $0x0  }
0x14: {  	s2 =	sld [smem:$0x3F87];
	s0 =	simm.s32 @p1 $0x1  }
0x15: {  	[smem:$0x3FA4] =	sst s0;
	s0 =	simm.s32 @!p2 $0x0  }
0x16: {  	s3 =	sld [smem:$0x3FDB];
	s0 =	simm.s32 @p2 $0x1  }
0x17: {  	s4 =	simm.s32 $0x1BF5;
	[smem:$0x3FA6] =	sst s0  }
0x18: {  	s0 =	sld [smem:$0x3F89];
	_ =	swait.ge [sflag:s4], $0x0  }
0x19: {  	s7 =	sld [smem:$0x3F8A]  }
0x1a: {  	s8 =	sadd.s32 $0xFFFFE003, lr  }
0x1b: {  	s9 =	sadd.s32 $0xFFFFFEF7, lr;
	s5 =	simm.s32 $0xFFFFFFFF;
	p2 =	slt.u32 s8, $0xFFFFF086  }
0x1c: {  	p1 =	slt.u32 s9, $0xF7A;
	s5 =	simm.s32 @!p2 $0x0  }
0x1d: {  	s5 =	simm.s32 @p1 $0x1;
	p0 =	seq.s32 s7, s2  }
0x1e: {  	s7 =	smul.u32 @!p0 $0xF7A, s2;
	p2 =	seq.s32 @!p0 s5, $0x0  }
0x1f: {  	s9 =	smul.u32 $0xF7A, s1;
	s8 =	simm.s32 @!p0 $0x1BF5;
	p2 =	por !p2, p0  }
0x20: {  	[sflag:s8] =	ssyncset.s32 @!p0 $0xFFFFF086;
	s6 =	sadd.s32 @!p0 s3, s7;
	s7 =	simm.s32 @!p0 $0x108  }
0x21: {  	s3 =	sadd.s32 s3, s9;
	s6 =	sadd.s32 @!p0 $0x88, s6;
	s7 =	simm.s32 @p2 $0x1082  }
0x22: {  	[simem:s7], [sflag:s8] =	dma.local @!p0 [hbm:s6], $0xF7A  }
0x23: {  	s9 =	sor.u32 $0xD0000000, s2;
	s6 =	simm.s32 $0x108;
	_ =	swait.ge @!p0 [sflag:s8], $0x0  }
0x24: {  	s3 =	sadd.s32 $0x88, s3;
	s6 =	simm.s32 @!p1 $0x1082;
	[sflag:s4] =	ssyncset.s32 $0xFFFFF086  }
0x25: {  	[simem:s6], [sflag:s4] =	dma.local [hbm:s3], $0xF7A  }
0x26: {  	[smem:$0x3F8A] =	sst s1;
	(tag) =	ssettag s2;
	_ =	strace s9  }
0x27: {  	s1 =	sld [smem:$0x3F9A]  }
0x28: {  	s2 =	sld [smem:$0x3F9B]  }
0x29: {  	s4 =	sld [smem:$0x3F9D]  }
0x2a: {  	p0 =	seq.s32 s5, $0x0;
	s5 =	sld [smem:$0x3F9E]  }
0x2b: {  	s6 =	sld [smem:$0x3F9F]  }
0x2c: {  	s7 =	sld [smem:$0x3FA0]  }
0x2d: {  	s3 =	simm.s32 $0x108;
	s8 =	sld [smem:$0x3FA1]  }
0x2e: {  	s3 =	simm.s32 @!p0 $0x1082;
	s9 =	sld [smem:$0x3FA2]  }
0x2f: {  	lr =	sadd.s32 s0, s3;
	s0 =	sld [smem:$0x3F99]  }
0x30: {  	s3 =	sld [smem:$0x3F9C]  }
0x31: {  	[smem:$0x3FA5] =	sst s10  }
0x32: {  	s10 =	sld [smem:$0x3FA3];
	_ =	sdelay $0x3  }
0x33: {  	p0 =	seq.s32 s10, $0x1;
	s10 =	sld [smem:$0x3FA5];
	_ =	sdelay $0x3  }
0x34: {  	[smem:$0x3FA5] =	sst s10  }
0x35: {  	s10 =	sld [smem:$0x3FA4];
	_ =	sdelay $0x3  }
0x36: {  	p1 =	seq.s32 s10, $0x1;
	s10 =	sld [smem:$0x3FA5];
	_ =	sdelay $0x3  }
0x37: {  	[smem:$0x3FA5] =	sst s10  }
0x38: {  	s10 =	sld [smem:$0x3FA6]  }
0x39: {  	_ = 	snop;
	(pc) =	sbr.ind lr, $3  }
0x3a: {  	_ = 	snop  }
0x3b: {  	_ = 	snop  }
0x3c: {  	p2 =	seq.s32 s10, $0x1;
	s10 =	sld [smem:$0x3FA5]  }
0x3d: {  	_ =	shalt  }
0x3e: {  	_ =	shalt  }
0x3f: {  	_ =	shalt  }
0x40: {  	_ =	shalt  }
0x41: {  	_ =	shalt  }
0x42: {  	_ =	shalt  }
0x43: {  	_ =	shalt  }
0x44: {  	_ =	shalt  }
0x45: {  	_ =	shalt  }
0x46: {  	_ =	shalt  }
0x47: {  	_ =	shalt  }
0x48: {  	_ =	shalt  }
0x49: {  	_ =	shalt  }
0x4a: {  	_ =	shalt  }
0x4b: {  	_ =	shalt  }
0x4c: {  	_ =	shalt  }
0x4d: {  	_ =	shalt  }
0x4e: {  	_ =	shalt  }
0x4f: {  	_ =	shalt  }
0x50: {  	_ =	shalt  }
0x51: {  	_ =	shalt  }
0x52: {  	_ =	shalt  }
0x53: {  	_ =	shalt  }
0x54: {  	_ =	shalt  }
0x55: {  	_ =	shalt  }
0x56: {  	_ =	shalt  }
0x57: {  	_ =	shalt  }
0x58: {  	_ =	shalt  }
0x59: {  	_ =	shalt  }
0x5a: {  	_ =	shalt  }
0x5b: {  	_ =	shalt  }
0x5c: {  	_ =	shalt  }
0x5d: {  	_ =	shalt  }
0x5e: {  	_ =	shalt  }
0x5f: {  	_ =	shalt  }
0x60: {  	_ =	shalt  }
0x61: {  	_ =	shalt  }
0x62: {  	_ =	shalt  }
0x63: {  	_ =	shalt  }
0x64: {  	_ =	shalt  }
0x65: {  	_ =	shalt  }
0x66: {  	_ =	shalt  }
0x67: {  	_ =	shalt  }
0x68: {  	_ =	shalt  }
0x69: {  	_ =	shalt  }
0x6a: {  	_ =	shalt  }
0x6b: {  	_ =	shalt  }
0x6c: {  	_ =	shalt  }
0x6d: {  	_ =	shalt  }
0x6e: {  	_ =	shalt  }
0x6f: {  	_ =	shalt  }
0x70: {  	_ =	shalt  }
0x71: {  	_ =	shalt  }
0x72: {  	_ =	shalt  }
0x73: {  	_ =	shalt  }
0x74: {  	_ =	shalt  }
0x75: {  	_ =	shalt  }
0x76: {  	_ =	shalt  }
0x77: {  	_ =	shalt  }
0x78: {  	_ =	shalt  }
0x79: {  	_ =	shalt  }
0x7a: {  	_ =	shalt  }
0x7b: {  	_ =	shalt  }
0x7c: {  	_ =	shalt  }
0x7d: {  	_ =	shalt  }
0x7e: {  	_ =	shalt  }
0x7f: {  	_ =	shalt  }
0x80: {  	_ =	shalt  }
0x81: {  	_ =	shalt  }
0x82: {  	_ =	shalt  }
0x83: {  	_ =	shalt  }
0x84: {  	_ =	shalt  }
0x85: {  	_ =	shalt  }
0x86: {  	_ =	shalt  }
0x87: {  	_ =	shalt  }
.Lfunc_end0:
.L_simem_size_0:
called_computation_lowered:
.L_overlay_start_0:
0x88: {  	s2 =	sld [smem:$0x3FD9]  }
0x89: {  	s3 =	sld [smem:$0x3FFE];
	_ =	sdelay $0x1  }
0x8a: {  	s1 =	srdreg.scid  }
0x8b: {  	s0 =	sand.u32 $0x1, s1  }
0x8c: {  	s17 =	sshll.u32 s0, $0xA;
	s2 =	sadd.s32 s3, s2  }
0x8d: {  	s2 =	sadd.s32 s2, s17  }
0x8e: {  	[smem:$0x3FB1] =	sst s2  }
0x8f: {  	_ = 	snop  }
0x90: {  	s2 =	sld [smem:$0x3FD0];
	(tm) =	ssettm $0x1  }
0x91: {  	s18 =	sld [smem:$0x3FFB];
	_ =	sdelay $0x3  }
0x92: {  	_ =	strace s18  }
0x93: {  	s3 =	sld [smem:$0x3FFC];
	_ =	sdelay $0x3  }
0x94: {  	_ =	strace s3  }
0x95: {  	s3 =	sld [smem:$0x3FFD];
	_ =	sdelay $0x3  }
0x96: {  	_ =	strace s3  }
0x97: {  	_ =	strace $0x8FFFFFFF  }
0x98: {  	s19 =	sld [smem:$0x3FDB];
	_ =	sdelay $0x1  }
0x99: {  	s4 =	simm.s32 $_scs_section_size  }
0x9a: {  	s5 =	simm.s32 $_size__tile_overlayer_lowered;
	s6 =	simm.s32 $_tile_overlayer_lowered  }
0x9b: {  	s22 =	simm.s32 $0x1BFF;
	s21 =	sshll.u32 s6, $0x1;
	s3 =	sadd.s32 s4, s19  }
0x9c: {  	s7 =	simm.s32 $0x0;
	s20 =	sshll.u32 s5, $0x1;
	s5 =	sadd.s32 s21, s3  }
0x9d: {  	[timem:s7], [sflag:s22] =	dma.local [hbm:s5], s20  }
0x9e: {  	_ =	swait.ge [sflag:s22], s20  }
0x9f: {  	s4 =	ssub.s32 $0x0, s20;
	[sflag:s22] =	ssyncset.done $0x0  }
0xa0: {  	[sflag:s22] =	ssyncadd.s32 s4;
	_ =	sdelay $0x1  }
0xa1: {  	s23 =	simm.s32 $0x1B8B  }
0xa2: {  	_ =	swait.ge [sflag:s23], $0x1  }
0xa3: {  	[sflag:s23] =	ssyncset.done $0x0  }
0xa4: {  	s25 =	simm.s32 $0x1B8E;
	s24 =	sld [smem:$0x3FFE];
	[sflag:s23] =	ssyncadd.s32 $0xFFFFFFFF  }
0xa5: {  	s26 =	simm.s32 $execute0_lowered;
	[smem:$0x3FD2] =	sst s25  }
0xa6: {  	s5 =	sshll.u32 s26, $0x1;
	_ =	strace $0x80000046;
	[dreg:$0x1] =	wrdreg $0xFFFFFFFF  }
0xa7: {  	s28 =	simm.s32 $_size_execute0_lowered;
	s3 =	sadd.s32 s3, s5;
	[dreg:$0x0] =	wrdreg $0x0  }
0xa8: {  	s5 =	sshll.u32 s28, $0x1;
	[dreg:$0x2] =	wrdreg s3  }
0xa9: {  	[dreg:$0x3] =	wrdreg s5  }
0xaa: {  	[dreg:$0x4] =	wrdreg $0xC0  }
0xab: {  	_ =	task [dreg:s7], $0x5FFFF  }
0xac: {  	[dreg:$0x1] =	wrdreg $0xFFFFFFFF  }
0xad: {  	[dreg:$0x0] =	wrdreg $0x60  }
0xae: {  	[dreg:$0x2] =	wrdreg s24  }
0xaf: {  	[dreg:$0x3] =	wrdreg s2  }
0xb0: {  	[dreg:$0x4] =	wrdreg $0x11A000  }
0xb1: {  	[dreg:$0x5] =	wrdreg $0x9  }
0xb2: {  	_ =	task.clear_ibuf [dreg:s7], $0x6FFFF;
	_ =	strace $0x90000046  }
0xb3: {  	s29 =	simm.s32 $0x9;
	_ =	strace $0x80000048  }
0xb4: {  	_ =	swait.ge [sflag:s29], $0x1  }
0xb5: {  	[sflag:s29] =	ssyncadd.s32 $0xFFFFFFFF  }
0xb6: {  	_ =	strace $0x90000048  }
0xb7: {  	_ =	sfence  }
0xb8: {  	s30 =	sld [smem:$0x0];
	_ =	sdelay $0x2  }
0xb9: {  	s31 =	sshll.u32 s1, $0xD;
	s1 =	sshrl.u32 s1, $0x2  }
0xba: {  	s3 =	sand.u32 $0x4000, s31;
	s1 =	sadd.s32 s1, s30  }
0xbb: {  	s0 =	sor.u32 s3, s0;
	s1 =	sshll.u32 s1, $0x11  }
0xbc: {  	s0 =	sor.u32 s1, s0  }
0xbd: {  	s0 =	sadd.s32 $0x8F2B, s0  }
0xbe: {  	[sflag:s0] =	ssyncadd.remote.s32 $0x1  }
0xbf: {  	_ =	sfence.sel $0xFFFF  }
0xc0: {  	[dreg:$0x0] =	wrdreg $0xFFFFFFFF;
	(pc) =	sbr.abs _section_cstart, $3  }
0xc1: {  	[dreg:$0x1] =	wrdreg $0xFFFFFFFF  }
0xc2: {  	_ =	task.clear_ibuf [dreg:s7], $0x2FFFF;
	_ =	strace $0x9FFFFFFF  }
0xc3: {  	(tm) =	ssettm $0x7FFFFFFF  }
tec
execute0_lowered:
.L_overlay_start_1:
0x0: {  	(tag) =	ssettag $0x1  }
0x1: {  	s0 =	rddreg [dreg:$0x0]  }
0x2: {  	s1 =	rddreg [dreg:$0x1]  }
0x3: {  	s2 =	rddreg [dreg:$0x2];
	s4 =	simm.s32 $0x0  }
0x4: {  	s9 =	stileid.u32;
	s3 =	srdreg.scid;
	s16 =	simm.s32 $0x9  }
0x5: {  	s10 =	simm.s32 $0x9A00;
	s11 =	simm.s32 $0xDA00;
	s29 =	simm.s32 $0x1  }
0x6: {  	s30 =	simm.s32 $0x1600;
	s31 =	simm.s32 $0x2;
	s17 =	simm.s32 $0x0  }
0x7: {  	s28 =	simm.s32 $0x5A00;
	[smem:$0x7FF] =	sst s4;
	s3 =	sand.u32 $0x1, s3  }
0x8: {  	s5 =	sshll.u32 s9, $0x1;
	s4 =	sadd.s32 $0x6400, s0;
	s19 =	smul.u32 $0x14000, s9  }
0x9: {  	s7 =	sshll.u32 s9, $0x6;
	s24 =	sshll.u32 s9, $0xC;
	s25 =	smul.u32 $0x2800, s9  }
0xa: {  	s9 =	simm.s32 $0x5A00;
	_ =	strace $0x80000047;
	s5 =	sor.u32 s3, s5  }
0xb: {  	s6 =	ssub.s32 $0x2, s3;
	[dreg:$0x6] =	wrdreg s7;
	s22 =	smul.u32 $0xA000, s3  }
0xc: {  	s7 =	sadd.s32 s7, s0;
	s0 =	sadd.s32 $0x2E400, s0;
	s3 =	smul.u32 $0x1400, s3  }
0xd: {  	s12 =	sadd.s32 s24, s2;
	s5 =	smul.u32 $0x280, s5;
	s20 =	sadd.s32 $0x6000, s7  }
0xe: {  	s8 =	sshrl.u32 s6, $0x1;
	s21 =	sadd.s32 $0x6010, s7;
	[dreg:$0x8] =	wrdreg s20  }
0xf: {  	s23 =	sadd.s32 $0x6020, s7;
	s7 =	sadd.s32 $0x6030, s7;
	[dreg:$0x9] =	wrdreg s21  }
0x10: {  	s18 =	sadd.s32 $0x400, s12;
	s13 =	sadd.s32 $0x800, s12;
	[dreg:$0xa] =	wrdreg s23  }
0x11: {  	s6 =	ssub.s32 s6, s8;
	[dreg:$0xb] =	wrdreg s7;
	s20 =	simm.s32 $0x1480  }
0x12: {  	s7 =	simm.s32 $0x1500;
	s8 =	simm.s32 $0x1580;
	s21 =	simm.s32 $0x80  }
0x13: {  	s23 =	simm.s32 $0x1580;
	s1 =	sadd.s32 s1, s5;
	s26 =	smax.u32 s6, $0x1  }
0x14: {  	s6 =	simm.s32 $0x1A00;
	[dreg:$0x7] =	wrdreg s1;
	s1 =	sadd.s32 s22, s19  }
0x15: {  	s22 =	sadd.s32 $0xC00, s12;
	[dreg:$0xc] =	wrdreg s26;
	s1 =	sshrl.u32 s1, $0x3  }
0x16: {  	s19 =	simm.s32 $0x1400;
	s1 =	sadd.s32 s1, s0;
	s0 =	sadd.s32 s25, s0  }
0x17: {  	s25 =	simm.s32 $0x9A00;
	[dreg:$0x4] =	wrdreg s1;
	s0 =	sadd.s32 s3, s0  }
0x18: {  	v0 =	vimm.f32 $0.0e+00;
	s1 =	simm.s32 $0x4;
	[dreg:$0x5] =	wrdreg s0;
	s0 =	simm.s32 $0x3  }
.LBB2_1:
0x19: {  	[dreg:$0xd] =	wrdreg s17  }
0x1a: {  	s3 =	simm.s32 $0x0;
	s5 =	rddreg [dreg:$0x7]  }
0x1b: {  	[tilespmem:s3], [sflag:$0x9] =	stream.linear.gather [hbm4b:s5+s3], $0x1400, $0x38;
	[tilespmem:$0x12A00] =	vst v63  }
0x1c: {  	_ =	swait.ge [sflag:s16], $0x1400  }
0x1d: {  	[sflag:s16] =	ssyncset.done $0x0  }
0x1e: {  	s14 =	rddreg [dreg:$0x8];
	[sflag:s16] =	ssyncadd.s32 $0xFFFFEC00  }
0x1f: {  	[tilespmem:s19], [sflag:$0x9] =	stream.linear.gather [hbm4b:s14+s3], $0x80, $0x38;
	[tilespmem:$0x12A00] =	vst v63  }
0x20: {  	_ =	swait.ge [sflag:s16], $0x80  }
0x21: {  	[sflag:s16] =	ssyncset.done $0x0  }
0x22: {  	s15 =	rddreg [dreg:$0x9];
	[sflag:s16] =	ssyncadd.s32 $0xFFFFFF80  }
0x23: {  	[tilespmem:s20], [sflag:$0x9] =	stream.linear.gather [hbm4b:s15+s3], $0x80, $0x38;
	[tilespmem:$0x12A00] =	vst v63  }
0x24: {  	_ =	swait.ge [sflag:s16], $0x80  }
0x25: {  	[sflag:s16] =	ssyncset.done $0x0  }
0x26: {  	s17 =	rddreg [dreg:$0xa];
	[sflag:s16] =	ssyncadd.s32 $0xFFFFFF80  }
0x27: {  	[tilespmem:s7], [sflag:$0x9] =	stream.linear.gather [hbm4b:s17+s3], $0x80, $0x38;
	[tilespmem:$0x12A00] =	vst v63  }
0x28: {  	_ =	swait.ge [sflag:s16], $0x80  }
0x29: {  	[sflag:s16] =	ssyncset.done $0x0  }
0x2a: {  	s24 =	rddreg [dreg:$0xb];
	[sflag:s16] =	ssyncadd.s32 $0xFFFFFF80  }
0x2b: {  	[tilespmem:s8], [sflag:$0x9] =	stream.linear.gather [hbm4b:s24+s3], $0x80, $0x38;
	[tilespmem:$0x12A00] =	vst v63  }
0x2c: {  	_ =	swait.ge [sflag:s16], $0x80  }
0x2d: {  	[sflag:s16] =	ssyncset.done $0x0  }
0x2e: {  	[sflag:s16] =	ssyncadd.s32 $0xFFFFFF80  }
0x2f: {  	[tilespmem:$0x1600] =	vst v0  }
0x30: {  	[tilespmem:$0x1610] =	vst v0  }
0x31: {  	[tilespmem:$0x1620] =	vst v0  }
0x32: {  	[tilespmem:$0x1630] =	vst v0  }
0x33: {  	[tilespmem:$0x1640] =	vst v0  }
0x34: {  	[tilespmem:$0x1650] =	vst v0  }
0x35: {  	[tilespmem:$0x1660] =	vst v0  }
0x36: {  	[tilespmem:$0x1670] =	vst v0  }
0x37: {  	[tilespmem:$0x1680] =	vst v0  }
0x38: {  	[tilespmem:$0x1690] =	vst v0  }
0x39: {  	[tilespmem:$0x16A0] =	vst v0  }
0x3a: {  	[tilespmem:$0x16B0] =	vst v0  }
0x3b: {  	[tilespmem:$0x16C0] =	vst v0  }
0x3c: {  	[tilespmem:$0x16D0] =	vst v0  }
0x3d: {  	[tilespmem:$0x16E0] =	vst v0  }
0x3e: {  	[tilespmem:$0x16F0] =	vst v0  }
0x3f: {  	[tilespmem:$0x1700] =	vst v0  }
0x40: {  	[tilespmem:$0x1710] =	vst v0  }
0x41: {  	[tilespmem:$0x1720] =	vst v0  }
0x42: {  	[tilespmem:$0x1730] =	vst v0  }
0x43: {  	[tilespmem:$0x1740] =	vst v0  }
0x44: {  	[tilespmem:$0x1750] =	vst v0  }
0x45: {  	[tilespmem:$0x1760] =	vst v0  }
0x46: {  	[tilespmem:$0x1770] =	vst v0  }
0x47: {  	[tilespmem:$0x1780] =	vst v0  }
0x48: {  	[tilespmem:$0x1790] =	vst v0  }
0x49: {  	[tilespmem:$0x17A0] =	vst v0  }
0x4a: {  	[tilespmem:$0x17B0] =	vst v0  }
0x4b: {  	[tilespmem:$0x17C0] =	vst v0  }
0x4c: {  	[tilespmem:$0x17D0] =	vst v0  }
0x4d: {  	[tilespmem:$0x17E0] =	vst v0  }
0x4e: {  	[tilespmem:$0x17F0] =	vst v0  }
0x4f: {  	[tilespmem:$0x1800] =	vst v0  }
0x50: {  	[tilespmem:$0x1810] =	vst v0  }
0x51: {  	[tilespmem:$0x1820] =	vst v0  }
0x52: {  	[tilespmem:$0x1830] =	vst v0  }
0x53: {  	[tilespmem:$0x1840] =	vst v0  }
0x54: {  	[tilespmem:$0x1850] =	vst v0  }
0x55: {  	[tilespmem:$0x1860] =	vst v0  }
0x56: {  	[tilespmem:$0x1870] =	vst v0  }
0x57: {  	[tilespmem:$0x1880] =	vst v0  }
0x58: {  	[tilespmem:$0x1890] =	vst v0  }
0x59: {  	[tilespmem:$0x18A0] =	vst v0  }
0x5a: {  	[tilespmem:$0x18B0] =	vst v0  }
0x5b: {  	[tilespmem:$0x18C0] =	vst v0  }
0x5c: {  	[tilespmem:$0x18D0] =	vst v0  }
0x5d: {  	[tilespmem:$0x18E0] =	vst v0  }
0x5e: {  	[tilespmem:$0x18F0] =	vst v0  }
0x5f: {  	[tilespmem:$0x1900] =	vst v0  }
0x60: {  	[tilespmem:$0x1910] =	vst v0  }
0x61: {  	[tilespmem:$0x1920] =	vst v0  }
0x62: {  	[tilespmem:$0x1930] =	vst v0  }
0x63: {  	[tilespmem:$0x1940] =	vst v0  }
0x64: {  	[tilespmem:$0x1950] =	vst v0  }
0x65: {  	[tilespmem:$0x1960] =	vst v0  }
0x66: {  	[tilespmem:$0x1970] =	vst v0  }
0x67: {  	[tilespmem:$0x1980] =	vst v0  }
0x68: {  	[tilespmem:$0x1990] =	vst v0  }
0x69: {  	[tilespmem:$0x19A0] =	vst v0  }
0x6a: {  	[tilespmem:$0x19B0] =	vst v0  }
0x6b: {  	[tilespmem:$0x19C0] =	vst v0  }
0x6c: {  	[tilespmem:$0x19D0] =	vst v0  }
0x6d: {  	[tilespmem:$0x19E0] =	vst v0  }
0x6e: {  	[tilespmem:$0x19F0] =	vst v0  }
0x6f: {  	[tilespmem:s6], [sflag:$0x1] =	stream.indirect.gather [hbm4b:s4+s21], $0x80, s3, s21, $0xb8;
	[tilespmem:$0x12A00] =	vst v63  }
0x70: {  	_ = 	snop  }
0x71: {  	[tilespmem:s9], [sflag:$0x2] =	stream.indirect.gather [hbm4b:s4+s21], $0x80, s21, s21, $0xb8;
	[tilespmem:$0x12A00] =	vst v63  }
0x72: {  	s26 =	simm.s32 $0x100  }
0x73: {  	[tilespmem:s10], [sflag:$0x3] =	stream.indirect.gather [hbm4b:s4+s21], $0x80, s26, s21, $0xb8;
	[tilespmem:$0x12A00] =	vst v63  }
0x74: {  	s5 =	simm.s32 $0x180  }
0x75: {  	[tilespmem:s11], [sflag:$0x4] =	stream.indirect.gather [hbm4b:s4+s21], $0x80, s5, s21, $0xb8;
	[tilespmem:$0x12A00] =	vst v63  }
0x76: {  	_ =	swait.ge [sflag:s29], $0x4000  }
0x77: {  	p0 =	por $0x1, $0x1;
	[sflag:s29] =	ssyncset.done $0x0  }
0x78: {  	s3 =	simm.s32 @!p0 $0x5;
	[sflag:s29] =	ssyncadd.s32 $0xFFFFC000  }
0x79: {  	_ =	swait.ge @!p0 [sflag:s3], $0x80  }
0x7a: {  	[sflag:s3] =	ssyncset.done @!p0 $0x0  }
0x7b: {  	[sflag:s3] =	ssyncadd.s32 @!p0 $0xFFFFFF80  }
0x7c: {  	[spmem:s12] =	stream.linear.scatter [tilespmem:s30], [sflag:$0x9], $0x400, $0x38;
	[tilespmem:$0x12A00] =	vst v63  }
0x7d: {  	_ =	swait.ge [sflag:s16], $0x400  }
0x7e: {  	[sflag:s16] =	ssyncset.done $0x0  }
0x7f: {  	[sflag:s16] =	ssyncadd.s32 $0xFFFFFC00  }
0x80: {  	[spmem:s2] =	stream.indirect.scatter.add.f32 [tilespmem:s6], [sflag:$0x9], $0x80, s19, s21, $0xb8;
	[tilespmem:$0x12A00] =	vst v63  }
0x81: {  	p1 =	por $0x0, $0x0;
	_ =	swait.ge [sflag:s16], $0x4000  }
0x82: {  	s5 =	simm.s32 @!p1 $0x80;
	[sflag:s16] =	ssyncset.done $0x0  }
0x83: {  	s3 =	simm.s32 $0x200;
	s6 =	simm.s32 @!p1 $0x1A00;
	[sflag:s16] =	ssyncadd.s32 $0xFFFFC000  }
0x84: {  	[tilespmem:s6], [sflag:$0x1] =	stream.indirect.gather @!p1 [hbm4b:s4+s5], $0x80, s3, s5, $0xb8;
	[tilespmem:$0x12A00] =	vst v63  }
0x85: {  	_ =	swait.ge [sflag:s31], $0x4000  }
0x86: {  	[sflag:s31] =	ssyncset.done $0x0  }
0x87: {  	s3 =	simm.s32 @!p0 $0x6;
	[sflag:s31] =	ssyncadd.s32 $0xFFFFC000  }
0x88: {  	_ =	swait.ge @!p0 [sflag:s3], $0x80  }
0x89: {  	[sflag:s3] =	ssyncset.done @!p0 $0x0  }
0x8a: {  	[sflag:s3] =	ssyncadd.s32 @!p0 $0xFFFFFF80  }
0x8b: {  	[spmem:s18] =	stream.linear.scatter [tilespmem:s30], [sflag:$0x9], $0x400, $0x38;
	[tilespmem:$0x12A00] =	vst v63  }
0x8c: {  	_ =	swait.ge [sflag:s16], $0x400  }
0x8d: {  	[sflag:s16] =	ssyncset.done $0x0  }
0x8e: {  	[sflag:s16] =	ssyncadd.s32 $0xFFFFFC00  }
0x8f: {  	[spmem:s2] =	stream.indirect.scatter.add.f32 [tilespmem:s9], [sflag:$0x9], $0x80, s20, s21, $0xb8;
	[tilespmem:$0x12A00] =	vst v63  }
0x90: {  	_ =	swait.ge [sflag:s16], $0x4000  }
0x91: {  	[sflag:s16] =	ssyncset.done $0x0  }
0x92: {  	s6 =	simm.s32 @!p1 $0x5A00;
	s3 =	simm.s32 @!p1 $0x280;
	[sflag:s16] =	ssyncadd.s32 $0xFFFFC000  }
0x93: {  	[tilespmem:s6], [sflag:$0x2] =	stream.indirect.gather @!p1 [hbm4b:s4+s5], $0x80, s3, s5, $0xb8;
	[tilespmem:$0x12A00] =	vst v63  }
0x94: {  	_ =	swait.ge [sflag:s0], $0x4000  }
0x95: {  	[sflag:s0] =	ssyncset.done $0x0  }
0x96: {  	s3 =	simm.s32 @!p0 $0x7;
	[sflag:s0] =	ssyncadd.s32 $0xFFFFC000  }
0x97: {  	_ =	swait.ge @!p0 [sflag:s3], $0x80  }
0x98: {  	[sflag:s3] =	ssyncset.done @!p0 $0x0  }
0x99: {  	[sflag:s3] =	ssyncadd.s32 @!p0 $0xFFFFFF80  }
0x9a: {  	[spmem:s13] =	stream.linear.scatter [tilespmem:s30], [sflag:$0x9], $0x400, $0x38;
	[tilespmem:$0x12A00] =	vst v63  }
0x9b: {  	_ =	swait.ge [sflag:s16], $0x400  }
0x9c: {  	[sflag:s16] =	ssyncset.done $0x0  }
0x9d: {  	[sflag:s16] =	ssyncadd.s32 $0xFFFFFC00  }
0x9e: {  	[spmem:s2] =	stream.indirect.scatter.add.f32 [tilespmem:s10], [sflag:$0x9], $0x80, s7, s21, $0xb8;
	[tilespmem:$0x12A00] =	vst v63  }
0x9f: {  	_ =	swait.ge [sflag:s16], $0x4000  }
0xa0: {  	[sflag:s16] =	ssyncset.done $0x0  }
0xa1: {  	s6 =	simm.s32 @!p1 $0x9A00;
	s3 =	simm.s32 @!p1 $0x300;
	[sflag:s16] =	ssyncadd.s32 $0xFFFFC000  }
0xa2: {  	[tilespmem:s6], [sflag:$0x3] =	stream.indirect.gather @!p1 [hbm4b:s4+s5], $0x80, s3, s5, $0xb8;
	[tilespmem:$0x12A00] =	vst v63  }
0xa3: {  	_ =	swait.ge [sflag:s1], $0x4000  }
0xa4: {  	[sflag:s1] =	ssyncset.done $0x0  }
0xa5: {  	s3 =	simm.s32 @!p0 $0x8;
	[sflag:s1] =	ssyncadd.s32 $0xFFFFC000  }
0xa6: {  	_ =	swait.ge @!p0 [sflag:s3], $0x80  }
0xa7: {  	[sflag:s3] =	ssyncset.done @!p0 $0x0  }
0xa8: {  	[sflag:s3] =	ssyncadd.s32 @!p0 $0xFFFFFF80  }
0xa9: {  	[spmem:s22] =	stream.linear.scatter [tilespmem:s30], [sflag:$0x9], $0x400, $0x38;
	[tilespmem:$0x12A00] =	vst v63  }
0xaa: {  	_ =	swait.ge [sflag:s16], $0x400  }
0xab: {  	[sflag:s16] =	ssyncset.done $0x0  }
0xac: {  	[sflag:s16] =	ssyncadd.s32 $0xFFFFFC00  }
0xad: {  	[spmem:s2] =	stream.indirect.scatter.add.f32 [tilespmem:s11], [sflag:$0x9], $0x80, s8, s21, $0xb8;
	[tilespmem:$0x12A00] =	vst v63  }
0xae: {  	_ =	swait.ge [sflag:s16], $0x4000  }
0xaf: {  	[sflag:s16] =	ssyncset.done $0x0  }
0xb0: {  	s6 =	simm.s32 @!p1 $0xDA00;
	s3 =	simm.s32 @!p1 $0x380;
	[sflag:s16] =	ssyncadd.s32 $0xFFFFC000  }
0xb1: {  	[tilespmem:s6], [sflag:$0x4] =	stream.indirect.gather @!p1 [hbm4b:s4+s5], $0x80, s3, s5, $0xb8;
	[tilespmem:$0x12A00] =	vst v63  }
0xb2: {  	[bflag:$0x0] =	sbarrier.arrive $0xFFFF  }
0xb3: {  	s24 =	sshrl.u32 s13, $0x3;
	s10 =	sshrl.u32 s12, $0x3;
	s7 =	rddreg [dreg:$0x4]  }
0xb4: {  	s11 =	simm.s32 $0xDA00;
	s6 =	sshrl.u32 s18, $0x3;
	s8 =	rddreg [dreg:$0x6]  }
0xb5: {  	s5 =	sshrl.u32 s22, $0x3;
	s3 =	sadd.s32 $0x0, s7;
	s9 =	sor.u32 $0x1C05, s8  }
0xb6: {  	[hbm:s3], [sflag:s9] =	dma.local [spmem:s10], $0x80  }
0xb7: {  	s15 =	sor.u32 $0x1C07, s8;
	s26 =	sor.u32 $0x1C06, s8;
	s3 =	rddreg [dreg:$0x5]  }
0xb8: {  	s7 =	sor.u32 $0x1C08, s8;
	s8 =	simm.s32 $0x400;
	s17 =	sadd.s32 $0x0, s3  }
0xb9: {  	s3 =	sadd.s32 $0x80, s17;
	s14 =	sadd.s32 $0x100, s17;
	s17 =	sadd.s32 $0x180, s17  }
0xba: {  	[hbm:s3], [sflag:s26] =	dma.local [spmem:s6], $0x80  }
0xbb: {  	[hbm:s14], [sflag:s15] =	dma.local [spmem:s24], $0x80  }
0xbc: {  	s3 =	simm.s32 $0x200;
	s14 =	smov.u32 s13;
	s13 =	smov.u32 s18  }
.LBB2_2:
0xbd: {  	[hbm:s17], [sflag:s7] =	dma.local [spmem:s5], $0x80  }
0xbe: {  	s17 =	smov.u32 s3;
	_ =	swait.ge [sflag:s29], $0x4000  }
0xbf: {  	p1 =	seq.s32 s17, $0x0;
	[sflag:s29] =	ssyncset.done $0x0  }
0xc0: {  	s18 =	simm.s32 @!p1 $0x5;
	[sflag:s29] =	ssyncadd.s32 $0xFFFFC000  }
0xc1: {  	_ =	swait.ge @!p1 [sflag:s18], $0x80  }
0xc2: {  	[sflag:s18] =	ssyncset.done @!p1 $0x0  }
0xc3: {  	[sflag:s18] =	ssyncadd.s32 @!p1 $0xFFFFFF80  }
0xc4: {  	[spmem:s12] =	stream.linear.scatter [tilespmem:s30], [sflag:$0x9], $0x400, $0x38;
	[tilespmem:$0x12A00] =	vst v63  }
0xc5: {  	_ =	swait.ge [sflag:s16], $0x400  }
0xc6: {  	[sflag:s16] =	ssyncset.done $0x0  }
0xc7: {  	s18 =	simm.s32 $0x1A00;
	[sflag:s16] =	ssyncadd.s32 $0xFFFFFC00  }
0xc8: {  	[spmem:s2] =	stream.indirect.scatter.add.f32 [tilespmem:s18], [sflag:$0x9], $0x80, s19, s21, $0xb8;
	[tilespmem:$0x12A00] =	vst v63  }
0xc9: {  	_ =	swait.ge [sflag:s16], $0x4000  }
0xca: {  	p2 =	seq.s32 s17, $0x1200;
	[sflag:s16] =	ssyncset.done $0x0  }
0xcb: {  	s18 =	simm.s32 @!p2 $0x80;
	s19 =	simm.s32 @!p2 $0x1A00;
	[sflag:s16] =	ssyncadd.s32 $0xFFFFC000  }
0xcc: {  	[tilespmem:s19], [sflag:$0x1] =	stream.indirect.gather @!p2 [hbm4b:s4+s18], $0x80, s8, s18, $0xb8;
	[tilespmem:$0x12A00] =	vst v63  }
0xcd: {  	_ =	swait.ge [sflag:s31], $0x4000  }
0xce: {  	[sflag:s31] =	ssyncset.done $0x0  }
0xcf: {  	s19 =	simm.s32 @!p1 $0x6;
	[sflag:s31] =	ssyncadd.s32 $0xFFFFC000  }
0xd0: {  	_ =	swait.ge @!p1 [sflag:s19], $0x80  }
0xd1: {  	[sflag:s19] =	ssyncset.done @!p1 $0x0  }
0xd2: {  	[sflag:s19] =	ssyncadd.s32 @!p1 $0xFFFFFF80  }
0xd3: {  	[spmem:s13] =	stream.linear.scatter [tilespmem:s30], [sflag:$0x9], $0x400, $0x38;
	[tilespmem:$0x12A00] =	vst v63  }
0xd4: {  	_ =	swait.ge [sflag:s16], $0x400  }
0xd5: {  	[sflag:s16] =	ssyncset.done $0x0  }
0xd6: {  	[sflag:s16] =	ssyncadd.s32 $0xFFFFFC00  }
0xd7: {  	[spmem:s2] =	stream.indirect.scatter.add.f32 [tilespmem:s28], [sflag:$0x9], $0x80, s20, s21, $0xb8;
	[tilespmem:$0x12A00] =	vst v63  }
0xd8: {  	_ =	swait.ge [sflag:s16], $0x4000  }
0xd9: {  	[sflag:s16] =	ssyncset.done $0x0  }
0xda: {  	s19 =	sadd.s32 @!p2 $0x80, s8;
	s20 =	simm.s32 @!p2 $0x5A00;
	[sflag:s16] =	ssyncadd.s32 $0xFFFFC000  }
0xdb: {  	[tilespmem:s20], [sflag:$0x2] =	stream.indirect.gather @!p2 [hbm4b:s4+s18], $0x80, s19, s18, $0xb8;
	[tilespmem:$0x12A00] =	vst v63  }
0xdc: {  	_ =	swait.ge [sflag:s0], $0x4000  }
0xdd: {  	[sflag:s0] =	ssyncset.done $0x0  }
0xde: {  	s19 =	simm.s32 @!p1 $0x7;
	[sflag:s0] =	ssyncadd.s32 $0xFFFFC000  }
0xdf: {  	_ =	swait.ge @!p1 [sflag:s19], $0x80  }
0xe0: {  	[sflag:s19] =	ssyncset.done @!p1 $0x0  }
0xe1: {  	[sflag:s19] =	ssyncadd.s32 @!p1 $0xFFFFFF80  }
0xe2: {  	[spmem:s14] =	stream.linear.scatter [tilespmem:s30], [sflag:$0x9], $0x400, $0x38;
	[tilespmem:$0x12A00] =	vst v63  }
0xe3: {  	_ =	swait.ge [sflag:s16], $0x400  }
0xe4: {  	[sflag:s16] =	ssyncset.done $0x0  }
0xe5: {  	s20 =	simm.s32 $0x1500;
	[sflag:s16] =	ssyncadd.s32 $0xFFFFFC00  }
0xe6: {  	[spmem:s2] =	stream.indirect.scatter.add.f32 [tilespmem:s25], [sflag:$0x9], $0x80, s20, s21, $0xb8;
	[tilespmem:$0x12A00] =	vst v63  }
0xe7: {  	_ =	swait.ge [sflag:s16], $0x4000  }
0xe8: {  	[sflag:s16] =	ssyncset.done $0x0  }
0xe9: {  	s19 =	sadd.s32 @!p2 $0x100, s8;
	s20 =	simm.s32 @!p2 $0x9A00;
	[sflag:s16] =	ssyncadd.s32 $0xFFFFC000  }
0xea: {  	[tilespmem:s20], [sflag:$0x3] =	stream.indirect.gather @!p2 [hbm4b:s4+s18], $0x80, s19, s18, $0xb8;
	[tilespmem:$0x12A00] =	vst v63  }
0xeb: {  	_ =	swait.ge [sflag:s1], $0x4000  }
0xec: {  	[sflag:s1] =	ssyncset.done $0x0  }
0xed: {  	s19 =	simm.s32 @!p1 $0x8;
	[sflag:s1] =	ssyncadd.s32 $0xFFFFC000  }
0xee: {  	_ =	swait.ge @!p1 [sflag:s19], $0x80  }
0xef: {  	[sflag:s19] =	ssyncset.done @!p1 $0x0  }
0xf0: {  	[sflag:s19] =	ssyncadd.s32 @!p1 $0xFFFFFF80  }
0xf1: {  	[spmem:s22] =	stream.linear.scatter [tilespmem:s30], [sflag:$0x9], $0x400, $0x38;
	[tilespmem:$0x12A00] =	vst v63  }
0xf2: {  	_ =	swait.ge [sflag:s16], $0x400  }
0xf3: {  	[sflag:s16] =	ssyncset.done $0x0  }
0xf4: {  	[sflag:s16] =	ssyncadd.s32 $0xFFFFFC00  }
0xf5: {  	[spmem:s2] =	stream.indirect.scatter.add.f32 [tilespmem:s11], [sflag:$0x9], $0x80, s23, s21, $0xb8;
	[tilespmem:$0x12A00] =	vst v63  }
0xf6: {  	_ =	swait.ge [sflag:s16], $0x4000  }
0xf7: {  	[sflag:s16] =	ssyncset.done $0x0  }
0xf8: {  	s20 =	simm.s32 @!p2 $0xDA00;
	s19 =	sadd.s32 @!p2 $0x180, s8;
	[sflag:s16] =	ssyncadd.s32 $0xFFFFC000  }
0xf9: {  	[tilespmem:s20], [sflag:$0x4] =	stream.indirect.gather @!p2 [hbm4b:s4+s18], $0x80, s19, s18, $0xb8;
	[tilespmem:$0x12A00] =	vst v63  }
0xfa: {  	[bflag:$0x0] =	sbarrier.arrive $0xFFFF  }
0xfb: {  	s19 =	rddreg [dreg:$0x4]  }
0xfc: {  	s3 =	sadd.s32 $0x200, s3;
	s18 =	sadd.s32 s17, s19  }
0xfd: {  	[hbm:s18], [sflag:s9] =	dma.local [spmem:s10], $0x80  }
0xfe: {  	p0 =	sne.s32 s3, $0x1400;
	s18 =	rddreg [dreg:$0x5]  }
.Ltmp0:
0xff: {  	s17 =	sadd.s32 s17, s18;
	(pc) =	sbr.rel @p0 .LBB2_2-.Ltmp0, $4  }
0x100: {  	s8 =	sadd.s32 $0x200, s8;
	s18 =	sadd.s32 $0x80, s17;
	s19 =	sadd.s32 $0x100, s17  }
0x101: {  	[hbm:s18], [sflag:s26] =	dma.local [spmem:s6], $0x80  }
0x102: {  	[hbm:s19], [sflag:s15] =	dma.local [spmem:s24], $0x80  }
0x103: {  	s20 =	simm.s32 $0x1480;
	s17 =	sadd.s32 $0x180, s17;
	s19 =	simm.s32 $0x1400  }
0x104: {  	[hbm:s17], [sflag:s7] =	dma.local [spmem:s5], $0x80  }
0x105: {  	s3 =	simm.s32 $0x5  }
0x106: {  	_ =	swait.ge [sflag:s3], $0x80  }
0x107: {  	[sflag:s3] =	ssyncset.done $0x0  }
0x108: {  	s15 =	simm.s32 $0x6;
	[sflag:s3] =	ssyncadd.s32 $0xFFFFFF80  }
0x109: {  	_ =	swait.ge [sflag:s15], $0x80  }
0x10a: {  	[sflag:s15] =	ssyncset.done $0x0  }
0x10b: {  	s17 =	simm.s32 $0x7;
	[sflag:s15] =	ssyncadd.s32 $0xFFFFFF80  }
0x10c: {  	_ =	swait.ge [sflag:s17], $0x80  }
0x10d: {  	[sflag:s17] =	ssyncset.done $0x0  }
0x10e: {  	s18 =	simm.s32 $0x8;
	[sflag:s17] =	ssyncadd.s32 $0xFFFFFF80  }
0x10f: {  	_ =	swait.ge [sflag:s18], $0x80  }
0x110: {  	s24 =	rddreg [dreg:$0xd]  }
0x111: {  	s26 =	rddreg [dreg:$0xc];
	s17 =	sadd.s32 $0x1, s24  }
0x112: {  	p0 =	sne.s32 s17, s26  }
.Ltmp1:
0x113: {  	_ = 	snop;
	(pc) =	sbr.rel @p0 .LBB2_1-.Ltmp1, $4  }
0x114: {  	s7 =	simm.s32 $0x1500  }
0x115: {  	s8 =	simm.s32 $0x1580;
	s6 =	simm.s32 $0x1A00;
	s9 =	simm.s32 $0x5A00  }
0x116: {  	s10 =	simm.s32 $0x9A00;
	s11 =	simm.s32 $0xDA00;
	[sflag:s18] =	ssyncset.done $0x0  }
0x117: {  	[sflag:s18] =	ssyncadd.s32 $0xFFFFFF80;
	s18 =	smov.u32 s13;
	s13 =	smov.u32 s14  }
0x118: {  	_ =	sfence.sel $0x180000  }
0x119: {  	[bflag:$0x0] =	sbarrier.arrive $0xFFFF  }
0x11a: {  	_ =	strace $0x90000047  }
0x11b: {  	s0 =	stileid.u32;
	[bflag:$0x2] =	sbarrier.arrive $0xFFFF  }
0x11c: {  	p0 =	sne.s32 s0, $0x0;
	s0 =	rddreg [dreg:$0x3]  }
0x11d: {  	s0 =	sadd.s32 @!p0 $0x100000, s0  }
0x11e: {  	[sflag:s0] =	ssyncadd.tile.s32 @!p0 $0x1;
	_ =	shalt  }
.Lfunc_end2:
_tile_overlayer_lowered:
.L_overlay_start_2:
0x11f: {  	(tag) =	ssettag $0x2  }
0x120: {  	s0 =	rddreg [dreg:$0x0];
	s2 =	stileid.u32  }
0x121: {  	s1 =	rddreg [dreg:$0x1];
	p0 =	sne.s32 s2, $0x0  }
0x122: {  	s3 =	rddreg [dreg:$0x2];
	[bflag:$0x3] =	sbarrier.arrive $0xFFFF;
	s2 =	simm.s32 @!p0 $0x1C09  }
0x123: {  	[timem:s3], [sflag:s2] =	dma.local @!p0 [hbm:s0], s1  }
0x124: {  	s0 =	simm.s32 @!p0 $0x9  }
0x125: {  	_ =	swait.ge @!p0 [sflag:s0], s1  }
0x126: {  	s1 =	ssub.s32 @!p0 $0x0, s1;
	[sflag:s0] =	ssyncset.done @!p0 $0x0  }
0x127: {  	[sflag:s0] =	ssyncadd.s32 @!p0 s1  }
0x128: {  	[bflag:$0x3] =	sbarrier.arrive $0xFFFF  }
0x129: {  	_ =	shalt  }

</sc_bundles>
